<compile_context>
chip_gen: v7x
topology: tpu7x:2x2x1
jax: 0.10.2.dev20260603
libtpu: 0.0.44.dev20260713+nightly
codegen_flags: <defaults>
</compile_context>

<pallas_src>
import functools

import jax
import jax.numpy as jnp
from jax import lax
from jax.experimental import pallas as pl
from jax.experimental.pallas import tpu as pltpu
from jax.experimental.pallas import tpu_sc as plsc

FEAT = 128
N_DATA = 100000
NCE_K = 4096
KD_T = 4.0
NCE_T = 0.05
MOM = 0.5
EPS = 1e-5
B = 64
KP = 4224
CHUNK = 128
NCHUNK = KP // CHUNK
ROWS_PER_TILE = 4000
NTILES = N_DATA // ROWS_PER_TILE

_f32 = jnp.float32
_i32 = jnp.int32


def _dotT(a, b):
    return lax.dot_general(a, b, (((1,), (1,)), ((), ())),
                           preferred_element_type=_f32)


def _embed_body(fs_ref, ft_ref,
                a_s, g_s, be_s, w1s, b1s, w2s, b2s, w3s, b3s,
                a_t, g_t, be_t, w1t, b1t, w2t, b2t, w3t, b3t,
                es_ref, et_ref):
    def one(f_ref, al, ga, be, w1, b1, w2, b2, w3, b3):
        x = f_ref[...]
        ss = jnp.sum(x * x, axis=1)
        emb = jnp.sqrt(ss + EPS) * al[...]
        msq = jnp.mean(emb * emb, axis=1, keepdims=True)
        nrm = ga[...] / jnp.sqrt(msq + EPS)
        gate = 1.0 + jnp.tanh(emb * nrm + be[...])
        h = jnp.mean(x * gate[:, None, :], axis=1)
        h = jnp.maximum(_dotT(h, w1[...]) + b1[...], 0.0)
        h = jnp.maximum(_dotT(h, w2[...]) + b2[...], 0.0)
        h = _dotT(h, w3[...]) + b3[...]
        return h / jnp.sqrt(jnp.sum(h * h, axis=1, keepdims=True))

    es_ref[...] = one(fs_ref, a_s, g_s, be_s, w1s, b1s, w2s, b2s, w3s, b3s)
    et_ref[...] = one(ft_ref, a_t, g_t, be_t, w1t, b1t, w2t, b2t, w3t, b3t)


def _idx_rows_body(ms_hbm, mt_hbm, idx_hbm, rs_hbm, rt_hbm,
                   idx_v, rs_v, rt_v, sem):
    wid = lax.axis_index("s") * 2 + lax.axis_index("c")

    @pl.when(wid == 0)
    def _():
        pltpu.sync_copy(idx_hbm, idx_v)
        pltpu.async_copy(ms_hbm.at[idx_v], rs_v, sem).wait()
        pltpu.async_copy(mt_hbm.at[idx_v], rt_v, sem).wait()
        pltpu.sync_copy(rs_v, rs_hbm)
        pltpu.sync_copy(rt_v, rt_hbm)


def _prep_body(rs_ref, rt_ref, es_ref, et_ref, ep_ref, cus_ref, cut_ref):
    es = es_ref[...]
    et = et_ref[...]
    u1 = rs_ref[...] * MOM + es * (1.0 - MOM)
    u1 = u1 / jnp.sqrt(jnp.sum(u1 * u1, axis=1, keepdims=True))
    u2 = rt_ref[...] * MOM + et * (1.0 - MOM)
    u2 = u2 / jnp.sqrt(jnp.sum(u2 * u2, axis=1, keepdims=True))
    ep = ep_ref[...]
    cus_ref[...] = _dotT(u1, ep)
    cut_ref[...] = _dotT(u2, ep)


def _score_body(ms_ref, mt_ref, ep_ref, cus_ref, cut_ref, idx_ref,
                ss_ref, st_ref):
    i = pl.program_id(0)
    a = _dotT(ms_ref[...], ep_ref[...])
    b = _dotT(mt_ref[...], ep_ref[...])
    rows = (lax.broadcasted_iota(_i32, (ROWS_PER_TILE, B), 0)
            + i * ROWS_PER_TILE)
    match = rows == idx_ref[0:1, :]
    jio = lax.broadcasted_iota(_i32, (ROWS_PER_TILE, B), 1)
    jm = jnp.max(jnp.where(match, jio, -1), axis=1, keepdims=True)
    has = jm >= 0
    onehot = ((jio == jm) & match).astype(_f32)
    corr_s = jnp.dot(onehot, cus_ref[...], preferred_element_type=_f32)
    corr_t = jnp.dot(onehot, cut_ref[...], preferred_element_type=_f32)
    lane = lax.broadcasted_iota(_i32, (ROWS_PER_TILE, FEAT), 1)
    even = (lane % 2) == 0
    ss_ref[...] = jnp.where(has & even, corr_s, a)
    st_ref[...] = jnp.where(has & (~even), corr_t, b)


NBUF = 3
NGROUP = NCHUNK // NBUF


def _row_gather_body(ss_hbm, st_hbm, jidx_hbm,
                     g1_hbm, g2_hbm, g3_hbm, g4_hbm,
                     idx_v, rs0_v, rs1_v, rs2_v, rt0_v, rt1_v, rt2_v,
                     o1_v, o2_v, o3_v, o4_v, sem0, sem1, sem2, nw):
    wid = lax.axis_index("s") * 2 + lax.axis_index("c")
    bpw = B // nw
    rings_s = [rs0_v, rs1_v, rs2_v]
    rings_t = [rt0_v, rt1_v, rt2_v]
    sems = [sem0, sem1, sem2]

    def fire(c, j):
        pltpu.async_copy(ss_hbm.at[idx_v.at[c]], rings_s[j], sems[j])
        pltpu.async_copy(st_hbm.at[idx_v.at[c]], rings_t[j], sems[j])

    def drain(c, j):
        pltpu.make_async_copy(ss_hbm.at[idx_v.at[c]],
                              rings_s[j], sems[j]).wait()
        pltpu.make_async_copy(st_hbm.at[idx_v.at[c]],
                              rings_t[j], sems[j]).wait()

    for off in range(bpw):
        bb = wid * bpw + off
        plan = [(rings_t, 2 * bb, o1_v), (rings_t, 2 * bb + 1, o2_v),
                (rings_s, 2 * bb + 1, o3_v), (rings_s, 2 * bb, o4_v)]
        pltpu.sync_copy(jidx_hbm.at[bb], idx_v)
        for j in range(NBUF):
            fire(j, j)

        def group_step(g, _):
            base = g * NBUF
            for j in range(NBUF):
                c = base + j
                drain(c, j)
                for sub in range(8):
                    rows16 = lax.iota(_i32, 16) + (sub * 16)
                    for rg, col, ov in plan:
                        col16 = jnp.full((16,), col, _i32)
                        vals = plsc.load_gather(rg[j], [rows16, col16])
                        ov[c, pl.ds(sub * 16, 16)] = vals

                @pl.when(c + NBUF < NCHUNK)
                def _():
                    fire(c + NBUF, j)
            return 0

        lax.fori_loop(0, NGROUP, group_step, 0)
        pltpu.sync_copy(o1_v, g1_hbm.at[bb])
        pltpu.sync_copy(o2_v, g2_hbm.at[bb])
        pltpu.sync_copy(o3_v, g3_hbm.at[bb])
        pltpu.sync_copy(o4_v, g4_hbm.at[bb])


def _loss_body(gs1_ref, gs2_ref, gt1_ref, gt2_ref, out_ref):
    kmask = lax.broadcasted_iota(_i32, (B, KP), 1) < (NCE_K + 1)

    def mk_out(g):
        e = jnp.where(kmask, jnp.exp(g / NCE_T), 0.0)
        z = jnp.sum(e) / float(B * (NCE_K + 1)) * float(N_DATA)
        return e / z

    def logsm(y):
        lg = jnp.where(kmask, y / KD_T, -1e9)
        m = jnp.max(lg, axis=1, keepdims=True)
        shifted = lg - m
        return shifted - jnp.log(
            jnp.sum(jnp.exp(shifted), axis=1, keepdims=True))

    def kl(ys, yt):
        p_s = logsm(ys)
        lpt = logsm(yt)
        p_t = jnp.where(kmask, jnp.exp(lpt), 0.0)
        return jnp.sum(p_t * (lpt - p_s), axis=(0, 1),
                       keepdims=True) * (KD_T * KD_T / B)

    o_s1 = mk_out(gs1_ref[...])
    o_s2 = mk_out(gs2_ref[...])
    o_t1 = mk_out(gt1_ref[...])
    o_t2 = mk_out(gt2_ref[...])
    out_ref[...] = kl(o_s1, o_t1) + kl(o_s2, o_t2)


def kernel(f_s, f_t, params, mem_s, mem_t, idx, contrast_idx):
    ps, pt = params['s'], params['t']
    fs = jnp.transpose(f_s.reshape(B, FEAT, 49), (0, 2, 1))
    ft = jnp.transpose(f_t.reshape(B, FEAT, 49), (0, 2, 1))

    def flat(p, n):
        return p[n].reshape(1, FEAT)

    embed_args = [fs, ft]
    for p in (ps, pt):
        embed_args += [flat(p, 'alpha'), flat(p, 'gamma'), flat(p, 'beta'),
                       p['W1'], p['b1'].reshape(1, FEAT),
                       p['W2'], p['b2'].reshape(1, FEAT),
                       p['W3'], p['b3'].reshape(1, FEAT)]

    e_s, e_t = pl.pallas_call(
        _embed_body,
        out_shape=[jax.ShapeDtypeStruct((B, FEAT), _f32)] * 2,
    )(*embed_args)

    idx32 = idx.astype(_i32)
    cidx32 = contrast_idx.astype(_i32)

    mesh = plsc.VectorSubcoreMesh(core_axis_name="c", subcore_axis_name="s")
    rows_s, rows_t = pl.kernel(
        _idx_rows_body,
        out_type=[jax.ShapeDtypeStruct((B, FEAT), _f32)] * 2,
        mesh=mesh,
        scratch_types=[pltpu.VMEM((B,), _i32),
                       pltpu.VMEM((B, FEAT), _f32),
                       pltpu.VMEM((B, FEAT), _f32),
                       pltpu.SemaphoreType.DMA],
    )(mem_s, mem_t, idx32)

    e_perm = jnp.stack([e_s, e_t], axis=1).reshape(FEAT, FEAT)

    cus, cut = pl.pallas_call(
        _prep_body,
        out_shape=[jax.ShapeDtypeStruct((B, FEAT), _f32)] * 2,
    )(rows_s, rows_t, e_s, e_t, e_perm)

    idx_b = jnp.broadcast_to(idx32[None, :], (8, B))
    c_mat = pl.pallas_call(
        _score_body,
        grid=(NTILES,),
        in_specs=[
            pl.BlockSpec((ROWS_PER_TILE, FEAT), lambda i: (i, 0)),
            pl.BlockSpec((ROWS_PER_TILE, FEAT), lambda i: (i, 0)),
            pl.BlockSpec((FEAT, FEAT), lambda i: (0, 0)),
            pl.BlockSpec((B, FEAT), lambda i: (0, 0)),
            pl.BlockSpec((B, FEAT), lambda i: (0, 0)),
            pl.BlockSpec((8, B), lambda i: (0, 0)),
        ],
        out_specs=[
            pl.BlockSpec((ROWS_PER_TILE, FEAT), lambda i: (i, 0)),
            pl.BlockSpec((ROWS_PER_TILE, FEAT), lambda i: (i, 0)),
        ],
        out_shape=[jax.ShapeDtypeStruct((N_DATA, FEAT), _f32)] * 2,
    )(mem_s, mem_t, e_perm, cus, cut, idx_b)
    s_s, s_t = c_mat

    indices = jnp.concatenate([idx32[:, None], cidx32], axis=1)
    indices = jnp.pad(indices, ((0, 0), (0, KP - (NCE_K + 1))))
    jidx = indices.reshape(B, NCHUNK, CHUNK)

    info = plsc.get_sparse_core_info()
    nw = info.num_cores * info.num_subcores
    g_s1, g_s2, g_t1, g_t2 = pl.kernel(
        functools.partial(_row_gather_body, nw=nw),
        out_type=[jax.ShapeDtypeStruct((B, NCHUNK, CHUNK), _f32)] * 4,
        mesh=mesh,
        scratch_types=[pltpu.VMEM((NCHUNK, CHUNK), _i32)]
        + [pltpu.VMEM((CHUNK, FEAT), _f32)] * (2 * NBUF)
        + [pltpu.VMEM((NCHUNK, CHUNK), _f32)] * 4
        + [pltpu.SemaphoreType.DMA] * NBUF,
        compiler_params=pltpu.CompilerParams(needs_layout_passes=False),
    )(s_s, s_t, jidx)

    loss = pl.pallas_call(
        _loss_body,
        out_shape=jax.ShapeDtypeStruct((1, 1), _f32),
    )(g_s1.reshape(B, KP), g_s2.reshape(B, KP),
      g_t1.reshape(B, KP), g_t2.reshape(B, KP))
    return loss[0, 0]

# --- scband reference (transcript-rebuilt; emitter-appended) ---
"""Pipeline reference for scband-ifcdloss-51213190038094 (READ-ONLY COPY).

The authoritative reference and input builder live on the scoring server;
editing this copy changes nothing except your own understanding.
"""

import jax, jax.numpy as jnp
import numpy as np

FEAT_DIM = 128
N_DATA = 100000
NCE_K = 4096
KD_T = 4.0
NCE_T = 0.05
MOM = 0.5
EPS = 1e-5


def _gct(x, alpha, gamma, beta):
    embedding = jnp.sqrt(jnp.sum(x ** 2, axis=(2, 3), keepdims=True) + EPS) * alpha
    norm = gamma / jnp.sqrt(jnp.mean(embedding ** 2, axis=1, keepdims=True) + EPS)
    gate = 1.0 + jnp.tanh(embedding * norm + beta)
    return x * gate


def _embed(x, p):
    x = _gct(x, p['alpha'], p['gamma'], p['beta'])
    x = jnp.mean(x, axis=(2, 3))  # AdaptiveAvgPool2d((1,1)) + flatten
    x = jnp.maximum(x @ p['W1'].T + p['b1'], 0.0)
    x = jnp.maximum(x @ p['W2'].T + p['b2'], 0.0)
    x = x @ p['W3'].T + p['b3']
    norm = jnp.sqrt(jnp.sum(x ** 2, axis=1, keepdims=True))
    return x / norm


def _contrast(v1, v2, idx, contrast_idx, mem1, mem2):
    # IC / ContrastMemory-style NCE with momentum memory (CRD)
    indices = jnp.concatenate([idx[:, None], contrast_idx], axis=1)  # [B, K+1]
    w1 = jnp.take(mem1, indices, axis=0)  # gather [B, K+1, D]
    w2 = jnp.take(mem2, indices, axis=0)
    out1 = jnp.exp(jnp.einsum('bkd,bd->bk', w2, v1) / NCE_T)
    out2 = jnp.exp(jnp.einsum('bkd,bd->bk', w1, v2) / NCE_T)
    Z1 = jax.lax.stop_gradient(jnp.mean(out1)) * N_DATA
    Z2 = jax.lax.stop_gradient(jnp.mean(out2)) * N_DATA
    out1 = out1 / Z1
    out2 = out2 / Z2
    # momentum update of memory rows (torch.no_grad semantics) -> scatter overwrite
    u1 = jax.lax.stop_gradient(jnp.take(mem1, idx, axis=0) * MOM + v1 * (1.0 - MOM))
    u1 = u1 / jnp.sqrt(jnp.sum(u1 ** 2, axis=1, keepdims=True))
    new_mem1 = mem1.at[idx].set(u1)
    u2 = jax.lax.stop_gradient(jnp.take(mem2, idx, axis=0) * MOM + v2 * (1.0 - MOM))
    u2 = u2 / jnp.sqrt(jnp.sum(u2 ** 2, axis=1, keepdims=True))
    new_mem2 = mem2.at[idx].set(u2)
    return out1, out2, new_mem1, new_mem2


def _kl(y_s, y_t):
    p_s = jax.nn.log_softmax(y_s / KD_T, axis=1)
    log_p_t = jax.nn.log_softmax(y_t / KD_T, axis=1)
    p_t = jnp.exp(log_p_t)
    loss = jnp.sum(p_t * (log_p_t - p_s)) / y_s.shape[0]
    return loss * KD_T ** 2


def _embed_params(k):
    kk = jax.random.split(k, 3)
    return {
        'alpha': jnp.ones((1, FEAT_DIM, 1, 1), jnp.float32),
        'gamma': jnp.zeros((1, FEAT_DIM, 1, 1), jnp.float32),
        'beta': jnp.zeros((1, FEAT_DIM, 1, 1), jnp.float32),
        'W1': jax.random.normal(kk[0], (FEAT_DIM, FEAT_DIM), jnp.float32) * 0.05,
        'b1': jnp.zeros((FEAT_DIM,), jnp.float32),
        'W2': jax.random.normal(kk[1], (FEAT_DIM, FEAT_DIM), jnp.float32) * 0.05,
        'b2': jnp.zeros((FEAT_DIM,), jnp.float32),
        'W3': jax.random.normal(kk[2], (FEAT_DIM, FEAT_DIM), jnp.float32) * 0.05,
        'b3': jnp.zeros((FEAT_DIM,), jnp.float32),
    }


def setup_inputs(seed: int = 0) -> dict:
    key = jax.random.key(seed)
    ks = jax.random.split(key, 8)
    B = 64
    f_s = jax.random.normal(ks[0], (B, FEAT_DIM, 7, 7), dtype=jnp.float32)
    f_t = jax.random.normal(ks[1], (B, FEAT_DIM, 7, 7), dtype=jnp.float32)
    idx = jax.random.randint(ks[2], (B,), 0, N_DATA, dtype=jnp.int64 if jax.config.jax_enable_x64 else jnp.int32)
    contrast_idx = jax.random.randint(ks[3], (B, NCE_K), 0, N_DATA, dtype=jnp.int64 if jax.config.jax_enable_x64 else jnp.int32)
    params = {'s': _embed_params(ks[4]), 't': _embed_params(ks[5])}
    stdv = 1.0 / np.sqrt(FEAT_DIM / 3.0)
    mem_s = jax.random.uniform(ks[6], (N_DATA, FEAT_DIM), jnp.float32, -stdv, stdv)
    mem_t = jax.random.uniform(ks[7], (N_DATA, FEAT_DIM), jnp.float32, -stdv, stdv)
    return {'f_s': f_s, 'f_t': f_t, 'params': params, 'mem_s': mem_s, 'mem_t': mem_t, 'idx': idx, 'contrast_idx': contrast_idx}


def reference(f_s, f_t, params, mem_s, mem_t, idx, contrast_idx):
    e_s = _embed(f_s, params['s'])
    e_t = _embed(f_t, params['t'])
    out_s1, out_t1, mem_s, mem_t = _contrast(e_s, e_t, idx, contrast_idx, mem_s, mem_t)
    out_s2, out_t2, mem_s, mem_t = _contrast(e_t, e_s, idx, contrast_idx, mem_s, mem_t)
    loss = _kl(out_s1, out_t1) + _kl(out_s2, out_t2)
    return loss

if __name__ == "__main__":
    import jax
    _d = setup_inputs()
    print(jax.jit(kernel)(*tuple(_d.values())))

</pallas_src>

<mosaic_0001>
#map = affine_map<(d0, d1) -> (0, 0)>
#map1 = affine_map<(d0, d1) -> (0, 0, 0)>
module attributes {stable_mosaic.version = 14 : i64} {
  func.func @_row_gather_body(%arg0: i32, %arg1: i32, %arg2: memref<100000x128xf32, #tpu.memory_space<hbm>>, %arg3: memref<100000x128xf32, #tpu.memory_space<hbm>>, %arg4: memref<64x33x128xi32, #tpu.memory_space<hbm>>, %arg5: memref<64x33x128xf32, #tpu.memory_space<hbm>>, %arg6: memref<64x33x128xf32, #tpu.memory_space<hbm>>, %arg7: memref<64x33x128xf32, #tpu.memory_space<hbm>>, %arg8: memref<64x33x128xf32, #tpu.memory_space<hbm>>, %arg9: memref<33x128xi32, #tpu.memory_space<vmem>>, %arg10: memref<128x128xf32, #tpu.memory_space<vmem>>, %arg11: memref<128x128xf32, #tpu.memory_space<vmem>>, %arg12: memref<128x128xf32, #tpu.memory_space<vmem>>, %arg13: memref<128x128xf32, #tpu.memory_space<vmem>>, %arg14: memref<128x128xf32, #tpu.memory_space<vmem>>, %arg15: memref<128x128xf32, #tpu.memory_space<vmem>>, %arg16: memref<33x128xf32, #tpu.memory_space<vmem>>, %arg17: memref<33x128xf32, #tpu.memory_space<vmem>>, %arg18: memref<33x128xf32, #tpu.memory_space<vmem>>, %arg19: memref<33x128xf32, #tpu.memory_space<vmem>>, %arg20: memref<!tpu.dma_semaphore, #tpu.memory_space<semaphore_mem>>, %arg21: memref<!tpu.dma_semaphore, #tpu.memory_space<semaphore_mem>>, %arg22: memref<!tpu.dma_semaphore, #tpu.memory_space<semaphore_mem>>) attributes {dimension_semantics = [#tpu.dimension_semantics<core_parallel>, #tpu.dimension_semantics<subcore_parallel>], iteration_bounds = array<i64: 2, 16>, scalar_prefetch = 0 : i64, scratch_operands = 14 : i64, tpu.core_type = #tpu.core_type<sc_vector_subcore>, window_params = [{transform_indices = #map}, {transform_indices = #map}, {transform_indices = #map1}, {transform_indices = #map1}, {transform_indices = #map1}, {transform_indices = #map1}, {transform_indices = #map1}]} {
    %mul3A = arith.constant 2 : i32
    %mul3A_0 = arith.muli %arg1, %mul3A : i32
    %add3A = arith.addi %mul3A_0, %arg0 : i32
    %mul3A_1 = arith.constant 2 : i32
    %mul3A_2 = arith.muli %add3A, %mul3A_1 : i32
    %add3A_3 = arith.constant 0 : i32
    %add3A_4 = arith.addi %mul3A_2, %add3A_3 : i32
    %mul3A_5 = arith.constant 2 : i32
    %mul3A_6 = arith.muli %mul3A_5, %add3A_4 : i32
    %mul3A_7 = arith.constant 2 : i32
    %mul3A_8 = arith.muli %mul3A_7, %add3A_4 : i32
    %add3A_9 = arith.constant 1 : i32
    %add3A_10 = arith.addi %mul3A_8, %add3A_9 : i32
    %mul3A_11 = arith.constant 2 : i32
    %mul3A_12 = arith.muli %mul3A_11, %add3A_4 : i32
    %add3A_13 = arith.constant 1 : i32
    %add3A_14 = arith.addi %mul3A_12, %add3A_13 : i32
    %mul3A_15 = arith.constant 2 : i32
    %mul3A_16 = arith.muli %mul3A_15, %add3A_4 : i32
    "tpu.region"() ({
      %run_scoped3A = tpu.sem_alloc : memref<!tpu.dma_semaphore, #tpu.memory_space<semaphore_mem>>
      %dma_start3A_129 = arith.constant 0 : i32
      %dma_start3A_130 = arith.constant 0 : i32
      %dma_start3A_131 = tpu.memref_slice %arg4[%add3A_4, %dma_start3A_129, %dma_start3A_130] : memref<64x33x128xi32, #tpu.memory_space<hbm>> -> memref<1x33x128xi32, #tpu.memory_space<hbm>>
      %dma_start3A_132 = tpu.memref_squeeze %dma_start3A_131 : memref<1x33x128xi32, #tpu.memory_space<hbm>> -> memref<33x128xi32, #tpu.memory_space<hbm>>
      %dma_start3A_133 = arith.constant 0 : i32
      %dma_start3A_134 = arith.constant 0 : i32
      %dma_start3A_135 = tpu.memref_slice %arg4[%add3A_4, %dma_start3A_133, %dma_start3A_134] : memref<64x33x128xi32, #tpu.memory_space<hbm>> -> memref<1x33x128xi32, #tpu.memory_space<hbm>>
      %dma_start3A_136 = tpu.memref_squeeze %dma_start3A_135 : memref<1x33x128xi32, #tpu.memory_space<hbm>> -> memref<33x128xi32, #tpu.memory_space<hbm>>
      tpu.enqueue_dma source(%dma_start3A_136 : memref<33x128xi32, #tpu.memory_space<hbm>>) target(%arg9 : memref<33x128xi32, #tpu.memory_space<vmem>>) target_semaphore(%run_scoped3A : memref<!tpu.dma_semaphore, #tpu.memory_space<semaphore_mem>>)
      %dma_wait3A = arith.constant 0 : i32
      %dma_wait3A_137 = arith.constant 0 : i32
      %dma_wait3A_138 = tpu.memref_slice %arg4[%add3A_4, %dma_wait3A, %dma_wait3A_137] : memref<64x33x128xi32, #tpu.memory_space<hbm>> -> memref<1x33x128xi32, #tpu.memory_space<hbm>>
      %dma_wait3A_139 = tpu.memref_squeeze %dma_wait3A_138 : memref<1x33x128xi32, #tpu.memory_space<hbm>> -> memref<33x128xi32, #tpu.memory_space<hbm>>
      %dma_wait3A_140 = arith.constant 0 : i32
      %dma_wait3A_141 = arith.constant 0 : i32
      %dma_wait3A_142 = tpu.memref_slice %arg4[%add3A_4, %dma_wait3A_140, %dma_wait3A_141] : memref<64x33x128xi32, #tpu.memory_space<hbm>> -> memref<1x33x128xi32, #tpu.memory_space<hbm>>
      %dma_wait3A_143 = tpu.memref_squeeze %dma_wait3A_142 : memref<1x33x128xi32, #tpu.memory_space<hbm>> -> memref<33x128xi32, #tpu.memory_space<hbm>>
      tpu.wait_dma2 semaphore(%run_scoped3A : memref<!tpu.dma_semaphore, #tpu.memory_space<semaphore_mem>>) src(%dma_wait3A_143 : memref<33x128xi32, #tpu.memory_space<hbm>>) dst(%arg9 : memref<33x128xi32, #tpu.memory_space<vmem>>)
      tpu.yield
    }) : () -> ()
    %dma_start3A = arith.constant 0 : i32
    %dma_start3A_17 = arith.constant 0 : i32
    %dma_start3A_18 = tpu.memref_slice %arg9[%dma_start3A, %dma_start3A_17] : memref<33x128xi32, #tpu.memory_space<vmem>> -> memref<1x128xi32, #tpu.memory_space<vmem>>
    %dma_start3A_19 = tpu.memref_squeeze %dma_start3A_18 : memref<1x128xi32, #tpu.memory_space<vmem>> -> memref<128xi32, #tpu.memory_space<vmem>>
    %dma_start3A_20 = arith.constant 0 : i32
    %dma_start3A_21 = arith.constant 0 : i32
    %dma_start3A_22 = tpu.memref_slice %arg2[%dma_start3A_20, %dma_start3A_21] : memref<100000x128xf32, #tpu.memory_space<hbm>> -> memref<100000x128xf32, #tpu.memory_space<hbm>>
    tpu.enqueue_indirect_dma source(%dma_start3A_22 : memref<100000x128xf32, #tpu.memory_space<hbm>>) target(%arg10 : memref<128x128xf32, #tpu.memory_space<vmem>>) offsets(%dma_start3A_19 : memref<128xi32, #tpu.memory_space<vmem>>) semaphore(%arg20 : memref<!tpu.dma_semaphore, #tpu.memory_space<semaphore_mem>>)
    %dma_start3A_23 = arith.constant 0 : i32
    %dma_start3A_24 = arith.constant 0 : i32
    %dma_start3A_25 = tpu.memref_slice %arg9[%dma_start3A_23, %dma_start3A_24] : memref<33x128xi32, #tpu.memory_space<vmem>> -> memref<1x128xi32, #tpu.memory_space<vmem>>
    %dma_start3A_26 = tpu.memref_squeeze %dma_start3A_25 : memref<1x128xi32, #tpu.memory_space<vmem>> -> memref<128xi32, #tpu.memory_space<vmem>>
    %dma_start3A_27 = arith.constant 0 : i32
    %dma_start3A_28 = arith.constant 0 : i32
    %dma_start3A_29 = tpu.memref_slice %arg3[%dma_start3A_27, %dma_start3A_28] : memref<100000x128xf32, #tpu.memory_space<hbm>> -> memref<100000x128xf32, #tpu.memory_space<hbm>>
    tpu.enqueue_indirect_dma source(%dma_start3A_29 : memref<100000x128xf32, #tpu.memory_space<hbm>>) target(%arg13 : memref<128x128xf32, #tpu.memory_space<vmem>>) offsets(%dma_start3A_26 : memref<128xi32, #tpu.memory_space<vmem>>) semaphore(%arg20 : memref<!tpu.dma_semaphore, #tpu.memory_space<semaphore_mem>>)
    %dma_start3A_30 = arith.constant 1 : i32
    %dma_start3A_31 = arith.constant 0 : i32
    %dma_start3A_32 = tpu.memref_slice %arg9[%dma_start3A_30, %dma_start3A_31] : memref<33x128xi32, #tpu.memory_space<vmem>> -> memref<1x128xi32, #tpu.memory_space<vmem>>
    %dma_start3A_33 = tpu.memref_squeeze %dma_start3A_32 : memref<1x128xi32, #tpu.memory_space<vmem>> -> memref<128xi32, #tpu.memory_space<vmem>>
    %dma_start3A_34 = arith.constant 0 : i32
    %dma_start3A_35 = arith.constant 0 : i32
    %dma_start3A_36 = tpu.memref_slice %arg2[%dma_start3A_34, %dma_start3A_35] : memref<100000x128xf32, #tpu.memory_space<hbm>> -> memref<100000x128xf32, #tpu.memory_space<hbm>>
    tpu.enqueue_indirect_dma source(%dma_start3A_36 : memref<100000x128xf32, #tpu.memory_space<hbm>>) target(%arg11 : memref<128x128xf32, #tpu.memory_space<vmem>>) offsets(%dma_start3A_33 : memref<128xi32, #tpu.memory_space<vmem>>) semaphore(%arg21 : memref<!tpu.dma_semaphore, #tpu.memory_space<semaphore_mem>>)
    %dma_start3A_37 = arith.constant 1 : i32
    %dma_start3A_38 = arith.constant 0 : i32
    %dma_start3A_39 = tpu.memref_slice %arg9[%dma_start3A_37, %dma_start3A_38] : memref<33x128xi32, #tpu.memory_space<vmem>> -> memref<1x128xi32, #tpu.memory_space<vmem>>
    %dma_start3A_40 = tpu.memref_squeeze %dma_start3A_39 : memref<1x128xi32, #tpu.memory_space<vmem>> -> memref<128xi32, #tpu.memory_space<vmem>>
    %dma_start3A_41 = arith.constant 0 : i32
    %dma_start3A_42 = arith.constant 0 : i32
    %dma_start3A_43 = tpu.memref_slice %arg3[%dma_start3A_41, %dma_start3A_42] : memref<100000x128xf32, #tpu.memory_space<hbm>> -> memref<100000x128xf32, #tpu.memory_space<hbm>>
    tpu.enqueue_indirect_dma source(%dma_start3A_43 : memref<100000x128xf32, #tpu.memory_space<hbm>>) target(%arg14 : memref<128x128xf32, #tpu.memory_space<vmem>>) offsets(%dma_start3A_40 : memref<128xi32, #tpu.memory_space<vmem>>) semaphore(%arg21 : memref<!tpu.dma_semaphore, #tpu.memory_space<semaphore_mem>>)
    %dma_start3A_44 = arith.constant 2 : i32
    %dma_start3A_45 = arith.constant 0 : i32
    %dma_start3A_46 = tpu.memref_slice %arg9[%dma_start3A_44, %dma_start3A_45] : memref<33x128xi32, #tpu.memory_space<vmem>> -> memref<1x128xi32, #tpu.memory_space<vmem>>
    %dma_start3A_47 = tpu.memref_squeeze %dma_start3A_46 : memref<1x128xi32, #tpu.memory_space<vmem>> -> memref<128xi32, #tpu.memory_space<vmem>>
    %dma_start3A_48 = arith.constant 0 : i32
    %dma_start3A_49 = arith.constant 0 : i32
    %dma_start3A_50 = tpu.memref_slice %arg2[%dma_start3A_48, %dma_start3A_49] : memref<100000x128xf32, #tpu.memory_space<hbm>> -> memref<100000x128xf32, #tpu.memory_space<hbm>>
    tpu.enqueue_indirect_dma source(%dma_start3A_50 : memref<100000x128xf32, #tpu.memory_space<hbm>>) target(%arg12 : memref<128x128xf32, #tpu.memory_space<vmem>>) offsets(%dma_start3A_47 : memref<128xi32, #tpu.memory_space<vmem>>) semaphore(%arg22 : memref<!tpu.dma_semaphore, #tpu.memory_space<semaphore_mem>>)
    %dma_start3A_51 = arith.constant 2 : i32
    %dma_start3A_52 = arith.constant 0 : i32
    %dma_start3A_53 = tpu.memref_slice %arg9[%dma_start3A_51, %dma_start3A_52] : memref<33x128xi32, #tpu.memory_space<vmem>> -> memref<1x128xi32, #tpu.memory_space<vmem>>
    %dma_start3A_54 = tpu.memref_squeeze %dma_start3A_53 : memref<1x128xi32, #tpu.memory_space<vmem>> -> memref<128xi32, #tpu.memory_space<vmem>>
    %dma_start3A_55 = arith.constant 0 : i32
    %dma_start3A_56 = arith.constant 0 : i32
    %dma_start3A_57 = tpu.memref_slice %arg3[%dma_start3A_55, %dma_start3A_56] : memref<100000x128xf32, #tpu.memory_space<hbm>> -> memref<100000x128xf32, #tpu.memory_space<hbm>>
    tpu.enqueue_indirect_dma source(%dma_start3A_57 : memref<100000x128xf32, #tpu.memory_space<hbm>>) target(%arg15 : memref<128x128xf32, #tpu.memory_space<vmem>>) offsets(%dma_start3A_54 : memref<128xi32, #tpu.memory_space<vmem>>) semaphore(%arg22 : memref<!tpu.dma_semaphore, #tpu.memory_space<semaphore_mem>>)
    %scan3A = arith.constant 0 : i32
    %scan3A_58 = arith.constant 0 : i32
    %scan3A_59 = arith.constant 11 : i32
    %scan3A_60 = arith.addi %scan3A_58, %scan3A_59 : i32
    %scan3A_61 = arith.constant 1 : i32
    %scan3A_62 = scf.for %scan3A_129 = %scan3A_58 to %scan3A_60 step %scan3A_61 iter_args(%scan3A_130 = %scan3A) -> (i32)  : i32 {
      %mul3A_131 = arith.constant 3 : i32
      %mul3A_132 = arith.muli %scan3A_129, %mul3A_131 : i32
      %add3A_133 = arith.constant 0 : i32
      %add3A_134 = arith.addi %mul3A_132, %add3A_133 : i32
      %dma_wait3A = arith.constant 0 : i32
      %dma_wait3A_135 = tpu.memref_slice %arg9[%add3A_134, %dma_wait3A] : memref<33x128xi32, #tpu.memory_space<vmem>> -> memref<1x128xi32, #tpu.memory_space<vmem>>
      %dma_wait3A_136 = tpu.memref_squeeze %dma_wait3A_135 : memref<1x128xi32, #tpu.memory_space<vmem>> -> memref<128xi32, #tpu.memory_space<vmem>>
      %dma_wait3A_137 = arith.constant 0 : i32
      %dma_wait3A_138 = arith.constant 0 : i32
      %dma_wait3A_139 = tpu.memref_slice %arg2[%dma_wait3A_137, %dma_wait3A_138] : memref<100000x128xf32, #tpu.memory_space<hbm>> -> memref<100000x128xf32, #tpu.memory_space<hbm>>
      tpu.wait_indirect_dma semaphore(%arg20 : memref<!tpu.dma_semaphore, #tpu.memory_space<semaphore_mem>>) src(%dma_wait3A_139 : memref<100000x128xf32, #tpu.memory_space<hbm>>) dst(%arg10 : memref<128x128xf32, #tpu.memory_space<vmem>>)
      %dma_wait3A_140 = arith.constant 0 : i32
      %dma_wait3A_141 = tpu.memref_slice %arg9[%add3A_134, %dma_wait3A_140] : memref<33x128xi32, #tpu.memory_space<vmem>> -> memref<1x128xi32, #tpu.memory_space<vmem>>
      %dma_wait3A_142 = tpu.memref_squeeze %dma_wait3A_141 : memref<1x128xi32, #tpu.memory_space<vmem>> -> memref<128xi32, #tpu.memory_space<vmem>>
      %dma_wait3A_143 = arith.constant 0 : i32
      %dma_wait3A_144 = arith.constant 0 : i32
      %dma_wait3A_145 = tpu.memref_slice %arg3[%dma_wait3A_143, %dma_wait3A_144] : memref<100000x128xf32, #tpu.memory_space<hbm>> -> memref<100000x128xf32, #tpu.memory_space<hbm>>
      tpu.wait_indirect_dma semaphore(%arg20 : memref<!tpu.dma_semaphore, #tpu.memory_space<semaphore_mem>>) src(%dma_wait3A_145 : memref<100000x128xf32, #tpu.memory_space<hbm>>) dst(%arg13 : memref<128x128xf32, #tpu.memory_space<vmem>>)
      %iota3A = tpu.iota {dimensions = array<i32: 0>} : vector<16xi32>
      %add3A_146 = arith.constant 0 : i32
      %add3A_147 = vector.broadcast %add3A_146 : i32 to vector<16xi32>
      %add3A_148 = arith.addi %iota3A, %add3A_147 : vector<16xi32>
      %broadcast_in_dim3A = vector.broadcast %mul3A_6 : i32 to vector<16xi32>
      %gather3A = tpu.vector_load_idx %arg13[%add3A_148, %broadcast_in_dim3A] : memref<128x128xf32, #tpu.memory_space<vmem>>[vector<16xi32>, vector<16xi32>], vector<16xf32>,
      %swap3A = arith.index_cast %add3A_134 : i32 to index
      %swap3A_149 = arith.constant 0 : index
      %swap3A_150 = tpu.vector_load %arg16[%swap3A, %swap3A_149] {strides = array<i32>} : memref<33x128xf32, #tpu.memory_space<vmem>>, vector<16xf32>,
      tpu.vector_store %arg16[%swap3A, %swap3A_149], %gather3A {strides = array<i32>} : memref<33x128xf32, #tpu.memory_space<vmem>>, vector<16xf32>,
      %broadcast_in_dim3A_151 = vector.broadcast %add3A_10 : i32 to vector<16xi32>
      %gather3A_152 = tpu.vector_load_idx %arg13[%add3A_148, %broadcast_in_dim3A_151] : memref<128x128xf32, #tpu.memory_space<vmem>>[vector<16xi32>, vector<16xi32>], vector<16xf32>,
      %swap3A_153 = arith.index_cast %add3A_134 : i32 to index
      %swap3A_154 = arith.constant 0 : index
      %swap3A_155 = tpu.vector_load %arg17[%swap3A_153, %swap3A_154] {strides = array<i32>} : memref<33x128xf32, #tpu.memory_space<vmem>>, vector<16xf32>,
      tpu.vector_store %arg17[%swap3A_153, %swap3A_154], %gather3A_152 {strides = array<i32>} : memref<33x128xf32, #tpu.memory_space<vmem>>, vector<16xf32>,
      %broadcast_in_dim3A_156 = vector.broadcast %add3A_14 : i32 to vector<16xi32>
      %gather3A_157 = tpu.vector_load_idx %arg10[%add3A_148, %broadcast_in_dim3A_156] : memref<128x128xf32, #tpu.memory_space<vmem>>[vector<16xi32>, vector<16xi32>], vector<16xf32>,
      %swap3A_158 = arith.index_cast %add3A_134 : i32 to index
      %swap3A_159 = arith.constant 0 : index
      %swap3A_160 = tpu.vector_load %arg18[%swap3A_158, %swap3A_159] {strides = array<i32>} : memref<33x128xf32, #tpu.memory_space<vmem>>, vector<16xf32>,
      tpu.vector_store %arg18[%swap3A_158, %swap3A_159], %gather3A_157 {strides = array<i32>} : memref<33x128xf32, #tpu.memory_space<vmem>>, vector<16xf32>,
      %broadcast_in_dim3A_161 = vector.broadcast %mul3A_16 : i32 to vector<16xi32>
      %gather3A_162 = tpu.vector_load_idx %arg10[%add3A_148, %broadcast_in_dim3A_161] : memref<128x128xf32, #tpu.memory_space<vmem>>[vector<16xi32>, vector<16xi32>], vector<16xf32>,
      %swap3A_163 = arith.index_cast %add3A_134 : i32 to index
      %swap3A_164 = arith.constant 0 : index
      %swap3A_165 = tpu.vector_load %arg19[%swap3A_163, %swap3A_164] {strides = array<i32>} : memref<33x128xf32, #tpu.memory_space<vmem>>, vector<16xf32>,
      tpu.vector_store %arg19[%swap3A_163, %swap3A_164], %gather3A_162 {strides = array<i32>} : memref<33x128xf32, #tpu.memory_space<vmem>>, vector<16xf32>,
      %iota3A_166 = tpu.iota {dimensions = array<i32: 0>} : vector<16xi32>
      %add3A_167 = arith.constant 16 : i32
      %add3A_168 = vector.broadcast %add3A_167 : i32 to vector<16xi32>
      %add3A_169 = arith.addi %iota3A_166, %add3A_168 : vector<16xi32>
      %broadcast_in_dim3A_170 = vector.broadcast %mul3A_6 : i32 to vector<16xi32>
      %gather3A_171 = tpu.vector_load_idx %arg13[%add3A_169, %broadcast_in_dim3A_170] : memref<128x128xf32, #tpu.memory_space<vmem>>[vector<16xi32>, vector<16xi32>], vector<16xf32>,
      %swap3A_172 = arith.index_cast %add3A_134 : i32 to index
      %swap3A_173 = arith.constant 16 : index
      %swap3A_174 = tpu.vector_load %arg16[%swap3A_172, %swap3A_173] {strides = array<i32>} : memref<33x128xf32, #tpu.memory_space<vmem>>, vector<16xf32>,
      tpu.vector_store %arg16[%swap3A_172, %swap3A_173], %gather3A_171 {strides = array<i32>} : memref<33x128xf32, #tpu.memory_space<vmem>>, vector<16xf32>,
      %broadcast_in_dim3A_175 = vector.broadcast %add3A_10 : i32 to vector<16xi32>
      %gather3A_176 = tpu.vector_load_idx %arg13[%add3A_169, %broadcast_in_dim3A_175] : memref<128x128xf32, #tpu.memory_space<vmem>>[vector<16xi32>, vector<16xi32>], vector<16xf32>,
      %swap3A_177 = arith.index_cast %add3A_134 : i32 to index
      %swap3A_178 = arith.constant 16 : index
      %swap3A_179 = tpu.vector_load %arg17[%swap3A_177, %swap3A_178] {strides = array<i32>} : memref<33x128xf32, #tpu.memory_space<vmem>>, vector<16xf32>,
      tpu.vector_store %arg17[%swap3A_177, %swap3A_178], %gather3A_176 {strides = array<i32>} : memref<33x128xf32, #tpu.memory_space<vmem>>, vector<16xf32>,
      %broadcast_in_dim3A_180 = vector.broadcast %add3A_14 : i32 to vector<16xi32>
      %gather3A_181 = tpu.vector_load_idx %arg10[%add3A_169, %broadcast_in_dim3A_180] : memref<128x128xf32, #tpu.memory_space<vmem>>[vector<16xi32>, vector<16xi32>], vector<16xf32>,
      %swap3A_182 = arith.index_cast %add3A_134 : i32 to index
      %swap3A_183 = arith.constant 16 : index
      %swap3A_184 = tpu.vector_load %arg18[%swap3A_182, %swap3A_183] {strides = array<i32>} : memref<33x128xf32, #tpu.memory_space<vmem>>, vector<16xf32>,
      tpu.vector_store %arg18[%swap3A_182, %swap3A_183], %gather3A_181 {strides = array<i32>} : memref<33x128xf32, #tpu.memory_space<vmem>>, vector<16xf32>,
      %broadcast_in_dim3A_185 = vector.broadcast %mul3A_16 : i32 to vector<16xi32>
      %gather3A_186 = tpu.vector_load_idx %arg10[%add3A_169, %broadcast_in_dim3A_185] : memref<128x128xf32, #tpu.memory_space<vmem>>[vector<16xi32>, vector<16xi32>], vector<16xf32>,
      %swap3A_187 = arith.index_cast %add3A_134 : i32 to index
      %swap3A_188 = arith.constant 16 : index
      %swap3A_189 = tpu.vector_load %arg19[%swap3A_187, %swap3A_188] {strides = array<i32>} : memref<33x128xf32, #tpu.memory_space<vmem>>, vector<16xf32>,
      tpu.vector_store %arg19[%swap3A_187, %swap3A_188], %gather3A_186 {strides = array<i32>} : memref<33x128xf32, #tpu.memory_space<vmem>>, vector<16xf32>,
      %iota3A_190 = tpu.iota {dimensions = array<i32: 0>} : vector<16xi32>
      %add3A_191 = arith.constant 32 : i32
      %add3A_192 = vector.broadcast %add3A_191 : i32 to vector<16xi32>
      %add3A_193 = arith.addi %iota3A_190, %add3A_192 : vector<16xi32>
      %broadcast_in_dim3A_194 = vector.broadcast %mul3A_6 : i32 to vector<16xi32>
      %gather3A_195 = tpu.vector_load_idx %arg13[%add3A_193, %broadcast_in_dim3A_194] : memref<128x128xf32, #tpu.memory_space<vmem>>[vector<16xi32>, vector<16xi32>], vector<16xf32>,
      %swap3A_196 = arith.index_cast %add3A_134 : i32 to index
      %swap3A_197 = arith.constant 32 : index
      %swap3A_198 = tpu.vector_load %arg16[%swap3A_196, %swap3A_197] {strides = array<i32>} : memref<33x128xf32, #tpu.memory_space<vmem>>, vector<16xf32>,
      tpu.vector_store %arg16[%swap3A_196, %swap3A_197], %gather3A_195 {strides = array<i32>} : memref<33x128xf32, #tpu.memory_space<vmem>>, vector<16xf32>,
      %broadcast_in_dim3A_199 = vector.broadcast %add3A_10 : i32 to vector<16xi32>
      %gather3A_200 = tpu.vector_load_idx %arg13[%add3A_193, %broadcast_in_dim3A_199] : memref<128x128xf32, #tpu.memory_space<vmem>>[vector<16xi32>, vector<16xi32>], vector<16xf32>,
      %swap3A_201 = arith.index_cast %add3A_134 : i32 to index
      %swap3A_202 = arith.constant 32 : index
      %swap3A_203 = tpu.vector_load %arg17[%swap3A_201, %swap3A_202] {strides = array<i32>} : memref<33x128xf32, #tpu.memory_space<vmem>>, vector<16xf32>,
      tpu.vector_store %arg17[%swap3A_201, %swap3A_202], %gather3A_200 {strides = array<i32>} : memref<33x128xf32, #tpu.memory_space<vmem>>, vector<16xf32>,
      %broadcast_in_dim3A_204 = vector.broadcast %add3A_14 : i32 to vector<16xi32>
      %gather3A_205 = tpu.vector_load_idx %arg10[%add3A_193, %broadcast_in_dim3A_204] : memref<128x128xf32, #tpu.memory_space<vmem>>[vector<16xi32>, vector<16xi32>], vector<16xf32>,
      %swap3A_206 = arith.index_cast %add3A_134 : i32 to index
      %swap3A_207 = arith.constant 32 : index
      %swap3A_208 = tpu.vector_load %arg18[%swap3A_206, %swap3A_207] {strides = array<i32>} : memref<33x128xf32, #tpu.memory_space<vmem>>, vector<16xf32>,
      tpu.vector_store %arg18[%swap3A_206, %swap3A_207], %gather3A_205 {strides = array<i32>} : memref<33x128xf32, #tpu.memory_space<vmem>>, vector<16xf32>,
      %broadcast_in_dim3A_209 = vector.broadcast %mul3A_16 : i32 to vector<16xi32>
      %gather3A_210 = tpu.vector_load_idx %arg10[%add3A_193, %broadcast_in_dim3A_209] : memref<128x128xf32, #tpu.memory_space<vmem>>[vector<16xi32>, vector<16xi32>], vector<16xf32>,
      %swap3A_211 = arith.index_cast %add3A_134 : i32 to index
      %swap3A_212 = arith.constant 32 : index
      %swap3A_213 = tpu.vector_load %arg19[%swap3A_211, %swap3A_212] {strides = array<i32>} : memref<33x128xf32, #tpu.memory_space<vmem>>, vector<16xf32>,
      tpu.vector_store %arg19[%swap3A_211, %swap3A_212], %gather3A_210 {strides = array<i32>} : memref<33x128xf32, #tpu.memory_space<vmem>>, vector<16xf32>,
      %iota3A_214 = tpu.iota {dimensions = array<i32: 0>} : vector<16xi32>
      %add3A_215 = arith.constant 48 : i32
      %add3A_216 = vector.broadcast %add3A_215 : i32 to vector<16xi32>
      %add3A_217 = arith.addi %iota3A_214, %add3A_216 : vector<16xi32>
      %broadcast_in_dim3A_218 = vector.broadcast %mul3A_6 : i32 to vector<16xi32>
      %gather3A_219 = tpu.vector_load_idx %arg13[%add3A_217, %broadcast_in_dim3A_218] : memref<128x128xf32, #tpu.memory_space<vmem>>[vector<16xi32>, vector<16xi32>], vector<16xf32>,
      %swap3A_220 = arith.index_cast %add3A_134 : i32 to index
      %swap3A_221 = arith.constant 48 : index
      %swap3A_222 = tpu.vector_load %arg16[%swap3A_220, %swap3A_221] {strides = array<i32>} : memref<33x128xf32, #tpu.memory_space<vmem>>, vector<16xf32>,
      tpu.vector_store %arg16[%swap3A_220, %swap3A_221], %gather3A_219 {strides = array<i32>} : memref<33x128xf32, #tpu.memory_space<vmem>>, vector<16xf32>,
      %broadcast_in_dim3A_223 = vector.broadcast %add3A_10 : i32 to vector<16xi32>
      %gather3A_224 = tpu.vector_load_idx %arg13[%add3A_217, %broadcast_in_dim3A_223] : memref<128x128xf32, #tpu.memory_space<vmem>>[vector<16xi32>, vector<16xi32>], vector<16xf32>,
      %swap3A_225 = arith.index_cast %add3A_134 : i32 to index
      %swap3A_226 = arith.constant 48 : index
      %swap3A_227 = tpu.vector_load %arg17[%swap3A_225, %swap3A_226] {strides = array<i32>} : memref<33x128xf32, #tpu.memory_space<vmem>>, vector<16xf32>,
      tpu.vector_store %arg17[%swap3A_225, %swap3A_226], %gather3A_224 {strides = array<i32>} : memref<33x128xf32, #tpu.memory_space<vmem>>, vector<16xf32>,
      %broadcast_in_dim3A_228 = vector.broadcast %add3A_14 : i32 to vector<16xi32>
      %gather3A_229 = tpu.vector_load_idx %arg10[%add3A_217, %broadcast_in_dim3A_228] : memref<128x128xf32, #tpu.memory_space<vmem>>[vector<16xi32>, vector<16xi32>], vector<16xf32>,
      %swap3A_230 = arith.index_cast %add3A_134 : i32 to index
      %swap3A_231 = arith.constant 48 : index
      %swap3A_232 = tpu.vector_load %arg18[%swap3A_230, %swap3A_231] {strides = array<i32>} : memref<33x128xf32, #tpu.memory_space<vmem>>, vector<16xf32>,
      tpu.vector_store %arg18[%swap3A_230, %swap3A_231], %gather3A_229 {strides = array<i32>} : memref<33x128xf32, #tpu.memory_space<vmem>>, vector<16xf32>,
      %broadcast_in_dim3A_233 = vector.broadcast %mul3A_16 : i32 to vector<16xi32>
      %gather3A_234 = tpu.vector_load_idx %arg10[%add3A_217, %broadcast_in_dim3A_233] : memref<128x128xf32, #tpu.memory_space<vmem>>[vector<16xi32>, vector<16xi32>], vector<16xf32>,
      %swap3A_235 = arith.index_cast %add3A_134 : i32 to index
      %swap3A_236 = arith.constant 48 : index
      %swap3A_237 = tpu.vector_load %arg19[%swap3A_235, %swap3A_236] {strides = array<i32>} : memref<33x128xf32, #tpu.memory_space<vmem>>, vector<16xf32>,
      tpu.vector_store %arg19[%swap3A_235, %swap3A_236], %gather3A_234 {strides = array<i32>} : memref<33x128xf32, #tpu.memory_space<vmem>>, vector<16xf32>,
      %iota3A_238 = tpu.iota {dimensions = array<i32: 0>} : vector<16xi32>
      %add3A_239 = arith.constant 64 : i32
      %add3A_240 = vector.broadcast %add3A_239 : i32 to vector<16xi32>
      %add3A_241 = arith.addi %iota3A_238, %add3A_240 : vector<16xi32>
      %broadcast_in_dim3A_242 = vector.broadcast %mul3A_6 : i32 to vector<16xi32>
      %gather3A_243 = tpu.vector_load_idx %arg13[%add3A_241, %broadcast_in_dim3A_242] : memref<128x128xf32, #tpu.memory_space<vmem>>[vector<16xi32>, vector<16xi32>], vector<16xf32>,
      %swap3A_244 = arith.index_cast %add3A_134 : i32 to index
      %swap3A_245 = arith.constant 64 : index
      %swap3A_246 = tpu.vector_load %arg16[%swap3A_244, %swap3A_245] {strides = array<i32>} : memref<33x128xf32, #tpu.memory_space<vmem>>, vector<16xf32>,
      tpu.vector_store %arg16[%swap3A_244, %swap3A_245], %gather3A_243 {strides = array<i32>} : memref<33x128xf32, #tpu.memory_space<vmem>>, vector<16xf32>,
      %broadcast_in_dim3A_247 = vector.broadcast %add3A_10 : i32 to vector<16xi32>
      %gather3A_248 = tpu.vector_load_idx %arg13[%add3A_241, %broadcast_in_dim3A_247] : memref<128x128xf32, #tpu.memory_space<vmem>>[vector<16xi32>, vector<16xi32>], vector<16xf32>,
      %swap3A_249 = arith.index_cast %add3A_134 : i32 to index
      %swap3A_250 = arith.constant 64 : index
      %swap3A_251 = tpu.vector_load %arg17[%swap3A_249, %swap3A_250] {strides = array<i32>} : memref<33x128xf32, #tpu.memory_space<vmem>>, vector<16xf32>,
      tpu.vector_store %arg17[%swap3A_249, %swap3A_250], %gather3A_248 {strides = array<i32>} : memref<33x128xf32, #tpu.memory_space<vmem>>, vector<16xf32>,
      %broadcast_in_dim3A_252 = vector.broadcast %add3A_14 : i32 to vector<16xi32>
      %gather3A_253 = tpu.vector_load_idx %arg10[%add3A_241, %broadcast_in_dim3A_252] : memref<128x128xf32, #tpu.memory_space<vmem>>[vector<16xi32>, vector<16xi32>], vector<16xf32>,
      %swap3A_254 = arith.index_cast %add3A_134 : i32 to index
      %swap3A_255 = arith.constant 64 : index
      %swap3A_256 = tpu.vector_load %arg18[%swap3A_254, %swap3A_255] {strides = array<i32>} : memref<33x128xf32, #tpu.memory_space<vmem>>, vector<16xf32>,
      tpu.vector_store %arg18[%swap3A_254, %swap3A_255], %gather3A_253 {strides = array<i32>} : memref<33x128xf32, #tpu.memory_space<vmem>>, vector<16xf32>,
      %broadcast_in_dim3A_257 = vector.broadcast %mul3A_16 : i32 to vector<16xi32>
      %gather3A_258 = tpu.vector_load_idx %arg10[%add3A_241, %broadcast_in_dim3A_257] : memref<128x128xf32, #tpu.memory_space<vmem>>[vector<16xi32>, vector<16xi32>], vector<16xf32>,
      %swap3A_259 = arith.index_cast %add3A_134 : i32 to index
      %swap3A_260 = arith.constant 64 : index
      %swap3A_261 = tpu.vector_load %arg19[%swap3A_259, %swap3A_260] {strides = array<i32>} : memref<33x128xf32, #tpu.memory_space<vmem>>, vector<16xf32>,
      tpu.vector_store %arg19[%swap3A_259, %swap3A_260], %gather3A_258 {strides = array<i32>} : memref<33x128xf32, #tpu.memory_space<vmem>>, vector<16xf32>,
      %iota3A_262 = tpu.iota {dimensions = array<i32: 0>} : vector<16xi32>
      %add3A_263 = arith.constant 80 : i32
      %add3A_264 = vector.broadcast %add3A_263 : i32 to vector<16xi32>
      %add3A_265 = arith.addi %iota3A_262, %add3A_264 : vector<16xi32>
      %broadcast_in_dim3A_266 = vector.broadcast %mul3A_6 : i32 to vector<16xi32>
      %gather3A_267 = tpu.vector_load_idx %arg13[%add3A_265, %broadcast_in_dim3A_266] : memref<128x128xf32, #tpu.memory_space<vmem>>[vector<16xi32>, vector<16xi32>], vector<16xf32>,
      %swap3A_268 = arith.index_cast %add3A_134 : i32 to index
      %swap3A_269 = arith.constant 80 : index
      %swap3A_270 = tpu.vector_load %arg16[%swap3A_268, %swap3A_269] {strides = array<i32>} : memref<33x128xf32, #tpu.memory_space<vmem>>, vector<16xf32>,
      tpu.vector_store %arg16[%swap3A_268, %swap3A_269], %gather3A_267 {strides = array<i32>} : memref<33x128xf32, #tpu.memory_space<vmem>>, vector<16xf32>,
      %broadcast_in_dim3A_271 = vector.broadcast %add3A_10 : i32 to vector<16xi32>
      %gather3A_272 = tpu.vector_load_idx %arg13[%add3A_265, %broadcast_in_dim3A_271] : memref<128x128xf32, #tpu.memory_space<vmem>>[vector<16xi32>, vector<16xi32>], vector<16xf32>,
      %swap3A_273 = arith.index_cast %add3A_134 : i32 to index
      %swap3A_274 = arith.constant 80 : index
      %swap3A_275 = tpu.vector_load %arg17[%swap3A_273, %swap3A_274] {strides = array<i32>} : memref<33x128xf32, #tpu.memory_space<vmem>>, vector<16xf32>,
      tpu.vector_store %arg17[%swap3A_273, %swap3A_274], %gather3A_272 {strides = array<i32>} : memref<33x128xf32, #tpu.memory_space<vmem>>, vector<16xf32>,
      %broadcast_in_dim3A_276 = vector.broadcast %add3A_14 : i32 to vector<16xi32>
      %gather3A_277 = tpu.vector_load_idx %arg10[%add3A_265, %broadcast_in_dim3A_276] : memref<128x128xf32, #tpu.memory_space<vmem>>[vector<16xi32>, vector<16xi32>], vector<16xf32>,
      %swap3A_278 = arith.index_cast %add3A_134 : i32 to index
      %swap3A_279 = arith.constant 80 : index
      %swap3A_280 = tpu.vector_load %arg18[%swap3A_278, %swap3A_279] {strides = array<i32>} : memref<33x128xf32, #tpu.memory_space<vmem>>, vector<16xf32>,
      tpu.vector_store %arg18[%swap3A_278, %swap3A_279], %gather3A_277 {strides = array<i32>} : memref<33x128xf32, #tpu.memory_space<vmem>>, vector<16xf32>,
      %broadcast_in_dim3A_281 = vector.broadcast %mul3A_16 : i32 to vector<16xi32>
      %gather3A_282 = tpu.vector_load_idx %arg10[%add3A_265, %broadcast_in_dim3A_281] : memref<128x128xf32, #tpu.memory_space<vmem>>[vector<16xi32>, vector<16xi32>], vector<16xf32>,
      %swap3A_283 = arith.index_cast %add3A_134 : i32 to index
      %swap3A_284 = arith.constant 80 : index
      %swap3A_285 = tpu.vector_load %arg19[%swap3A_283, %swap3A_284] {strides = array<i32>} : memref<33x128xf32, #tpu.memory_space<vmem>>, vector<16xf32>,
      tpu.vector_store %arg19[%swap3A_283, %swap3A_284], %gather3A_282 {strides = array<i32>} : memref<33x128xf32, #tpu.memory_space<vmem>>, vector<16xf32>,
      %iota3A_286 = tpu.iota {dimensions = array<i32: 0>} : vector<16xi32>
      %add3A_287 = arith.constant 96 : i32
      %add3A_288 = vector.broadcast %add3A_287 : i32 to vector<16xi32>
      %add3A_289 = arith.addi %iota3A_286, %add3A_288 : vector<16xi32>
      %broadcast_in_dim3A_290 = vector.broadcast %mul3A_6 : i32 to vector<16xi32>
      %gather3A_291 = tpu.vector_load_idx %arg13[%add3A_289, %broadcast_in_dim3A_290] : memref<128x128xf32, #tpu.memory_space<vmem>>[vector<16xi32>, vector<16xi32>], vector<16xf32>,
      %swap3A_292 = arith.index_cast %add3A_134 : i32 to index
      %swap3A_293 = arith.constant 96 : index
      %swap3A_294 = tpu.vector_load %arg16[%swap3A_292, %swap3A_293] {strides = array<i32>} : memref<33x128xf32, #tpu.memory_space<vmem>>, vector<16xf32>,
      tpu.vector_store %arg16[%swap3A_292, %swap3A_293], %gather3A_291 {strides = array<i32>} : memref<33x128xf32, #tpu.memory_space<vmem>>, vector<16xf32>,
      %broadcast_in_dim3A_295 = vector.broadcast %add3A_10 : i32 to vector<16xi32>
      %gather3A_296 = tpu.vector_load_idx %arg13[%add3A_289, %broadcast_in_dim3A_295] : memref<128x128xf32, #tpu.memory_space<vmem>>[vector<16xi32>, vector<16xi32>], vector<16xf32>,
      %swap3A_297 = arith.index_cast %add3A_134 : i32 to index
      %swap3A_298 = arith.constant 96 : index
      %swap3A_299 = tpu.vector_load %arg17[%swap3A_297, %swap3A_298] {strides = array<i32>} : memref<33x128xf32, #tpu.memory_space<vmem>>, vector<16xf32>,
      tpu.vector_store %arg17[%swap3A_297, %swap3A_298], %gather3A_296 {strides = array<i32>} : memref<33x128xf32, #tpu.memory_space<vmem>>, vector<16xf32>,
      %broadcast_in_dim3A_300 = vector.broadcast %add3A_14 : i32 to vector<16xi32>
      %gather3A_301 = tpu.vector_load_idx %arg10[%add3A_289, %broadcast_in_dim3A_300] : memref<128x128xf32, #tpu.memory_space<vmem>>[vector<16xi32>, vector<16xi32>], vector<16xf32>,
      %swap3A_302 = arith.index_cast %add3A_134 : i32 to index
      %swap3A_303 = arith.constant 96 : index
      %swap3A_304 = tpu.vector_load %arg18[%swap3A_302, %swap3A_303] {strides = array<i32>} : memref<33x128xf32, #tpu.memory_space<vmem>>, vector<16xf32>,
      tpu.vector_store %arg18[%swap3A_302, %swap3A_303], %gather3A_301 {strides = array<i32>} : memref<33x128xf32, #tpu.memory_space<vmem>>, vector<16xf32>,
      %broadcast_in_dim3A_305 = vector.broadcast %mul3A_16 : i32 to vector<16xi32>
      %gather3A_306 = tpu.vector_load_idx %arg10[%add3A_289, %broadcast_in_dim3A_305] : memref<128x128xf32, #tpu.memory_space<vmem>>[vector<16xi32>, vector<16xi32>], vector<16xf32>,
      %swap3A_307 = arith.index_cast %add3A_134 : i32 to index
      %swap3A_308 = arith.constant 96 : index
      %swap3A_309 = tpu.vector_load %arg19[%swap3A_307, %swap3A_308] {strides = array<i32>} : memref<33x128xf32, #tpu.memory_space<vmem>>, vector<16xf32>,
      tpu.vector_store %arg19[%swap3A_307, %swap3A_308], %gather3A_306 {strides = array<i32>} : memref<33x128xf32, #tpu.memory_space<vmem>>, vector<16xf32>,
      %iota3A_310 = tpu.iota {dimensions = array<i32: 0>} : vector<16xi32>
      %add3A_311 = arith.constant 112 : i32
      %add3A_312 = vector.broadcast %add3A_311 : i32 to vector<16xi32>
      %add3A_313 = arith.addi %iota3A_310, %add3A_312 : vector<16xi32>
      %broadcast_in_dim3A_314 = vector.broadcast %mul3A_6 : i32 to vector<16xi32>
      %gather3A_315 = tpu.vector_load_idx %arg13[%add3A_313, %broadcast_in_dim3A_314] : memref<128x128xf32, #tpu.memory_space<vmem>>[vector<16xi32>, vector<16xi32>], vector<16xf32>,
      %swap3A_316 = arith.index_cast %add3A_134 : i32 to index
      %swap3A_317 = arith.constant 112 : index
      %swap3A_318 = tpu.vector_load %arg16[%swap3A_316, %swap3A_317] {strides = array<i32>} : memref<33x128xf32, #tpu.memory_space<vmem>>, vector<16xf32>,
      tpu.vector_store %arg16[%swap3A_316, %swap3A_317], %gather3A_315 {strides = array<i32>} : memref<33x128xf32, #tpu.memory_space<vmem>>, vector<16xf32>,
      %broadcast_in_dim3A_319 = vector.broadcast %add3A_10 : i32 to vector<16xi32>
      %gather3A_320 = tpu.vector_load_idx %arg13[%add3A_313, %broadcast_in_dim3A_319] : memref<128x128xf32, #tpu.memory_space<vmem>>[vector<16xi32>, vector<16xi32>], vector<16xf32>,
      %swap3A_321 = arith.index_cast %add3A_134 : i32 to index
      %swap3A_322 = arith.constant 112 : index
      %swap3A_323 = tpu.vector_load %arg17[%swap3A_321, %swap3A_322] {strides = array<i32>} : memref<33x128xf32, #tpu.memory_space<vmem>>, vector<16xf32>,
      tpu.vector_store %arg17[%swap3A_321, %swap3A_322], %gather3A_320 {strides = array<i32>} : memref<33x128xf32, #tpu.memory_space<vmem>>, vector<16xf32>,
      %broadcast_in_dim3A_324 = vector.broadcast %add3A_14 : i32 to vector<16xi32>
      %gather3A_325 = tpu.vector_load_idx %arg10[%add3A_313, %broadcast_in_dim3A_324] : memref<128x128xf32, #tpu.memory_space<vmem>>[vector<16xi32>, vector<16xi32>], vector<16xf32>,
      %swap3A_326 = arith.index_cast %add3A_134 : i32 to index
      %swap3A_327 = arith.constant 112 : index
      %swap3A_328 = tpu.vector_load %arg18[%swap3A_326, %swap3A_327] {strides = array<i32>} : memref<33x128xf32, #tpu.memory_space<vmem>>, vector<16xf32>,
      tpu.vector_store %arg18[%swap3A_326, %swap3A_327], %gather3A_325 {strides = array<i32>} : memref<33x128xf32, #tpu.memory_space<vmem>>, vector<16xf32>,
      %broadcast_in_dim3A_329 = vector.broadcast %mul3A_16 : i32 to vector<16xi32>
      %gather3A_330 = tpu.vector_load_idx %arg10[%add3A_313, %broadcast_in_dim3A_329] : memref<128x128xf32, #tpu.memory_space<vmem>>[vector<16xi32>, vector<16xi32>], vector<16xf32>,
      %swap3A_331 = arith.index_cast %add3A_134 : i32 to index
      %swap3A_332 = arith.constant 112 : index
      %swap3A_333 = tpu.vector_load %arg19[%swap3A_331, %swap3A_332] {strides = array<i32>} : memref<33x128xf32, #tpu.memory_space<vmem>>, vector<16xf32>,
      tpu.vector_store %arg19[%swap3A_331, %swap3A_332], %gather3A_330 {strides = array<i32>} : memref<33x128xf32, #tpu.memory_space<vmem>>, vector<16xf32>,
      %add3A_334 = arith.constant 3 : i32
      %add3A_335 = arith.addi %add3A_134, %add3A_334 : i32
      %lt3A = arith.constant 33 : i32
      %lt3A_336 = arith.cmpi slt, %add3A_335, %lt3A : i32
      %convert_element_type3A = arith.extui %lt3A_336 : i1 to i32
      %cond3A = arith.constant 0 : i32
      %cond3A_337 = arith.cmpi ne, %convert_element_type3A, %cond3A : i32
      scf.if %cond3A_337 {
        %add3A_765 = arith.constant 3 : i32
        %add3A_766 = arith.addi %add3A_134, %add3A_765 : i32
        %dma_start3A_767 = arith.constant 0 : i32
        %dma_start3A_768 = tpu.memref_slice %arg9[%add3A_766, %dma_start3A_767] : memref<33x128xi32, #tpu.memory_space<vmem>> -> memref<1x128xi32, #tpu.memory_space<vmem>>
        %dma_start3A_769 = tpu.memref_squeeze %dma_start3A_768 : memref<1x128xi32, #tpu.memory_space<vmem>> -> memref<128xi32, #tpu.memory_space<vmem>>
        %dma_start3A_770 = arith.constant 0 : i32
        %dma_start3A_771 = arith.constant 0 : i32
        %dma_start3A_772 = tpu.memref_slice %arg2[%dma_start3A_770, %dma_start3A_771] : memref<100000x128xf32, #tpu.memory_space<hbm>> -> memref<100000x128xf32, #tpu.memory_space<hbm>>
        tpu.enqueue_indirect_dma source(%dma_start3A_772 : memref<100000x128xf32, #tpu.memory_space<hbm>>) target(%arg10 : memref<128x128xf32, #tpu.memory_space<vmem>>) offsets(%dma_start3A_769 : memref<128xi32, #tpu.memory_space<vmem>>) semaphore(%arg20 : memref<!tpu.dma_semaphore, #tpu.memory_space<semaphore_mem>>)
        %dma_start3A_773 = arith.constant 0 : i32
        %dma_start3A_774 = tpu.memref_slice %arg9[%add3A_766, %dma_start3A_773] : memref<33x128xi32, #tpu.memory_space<vmem>> -> memref<1x128xi32, #tpu.memory_space<vmem>>
        %dma_start3A_775 = tpu.memref_squeeze %dma_start3A_774 : memref<1x128xi32, #tpu.memory_space<vmem>> -> memref<128xi32, #tpu.memory_space<vmem>>
        %dma_start3A_776 = arith.constant 0 : i32
        %dma_start3A_777 = arith.constant 0 : i32
        %dma_start3A_778 = tpu.memref_slice %arg3[%dma_start3A_776, %dma_start3A_777] : memref<100000x128xf32, #tpu.memory_space<hbm>> -> memref<100000x128xf32, #tpu.memory_space<hbm>>
        tpu.enqueue_indirect_dma source(%dma_start3A_778 : memref<100000x128xf32, #tpu.memory_space<hbm>>) target(%arg13 : memref<128x128xf32, #tpu.memory_space<vmem>>) offsets(%dma_start3A_775 : memref<128xi32, #tpu.memory_space<vmem>>) semaphore(%arg20 : memref<!tpu.dma_semaphore, #tpu.memory_space<semaphore_mem>>)
      } else {
      }
      %add3A_338 = arith.constant 1 : i32
      %add3A_339 = arith.addi %mul3A_132, %add3A_338 : i32
      %dma_wait3A_340 = arith.constant 0 : i32
      %dma_wait3A_341 = tpu.memref_slice %arg9[%add3A_339, %dma_wait3A_340] : memref<33x128xi32, #tpu.memory_space<vmem>> -> memref<1x128xi32, #tpu.memory_space<vmem>>
      %dma_wait3A_342 = tpu.memref_squeeze %dma_wait3A_341 : memref<1x128xi32, #tpu.memory_space<vmem>> -> memref<128xi32, #tpu.memory_space<vmem>>
      %dma_wait3A_343 = arith.constant 0 : i32
      %dma_wait3A_344 = arith.constant 0 : i32
      %dma_wait3A_345 = tpu.memref_slice %arg2[%dma_wait3A_343, %dma_wait3A_344] : memref<100000x128xf32, #tpu.memory_space<hbm>> -> memref<100000x128xf32, #tpu.memory_space<hbm>>
      tpu.wait_indirect_dma semaphore(%arg21 : memref<!tpu.dma_semaphore, #tpu.memory_space<semaphore_mem>>) src(%dma_wait3A_345 : memref<100000x128xf32, #tpu.memory_space<hbm>>) dst(%arg11 : memref<128x128xf32, #tpu.memory_space<vmem>>)
      %dma_wait3A_346 = arith.constant 0 : i32
      %dma_wait3A_347 = tpu.memref_slice %arg9[%add3A_339, %dma_wait3A_346] : memref<33x128xi32, #tpu.memory_space<vmem>> -> memref<1x128xi32, #tpu.memory_space<vmem>>
      %dma_wait3A_348 = tpu.memref_squeeze %dma_wait3A_347 : memref<1x128xi32, #tpu.memory_space<vmem>> -> memref<128xi32, #tpu.memory_space<vmem>>
      %dma_wait3A_349 = arith.constant 0 : i32
      %dma_wait3A_350 = arith.constant 0 : i32
      %dma_wait3A_351 = tpu.memref_slice %arg3[%dma_wait3A_349, %dma_wait3A_350] : memref<100000x128xf32, #tpu.memory_space<hbm>> -> memref<100000x128xf32, #tpu.memory_space<hbm>>
      tpu.wait_indirect_dma semaphore(%arg21 : memref<!tpu.dma_semaphore, #tpu.memory_space<semaphore_mem>>) src(%dma_wait3A_351 : memref<100000x128xf32, #tpu.memory_space<hbm>>) dst(%arg14 : memref<128x128xf32, #tpu.memory_space<vmem>>)
      %iota3A_352 = tpu.iota {dimensions = array<i32: 0>} : vector<16xi32>
      %add3A_353 = arith.constant 0 : i32
      %add3A_354 = vector.broadcast %add3A_353 : i32 to vector<16xi32>
      %add3A_355 = arith.addi %iota3A_352, %add3A_354 : vector<16xi32>
      %broadcast_in_dim3A_356 = vector.broadcast %mul3A_6 : i32 to vector<16xi32>
      %gather3A_357 = tpu.vector_load_idx %arg14[%add3A_355, %broadcast_in_dim3A_356] : memref<128x128xf32, #tpu.memory_space<vmem>>[vector<16xi32>, vector<16xi32>], vector<16xf32>,
      %swap3A_358 = arith.index_cast %add3A_339 : i32 to index
      %swap3A_359 = arith.constant 0 : index
      %swap3A_360 = tpu.vector_load %arg16[%swap3A_358, %swap3A_359] {strides = array<i32>} : memref<33x128xf32, #tpu.memory_space<vmem>>, vector<16xf32>,
      tpu.vector_store %arg16[%swap3A_358, %swap3A_359], %gather3A_357 {strides = array<i32>} : memref<33x128xf32, #tpu.memory_space<vmem>>, vector<16xf32>,
      %broadcast_in_dim3A_361 = vector.broadcast %add3A_10 : i32 to vector<16xi32>
      %gather3A_362 = tpu.vector_load_idx %arg14[%add3A_355, %broadcast_in_dim3A_361] : memref<128x128xf32, #tpu.memory_space<vmem>>[vector<16xi32>, vector<16xi32>], vector<16xf32>,
      %swap3A_363 = arith.index_cast %add3A_339 : i32 to index
      %swap3A_364 = arith.constant 0 : index
      %swap3A_365 = tpu.vector_load %arg17[%swap3A_363, %swap3A_364] {strides = array<i32>} : memref<33x128xf32, #tpu.memory_space<vmem>>, vector<16xf32>,
      tpu.vector_store %arg17[%swap3A_363, %swap3A_364], %gather3A_362 {strides = array<i32>} : memref<33x128xf32, #tpu.memory_space<vmem>>, vector<16xf32>,
      %broadcast_in_dim3A_366 = vector.broadcast %add3A_14 : i32 to vector<16xi32>
      %gather3A_367 = tpu.vector_load_idx %arg11[%add3A_355, %broadcast_in_dim3A_366] : memref<128x128xf32, #tpu.memory_space<vmem>>[vector<16xi32>, vector<16xi32>], vector<16xf32>,
      %swap3A_368 = arith.index_cast %add3A_339 : i32 to index
      %swap3A_369 = arith.constant 0 : index
      %swap3A_370 = tpu.vector_load %arg18[%swap3A_368, %swap3A_369] {strides = array<i32>} : memref<33x128xf32, #tpu.memory_space<vmem>>, vector<16xf32>,
      tpu.vector_store %arg18[%swap3A_368, %swap3A_369], %gather3A_367 {strides = array<i32>} : memref<33x128xf32, #tpu.memory_space<vmem>>, vector<16xf32>,
      %broadcast_in_dim3A_371 = vector.broadcast %mul3A_16 : i32 to vector<16xi32>
      %gather3A_372 = tpu.vector_load_idx %arg11[%add3A_355, %broadcast_in_dim3A_371] : memref<128x128xf32, #tpu.memory_space<vmem>>[vector<16xi32>, vector<16xi32>], vector<16xf32>,
      %swap3A_373 = arith.index_cast %add3A_339 : i32 to index
      %swap3A_374 = arith.constant 0 : index
      %swap3A_375 = tpu.vector_load %arg19[%swap3A_373, %swap3A_374] {strides = array<i32>} : memref<33x128xf32, #tpu.memory_space<vmem>>, vector<16xf32>,
      tpu.vector_store %arg19[%swap3A_373, %swap3A_374], %gather3A_372 {strides = array<i32>} : memref<33x128xf32, #tpu.memory_space<vmem>>, vector<16xf32>,
      %iota3A_376 = tpu.iota {dimensions = array<i32: 0>} : vector<16xi32>
      %add3A_377 = arith.constant 16 : i32
      %add3A_378 = vector.broadcast %add3A_377 : i32 to vector<16xi32>
      %add3A_379 = arith.addi %iota3A_376, %add3A_378 : vector<16xi32>
      %broadcast_in_dim3A_380 = vector.broadcast %mul3A_6 : i32 to vector<16xi32>
      %gather3A_381 = tpu.vector_load_idx %arg14[%add3A_379, %broadcast_in_dim3A_380] : memref<128x128xf32, #tpu.memory_space<vmem>>[vector<16xi32>, vector<16xi32>], vector<16xf32>,
      %swap3A_382 = arith.index_cast %add3A_339 : i32 to index
      %swap3A_383 = arith.constant 16 : index
      %swap3A_384 = tpu.vector_load %arg16[%swap3A_382, %swap3A_383] {strides = array<i32>} : memref<33x128xf32, #tpu.memory_space<vmem>>, vector<16xf32>,
      tpu.vector_store %arg16[%swap3A_382, %swap3A_383], %gather3A_381 {strides = array<i32>} : memref<33x128xf32, #tpu.memory_space<vmem>>, vector<16xf32>,
      %broadcast_in_dim3A_385 = vector.broadcast %add3A_10 : i32 to vector<16xi32>
      %gather3A_386 = tpu.vector_load_idx %arg14[%add3A_379, %broadcast_in_dim3A_385] : memref<128x128xf32, #tpu.memory_space<vmem>>[vector<16xi32>, vector<16xi32>], vector<16xf32>,
      %swap3A_387 = arith.index_cast %add3A_339 : i32 to index
      %swap3A_388 = arith.constant 16 : index
      %swap3A_389 = tpu.vector_load %arg17[%swap3A_387, %swap3A_388] {strides = array<i32>} : memref<33x128xf32, #tpu.memory_space<vmem>>, vector<16xf32>,
      tpu.vector_store %arg17[%swap3A_387, %swap3A_388], %gather3A_386 {strides = array<i32>} : memref<33x128xf32, #tpu.memory_space<vmem>>, vector<16xf32>,
      %broadcast_in_dim3A_390 = vector.broadcast %add3A_14 : i32 to vector<16xi32>
      %gather3A_391 = tpu.vector_load_idx %arg11[%add3A_379, %broadcast_in_dim3A_390] : memref<128x128xf32, #tpu.memory_space<vmem>>[vector<16xi32>, vector<16xi32>], vector<16xf32>,
      %swap3A_392 = arith.index_cast %add3A_339 : i32 to index
      %swap3A_393 = arith.constant 16 : index
      %swap3A_394 = tpu.vector_load %arg18[%swap3A_392, %swap3A_393] {strides = array<i32>} : memref<33x128xf32, #tpu.memory_space<vmem>>, vector<16xf32>,
      tpu.vector_store %arg18[%swap3A_392, %swap3A_393], %gather3A_391 {strides = array<i32>} : memref<33x128xf32, #tpu.memory_space<vmem>>, vector<16xf32>,
      %broadcast_in_dim3A_395 = vector.broadcast %mul3A_16 : i32 to vector<16xi32>
      %gather3A_396 = tpu.vector_load_idx %arg11[%add3A_379, %broadcast_in_dim3A_395] : memref<128x128xf32, #tpu.memory_space<vmem>>[vector<16xi32>, vector<16xi32>], vector<16xf32>,
      %swap3A_397 = arith.index_cast %add3A_339 : i32 to index
      %swap3A_398 = arith.constant 16 : index
      %swap3A_399 = tpu.vector_load %arg19[%swap3A_397, %swap3A_398] {strides = array<i32>} : memref<33x128xf32, #tpu.memory_space<vmem>>, vector<16xf32>,
      tpu.vector_store %arg19[%swap3A_397, %swap3A_398], %gather3A_396 {strides = array<i32>} : memref<33x128xf32, #tpu.memory_space<vmem>>, vector<16xf32>,
      %iota3A_400 = tpu.iota {dimensions = array<i32: 0>} : vector<16xi32>
      %add3A_401 = arith.constant 32 : i32
      %add3A_402 = vector.broadcast %add3A_401 : i32 to vector<16xi32>
      %add3A_403 = arith.addi %iota3A_400, %add3A_402 : vector<16xi32>
      %broadcast_in_dim3A_404 = vector.broadcast %mul3A_6 : i32 to vector<16xi32>
      %gather3A_405 = tpu.vector_load_idx %arg14[%add3A_403, %broadcast_in_dim3A_404] : memref<128x128xf32, #tpu.memory_space<vmem>>[vector<16xi32>, vector<16xi32>], vector<16xf32>,
      %swap3A_406 = arith.index_cast %add3A_339 : i32 to index
      %swap3A_407 = arith.constant 32 : index
      %swap3A_408 = tpu.vector_load %arg16[%swap3A_406, %swap3A_407] {strides = array<i32>} : memref<33x128xf32, #tpu.memory_space<vmem>>, vector<16xf32>,
      tpu.vector_store %arg16[%swap3A_406, %swap3A_407], %gather3A_405 {strides = array<i32>} : memref<33x128xf32, #tpu.memory_space<vmem>>, vector<16xf32>,
      %broadcast_in_dim3A_409 = vector.broadcast %add3A_10 : i32 to vector<16xi32>
      %gather3A_410 = tpu.vector_load_idx %arg14[%add3A_403, %broadcast_in_dim3A_409] : memref<128x128xf32, #tpu.memory_space<vmem>>[vector<16xi32>, vector<16xi32>], vector<16xf32>,
      %swap3A_411 = arith.index_cast %add3A_339 : i32 to index
      %swap3A_412 = arith.constant 32 : index
      %swap3A_413 = tpu.vector_load %arg17[%swap3A_411, %swap3A_412] {strides = array<i32>} : memref<33x128xf32, #tpu.memory_space<vmem>>, vector<16xf32>,
      tpu.vector_store %arg17[%swap3A_411, %swap3A_412], %gather3A_410 {strides = array<i32>} : memref<33x128xf32, #tpu.memory_space<vmem>>, vector<16xf32>,
      %broadcast_in_dim3A_414 = vector.broadcast %add3A_14 : i32 to vector<16xi32>
      %gather3A_415 = tpu.vector_load_idx %arg11[%add3A_403, %broadcast_in_dim3A_414] : memref<128x128xf32, #tpu.memory_space<vmem>>[vector<16xi32>, vector<16xi32>], vector<16xf32>,
      %swap3A_416 = arith.index_cast %add3A_339 : i32 to index
      %swap3A_417 = arith.constant 32 : index
      %swap3A_418 = tpu.vector_load %arg18[%swap3A_416, %swap3A_417] {strides = array<i32>} : memref<33x128xf32, #tpu.memory_space<vmem>>, vector<16xf32>,
      tpu.vector_store %arg18[%swap3A_416, %swap3A_417], %gather3A_415 {strides = array<i32>} : memref<33x128xf32, #tpu.memory_space<vmem>>, vector<16xf32>,
      %broadcast_in_dim3A_419 = vector.broadcast %mul3A_16 : i32 to vector<16xi32>
      %gather3A_420 = tpu.vector_load_idx %arg11[%add3A_403, %broadcast_in_dim3A_419] : memref<128x128xf32, #tpu.memory_space<vmem>>[vector<16xi32>, vector<16xi32>], vector<16xf32>,
      %swap3A_421 = arith.index_cast %add3A_339 : i32 to index
      %swap3A_422 = arith.constant 32 : index
      %swap3A_423 = tpu.vector_load %arg19[%swap3A_421, %swap3A_422] {strides = array<i32>} : memref<33x128xf32, #tpu.memory_space<vmem>>, vector<16xf32>,
      tpu.vector_store %arg19[%swap3A_421, %swap3A_422], %gather3A_420 {strides = array<i32>} : memref<33x128xf32, #tpu.memory_space<vmem>>, vector<16xf32>,
      %iota3A_424 = tpu.iota {dimensions = array<i32: 0>} : vector<16xi32>
      %add3A_425 = arith.constant 48 : i32
      %add3A_426 = vector.broadcast %add3A_425 : i32 to vector<16xi32>
      %add3A_427 = arith.addi %iota3A_424, %add3A_426 : vector<16xi32>
      %broadcast_in_dim3A_428 = vector.broadcast %mul3A_6 : i32 to vector<16xi32>
      %gather3A_429 = tpu.vector_load_idx %arg14[%add3A_427, %broadcast_in_dim3A_428] : memref<128x128xf32, #tpu.memory_space<vmem>>[vector<16xi32>, vector<16xi32>], vector<16xf32>,
      %swap3A_430 = arith.index_cast %add3A_339 : i32 to index
      %swap3A_431 = arith.constant 48 : index
      %swap3A_432 = tpu.vector_load %arg16[%swap3A_430, %swap3A_431] {strides = array<i32>} : memref<33x128xf32, #tpu.memory_space<vmem>>, vector<16xf32>,
      tpu.vector_store %arg16[%swap3A_430, %swap3A_431], %gather3A_429 {strides = array<i32>} : memref<33x128xf32, #tpu.memory_space<vmem>>, vector<16xf32>,
      %broadcast_in_dim3A_433 = vector.broadcast %add3A_10 : i32 to vector<16xi32>
      %gather3A_434 = tpu.vector_load_idx %arg14[%add3A_427, %broadcast_in_dim3A_433] : memref<128x128xf32, #tpu.memory_space<vmem>>[vector<16xi32>, vector<16xi32>], vector<16xf32>,
      %swap3A_435 = arith.index_cast %add3A_339 : i32 to index
      %swap3A_436 = arith.constant 48 : index
      %swap3A_437 = tpu.vector_load %arg17[%swap3A_435, %swap3A_436] {strides = array<i32>} : memref<33x128xf32, #tpu.memory_space<vmem>>, vector<16xf32>,
      tpu.vector_store %arg17[%swap3A_435, %swap3A_436], %gather3A_434 {strides = array<i32>} : memref<33x128xf32, #tpu.memory_space<vmem>>, vector<16xf32>,
      %broadcast_in_dim3A_438 = vector.broadcast %add3A_14 : i32 to vector<16xi32>
      %gather3A_439 = tpu.vector_load_idx %arg11[%add3A_427, %broadcast_in_dim3A_438] : memref<128x128xf32, #tpu.memory_space<vmem>>[vector<16xi32>, vector<16xi32>], vector<16xf32>,
      %swap3A_440 = arith.index_cast %add3A_339 : i32 to index
      %swap3A_441 = arith.constant 48 : index
      %swap3A_442 = tpu.vector_load %arg18[%swap3A_440, %swap3A_441] {strides = array<i32>} : memref<33x128xf32, #tpu.memory_space<vmem>>, vector<16xf32>,
      tpu.vector_store %arg18[%swap3A_440, %swap3A_441], %gather3A_439 {strides = array<i32>} : memref<33x128xf32, #tpu.memory_space<vmem>>, vector<16xf32>,
      %broadcast_in_dim3A_443 = vector.broadcast %mul3A_16 : i32 to vector<16xi32>
      %gather3A_444 = tpu.vector_load_idx %arg11[%add3A_427, %broadcast_in_dim3A_443] : memref<128x128xf32, #tpu.memory_space<vmem>>[vector<16xi32>, vector<16xi32>], vector<16xf32>,
      %swap3A_445 = arith.index_cast %add3A_339 : i32 to index
      %swap3A_446 = arith.constant 48 : index
      %swap3A_447 = tpu.vector_load %arg19[%swap3A_445, %swap3A_446] {strides = array<i32>} : memref<33x128xf32, #tpu.memory_space<vmem>>, vector<16xf32>,
      tpu.vector_store %arg19[%swap3A_445, %swap3A_446], %gather3A_444 {strides = array<i32>} : memref<33x128xf32, #tpu.memory_space<vmem>>, vector<16xf32>,
      %iota3A_448 = tpu.iota {dimensions = array<i32: 0>} : vector<16xi32>
      %add3A_449 = arith.constant 64 : i32
      %add3A_450 = vector.broadcast %add3A_449 : i32 to vector<16xi32>
      %add3A_451 = arith.addi %iota3A_448, %add3A_450 : vector<16xi32>
      %broadcast_in_dim3A_452 = vector.broadcast %mul3A_6 : i32 to vector<16xi32>
      %gather3A_453 = tpu.vector_load_idx %arg14[%add3A_451, %broadcast_in_dim3A_452] : memref<128x128xf32, #tpu.memory_space<vmem>>[vector<16xi32>, vector<16xi32>], vector<16xf32>,
      %swap3A_454 = arith.index_cast %add3A_339 : i32 to index
      %swap3A_455 = arith.constant 64 : index
      %swap3A_456 = tpu.vector_load %arg16[%swap3A_454, %swap3A_455] {strides = array<i32>} : memref<33x128xf32, #tpu.memory_space<vmem>>, vector<16xf32>,
      tpu.vector_store %arg16[%swap3A_454, %swap3A_455], %gather3A_453 {strides = array<i32>} : memref<33x128xf32, #tpu.memory_space<vmem>>, vector<16xf32>,
      %broadcast_in_dim3A_457 = vector.broadcast %add3A_10 : i32 to vector<16xi32>
      %gather3A_458 = tpu.vector_load_idx %arg14[%add3A_451, %broadcast_in_dim3A_457] : memref<128x128xf32, #tpu.memory_space<vmem>>[vector<16xi32>, vector<16xi32>], vector<16xf32>,
      %swap3A_459 = arith.index_cast %add3A_339 : i32 to index
      %swap3A_460 = arith.constant 64 : index
      %swap3A_461 = tpu.vector_load %arg17[%swap3A_459, %swap3A_460] {strides = array<i32>} : memref<33x128xf32, #tpu.memory_space<vmem>>, vector<16xf32>,
      tpu.vector_store %arg17[%swap3A_459, %swap3A_460], %gather3A_458 {strides = array<i32>} : memref<33x128xf32, #tpu.memory_space<vmem>>, vector<16xf32>,
      %broadcast_in_dim3A_462 = vector.broadcast %add3A_14 : i32 to vector<16xi32>
      %gather3A_463 = tpu.vector_load_idx %arg11[%add3A_451, %broadcast_in_dim3A_462] : memref<128x128xf32, #tpu.memory_space<vmem>>[vector<16xi32>, vector<16xi32>], vector<16xf32>,
      %swap3A_464 = arith.index_cast %add3A_339 : i32 to index
      %swap3A_465 = arith.constant 64 : index
      %swap3A_466 = tpu.vector_load %arg18[%swap3A_464, %swap3A_465] {strides = array<i32>} : memref<33x128xf32, #tpu.memory_space<vmem>>, vector<16xf32>,
      tpu.vector_store %arg18[%swap3A_464, %swap3A_465], %gather3A_463 {strides = array<i32>} : memref<33x128xf32, #tpu.memory_space<vmem>>, vector<16xf32>,
      %broadcast_in_dim3A_467 = vector.broadcast %mul3A_16 : i32 to vector<16xi32>
      %gather3A_468 = tpu.vector_load_idx %arg11[%add3A_451, %broadcast_in_dim3A_467] : memref<128x128xf32, #tpu.memory_space<vmem>>[vector<16xi32>, vector<16xi32>], vector<16xf32>,
      %swap3A_469 = arith.index_cast %add3A_339 : i32 to index
      %swap3A_470 = arith.constant 64 : index
      %swap3A_471 = tpu.vector_load %arg19[%swap3A_469, %swap3A_470] {strides = array<i32>} : memref<33x128xf32, #tpu.memory_space<vmem>>, vector<16xf32>,
      tpu.vector_store %arg19[%swap3A_469, %swap3A_470], %gather3A_468 {strides = array<i32>} : memref<33x128xf32, #tpu.memory_space<vmem>>, vector<16xf32>,
      %iota3A_472 = tpu.iota {dimensions = array<i32: 0>} : vector<16xi32>
      %add3A_473 = arith.constant 80 : i32
      %add3A_474 = vector.broadcast %add3A_473 : i32 to vector<16xi32>
      %add3A_475 = arith.addi %iota3A_472, %add3A_474 : vector<16xi32>
      %broadcast_in_dim3A_476 = vector.broadcast %mul3A_6 : i32 to vector<16xi32>
      %gather3A_477 = tpu.vector_load_idx %arg14[%add3A_475, %broadcast_in_dim3A_476] : memref<128x128xf32, #tpu.memory_space<vmem>>[vector<16xi32>, vector<16xi32>], vector<16xf32>,
      %swap3A_478 = arith.index_cast %add3A_339 : i32 to index
      %swap3A_479 = arith.constant 80 : index
      %swap3A_480 = tpu.vector_load %arg16[%swap3A_478, %swap3A_479] {strides = array<i32>} : memref<33x128xf32, #tpu.memory_space<vmem>>, vector<16xf32>,
      tpu.vector_store %arg16[%swap3A_478, %swap3A_479], %gather3A_477 {strides = array<i32>} : memref<33x128xf32, #tpu.memory_space<vmem>>, vector<16xf32>,
      %broadcast_in_dim3A_481 = vector.broadcast %add3A_10 : i32 to vector<16xi32>
      %gather3A_482 = tpu.vector_load_idx %arg14[%add3A_475, %broadcast_in_dim3A_481] : memref<128x128xf32, #tpu.memory_space<vmem>>[vector<16xi32>, vector<16xi32>], vector<16xf32>,
      %swap3A_483 = arith.index_cast %add3A_339 : i32 to index
      %swap3A_484 = arith.constant 80 : index
      %swap3A_485 = tpu.vector_load %arg17[%swap3A_483, %swap3A_484] {strides = array<i32>} : memref<33x128xf32, #tpu.memory_space<vmem>>, vector<16xf32>,
      tpu.vector_store %arg17[%swap3A_483, %swap3A_484], %gather3A_482 {strides = array<i32>} : memref<33x128xf32, #tpu.memory_space<vmem>>, vector<16xf32>,
      %broadcast_in_dim3A_486 = vector.broadcast %add3A_14 : i32 to vector<16xi32>
      %gather3A_487 = tpu.vector_load_idx %arg11[%add3A_475, %broadcast_in_dim3A_486] : memref<128x128xf32, #tpu.memory_space<vmem>>[vector<16xi32>, vector<16xi32>], vector<16xf32>,
      %swap3A_488 = arith.index_cast %add3A_339 : i32 to index
      %swap3A_489 = arith.constant 80 : index
      %swap3A_490 = tpu.vector_load %arg18[%swap3A_488, %swap3A_489] {strides = array<i32>} : memref<33x128xf32, #tpu.memory_space<vmem>>, vector<16xf32>,
      tpu.vector_store %arg18[%swap3A_488, %swap3A_489], %gather3A_487 {strides = array<i32>} : memref<33x128xf32, #tpu.memory_space<vmem>>, vector<16xf32>,
      %broadcast_in_dim3A_491 = vector.broadcast %mul3A_16 : i32 to vector<16xi32>
      %gather3A_492 = tpu.vector_load_idx %arg11[%add3A_475, %broadcast_in_dim3A_491] : memref<128x128xf32, #tpu.memory_space<vmem>>[vector<16xi32>, vector<16xi32>], vector<16xf32>,
      %swap3A_493 = arith.index_cast %add3A_339 : i32 to index
      %swap3A_494 = arith.constant 80 : index
      %swap3A_495 = tpu.vector_load %arg19[%swap3A_493, %swap3A_494] {strides = array<i32>} : memref<33x128xf32, #tpu.memory_space<vmem>>, vector<16xf32>,
      tpu.vector_store %arg19[%swap3A_493, %swap3A_494], %gather3A_492 {strides = array<i32>} : memref<33x128xf32, #tpu.memory_space<vmem>>, vector<16xf32>,
      %iota3A_496 = tpu.iota {dimensions = array<i32: 0>} : vector<16xi32>
      %add3A_497 = arith.constant 96 : i32
      %add3A_498 = vector.broadcast %add3A_497 : i32 to vector<16xi32>
      %add3A_499 = arith.addi %iota3A_496, %add3A_498 : vector<16xi32>
      %broadcast_in_dim3A_500 = vector.broadcast %mul3A_6 : i32 to vector<16xi32>
      %gather3A_501 = tpu.vector_load_idx %arg14[%add3A_499, %broadcast_in_dim3A_500] : memref<128x128xf32, #tpu.memory_space<vmem>>[vector<16xi32>, vector<16xi32>], vector<16xf32>,
      %swap3A_502 = arith.index_cast %add3A_339 : i32 to index
      %swap3A_503 = arith.constant 96 : index
      %swap3A_504 = tpu.vector_load %arg16[%swap3A_502, %swap3A_503] {strides = array<i32>} : memref<33x128xf32, #tpu.memory_space<vmem>>, vector<16xf32>,
      tpu.vector_store %arg16[%swap3A_502, %swap3A_503], %gather3A_501 {strides = array<i32>} : memref<33x128xf32, #tpu.memory_space<vmem>>, vector<16xf32>,
      %broadcast_in_dim3A_505 = vector.broadcast %add3A_10 : i32 to vector<16xi32>
      %gather3A_506 = tpu.vector_load_idx %arg14[%add3A_499, %broadcast_in_dim3A_505] : memref<128x128xf32, #tpu.memory_space<vmem>>[vector<16xi32>, vector<16xi32>], vector<16xf32>,
      %swap3A_507 = arith.index_cast %add3A_339 : i32 to index
      %swap3A_508 = arith.constant 96 : index
      %swap3A_509 = tpu.vector_load %arg17[%swap3A_507, %swap3A_508] {strides = array<i32>} : memref<33x128xf32, #tpu.memory_space<vmem>>, vector<16xf32>,
      tpu.vector_store %arg17[%swap3A_507, %swap3A_508], %gather3A_506 {strides = array<i32>} : memref<33x128xf32, #tpu.memory_space<vmem>>, vector<16xf32>,
      %broadcast_in_dim3A_510 = vector.broadcast %add3A_14 : i32 to vector<16xi32>
      %gather3A_511 = tpu.vector_load_idx %arg11[%add3A_499, %broadcast_in_dim3A_510] : memref<128x128xf32, #tpu.memory_space<vmem>>[vector<16xi32>, vector<16xi32>], vector<16xf32>,
      %swap3A_512 = arith.index_cast %add3A_339 : i32 to index
      %swap3A_513 = arith.constant 96 : index
      %swap3A_514 = tpu.vector_load %arg18[%swap3A_512, %swap3A_513] {strides = array<i32>} : memref<33x128xf32, #tpu.memory_space<vmem>>, vector<16xf32>,
      tpu.vector_store %arg18[%swap3A_512, %swap3A_513], %gather3A_511 {strides = array<i32>} : memref<33x128xf32, #tpu.memory_space<vmem>>, vector<16xf32>,
      %broadcast_in_dim3A_515 = vector.broadcast %mul3A_16 : i32 to vector<16xi32>
      %gather3A_516 = tpu.vector_load_idx %arg11[%add3A_499, %broadcast_in_dim3A_515] : memref<128x128xf32, #tpu.memory_space<vmem>>[vector<16xi32>, vector<16xi32>], vector<16xf32>,
      %swap3A_517 = arith.index_cast %add3A_339 : i32 to index
      %swap3A_518 = arith.constant 96 : index
      %swap3A_519 = tpu.vector_load %arg19[%swap3A_517, %swap3A_518] {strides = array<i32>} : memref<33x128xf32, #tpu.memory_space<vmem>>, vector<16xf32>,
      tpu.vector_store %arg19[%swap3A_517, %swap3A_518], %gather3A_516 {strides = array<i32>} : memref<33x128xf32, #tpu.memory_space<vmem>>, vector<16xf32>,
      %iota3A_520 = tpu.iota {dimensions = array<i32: 0>} : vector<16xi32>
      %add3A_521 = arith.constant 112 : i32
      %add3A_522 = vector.broadcast %add3A_521 : i32 to vector<16xi32>
      %add3A_523 = arith.addi %iota3A_520, %add3A_522 : vector<16xi32>
      %broadcast_in_dim3A_524 = vector.broadcast %mul3A_6 : i32 to vector<16xi32>
      %gather3A_525 = tpu.vector_load_idx %arg14[%add3A_523, %broadcast_in_dim3A_524] : memref<128x128xf32, #tpu.memory_space<vmem>>[vector<16xi32>, vector<16xi32>], vector<16xf32>,
      %swap3A_526 = arith.index_cast %add3A_339 : i32 to index
      %swap3A_527 = arith.constant 112 : index
      %swap3A_528 = tpu.vector_load %arg16[%swap3A_526, %swap3A_527] {strides = array<i32>} : memref<33x128xf32, #tpu.memory_space<vmem>>, vector<16xf32>,
      tpu.vector_store %arg16[%swap3A_526, %swap3A_527], %gather3A_525 {strides = array<i32>} : memref<33x128xf32, #tpu.memory_space<vmem>>, vector<16xf32>,
      %broadcast_in_dim3A_529 = vector.broadcast %add3A_10 : i32 to vector<16xi32>
      %gather3A_530 = tpu.vector_load_idx %arg14[%add3A_523, %broadcast_in_dim3A_529] : memref<128x128xf32, #tpu.memory_space<vmem>>[vector<16xi32>, vector<16xi32>], vector<16xf32>,
      %swap3A_531 = arith.index_cast %add3A_339 : i32 to index
      %swap3A_532 = arith.constant 112 : index
      %swap3A_533 = tpu.vector_load %arg17[%swap3A_531, %swap3A_532] {strides = array<i32>} : memref<33x128xf32, #tpu.memory_space<vmem>>, vector<16xf32>,
      tpu.vector_store %arg17[%swap3A_531, %swap3A_532], %gather3A_530 {strides = array<i32>} : memref<33x128xf32, #tpu.memory_space<vmem>>, vector<16xf32>,
      %broadcast_in_dim3A_534 = vector.broadcast %add3A_14 : i32 to vector<16xi32>
      %gather3A_535 = tpu.vector_load_idx %arg11[%add3A_523, %broadcast_in_dim3A_534] : memref<128x128xf32, #tpu.memory_space<vmem>>[vector<16xi32>, vector<16xi32>], vector<16xf32>,
      %swap3A_536 = arith.index_cast %add3A_339 : i32 to index
      %swap3A_537 = arith.constant 112 : index
      %swap3A_538 = tpu.vector_load %arg18[%swap3A_536, %swap3A_537] {strides = array<i32>} : memref<33x128xf32, #tpu.memory_space<vmem>>, vector<16xf32>,
      tpu.vector_store %arg18[%swap3A_536, %swap3A_537], %gather3A_535 {strides = array<i32>} : memref<33x128xf32, #tpu.memory_space<vmem>>, vector<16xf32>,
      %broadcast_in_dim3A_539 = vector.broadcast %mul3A_16 : i32 to vector<16xi32>
      %gather3A_540 = tpu.vector_load_idx %arg11[%add3A_523, %broadcast_in_dim3A_539] : memref<128x128xf32, #tpu.memory_space<vmem>>[vector<16xi32>, vector<16xi32>], vector<16xf32>,
      %swap3A_541 = arith.index_cast %add3A_339 : i32 to index
      %swap3A_542 = arith.constant 112 : index
      %swap3A_543 = tpu.vector_load %arg19[%swap3A_541, %swap3A_542] {strides = array<i32>} : memref<33x128xf32, #tpu.memory_space<vmem>>, vector<16xf32>,
      tpu.vector_store %arg19[%swap3A_541, %swap3A_542], %gather3A_540 {strides = array<i32>} : memref<33x128xf32, #tpu.memory_space<vmem>>, vector<16xf32>,
      %add3A_544 = arith.constant 3 : i32
      %add3A_545 = arith.addi %add3A_339, %add3A_544 : i32
      %lt3A_546 = arith.constant 33 : i32
      %lt3A_547 = arith.cmpi slt, %add3A_545, %lt3A_546 : i32
      %convert_element_type3A_548 = arith.extui %lt3A_547 : i1 to i32
      %cond3A_549 = arith.constant 0 : i32
      %cond3A_550 = arith.cmpi ne, %convert_element_type3A_548, %cond3A_549 : i32
      scf.if %cond3A_550 {
        %add3A_765 = arith.constant 3 : i32
        %add3A_766 = arith.addi %add3A_339, %add3A_765 : i32
        %dma_start3A_767 = arith.constant 0 : i32
        %dma_start3A_768 = tpu.memref_slice %arg9[%add3A_766, %dma_start3A_767] : memref<33x128xi32, #tpu.memory_space<vmem>> -> memref<1x128xi32, #tpu.memory_space<vmem>>
        %dma_start3A_769 = tpu.memref_squeeze %dma_start3A_768 : memref<1x128xi32, #tpu.memory_space<vmem>> -> memref<128xi32, #tpu.memory_space<vmem>>
        %dma_start3A_770 = arith.constant 0 : i32
        %dma_start3A_771 = arith.constant 0 : i32
        %dma_start3A_772 = tpu.memref_slice %arg2[%dma_start3A_770, %dma_start3A_771] : memref<100000x128xf32, #tpu.memory_space<hbm>> -> memref<100000x128xf32, #tpu.memory_space<hbm>>
        tpu.enqueue_indirect_dma source(%dma_start3A_772 : memref<100000x128xf32, #tpu.memory_space<hbm>>) target(%arg11 : memref<128x128xf32, #tpu.memory_space<vmem>>) offsets(%dma_start3A_769 : memref<128xi32, #tpu.memory_space<vmem>>) semaphore(%arg21 : memref<!tpu.dma_semaphore, #tpu.memory_space<semaphore_mem>>)
        %dma_start3A_773 = arith.constant 0 : i32
        %dma_start3A_774 = tpu.memref_slice %arg9[%add3A_766, %dma_start3A_773] : memref<33x128xi32, #tpu.memory_space<vmem>> -> memref<1x128xi32, #tpu.memory_space<vmem>>
        %dma_start3A_775 = tpu.memref_squeeze %dma_start3A_774 : memref<1x128xi32, #tpu.memory_space<vmem>> -> memref<128xi32, #tpu.memory_space<vmem>>
        %dma_start3A_776 = arith.constant 0 : i32
        %dma_start3A_777 = arith.constant 0 : i32
        %dma_start3A_778 = tpu.memref_slice %arg3[%dma_start3A_776, %dma_start3A_777] : memref<100000x128xf32, #tpu.memory_space<hbm>> -> memref<100000x128xf32, #tpu.memory_space<hbm>>
        tpu.enqueue_indirect_dma source(%dma_start3A_778 : memref<100000x128xf32, #tpu.memory_space<hbm>>) target(%arg14 : memref<128x128xf32, #tpu.memory_space<vmem>>) offsets(%dma_start3A_775 : memref<128xi32, #tpu.memory_space<vmem>>) semaphore(%arg21 : memref<!tpu.dma_semaphore, #tpu.memory_space<semaphore_mem>>)
      } else {
      }
      %add3A_551 = arith.constant 2 : i32
      %add3A_552 = arith.addi %mul3A_132, %add3A_551 : i32
      %dma_wait3A_553 = arith.constant 0 : i32
      %dma_wait3A_554 = tpu.memref_slice %arg9[%add3A_552, %dma_wait3A_553] : memref<33x128xi32, #tpu.memory_space<vmem>> -> memref<1x128xi32, #tpu.memory_space<vmem>>
      %dma_wait3A_555 = tpu.memref_squeeze %dma_wait3A_554 : memref<1x128xi32, #tpu.memory_space<vmem>> -> memref<128xi32, #tpu.memory_space<vmem>>
      %dma_wait3A_556 = arith.constant 0 : i32
      %dma_wait3A_557 = arith.constant 0 : i32
      %dma_wait3A_558 = tpu.memref_slice %arg2[%dma_wait3A_556, %dma_wait3A_557] : memref<100000x128xf32, #tpu.memory_space<hbm>> -> memref<100000x128xf32, #tpu.memory_space<hbm>>
      tpu.wait_indirect_dma semaphore(%arg22 : memref<!tpu.dma_semaphore, #tpu.memory_space<semaphore_mem>>) src(%dma_wait3A_558 : memref<100000x128xf32, #tpu.memory_space<hbm>>) dst(%arg12 : memref<128x128xf32, #tpu.memory_space<vmem>>)
      %dma_wait3A_559 = arith.constant 0 : i32
      %dma_wait3A_560 = tpu.memref_slice %arg9[%add3A_552, %dma_wait3A_559] : memref<33x128xi32, #tpu.memory_space<vmem>> -> memref<1x128xi32, #tpu.memory_space<vmem>>
      %dma_wait3A_561 = tpu.memref_squeeze %dma_wait3A_560 : memref<1x128xi32, #tpu.memory_space<vmem>> -> memref<128xi32, #tpu.memory_space<vmem>>
      %dma_wait3A_562 = arith.constant 0 : i32
      %dma_wait3A_563 = arith.constant 0 : i32
      %dma_wait3A_564 = tpu.memref_slice %arg3[%dma_wait3A_562, %dma_wait3A_563] : memref<100000x128xf32, #tpu.memory_space<hbm>> -> memref<100000x128xf32, #tpu.memory_space<hbm>>
      tpu.wait_indirect_dma semaphore(%arg22 : memref<!tpu.dma_semaphore, #tpu.memory_space<semaphore_mem>>) src(%dma_wait3A_564 : memref<100000x128xf32, #tpu.memory_space<hbm>>) dst(%arg15 : memref<128x128xf32, #tpu.memory_space<vmem>>)
      %iota3A_565 = tpu.iota {dimensions = array<i32: 0>} : vector<16xi32>
      %add3A_566 = arith.constant 0 : i32
      %add3A_567 = vector.broadcast %add3A_566 : i32 to vector<16xi32>
      %add3A_568 = arith.addi %iota3A_565, %add3A_567 : vector<16xi32>
      %broadcast_in_dim3A_569 = vector.broadcast %mul3A_6 : i32 to vector<16xi32>
      %gather3A_570 = tpu.vector_load_idx %arg15[%add3A_568, %broadcast_in_dim3A_569] : memref<128x128xf32, #tpu.memory_space<vmem>>[vector<16xi32>, vector<16xi32>], vector<16xf32>,
      %swap3A_571 = arith.index_cast %add3A_552 : i32 to index
      %swap3A_572 = arith.constant 0 : index
      %swap3A_573 = tpu.vector_load %arg16[%swap3A_571, %swap3A_572] {strides = array<i32>} : memref<33x128xf32, #tpu.memory_space<vmem>>, vector<16xf32>,
      tpu.vector_store %arg16[%swap3A_571, %swap3A_572], %gather3A_570 {strides = array<i32>} : memref<33x128xf32, #tpu.memory_space<vmem>>, vector<16xf32>,
      %broadcast_in_dim3A_574 = vector.broadcast %add3A_10 : i32 to vector<16xi32>
      %gather3A_575 = tpu.vector_load_idx %arg15[%add3A_568, %broadcast_in_dim3A_574] : memref<128x128xf32, #tpu.memory_space<vmem>>[vector<16xi32>, vector<16xi32>], vector<16xf32>,
      %swap3A_576 = arith.index_cast %add3A_552 : i32 to index
      %swap3A_577 = arith.constant 0 : index
      %swap3A_578 = tpu.vector_load %arg17[%swap3A_576, %swap3A_577] {strides = array<i32>} : memref<33x128xf32, #tpu.memory_space<vmem>>, vector<16xf32>,
      tpu.vector_store %arg17[%swap3A_576, %swap3A_577], %gather3A_575 {strides = array<i32>} : memref<33x128xf32, #tpu.memory_space<vmem>>, vector<16xf32>,
      %broadcast_in_dim3A_579 = vector.broadcast %add3A_14 : i32 to vector<16xi32>
      %gather3A_580 = tpu.vector_load_idx %arg12[%add3A_568, %broadcast_in_dim3A_579] : memref<128x128xf32, #tpu.memory_space<vmem>>[vector<16xi32>, vector<16xi32>], vector<16xf32>,
      %swap3A_581 = arith.index_cast %add3A_552 : i32 to index
      %swap3A_582 = arith.constant 0 : index
      %swap3A_583 = tpu.vector_load %arg18[%swap3A_581, %swap3A_582] {strides = array<i32>} : memref<33x128xf32, #tpu.memory_space<vmem>>, vector<16xf32>,
      tpu.vector_store %arg18[%swap3A_581, %swap3A_582], %gather3A_580 {strides = array<i32>} : memref<33x128xf32, #tpu.memory_space<vmem>>, vector<16xf32>,
      %broadcast_in_dim3A_584 = vector.broadcast %mul3A_16 : i32 to vector<16xi32>
      %gather3A_585 = tpu.vector_load_idx %arg12[%add3A_568, %broadcast_in_dim3A_584] : memref<128x128xf32, #tpu.memory_space<vmem>>[vector<16xi32>, vector<16xi32>], vector<16xf32>,
      %swap3A_586 = arith.index_cast %add3A_552 : i32 to index
      %swap3A_587 = arith.constant 0 : index
      %swap3A_588 = tpu.vector_load %arg19[%swap3A_586, %swap3A_587] {strides = array<i32>} : memref<33x128xf32, #tpu.memory_space<vmem>>, vector<16xf32>,
      tpu.vector_store %arg19[%swap3A_586, %swap3A_587], %gather3A_585 {strides = array<i32>} : memref<33x128xf32, #tpu.memory_space<vmem>>, vector<16xf32>,
      %iota3A_589 = tpu.iota {dimensions = array<i32: 0>} : vector<16xi32>
      %add3A_590 = arith.constant 16 : i32
      %add3A_591 = vector.broadcast %add3A_590 : i32 to vector<16xi32>
      %add3A_592 = arith.addi %iota3A_589, %add3A_591 : vector<16xi32>
      %broadcast_in_dim3A_593 = vector.broadcast %mul3A_6 : i32 to vector<16xi32>
      %gather3A_594 = tpu.vector_load_idx %arg15[%add3A_592, %broadcast_in_dim3A_593] : memref<128x128xf32, #tpu.memory_space<vmem>>[vector<16xi32>, vector<16xi32>], vector<16xf32>,
      %swap3A_595 = arith.index_cast %add3A_552 : i32 to index
      %swap3A_596 = arith.constant 16 : index
      %swap3A_597 = tpu.vector_load %arg16[%swap3A_595, %swap3A_596] {strides = array<i32>} : memref<33x128xf32, #tpu.memory_space<vmem>>, vector<16xf32>,
      tpu.vector_store %arg16[%swap3A_595, %swap3A_596], %gather3A_594 {strides = array<i32>} : memref<33x128xf32, #tpu.memory_space<vmem>>, vector<16xf32>,
      %broadcast_in_dim3A_598 = vector.broadcast %add3A_10 : i32 to vector<16xi32>
      %gather3A_599 = tpu.vector_load_idx %arg15[%add3A_592, %broadcast_in_dim3A_598] : memref<128x128xf32, #tpu.memory_space<vmem>>[vector<16xi32>, vector<16xi32>], vector<16xf32>,
      %swap3A_600 = arith.index_cast %add3A_552 : i32 to index
      %swap3A_601 = arith.constant 16 : index
      %swap3A_602 = tpu.vector_load %arg17[%swap3A_600, %swap3A_601] {strides = array<i32>} : memref<33x128xf32, #tpu.memory_space<vmem>>, vector<16xf32>,
      tpu.vector_store %arg17[%swap3A_600, %swap3A_601], %gather3A_599 {strides = array<i32>} : memref<33x128xf32, #tpu.memory_space<vmem>>, vector<16xf32>,
      %broadcast_in_dim3A_603 = vector.broadcast %add3A_14 : i32 to vector<16xi32>
      %gather3A_604 = tpu.vector_load_idx %arg12[%add3A_592, %broadcast_in_dim3A_603] : memref<128x128xf32, #tpu.memory_space<vmem>>[vector<16xi32>, vector<16xi32>], vector<16xf32>,
      %swap3A_605 = arith.index_cast %add3A_552 : i32 to index
      %swap3A_606 = arith.constant 16 : index
      %swap3A_607 = tpu.vector_load %arg18[%swap3A_605, %swap3A_606] {strides = array<i32>} : memref<33x128xf32, #tpu.memory_space<vmem>>, vector<16xf32>,
      tpu.vector_store %arg18[%swap3A_605, %swap3A_606], %gather3A_604 {strides = array<i32>} : memref<33x128xf32, #tpu.memory_space<vmem>>, vector<16xf32>,
      %broadcast_in_dim3A_608 = vector.broadcast %mul3A_16 : i32 to vector<16xi32>
      %gather3A_609 = tpu.vector_load_idx %arg12[%add3A_592, %broadcast_in_dim3A_608] : memref<128x128xf32, #tpu.memory_space<vmem>>[vector<16xi32>, vector<16xi32>], vector<16xf32>,
      %swap3A_610 = arith.index_cast %add3A_552 : i32 to index
      %swap3A_611 = arith.constant 16 : index
      %swap3A_612 = tpu.vector_load %arg19[%swap3A_610, %swap3A_611] {strides = array<i32>} : memref<33x128xf32, #tpu.memory_space<vmem>>, vector<16xf32>,
      tpu.vector_store %arg19[%swap3A_610, %swap3A_611], %gather3A_609 {strides = array<i32>} : memref<33x128xf32, #tpu.memory_space<vmem>>, vector<16xf32>,
      %iota3A_613 = tpu.iota {dimensions = array<i32: 0>} : vector<16xi32>
      %add3A_614 = arith.constant 32 : i32
      %add3A_615 = vector.broadcast %add3A_614 : i32 to vector<16xi32>
      %add3A_616 = arith.addi %iota3A_613, %add3A_615 : vector<16xi32>
      %broadcast_in_dim3A_617 = vector.broadcast %mul3A_6 : i32 to vector<16xi32>
      %gather3A_618 = tpu.vector_load_idx %arg15[%add3A_616, %broadcast_in_dim3A_617] : memref<128x128xf32, #tpu.memory_space<vmem>>[vector<16xi32>, vector<16xi32>], vector<16xf32>,
      %swap3A_619 = arith.index_cast %add3A_552 : i32 to index
      %swap3A_620 = arith.constant 32 : index
      %swap3A_621 = tpu.vector_load %arg16[%swap3A_619, %swap3A_620] {strides = array<i32>} : memref<33x128xf32, #tpu.memory_space<vmem>>, vector<16xf32>,
      tpu.vector_store %arg16[%swap3A_619, %swap3A_620], %gather3A_618 {strides = array<i32>} : memref<33x128xf32, #tpu.memory_space<vmem>>, vector<16xf32>,
      %broadcast_in_dim3A_622 = vector.broadcast %add3A_10 : i32 to vector<16xi32>
      %gather3A_623 = tpu.vector_load_idx %arg15[%add3A_616, %broadcast_in_dim3A_622] : memref<128x128xf32, #tpu.memory_space<vmem>>[vector<16xi32>, vector<16xi32>], vector<16xf32>,
      %swap3A_624 = arith.index_cast %add3A_552 : i32 to index
      %swap3A_625 = arith.constant 32 : index
      %swap3A_626 = tpu.vector_load %arg17[%swap3A_624, %swap3A_625] {strides = array<i32>} : memref<33x128xf32, #tpu.memory_space<vmem>>, vector<16xf32>,
      tpu.vector_store %arg17[%swap3A_624, %swap3A_625], %gather3A_623 {strides = array<i32>} : memref<33x128xf32, #tpu.memory_space<vmem>>, vector<16xf32>,
      %broadcast_in_dim3A_627 = vector.broadcast %add3A_14 : i32 to vector<16xi32>
      %gather3A_628 = tpu.vector_load_idx %arg12[%add3A_616, %broadcast_in_dim3A_627] : memref<128x128xf32, #tpu.memory_space<vmem>>[vector<16xi32>, vector<16xi32>], vector<16xf32>,
      %swap3A_629 = arith.index_cast %add3A_552 : i32 to index
      %swap3A_630 = arith.constant 32 : index
      %swap3A_631 = tpu.vector_load %arg18[%swap3A_629, %swap3A_630] {strides = array<i32>} : memref<33x128xf32, #tpu.memory_space<vmem>>, vector<16xf32>,
      tpu.vector_store %arg18[%swap3A_629, %swap3A_630], %gather3A_628 {strides = array<i32>} : memref<33x128xf32, #tpu.memory_space<vmem>>, vector<16xf32>,
      %broadcast_in_dim3A_632 = vector.broadcast %mul3A_16 : i32 to vector<16xi32>
      %gather3A_633 = tpu.vector_load_idx %arg12[%add3A_616, %broadcast_in_dim3A_632] : memref<128x128xf32, #tpu.memory_space<vmem>>[vector<16xi32>, vector<16xi32>], vector<16xf32>,
      %swap3A_634 = arith.index_cast %add3A_552 : i32 to index
      %swap3A_635 = arith.constant 32 : index
      %swap3A_636 = tpu.vector_load %arg19[%swap3A_634, %swap3A_635] {strides = array<i32>} : memref<33x128xf32, #tpu.memory_space<vmem>>, vector<16xf32>,
      tpu.vector_store %arg19[%swap3A_634, %swap3A_635], %gather3A_633 {strides = array<i32>} : memref<33x128xf32, #tpu.memory_space<vmem>>, vector<16xf32>,
      %iota3A_637 = tpu.iota {dimensions = array<i32: 0>} : vector<16xi32>
      %add3A_638 = arith.constant 48 : i32
      %add3A_639 = vector.broadcast %add3A_638 : i32 to vector<16xi32>
      %add3A_640 = arith.addi %iota3A_637, %add3A_639 : vector<16xi32>
      %broadcast_in_dim3A_641 = vector.broadcast %mul3A_6 : i32 to vector<16xi32>
      %gather3A_642 = tpu.vector_load_idx %arg15[%add3A_640, %broadcast_in_dim3A_641] : memref<128x128xf32, #tpu.memory_space<vmem>>[vector<16xi32>, vector<16xi32>], vector<16xf32>,
      %swap3A_643 = arith.index_cast %add3A_552 : i32 to index
      %swap3A_644 = arith.constant 48 : index
      %swap3A_645 = tpu.vector_load %arg16[%swap3A_643, %swap3A_644] {strides = array<i32>} : memref<33x128xf32, #tpu.memory_space<vmem>>, vector<16xf32>,
      tpu.vector_store %arg16[%swap3A_643, %swap3A_644], %gather3A_642 {strides = array<i32>} : memref<33x128xf32, #tpu.memory_space<vmem>>, vector<16xf32>,
      %broadcast_in_dim3A_646 = vector.broadcast %add3A_10 : i32 to vector<16xi32>
      %gather3A_647 = tpu.vector_load_idx %arg15[%add3A_640, %broadcast_in_dim3A_646] : memref<128x128xf32, #tpu.memory_space<vmem>>[vector<16xi32>, vector<16xi32>], vector<16xf32>,
      %swap3A_648 = arith.index_cast %add3A_552 : i32 to index
      %swap3A_649 = arith.constant 48 : index
      %swap3A_650 = tpu.vector_load %arg17[%swap3A_648, %swap3A_649] {strides = array<i32>} : memref<33x128xf32, #tpu.memory_space<vmem>>, vector<16xf32>,
      tpu.vector_store %arg17[%swap3A_648, %swap3A_649], %gather3A_647 {strides = array<i32>} : memref<33x128xf32, #tpu.memory_space<vmem>>, vector<16xf32>,
      %broadcast_in_dim3A_651 = vector.broadcast %add3A_14 : i32 to vector<16xi32>
      %gather3A_652 = tpu.vector_load_idx %arg12[%add3A_640, %broadcast_in_dim3A_651] : memref<128x128xf32, #tpu.memory_space<vmem>>[vector<16xi32>, vector<16xi32>], vector<16xf32>,
      %swap3A_653 = arith.index_cast %add3A_552 : i32 to index
      %swap3A_654 = arith.constant 48 : index
      %swap3A_655 = tpu.vector_load %arg18[%swap3A_653, %swap3A_654] {strides = array<i32>} : memref<33x128xf32, #tpu.memory_space<vmem>>, vector<16xf32>,
      tpu.vector_store %arg18[%swap3A_653, %swap3A_654], %gather3A_652 {strides = array<i32>} : memref<33x128xf32, #tpu.memory_space<vmem>>, vector<16xf32>,
      %broadcast_in_dim3A_656 = vector.broadcast %mul3A_16 : i32 to vector<16xi32>
      %gather3A_657 = tpu.vector_load_idx %arg12[%add3A_640, %broadcast_in_dim3A_656] : memref<128x128xf32, #tpu.memory_space<vmem>>[vector<16xi32>, vector<16xi32>], vector<16xf32>,
      %swap3A_658 = arith.index_cast %add3A_552 : i32 to index
      %swap3A_659 = arith.constant 48 : index
      %swap3A_660 = tpu.vector_load %arg19[%swap3A_658, %swap3A_659] {strides = array<i32>} : memref<33x128xf32, #tpu.memory_space<vmem>>, vector<16xf32>,
      tpu.vector_store %arg19[%swap3A_658, %swap3A_659], %gather3A_657 {strides = array<i32>} : memref<33x128xf32, #tpu.memory_space<vmem>>, vector<16xf32>,
      %iota3A_661 = tpu.iota {dimensions = array<i32: 0>} : vector<16xi32>
      %add3A_662 = arith.constant 64 : i32
      %add3A_663 = vector.broadcast %add3A_662 : i32 to vector<16xi32>
      %add3A_664 = arith.addi %iota3A_661, %add3A_663 : vector<16xi32>
      %broadcast_in_dim3A_665 = vector.broadcast %mul3A_6 : i32 to vector<16xi32>
      %gather3A_666 = tpu.vector_load_idx %arg15[%add3A_664, %broadcast_in_dim3A_665] : memref<128x128xf32, #tpu.memory_space<vmem>>[vector<16xi32>, vector<16xi32>], vector<16xf32>,
      %swap3A_667 = arith.index_cast %add3A_552 : i32 to index
      %swap3A_668 = arith.constant 64 : index
      %swap3A_669 = tpu.vector_load %arg16[%swap3A_667, %swap3A_668] {strides = array<i32>} : memref<33x128xf32, #tpu.memory_space<vmem>>, vector<16xf32>,
      tpu.vector_store %arg16[%swap3A_667, %swap3A_668], %gather3A_666 {strides = array<i32>} : memref<33x128xf32, #tpu.memory_space<vmem>>, vector<16xf32>,
      %broadcast_in_dim3A_670 = vector.broadcast %add3A_10 : i32 to vector<16xi32>
      %gather3A_671 = tpu.vector_load_idx %arg15[%add3A_664, %broadcast_in_dim3A_670] : memref<128x128xf32, #tpu.memory_space<vmem>>[vector<16xi32>, vector<16xi32>], vector<16xf32>,
      %swap3A_672 = arith.index_cast %add3A_552 : i32 to index
      %swap3A_673 = arith.constant 64 : index
      %swap3A_674 = tpu.vector_load %arg17[%swap3A_672, %swap3A_673] {strides = array<i32>} : memref<33x128xf32, #tpu.memory_space<vmem>>, vector<16xf32>,
      tpu.vector_store %arg17[%swap3A_672, %swap3A_673], %gather3A_671 {strides = array<i32>} : memref<33x128xf32, #tpu.memory_space<vmem>>, vector<16xf32>,
      %broadcast_in_dim3A_675 = vector.broadcast %add3A_14 : i32 to vector<16xi32>
      %gather3A_676 = tpu.vector_load_idx %arg12[%add3A_664, %broadcast_in_dim3A_675] : memref<128x128xf32, #tpu.memory_space<vmem>>[vector<16xi32>, vector<16xi32>], vector<16xf32>,
      %swap3A_677 = arith.index_cast %add3A_552 : i32 to index
      %swap3A_678 = arith.constant 64 : index
      %swap3A_679 = tpu.vector_load %arg18[%swap3A_677, %swap3A_678] {strides = array<i32>} : memref<33x128xf32, #tpu.memory_space<vmem>>, vector<16xf32>,
      tpu.vector_store %arg18[%swap3A_677, %swap3A_678], %gather3A_676 {strides = array<i32>} : memref<33x128xf32, #tpu.memory_space<vmem>>, vector<16xf32>,
      %broadcast_in_dim3A_680 = vector.broadcast %mul3A_16 : i32 to vector<16xi32>
      %gather3A_681 = tpu.vector_load_idx %arg12[%add3A_664, %broadcast_in_dim3A_680] : memref<128x128xf32, #tpu.memory_space<vmem>>[vector<16xi32>, vector<16xi32>], vector<16xf32>,
      %swap3A_682 = arith.index_cast %add3A_552 : i32 to index
      %swap3A_683 = arith.constant 64 : index
      %swap3A_684 = tpu.vector_load %arg19[%swap3A_682, %swap3A_683] {strides = array<i32>} : memref<33x128xf32, #tpu.memory_space<vmem>>, vector<16xf32>,
      tpu.vector_store %arg19[%swap3A_682, %swap3A_683], %gather3A_681 {strides = array<i32>} : memref<33x128xf32, #tpu.memory_space<vmem>>, vector<16xf32>,
      %iota3A_685 = tpu.iota {dimensions = array<i32: 0>} : vector<16xi32>
      %add3A_686 = arith.constant 80 : i32
      %add3A_687 = vector.broadcast %add3A_686 : i32 to vector<16xi32>
      %add3A_688 = arith.addi %iota3A_685, %add3A_687 : vector<16xi32>
      %broadcast_in_dim3A_689 = vector.broadcast %mul3A_6 : i32 to vector<16xi32>
      %gather3A_690 = tpu.vector_load_idx %arg15[%add3A_688, %broadcast_in_dim3A_689] : memref<128x128xf32, #tpu.memory_space<vmem>>[vector<16xi32>, vector<16xi32>], vector<16xf32>,
      %swap3A_691 = arith.index_cast %add3A_552 : i32 to index
      %swap3A_692 = arith.constant 80 : index
      %swap3A_693 = tpu.vector_load %arg16[%swap3A_691, %swap3A_692] {strides = array<i32>} : memref<33x128xf32, #tpu.memory_space<vmem>>, vector<16xf32>,
      tpu.vector_store %arg16[%swap3A_691, %swap3A_692], %gather3A_690 {strides = array<i32>} : memref<33x128xf32, #tpu.memory_space<vmem>>, vector<16xf32>,
      %broadcast_in_dim3A_694 = vector.broadcast %add3A_10 : i32 to vector<16xi32>
      %gather3A_695 = tpu.vector_load_idx %arg15[%add3A_688, %broadcast_in_dim3A_694] : memref<128x128xf32, #tpu.memory_space<vmem>>[vector<16xi32>, vector<16xi32>], vector<16xf32>,
      %swap3A_696 = arith.index_cast %add3A_552 : i32 to index
      %swap3A_697 = arith.constant 80 : index
      %swap3A_698 = tpu.vector_load %arg17[%swap3A_696, %swap3A_697] {strides = array<i32>} : memref<33x128xf32, #tpu.memory_space<vmem>>, vector<16xf32>,
      tpu.vector_store %arg17[%swap3A_696, %swap3A_697], %gather3A_695 {strides = array<i32>} : memref<33x128xf32, #tpu.memory_space<vmem>>, vector<16xf32>,
      %broadcast_in_dim3A_699 = vector.broadcast %add3A_14 : i32 to vector<16xi32>
      %gather3A_700 = tpu.vector_load_idx %arg12[%add3A_688, %broadcast_in_dim3A_699] : memref<128x128xf32, #tpu.memory_space<vmem>>[vector<16xi32>, vector<16xi32>], vector<16xf32>,
      %swap3A_701 = arith.index_cast %add3A_552 : i32 to index
      %swap3A_702 = arith.constant 80 : index
      %swap3A_703 = tpu.vector_load %arg18[%swap3A_701, %swap3A_702] {strides = array<i32>} : memref<33x128xf32, #tpu.memory_space<vmem>>, vector<16xf32>,
      tpu.vector_store %arg18[%swap3A_701, %swap3A_702], %gather3A_700 {strides = array<i32>} : memref<33x128xf32, #tpu.memory_space<vmem>>, vector<16xf32>,
      %broadcast_in_dim3A_704 = vector.broadcast %mul3A_16 : i32 to vector<16xi32>
      %gather3A_705 = tpu.vector_load_idx %arg12[%add3A_688, %broadcast_in_dim3A_704] : memref<128x128xf32, #tpu.memory_space<vmem>>[vector<16xi32>, vector<16xi32>], vector<16xf32>,
      %swap3A_706 = arith.index_cast %add3A_552 : i32 to index
      %swap3A_707 = arith.constant 80 : index
      %swap3A_708 = tpu.vector_load %arg19[%swap3A_706, %swap3A_707] {strides = array<i32>} : memref<33x128xf32, #tpu.memory_space<vmem>>, vector<16xf32>,
      tpu.vector_store %arg19[%swap3A_706, %swap3A_707], %gather3A_705 {strides = array<i32>} : memref<33x128xf32, #tpu.memory_space<vmem>>, vector<16xf32>,
      %iota3A_709 = tpu.iota {dimensions = array<i32: 0>} : vector<16xi32>
      %add3A_710 = arith.constant 96 : i32
      %add3A_711 = vector.broadcast %add3A_710 : i32 to vector<16xi32>
      %add3A_712 = arith.addi %iota3A_709, %add3A_711 : vector<16xi32>
      %broadcast_in_dim3A_713 = vector.broadcast %mul3A_6 : i32 to vector<16xi32>
      %gather3A_714 = tpu.vector_load_idx %arg15[%add3A_712, %broadcast_in_dim3A_713] : memref<128x128xf32, #tpu.memory_space<vmem>>[vector<16xi32>, vector<16xi32>], vector<16xf32>,
      %swap3A_715 = arith.index_cast %add3A_552 : i32 to index
      %swap3A_716 = arith.constant 96 : index
      %swap3A_717 = tpu.vector_load %arg16[%swap3A_715, %swap3A_716] {strides = array<i32>} : memref<33x128xf32, #tpu.memory_space<vmem>>, vector<16xf32>,
      tpu.vector_store %arg16[%swap3A_715, %swap3A_716], %gather3A_714 {strides = array<i32>} : memref<33x128xf32, #tpu.memory_space<vmem>>, vector<16xf32>,
      %broadcast_in_dim3A_718 = vector.broadcast %add3A_10 : i32 to vector<16xi32>
      %gather3A_719 = tpu.vector_load_idx %arg15[%add3A_712, %broadcast_in_dim3A_718] : memref<128x128xf32, #tpu.memory_space<vmem>>[vector<16xi32>, vector<16xi32>], vector<16xf32>,
      %swap3A_720 = arith.index_cast %add3A_552 : i32 to index
      %swap3A_721 = arith.constant 96 : index
      %swap3A_722 = tpu.vector_load %arg17[%swap3A_720, %swap3A_721] {strides = array<i32>} : memref<33x128xf32, #tpu.memory_space<vmem>>, vector<16xf32>,
      tpu.vector_store %arg17[%swap3A_720, %swap3A_721], %gather3A_719 {strides = array<i32>} : memref<33x128xf32, #tpu.memory_space<vmem>>, vector<16xf32>,
      %broadcast_in_dim3A_723 = vector.broadcast %add3A_14 : i32 to vector<16xi32>
      %gather3A_724 = tpu.vector_load_idx %arg12[%add3A_712, %broadcast_in_dim3A_723] : memref<128x128xf32, #tpu.memory_space<vmem>>[vector<16xi32>, vector<16xi32>], vector<16xf32>,
      %swap3A_725 = arith.index_cast %add3A_552 : i32 to index
      %swap3A_726 = arith.constant 96 : index
      %swap3A_727 = tpu.vector_load %arg18[%swap3A_725, %swap3A_726] {strides = array<i32>} : memref<33x128xf32, #tpu.memory_space<vmem>>, vector<16xf32>,
      tpu.vector_store %arg18[%swap3A_725, %swap3A_726], %gather3A_724 {strides = array<i32>} : memref<33x128xf32, #tpu.memory_space<vmem>>, vector<16xf32>,
      %broadcast_in_dim3A_728 = vector.broadcast %mul3A_16 : i32 to vector<16xi32>
      %gather3A_729 = tpu.vector_load_idx %arg12[%add3A_712, %broadcast_in_dim3A_728] : memref<128x128xf32, #tpu.memory_space<vmem>>[vector<16xi32>, vector<16xi32>], vector<16xf32>,
      %swap3A_730 = arith.index_cast %add3A_552 : i32 to index
      %swap3A_731 = arith.constant 96 : index
      %swap3A_732 = tpu.vector_load %arg19[%swap3A_730, %swap3A_731] {strides = array<i32>} : memref<33x128xf32, #tpu.memory_space<vmem>>, vector<16xf32>,
      tpu.vector_store %arg19[%swap3A_730, %swap3A_731], %gather3A_729 {strides = array<i32>} : memref<33x128xf32, #tpu.memory_space<vmem>>, vector<16xf32>,
      %iota3A_733 = tpu.iota {dimensions = array<i32: 0>} : vector<16xi32>
      %add3A_734 = arith.constant 112 : i32
      %add3A_735 = vector.broadcast %add3A_734 : i32 to vector<16xi32>
      %add3A_736 = arith.addi %iota3A_733, %add3A_735 : vector<16xi32>
      %broadcast_in_dim3A_737 = vector.broadcast %mul3A_6 : i32 to vector<16xi32>
      %gather3A_738 = tpu.vector_load_idx %arg15[%add3A_736, %broadcast_in_dim3A_737] : memref<128x128xf32, #tpu.memory_space<vmem>>[vector<16xi32>, vector<16xi32>], vector<16xf32>,
      %swap3A_739 = arith.index_cast %add3A_552 : i32 to index
      %swap3A_740 = arith.constant 112 : index
      %swap3A_741 = tpu.vector_load %arg16[%swap3A_739, %swap3A_740] {strides = array<i32>} : memref<33x128xf32, #tpu.memory_space<vmem>>, vector<16xf32>,
      tpu.vector_store %arg16[%swap3A_739, %swap3A_740], %gather3A_738 {strides = array<i32>} : memref<33x128xf32, #tpu.memory_space<vmem>>, vector<16xf32>,
      %broadcast_in_dim3A_742 = vector.broadcast %add3A_10 : i32 to vector<16xi32>
      %gather3A_743 = tpu.vector_load_idx %arg15[%add3A_736, %broadcast_in_dim3A_742] : memref<128x128xf32, #tpu.memory_space<vmem>>[vector<16xi32>, vector<16xi32>], vector<16xf32>,
      %swap3A_744 = arith.index_cast %add3A_552 : i32 to index
      %swap3A_745 = arith.constant 112 : index
      %swap3A_746 = tpu.vector_load %arg17[%swap3A_744, %swap3A_745] {strides = array<i32>} : memref<33x128xf32, #tpu.memory_space<vmem>>, vector<16xf32>,
      tpu.vector_store %arg17[%swap3A_744, %swap3A_745], %gather3A_743 {strides = array<i32>} : memref<33x128xf32, #tpu.memory_space<vmem>>, vector<16xf32>,
      %broadcast_in_dim3A_747 = vector.broadcast %add3A_14 : i32 to vector<16xi32>
      %gather3A_748 = tpu.vector_load_idx %arg12[%add3A_736, %broadcast_in_dim3A_747] : memref<128x128xf32, #tpu.memory_space<vmem>>[vector<16xi32>, vector<16xi32>], vector<16xf32>,
      %swap3A_749 = arith.index_cast %add3A_552 : i32 to index
      %swap3A_750 = arith.constant 112 : index
      %swap3A_751 = tpu.vector_load %arg18[%swap3A_749, %swap3A_750] {strides = array<i32>} : memref<33x128xf32, #tpu.memory_space<vmem>>, vector<16xf32>,
      tpu.vector_store %arg18[%swap3A_749, %swap3A_750], %gather3A_748 {strides = array<i32>} : memref<33x128xf32, #tpu.memory_space<vmem>>, vector<16xf32>,
      %broadcast_in_dim3A_752 = vector.broadcast %mul3A_16 : i32 to vector<16xi32>
      %gather3A_753 = tpu.vector_load_idx %arg12[%add3A_736, %broadcast_in_dim3A_752] : memref<128x128xf32, #tpu.memory_space<vmem>>[vector<16xi32>, vector<16xi32>], vector<16xf32>,
      %swap3A_754 = arith.index_cast %add3A_552 : i32 to index
      %swap3A_755 = arith.constant 112 : index
      %swap3A_756 = tpu.vector_load %arg19[%swap3A_754, %swap3A_755] {strides = array<i32>} : memref<33x128xf32, #tpu.memory_space<vmem>>, vector<16xf32>,
      tpu.vector_store %arg19[%swap3A_754, %swap3A_755], %gather3A_753 {strides = array<i32>} : memref<33x128xf32, #tpu.memory_space<vmem>>, vector<16xf32>,
      %add3A_757 = arith.constant 3 : i32
      %add3A_758 = arith.addi %add3A_552, %add3A_757 : i32
      %lt3A_759 = arith.constant 33 : i32
      %lt3A_760 = arith.cmpi slt, %add3A_758, %lt3A_759 : i32
      %convert_element_type3A_761 = arith.extui %lt3A_760 : i1 to i32
      %cond3A_762 = arith.constant 0 : i32
      %cond3A_763 = arith.cmpi ne, %convert_element_type3A_761, %cond3A_762 : i32
      scf.if %cond3A_763 {
        %add3A_765 = arith.constant 3 : i32
        %add3A_766 = arith.addi %add3A_552, %add3A_765 : i32
        %dma_start3A_767 = arith.constant 0 : i32
        %dma_start3A_768 = tpu.memref_slice %arg9[%add3A_766, %dma_start3A_767] : memref<33x128xi32, #tpu.memory_space<vmem>> -> memref<1x128xi32, #tpu.memory_space<vmem>>
        %dma_start3A_769 = tpu.memref_squeeze %dma_start3A_768 : memref<1x128xi32, #tpu.memory_space<vmem>> -> memref<128xi32, #tpu.memory_space<vmem>>
        %dma_start3A_770 = arith.constant 0 : i32
        %dma_start3A_771 = arith.constant 0 : i32
        %dma_start3A_772 = tpu.memref_slice %arg2[%dma_start3A_770, %dma_start3A_771] : memref<100000x128xf32, #tpu.memory_space<hbm>> -> memref<100000x128xf32, #tpu.memory_space<hbm>>
        tpu.enqueue_indirect_dma source(%dma_start3A_772 : memref<100000x128xf32, #tpu.memory_space<hbm>>) target(%arg12 : memref<128x128xf32, #tpu.memory_space<vmem>>) offsets(%dma_start3A_769 : memref<128xi32, #tpu.memory_space<vmem>>) semaphore(%arg22 : memref<!tpu.dma_semaphore, #tpu.memory_space<semaphore_mem>>)
        %dma_start3A_773 = arith.constant 0 : i32
        %dma_start3A_774 = tpu.memref_slice %arg9[%add3A_766, %dma_start3A_773] : memref<33x128xi32, #tpu.memory_space<vmem>> -> memref<1x128xi32, #tpu.memory_space<vmem>>
        %dma_start3A_775 = tpu.memref_squeeze %dma_start3A_774 : memref<1x128xi32, #tpu.memory_space<vmem>> -> memref<128xi32, #tpu.memory_space<vmem>>
        %dma_start3A_776 = arith.constant 0 : i32
        %dma_start3A_777 = arith.constant 0 : i32
        %dma_start3A_778 = tpu.memref_slice %arg3[%dma_start3A_776, %dma_start3A_777] : memref<100000x128xf32, #tpu.memory_space<hbm>> -> memref<100000x128xf32, #tpu.memory_space<hbm>>
        tpu.enqueue_indirect_dma source(%dma_start3A_778 : memref<100000x128xf32, #tpu.memory_space<hbm>>) target(%arg15 : memref<128x128xf32, #tpu.memory_space<vmem>>) offsets(%dma_start3A_775 : memref<128xi32, #tpu.memory_space<vmem>>) semaphore(%arg22 : memref<!tpu.dma_semaphore, #tpu.memory_space<semaphore_mem>>)
      } else {
      }
      %scan3A_764 = arith.constant 0 : i32
      scf.yield %scan3A_764 : i32
    }
    %scan3A_63 = arith.constant 11 : i32
    "tpu.region"() ({
      %run_scoped3A = tpu.sem_alloc : memref<!tpu.dma_semaphore, #tpu.memory_space<semaphore_mem>>
      %dma_start3A_129 = arith.constant 0 : i32
      %dma_start3A_130 = arith.constant 0 : i32
      %dma_start3A_131 = tpu.memref_slice %arg5[%add3A_4, %dma_start3A_129, %dma_start3A_130] : memref<64x33x128xf32, #tpu.memory_space<hbm>> -> memref<1x33x128xf32, #tpu.memory_space<hbm>>
      %dma_start3A_132 = tpu.memref_squeeze %dma_start3A_131 : memref<1x33x128xf32, #tpu.memory_space<hbm>> -> memref<33x128xf32, #tpu.memory_space<hbm>>
      %dma_start3A_133 = arith.constant 0 : i32
      %dma_start3A_134 = arith.constant 0 : i32
      %dma_start3A_135 = tpu.memref_slice %arg5[%add3A_4, %dma_start3A_133, %dma_start3A_134] : memref<64x33x128xf32, #tpu.memory_space<hbm>> -> memref<1x33x128xf32, #tpu.memory_space<hbm>>
      %dma_start3A_136 = tpu.memref_squeeze %dma_start3A_135 : memref<1x33x128xf32, #tpu.memory_space<hbm>> -> memref<33x128xf32, #tpu.memory_space<hbm>>
      tpu.enqueue_dma source(%arg16 : memref<33x128xf32, #tpu.memory_space<vmem>>) target(%dma_start3A_136 : memref<33x128xf32, #tpu.memory_space<hbm>>) target_semaphore(%run_scoped3A : memref<!tpu.dma_semaphore, #tpu.memory_space<semaphore_mem>>)
      %dma_wait3A = arith.constant 0 : i32
      %dma_wait3A_137 = arith.constant 0 : i32
      %dma_wait3A_138 = tpu.memref_slice %arg5[%add3A_4, %dma_wait3A, %dma_wait3A_137] : memref<64x33x128xf32, #tpu.memory_space<hbm>> -> memref<1x33x128xf32, #tpu.memory_space<hbm>>
      %dma_wait3A_139 = tpu.memref_squeeze %dma_wait3A_138 : memref<1x33x128xf32, #tpu.memory_space<hbm>> -> memref<33x128xf32, #tpu.memory_space<hbm>>
      %dma_wait3A_140 = arith.constant 0 : i32
      %dma_wait3A_141 = arith.constant 0 : i32
      %dma_wait3A_142 = tpu.memref_slice %arg5[%add3A_4, %dma_wait3A_140, %dma_wait3A_141] : memref<64x33x128xf32, #tpu.memory_space<hbm>> -> memref<1x33x128xf32, #tpu.memory_space<hbm>>
      %dma_wait3A_143 = tpu.memref_squeeze %dma_wait3A_142 : memref<1x33x128xf32, #tpu.memory_space<hbm>> -> memref<33x128xf32, #tpu.memory_space<hbm>>
      tpu.wait_dma2 semaphore(%run_scoped3A : memref<!tpu.dma_semaphore, #tpu.memory_space<semaphore_mem>>) src(%arg16 : memref<33x128xf32, #tpu.memory_space<vmem>>) dst(%dma_wait3A_143 : memref<33x128xf32, #tpu.memory_space<hbm>>)
      tpu.yield
    }) : () -> ()
    "tpu.region"() ({
      %run_scoped3A = tpu.sem_alloc : memref<!tpu.dma_semaphore, #tpu.memory_space<semaphore_mem>>
      %dma_start3A_129 = arith.constant 0 : i32
      %dma_start3A_130 = arith.constant 0 : i32
      %dma_start3A_131 = tpu.memref_slice %arg6[%add3A_4, %dma_start3A_129, %dma_start3A_130] : memref<64x33x128xf32, #tpu.memory_space<hbm>> -> memref<1x33x128xf32, #tpu.memory_space<hbm>>
      %dma_start3A_132 = tpu.memref_squeeze %dma_start3A_131 : memref<1x33x128xf32, #tpu.memory_space<hbm>> -> memref<33x128xf32, #tpu.memory_space<hbm>>
      %dma_start3A_133 = arith.constant 0 : i32
      %dma_start3A_134 = arith.constant 0 : i32
      %dma_start3A_135 = tpu.memref_slice %arg6[%add3A_4, %dma_start3A_133, %dma_start3A_134] : memref<64x33x128xf32, #tpu.memory_space<hbm>> -> memref<1x33x128xf32, #tpu.memory_space<hbm>>
      %dma_start3A_136 = tpu.memref_squeeze %dma_start3A_135 : memref<1x33x128xf32, #tpu.memory_space<hbm>> -> memref<33x128xf32, #tpu.memory_space<hbm>>
      tpu.enqueue_dma source(%arg17 : memref<33x128xf32, #tpu.memory_space<vmem>>) target(%dma_start3A_136 : memref<33x128xf32, #tpu.memory_space<hbm>>) target_semaphore(%run_scoped3A : memref<!tpu.dma_semaphore, #tpu.memory_space<semaphore_mem>>)
      %dma_wait3A = arith.constant 0 : i32
      %dma_wait3A_137 = arith.constant 0 : i32
      %dma_wait3A_138 = tpu.memref_slice %arg6[%add3A_4, %dma_wait3A, %dma_wait3A_137] : memref<64x33x128xf32, #tpu.memory_space<hbm>> -> memref<1x33x128xf32, #tpu.memory_space<hbm>>
      %dma_wait3A_139 = tpu.memref_squeeze %dma_wait3A_138 : memref<1x33x128xf32, #tpu.memory_space<hbm>> -> memref<33x128xf32, #tpu.memory_space<hbm>>
      %dma_wait3A_140 = arith.constant 0 : i32
      %dma_wait3A_141 = arith.constant 0 : i32
      %dma_wait3A_142 = tpu.memref_slice %arg6[%add3A_4, %dma_wait3A_140, %dma_wait3A_141] : memref<64x33x128xf32, #tpu.memory_space<hbm>> -> memref<1x33x128xf32, #tpu.memory_space<hbm>>
      %dma_wait3A_143 = tpu.memref_squeeze %dma_wait3A_142 : memref<1x33x128xf32, #tpu.memory_space<hbm>> -> memref<33x128xf32, #tpu.memory_space<hbm>>
      tpu.wait_dma2 semaphore(%run_scoped3A : memref<!tpu.dma_semaphore, #tpu.memory_space<semaphore_mem>>) src(%arg17 : memref<33x128xf32, #tpu.memory_space<vmem>>) dst(%dma_wait3A_143 : memref<33x128xf32, #tpu.memory_space<hbm>>)
      tpu.yield
    }) : () -> ()
    "tpu.region"() ({
      %run_scoped3A = tpu.sem_alloc : memref<!tpu.dma_semaphore, #tpu.memory_space<semaphore_mem>>
      %dma_start3A_129 = arith.constant 0 : i32
      %dma_start3A_130 = arith.constant 0 : i32
      %dma_start3A_131 = tpu.memref_slice %arg7[%add3A_4, %dma_start3A_129, %dma_start3A_130] : memref<64x33x128xf32, #tpu.memory_space<hbm>> -> memref<1x33x128xf32, #tpu.memory_space<hbm>>
      %dma_start3A_132 = tpu.memref_squeeze %dma_start3A_131 : memref<1x33x128xf32, #tpu.memory_space<hbm>> -> memref<33x128xf32, #tpu.memory_space<hbm>>
      %dma_start3A_133 = arith.constant 0 : i32
      %dma_start3A_134 = arith.constant 0 : i32
      %dma_start3A_135 = tpu.memref_slice %arg7[%add3A_4, %dma_start3A_133, %dma_start3A_134] : memref<64x33x128xf32, #tpu.memory_space<hbm>> -> memref<1x33x128xf32, #tpu.memory_space<hbm>>
      %dma_start3A_136 = tpu.memref_squeeze %dma_start3A_135 : memref<1x33x128xf32, #tpu.memory_space<hbm>> -> memref<33x128xf32, #tpu.memory_space<hbm>>
      tpu.enqueue_dma source(%arg18 : memref<33x128xf32, #tpu.memory_space<vmem>>) target(%dma_start3A_136 : memref<33x128xf32, #tpu.memory_space<hbm>>) target_semaphore(%run_scoped3A : memref<!tpu.dma_semaphore, #tpu.memory_space<semaphore_mem>>)
      %dma_wait3A = arith.constant 0 : i32
      %dma_wait3A_137 = arith.constant 0 : i32
      %dma_wait3A_138 = tpu.memref_slice %arg7[%add3A_4, %dma_wait3A, %dma_wait3A_137] : memref<64x33x128xf32, #tpu.memory_space<hbm>> -> memref<1x33x128xf32, #tpu.memory_space<hbm>>
      %dma_wait3A_139 = tpu.memref_squeeze %dma_wait3A_138 : memref<1x33x128xf32, #tpu.memory_space<hbm>> -> memref<33x128xf32, #tpu.memory_space<hbm>>
      %dma_wait3A_140 = arith.constant 0 : i32
      %dma_wait3A_141 = arith.constant 0 : i32
      %dma_wait3A_142 = tpu.memref_slice %arg7[%add3A_4, %dma_wait3A_140, %dma_wait3A_141] : memref<64x33x128xf32, #tpu.memory_space<hbm>> -> memref<1x33x128xf32, #tpu.memory_space<hbm>>
      %dma_wait3A_143 = tpu.memref_squeeze %dma_wait3A_142 : memref<1x33x128xf32, #tpu.memory_space<hbm>> -> memref<33x128xf32, #tpu.memory_space<hbm>>
      tpu.wait_dma2 semaphore(%run_scoped3A : memref<!tpu.dma_semaphore, #tpu.memory_space<semaphore_mem>>) src(%arg18 : memref<33x128xf32, #tpu.memory_space<vmem>>) dst(%dma_wait3A_143 : memref<33x128xf32, #tpu.memory_space<hbm>>)
      tpu.yield
    }) : () -> ()
    "tpu.region"() ({
      %run_scoped3A = tpu.sem_alloc : memref<!tpu.dma_semaphore, #tpu.memory_space<semaphore_mem>>
      %dma_start3A_129 = arith.constant 0 : i32
      %dma_start3A_130 = arith.constant 0 : i32
      %dma_start3A_131 = tpu.memref_slice %arg8[%add3A_4, %dma_start3A_129, %dma_start3A_130] : memref<64x33x128xf32, #tpu.memory_space<hbm>> -> memref<1x33x128xf32, #tpu.memory_space<hbm>>
      %dma_start3A_132 = tpu.memref_squeeze %dma_start3A_131 : memref<1x33x128xf32, #tpu.memory_space<hbm>> -> memref<33x128xf32, #tpu.memory_space<hbm>>
      %dma_start3A_133 = arith.constant 0 : i32
      %dma_start3A_134 = arith.constant 0 : i32
      %dma_start3A_135 = tpu.memref_slice %arg8[%add3A_4, %dma_start3A_133, %dma_start3A_134] : memref<64x33x128xf32, #tpu.memory_space<hbm>> -> memref<1x33x128xf32, #tpu.memory_space<hbm>>
      %dma_start3A_136 = tpu.memref_squeeze %dma_start3A_135 : memref<1x33x128xf32, #tpu.memory_space<hbm>> -> memref<33x128xf32, #tpu.memory_space<hbm>>
      tpu.enqueue_dma source(%arg19 : memref<33x128xf32, #tpu.memory_space<vmem>>) target(%dma_start3A_136 : memref<33x128xf32, #tpu.memory_space<hbm>>) target_semaphore(%run_scoped3A : memref<!tpu.dma_semaphore, #tpu.memory_space<semaphore_mem>>)
      %dma_wait3A = arith.constant 0 : i32
      %dma_wait3A_137 = arith.constant 0 : i32
      %dma_wait3A_138 = tpu.memref_slice %arg8[%add3A_4, %dma_wait3A, %dma_wait3A_137] : memref<64x33x128xf32, #tpu.memory_space<hbm>> -> memref<1x33x128xf32, #tpu.memory_space<hbm>>
      %dma_wait3A_139 = tpu.memref_squeeze %dma_wait3A_138 : memref<1x33x128xf32, #tpu.memory_space<hbm>> -> memref<33x128xf32, #tpu.memory_space<hbm>>
      %dma_wait3A_140 = arith.constant 0 : i32
      %dma_wait3A_141 = arith.constant 0 : i32
      %dma_wait3A_142 = tpu.memref_slice %arg8[%add3A_4, %dma_wait3A_140, %dma_wait3A_141] : memref<64x33x128xf32, #tpu.memory_space<hbm>> -> memref<1x33x128xf32, #tpu.memory_space<hbm>>
      %dma_wait3A_143 = tpu.memref_squeeze %dma_wait3A_142 : memref<1x33x128xf32, #tpu.memory_space<hbm>> -> memref<33x128xf32, #tpu.memory_space<hbm>>
      tpu.wait_dma2 semaphore(%run_scoped3A : memref<!tpu.dma_semaphore, #tpu.memory_space<semaphore_mem>>) src(%arg19 : memref<33x128xf32, #tpu.memory_space<vmem>>) dst(%dma_wait3A_143 : memref<33x128xf32, #tpu.memory_space<hbm>>)
      tpu.yield
    }) : () -> ()
    %mul3A_64 = arith.constant 2 : i32
    %mul3A_65 = arith.muli %add3A, %mul3A_64 : i32
    %add3A_66 = arith.constant 1 : i32
    %add3A_67 = arith.addi %mul3A_65, %add3A_66 : i32
    %mul3A_68 = arith.constant 2 : i32
    %mul3A_69 = arith.muli %mul3A_68, %add3A_67 : i32
    %mul3A_70 = arith.constant 2 : i32
    %mul3A_71 = arith.muli %mul3A_70, %add3A_67 : i32
    %add3A_72 = arith.constant 1 : i32
    %add3A_73 = arith.addi %mul3A_71, %add3A_72 : i32
    %mul3A_74 = arith.constant 2 : i32
    %mul3A_75 = arith.muli %mul3A_74, %add3A_67 : i32
    %add3A_76 = arith.constant 1 : i32
    %add3A_77 = arith.addi %mul3A_75, %add3A_76 : i32
    %mul3A_78 = arith.constant 2 : i32
    %mul3A_79 = arith.muli %mul3A_78, %add3A_67 : i32
    "tpu.region"() ({
      %run_scoped3A = tpu.sem_alloc : memref<!tpu.dma_semaphore, #tpu.memory_space<semaphore_mem>>
      %dma_start3A_129 = arith.constant 0 : i32
      %dma_start3A_130 = arith.constant 0 : i32
      %dma_start3A_131 = tpu.memref_slice %arg4[%add3A_67, %dma_start3A_129, %dma_start3A_130] : memref<64x33x128xi32, #tpu.memory_space<hbm>> -> memref<1x33x128xi32, #tpu.memory_space<hbm>>
      %dma_start3A_132 = tpu.memref_squeeze %dma_start3A_131 : memref<1x33x128xi32, #tpu.memory_space<hbm>> -> memref<33x128xi32, #tpu.memory_space<hbm>>
      %dma_start3A_133 = arith.constant 0 : i32
      %dma_start3A_134 = arith.constant 0 : i32
      %dma_start3A_135 = tpu.memref_slice %arg4[%add3A_67, %dma_start3A_133, %dma_start3A_134] : memref<64x33x128xi32, #tpu.memory_space<hbm>> -> memref<1x33x128xi32, #tpu.memory_space<hbm>>
      %dma_start3A_136 = tpu.memref_squeeze %dma_start3A_135 : memref<1x33x128xi32, #tpu.memory_space<hbm>> -> memref<33x128xi32, #tpu.memory_space<hbm>>
      tpu.enqueue_dma source(%dma_start3A_136 : memref<33x128xi32, #tpu.memory_space<hbm>>) target(%arg9 : memref<33x128xi32, #tpu.memory_space<vmem>>) target_semaphore(%run_scoped3A : memref<!tpu.dma_semaphore, #tpu.memory_space<semaphore_mem>>)
      %dma_wait3A = arith.constant 0 : i32
      %dma_wait3A_137 = arith.constant 0 : i32
      %dma_wait3A_138 = tpu.memref_slice %arg4[%add3A_67, %dma_wait3A, %dma_wait3A_137] : memref<64x33x128xi32, #tpu.memory_space<hbm>> -> memref<1x33x128xi32, #tpu.memory_space<hbm>>
      %dma_wait3A_139 = tpu.memref_squeeze %dma_wait3A_138 : memref<1x33x128xi32, #tpu.memory_space<hbm>> -> memref<33x128xi32, #tpu.memory_space<hbm>>
      %dma_wait3A_140 = arith.constant 0 : i32
      %dma_wait3A_141 = arith.constant 0 : i32
      %dma_wait3A_142 = tpu.memref_slice %arg4[%add3A_67, %dma_wait3A_140, %dma_wait3A_141] : memref<64x33x128xi32, #tpu.memory_space<hbm>> -> memref<1x33x128xi32, #tpu.memory_space<hbm>>
      %dma_wait3A_143 = tpu.memref_squeeze %dma_wait3A_142 : memref<1x33x128xi32, #tpu.memory_space<hbm>> -> memref<33x128xi32, #tpu.memory_space<hbm>>
      tpu.wait_dma2 semaphore(%run_scoped3A : memref<!tpu.dma_semaphore, #tpu.memory_space<semaphore_mem>>) src(%dma_wait3A_143 : memref<33x128xi32, #tpu.memory_space<hbm>>) dst(%arg9 : memref<33x128xi32, #tpu.memory_space<vmem>>)
      tpu.yield
    }) : () -> ()
    %dma_start3A_80 = arith.constant 0 : i32
    %dma_start3A_81 = arith.constant 0 : i32
    %dma_start3A_82 = tpu.memref_slice %arg9[%dma_start3A_80, %dma_start3A_81] : memref<33x128xi32, #tpu.memory_space<vmem>> -> memref<1x128xi32, #tpu.memory_space<vmem>>
    %dma_start3A_83 = tpu.memref_squeeze %dma_start3A_82 : memref<1x128xi32, #tpu.memory_space<vmem>> -> memref<128xi32, #tpu.memory_space<vmem>>
    %dma_start3A_84 = arith.constant 0 : i32
    %dma_start3A_85 = arith.constant 0 : i32
    %dma_start3A_86 = tpu.memref_slice %arg2[%dma_start3A_84, %dma_start3A_85] : memref<100000x128xf32, #tpu.memory_space<hbm>> -> memref<100000x128xf32, #tpu.memory_space<hbm>>
    tpu.enqueue_indirect_dma source(%dma_start3A_86 : memref<100000x128xf32, #tpu.memory_space<hbm>>) target(%arg10 : memref<128x128xf32, #tpu.memory_space<vmem>>) offsets(%dma_start3A_83 : memref<128xi32, #tpu.memory_space<vmem>>) semaphore(%arg20 : memref<!tpu.dma_semaphore, #tpu.memory_space<semaphore_mem>>)
    %dma_start3A_87 = arith.constant 0 : i32
    %dma_start3A_88 = arith.constant 0 : i32
    %dma_start3A_89 = tpu.memref_slice %arg9[%dma_start3A_87, %dma_start3A_88] : memref<33x128xi32, #tpu.memory_space<vmem>> -> memref<1x128xi32, #tpu.memory_space<vmem>>
    %dma_start3A_90 = tpu.memref_squeeze %dma_start3A_89 : memref<1x128xi32, #tpu.memory_space<vmem>> -> memref<128xi32, #tpu.memory_space<vmem>>
    %dma_start3A_91 = arith.constant 0 : i32
    %dma_start3A_92 = arith.constant 0 : i32
    %dma_start3A_93 = tpu.memref_slice %arg3[%dma_start3A_91, %dma_start3A_92] : memref<100000x128xf32, #tpu.memory_space<hbm>> -> memref<100000x128xf32, #tpu.memory_space<hbm>>
    tpu.enqueue_indirect_dma source(%dma_start3A_93 : memref<100000x128xf32, #tpu.memory_space<hbm>>) target(%arg13 : memref<128x128xf32, #tpu.memory_space<vmem>>) offsets(%dma_start3A_90 : memref<128xi32, #tpu.memory_space<vmem>>) semaphore(%arg20 : memref<!tpu.dma_semaphore, #tpu.memory_space<semaphore_mem>>)
    %dma_start3A_94 = arith.constant 1 : i32
    %dma_start3A_95 = arith.constant 0 : i32
    %dma_start3A_96 = tpu.memref_slice %arg9[%dma_start3A_94, %dma_start3A_95] : memref<33x128xi32, #tpu.memory_space<vmem>> -> memref<1x128xi32, #tpu.memory_space<vmem>>
    %dma_start3A_97 = tpu.memref_squeeze %dma_start3A_96 : memref<1x128xi32, #tpu.memory_space<vmem>> -> memref<128xi32, #tpu.memory_space<vmem>>
    %dma_start3A_98 = arith.constant 0 : i32
    %dma_start3A_99 = arith.constant 0 : i32
    %dma_start3A_100 = tpu.memref_slice %arg2[%dma_start3A_98, %dma_start3A_99] : memref<100000x128xf32, #tpu.memory_space<hbm>> -> memref<100000x128xf32, #tpu.memory_space<hbm>>
    tpu.enqueue_indirect_dma source(%dma_start3A_100 : memref<100000x128xf32, #tpu.memory_space<hbm>>) target(%arg11 : memref<128x128xf32, #tpu.memory_space<vmem>>) offsets(%dma_start3A_97 : memref<128xi32, #tpu.memory_space<vmem>>) semaphore(%arg21 : memref<!tpu.dma_semaphore, #tpu.memory_space<semaphore_mem>>)
    %dma_start3A_101 = arith.constant 1 : i32
    %dma_start3A_102 = arith.constant 0 : i32
    %dma_start3A_103 = tpu.memref_slice %arg9[%dma_start3A_101, %dma_start3A_102] : memref<33x128xi32, #tpu.memory_space<vmem>> -> memref<1x128xi32, #tpu.memory_space<vmem>>
    %dma_start3A_104 = tpu.memref_squeeze %dma_start3A_103 : memref<1x128xi32, #tpu.memory_space<vmem>> -> memref<128xi32, #tpu.memory_space<vmem>>
    %dma_start3A_105 = arith.constant 0 : i32
    %dma_start3A_106 = arith.constant 0 : i32
    %dma_start3A_107 = tpu.memref_slice %arg3[%dma_start3A_105, %dma_start3A_106] : memref<100000x128xf32, #tpu.memory_space<hbm>> -> memref<100000x128xf32, #tpu.memory_space<hbm>>
    tpu.enqueue_indirect_dma source(%dma_start3A_107 : memref<100000x128xf32, #tpu.memory_space<hbm>>) target(%arg14 : memref<128x128xf32, #tpu.memory_space<vmem>>) offsets(%dma_start3A_104 : memref<128xi32, #tpu.memory_space<vmem>>) semaphore(%arg21 : memref<!tpu.dma_semaphore, #tpu.memory_space<semaphore_mem>>)
    %dma_start3A_108 = arith.constant 2 : i32
    %dma_start3A_109 = arith.constant 0 : i32
    %dma_start3A_110 = tpu.memref_slice %arg9[%dma_start3A_108, %dma_start3A_109] : memref<33x128xi32, #tpu.memory_space<vmem>> -> memref<1x128xi32, #tpu.memory_space<vmem>>
    %dma_start3A_111 = tpu.memref_squeeze %dma_start3A_110 : memref<1x128xi32, #tpu.memory_space<vmem>> -> memref<128xi32, #tpu.memory_space<vmem>>
    %dma_start3A_112 = arith.constant 0 : i32
    %dma_start3A_113 = arith.constant 0 : i32
    %dma_start3A_114 = tpu.memref_slice %arg2[%dma_start3A_112, %dma_start3A_113] : memref<100000x128xf32, #tpu.memory_space<hbm>> -> memref<100000x128xf32, #tpu.memory_space<hbm>>
    tpu.enqueue_indirect_dma source(%dma_start3A_114 : memref<100000x128xf32, #tpu.memory_space<hbm>>) target(%arg12 : memref<128x128xf32, #tpu.memory_space<vmem>>) offsets(%dma_start3A_111 : memref<128xi32, #tpu.memory_space<vmem>>) semaphore(%arg22 : memref<!tpu.dma_semaphore, #tpu.memory_space<semaphore_mem>>)
    %dma_start3A_115 = arith.constant 2 : i32
    %dma_start3A_116 = arith.constant 0 : i32
    %dma_start3A_117 = tpu.memref_slice %arg9[%dma_start3A_115, %dma_start3A_116] : memref<33x128xi32, #tpu.memory_space<vmem>> -> memref<1x128xi32, #tpu.memory_space<vmem>>
    %dma_start3A_118 = tpu.memref_squeeze %dma_start3A_117 : memref<1x128xi32, #tpu.memory_space<vmem>> -> memref<128xi32, #tpu.memory_space<vmem>>
    %dma_start3A_119 = arith.constant 0 : i32
    %dma_start3A_120 = arith.constant 0 : i32
    %dma_start3A_121 = tpu.memref_slice %arg3[%dma_start3A_119, %dma_start3A_120] : memref<100000x128xf32, #tpu.memory_space<hbm>> -> memref<100000x128xf32, #tpu.memory_space<hbm>>
    tpu.enqueue_indirect_dma source(%dma_start3A_121 : memref<100000x128xf32, #tpu.memory_space<hbm>>) target(%arg15 : memref<128x128xf32, #tpu.memory_space<vmem>>) offsets(%dma_start3A_118 : memref<128xi32, #tpu.memory_space<vmem>>) semaphore(%arg22 : memref<!tpu.dma_semaphore, #tpu.memory_space<semaphore_mem>>)
    %scan3A_122 = arith.constant 0 : i32
    %scan3A_123 = arith.constant 0 : i32
    %scan3A_124 = arith.constant 11 : i32
    %scan3A_125 = arith.addi %scan3A_123, %scan3A_124 : i32
    %scan3A_126 = arith.constant 1 : i32
    %scan3A_127 = scf.for %scan3A_129 = %scan3A_123 to %scan3A_125 step %scan3A_126 iter_args(%scan3A_130 = %scan3A_122) -> (i32)  : i32 {
      %mul3A_131 = arith.constant 3 : i32
      %mul3A_132 = arith.muli %scan3A_129, %mul3A_131 : i32
      %add3A_133 = arith.constant 0 : i32
      %add3A_134 = arith.addi %mul3A_132, %add3A_133 : i32
      %dma_wait3A = arith.constant 0 : i32
      %dma_wait3A_135 = tpu.memref_slice %arg9[%add3A_134, %dma_wait3A] : memref<33x128xi32, #tpu.memory_space<vmem>> -> memref<1x128xi32, #tpu.memory_space<vmem>>
      %dma_wait3A_136 = tpu.memref_squeeze %dma_wait3A_135 : memref<1x128xi32, #tpu.memory_space<vmem>> -> memref<128xi32, #tpu.memory_space<vmem>>
      %dma_wait3A_137 = arith.constant 0 : i32
      %dma_wait3A_138 = arith.constant 0 : i32
      %dma_wait3A_139 = tpu.memref_slice %arg2[%dma_wait3A_137, %dma_wait3A_138] : memref<100000x128xf32, #tpu.memory_space<hbm>> -> memref<100000x128xf32, #tpu.memory_space<hbm>>
      tpu.wait_indirect_dma semaphore(%arg20 : memref<!tpu.dma_semaphore, #tpu.memory_space<semaphore_mem>>) src(%dma_wait3A_139 : memref<100000x128xf32, #tpu.memory_space<hbm>>) dst(%arg10 : memref<128x128xf32, #tpu.memory_space<vmem>>)
      %dma_wait3A_140 = arith.constant 0 : i32
      %dma_wait3A_141 = tpu.memref_slice %arg9[%add3A_134, %dma_wait3A_140] : memref<33x128xi32, #tpu.memory_space<vmem>> -> memref<1x128xi32, #tpu.memory_space<vmem>>
      %dma_wait3A_142 = tpu.memref_squeeze %dma_wait3A_141 : memref<1x128xi32, #tpu.memory_space<vmem>> -> memref<128xi32, #tpu.memory_space<vmem>>
      %dma_wait3A_143 = arith.constant 0 : i32
      %dma_wait3A_144 = arith.constant 0 : i32
      %dma_wait3A_145 = tpu.memref_slice %arg3[%dma_wait3A_143, %dma_wait3A_144] : memref<100000x128xf32, #tpu.memory_space<hbm>> -> memref<100000x128xf32, #tpu.memory_space<hbm>>
      tpu.wait_indirect_dma semaphore(%arg20 : memref<!tpu.dma_semaphore, #tpu.memory_space<semaphore_mem>>) src(%dma_wait3A_145 : memref<100000x128xf32, #tpu.memory_space<hbm>>) dst(%arg13 : memref<128x128xf32, #tpu.memory_space<vmem>>)
      %iota3A = tpu.iota {dimensions = array<i32: 0>} : vector<16xi32>
      %add3A_146 = arith.constant 0 : i32
      %add3A_147 = vector.broadcast %add3A_146 : i32 to vector<16xi32>
      %add3A_148 = arith.addi %iota3A, %add3A_147 : vector<16xi32>
      %broadcast_in_dim3A = vector.broadcast %mul3A_69 : i32 to vector<16xi32>
      %gather3A = tpu.vector_load_idx %arg13[%add3A_148, %broadcast_in_dim3A] : memref<128x128xf32, #tpu.memory_space<vmem>>[vector<16xi32>, vector<16xi32>], vector<16xf32>,
      %swap3A = arith.index_cast %add3A_134 : i32 to index
      %swap3A_149 = arith.constant 0 : index
      %swap3A_150 = tpu.vector_load %arg16[%swap3A, %swap3A_149] {strides = array<i32>} : memref<33x128xf32, #tpu.memory_space<vmem>>, vector<16xf32>,
      tpu.vector_store %arg16[%swap3A, %swap3A_149], %gather3A {strides = array<i32>} : memref<33x128xf32, #tpu.memory_space<vmem>>, vector<16xf32>,
      %broadcast_in_dim3A_151 = vector.broadcast %add3A_73 : i32 to vector<16xi32>
      %gather3A_152 = tpu.vector_load_idx %arg13[%add3A_148, %broadcast_in_dim3A_151] : memref<128x128xf32, #tpu.memory_space<vmem>>[vector<16xi32>, vector<16xi32>], vector<16xf32>,
      %swap3A_153 = arith.index_cast %add3A_134 : i32 to index
      %swap3A_154 = arith.constant 0 : index
      %swap3A_155 = tpu.vector_load %arg17[%swap3A_153, %swap3A_154] {strides = array<i32>} : memref<33x128xf32, #tpu.memory_space<vmem>>, vector<16xf32>,
      tpu.vector_store %arg17[%swap3A_153, %swap3A_154], %gather3A_152 {strides = array<i32>} : memref<33x128xf32, #tpu.memory_space<vmem>>, vector<16xf32>,
      %broadcast_in_dim3A_156 = vector.broadcast %add3A_77 : i32 to vector<16xi32>
      %gather3A_157 = tpu.vector_load_idx %arg10[%add3A_148, %broadcast_in_dim3A_156] : memref<128x128xf32, #tpu.memory_space<vmem>>[vector<16xi32>, vector<16xi32>], vector<16xf32>,
      %swap3A_158 = arith.index_cast %add3A_134 : i32 to index
      %swap3A_159 = arith.constant 0 : index
      %swap3A_160 = tpu.vector_load %arg18[%swap3A_158, %swap3A_159] {strides = array<i32>} : memref<33x128xf32, #tpu.memory_space<vmem>>, vector<16xf32>,
      tpu.vector_store %arg18[%swap3A_158, %swap3A_159], %gather3A_157 {strides = array<i32>} : memref<33x128xf32, #tpu.memory_space<vmem>>, vector<16xf32>,
      %broadcast_in_dim3A_161 = vector.broadcast %mul3A_79 : i32 to vector<16xi32>
      %gather3A_162 = tpu.vector_load_idx %arg10[%add3A_148, %broadcast_in_dim3A_161] : memref<128x128xf32, #tpu.memory_space<vmem>>[vector<16xi32>, vector<16xi32>], vector<16xf32>,
      %swap3A_163 = arith.index_cast %add3A_134 : i32 to index
      %swap3A_164 = arith.constant 0 : index
      %swap3A_165 = tpu.vector_load %arg19[%swap3A_163, %swap3A_164] {strides = array<i32>} : memref<33x128xf32, #tpu.memory_space<vmem>>, vector<16xf32>,
      tpu.vector_store %arg19[%swap3A_163, %swap3A_164], %gather3A_162 {strides = array<i32>} : memref<33x128xf32, #tpu.memory_space<vmem>>, vector<16xf32>,
      %iota3A_166 = tpu.iota {dimensions = array<i32: 0>} : vector<16xi32>
      %add3A_167 = arith.constant 16 : i32
      %add3A_168 = vector.broadcast %add3A_167 : i32 to vector<16xi32>
      %add3A_169 = arith.addi %iota3A_166, %add3A_168 : vector<16xi32>
      %broadcast_in_dim3A_170 = vector.broadcast %mul3A_69 : i32 to vector<16xi32>
      %gather3A_171 = tpu.vector_load_idx %arg13[%add3A_169, %broadcast_in_dim3A_170] : memref<128x128xf32, #tpu.memory_space<vmem>>[vector<16xi32>, vector<16xi32>], vector<16xf32>,
      %swap3A_172 = arith.index_cast %add3A_134 : i32 to index
      %swap3A_173 = arith.constant 16 : index
      %swap3A_174 = tpu.vector_load %arg16[%swap3A_172, %swap3A_173] {strides = array<i32>} : memref<33x128xf32, #tpu.memory_space<vmem>>, vector<16xf32>,
      tpu.vector_store %arg16[%swap3A_172, %swap3A_173], %gather3A_171 {strides = array<i32>} : memref<33x128xf32, #tpu.memory_space<vmem>>, vector<16xf32>,
      %broadcast_in_dim3A_175 = vector.broadcast %add3A_73 : i32 to vector<16xi32>
      %gather3A_176 = tpu.vector_load_idx %arg13[%add3A_169, %broadcast_in_dim3A_175] : memref<128x128xf32, #tpu.memory_space<vmem>>[vector<16xi32>, vector<16xi32>], vector<16xf32>,
      %swap3A_177 = arith.index_cast %add3A_134 : i32 to index
      %swap3A_178 = arith.constant 16 : index
      %swap3A_179 = tpu.vector_load %arg17[%swap3A_177, %swap3A_178] {strides = array<i32>} : memref<33x128xf32, #tpu.memory_space<vmem>>, vector<16xf32>,
      tpu.vector_store %arg17[%swap3A_177, %swap3A_178], %gather3A_176 {strides = array<i32>} : memref<33x128xf32, #tpu.memory_space<vmem>>, vector<16xf32>,
      %broadcast_in_dim3A_180 = vector.broadcast %add3A_77 : i32 to vector<16xi32>
      %gather3A_181 = tpu.vector_load_idx %arg10[%add3A_169, %broadcast_in_dim3A_180] : memref<128x128xf32, #tpu.memory_space<vmem>>[vector<16xi32>, vector<16xi32>], vector<16xf32>,
      %swap3A_182 = arith.index_cast %add3A_134 : i32 to index
      %swap3A_183 = arith.constant 16 : index
      %swap3A_184 = tpu.vector_load %arg18[%swap3A_182, %swap3A_183] {strides = array<i32>} : memref<33x128xf32, #tpu.memory_space<vmem>>, vector<16xf32>,
      tpu.vector_store %arg18[%swap3A_182, %swap3A_183], %gather3A_181 {strides = array<i32>} : memref<33x128xf32, #tpu.memory_space<vmem>>, vector<16xf32>,
      %broadcast_in_dim3A_185 = vector.broadcast %mul3A_79 : i32 to vector<16xi32>
      %gather3A_186 = tpu.vector_load_idx %arg10[%add3A_169, %broadcast_in_dim3A_185] : memref<128x128xf32, #tpu.memory_space<vmem>>[vector<16xi32>, vector<16xi32>], vector<16xf32>,
      %swap3A_187 = arith.index_cast %add3A_134 : i32 to index
      %swap3A_188 = arith.constant 16 : index
      %swap3A_189 = tpu.vector_load %arg19[%swap3A_187, %swap3A_188] {strides = array<i32>} : memref<33x128xf32, #tpu.memory_space<vmem>>, vector<16xf32>,
      tpu.vector_store %arg19[%swap3A_187, %swap3A_188], %gather3A_186 {strides = array<i32>} : memref<33x128xf32, #tpu.memory_space<vmem>>, vector<16xf32>,
      %iota3A_190 = tpu.iota {dimensions = array<i32: 0>} : vector<16xi32>
      %add3A_191 = arith.constant 32 : i32
      %add3A_192 = vector.broadcast %add3A_191 : i32 to vector<16xi32>
      %add3A_193 = arith.addi %iota3A_190, %add3A_192 : vector<16xi32>
      %broadcast_in_dim3A_194 = vector.broadcast %mul3A_69 : i32 to vector<16xi32>
      %gather3A_195 = tpu.vector_load_idx %arg13[%add3A_193, %broadcast_in_dim3A_194] : memref<128x128xf32, #tpu.memory_space<vmem>>[vector<16xi32>, vector<16xi32>], vector<16xf32>,
      %swap3A_196 = arith.index_cast %add3A_134 : i32 to index
      %swap3A_197 = arith.constant 32 : index
      %swap3A_198 = tpu.vector_load %arg16[%swap3A_196, %swap3A_197] {strides = array<i32>} : memref<33x128xf32, #tpu.memory_space<vmem>>, vector<16xf32>,
      tpu.vector_store %arg16[%swap3A_196, %swap3A_197], %gather3A_195 {strides = array<i32>} : memref<33x128xf32, #tpu.memory_space<vmem>>, vector<16xf32>,
      %broadcast_in_dim3A_199 = vector.broadcast %add3A_73 : i32 to vector<16xi32>
      %gather3A_200 = tpu.vector_load_idx %arg13[%add3A_193, %broadcast_in_dim3A_199] : memref<128x128xf32, #tpu.memory_space<vmem>>[vector<16xi32>, vector<16xi32>], vector<16xf32>,
      %swap3A_201 = arith.index_cast %add3A_134 : i32 to index
      %swap3A_202 = arith.constant 32 : index
      %swap3A_203 = tpu.vector_load %arg17[%swap3A_201, %swap3A_202] {strides = array<i32>} : memref<33x128xf32, #tpu.memory_space<vmem>>, vector<16xf32>,
      tpu.vector_store %arg17[%swap3A_201, %swap3A_202], %gather3A_200 {strides = array<i32>} : memref<33x128xf32, #tpu.memory_space<vmem>>, vector<16xf32>,
      %broadcast_in_dim3A_204 = vector.broadcast %add3A_77 : i32 to vector<16xi32>
      %gather3A_205 = tpu.vector_load_idx %arg10[%add3A_193, %broadcast_in_dim3A_204] : memref<128x128xf32, #tpu.memory_space<vmem>>[vector<16xi32>, vector<16xi32>], vector<16xf32>,
      %swap3A_206 = arith.index_cast %add3A_134 : i32 to index
      %swap3A_207 = arith.constant 32 : index
      %swap3A_208 = tpu.vector_load %arg18[%swap3A_206, %swap3A_207] {strides = array<i32>} : memref<33x128xf32, #tpu.memory_space<vmem>>, vector<16xf32>,
      tpu.vector_store %arg18[%swap3A_206, %swap3A_207], %gather3A_205 {strides = array<i32>} : memref<33x128xf32, #tpu.memory_space<vmem>>, vector<16xf32>,
      %broadcast_in_dim3A_209 = vector.broadcast %mul3A_79 : i32 to vector<16xi32>
      %gather3A_210 = tpu.vector_load_idx %arg10[%add3A_193, %broadcast_in_dim3A_209] : memref<128x128xf32, #tpu.memory_space<vmem>>[vector<16xi32>, vector<16xi32>], vector<16xf32>,
      %swap3A_211 = arith.index_cast %add3A_134 : i32 to index
      %swap3A_212 = arith.constant 32 : index
      %swap3A_213 = tpu.vector_load %arg19[%swap3A_211, %swap3A_212] {strides = array<i32>} : memref<33x128xf32, #tpu.memory_space<vmem>>, vector<16xf32>,
      tpu.vector_store %arg19[%swap3A_211, %swap3A_212], %gather3A_210 {strides = array<i32>} : memref<33x128xf32, #tpu.memory_space<vmem>>, vector<16xf32>,
      %iota3A_214 = tpu.iota {dimensions = array<i32: 0>} : vector<16xi32>
      %add3A_215 = arith.constant 48 : i32
      %add3A_216 = vector.broadcast %add3A_215 : i32 to vector<16xi32>
      %add3A_217 = arith.addi %iota3A_214, %add3A_216 : vector<16xi32>
      %broadcast_in_dim3A_218 = vector.broadcast %mul3A_69 : i32 to vector<16xi32>
      %gather3A_219 = tpu.vector_load_idx %arg13[%add3A_217, %broadcast_in_dim3A_218] : memref<128x128xf32, #tpu.memory_space<vmem>>[vector<16xi32>, vector<16xi32>], vector<16xf32>,
      %swap3A_220 = arith.index_cast %add3A_134 : i32 to index
      %swap3A_221 = arith.constant 48 : index
      %swap3A_222 = tpu.vector_load %arg16[%swap3A_220, %swap3A_221] {strides = array<i32>} : memref<33x128xf32, #tpu.memory_space<vmem>>, vector<16xf32>,
      tpu.vector_store %arg16[%swap3A_220, %swap3A_221], %gather3A_219 {strides = array<i32>} : memref<33x128xf32, #tpu.memory_space<vmem>>, vector<16xf32>,
      %broadcast_in_dim3A_223 = vector.broadcast %add3A_73 : i32 to vector<16xi32>
      %gather3A_224 = tpu.vector_load_idx %arg13[%add3A_217, %broadcast_in_dim3A_223] : memref<128x128xf32, #tpu.memory_space<vmem>>[vector<16xi32>, vector<16xi32>], vector<16xf32>,
      %swap3A_225 = arith.index_cast %add3A_134 : i32 to index
      %swap3A_226 = arith.constant 48 : index
      %swap3A_227 = tpu.vector_load %arg17[%swap3A_225, %swap3A_226] {strides = array<i32>} : memref<33x128xf32, #tpu.memory_space<vmem>>, vector<16xf32>,
      tpu.vector_store %arg17[%swap3A_225, %swap3A_226], %gather3A_224 {strides = array<i32>} : memref<33x128xf32, #tpu.memory_space<vmem>>, vector<16xf32>,
      %broadcast_in_dim3A_228 = vector.broadcast %add3A_77 : i32 to vector<16xi32>
      %gather3A_229 = tpu.vector_load_idx %arg10[%add3A_217, %broadcast_in_dim3A_228] : memref<128x128xf32, #tpu.memory_space<vmem>>[vector<16xi32>, vector<16xi32>], vector<16xf32>,
      %swap3A_230 = arith.index_cast %add3A_134 : i32 to index
      %swap3A_231 = arith.constant 48 : index
      %swap3A_232 = tpu.vector_load %arg18[%swap3A_230, %swap3A_231] {strides = array<i32>} : memref<33x128xf32, #tpu.memory_space<vmem>>, vector<16xf32>,
      tpu.vector_store %arg18[%swap3A_230, %swap3A_231], %gather3A_229 {strides = array<i32>} : memref<33x128xf32, #tpu.memory_space<vmem>>, vector<16xf32>,
      %broadcast_in_dim3A_233 = vector.broadcast %mul3A_79 : i32 to vector<16xi32>
      %gather3A_234 = tpu.vector_load_idx %arg10[%add3A_217, %broadcast_in_dim3A_233] : memref<128x128xf32, #tpu.memory_space<vmem>>[vector<16xi32>, vector<16xi32>], vector<16xf32>,
      %swap3A_235 = arith.index_cast %add3A_134 : i32 to index
      %swap3A_236 = arith.constant 48 : index
      %swap3A_237 = tpu.vector_load %arg19[%swap3A_235, %swap3A_236] {strides = array<i32>} : memref<33x128xf32, #tpu.memory_space<vmem>>, vector<16xf32>,
      tpu.vector_store %arg19[%swap3A_235, %swap3A_236], %gather3A_234 {strides = array<i32>} : memref<33x128xf32, #tpu.memory_space<vmem>>, vector<16xf32>,
      %iota3A_238 = tpu.iota {dimensions = array<i32: 0>} : vector<16xi32>
      %add3A_239 = arith.constant 64 : i32
      %add3A_240 = vector.broadcast %add3A_239 : i32 to vector<16xi32>
      %add3A_241 = arith.addi %iota3A_238, %add3A_240 : vector<16xi32>
      %broadcast_in_dim3A_242 = vector.broadcast %mul3A_69 : i32 to vector<16xi32>
      %gather3A_243 = tpu.vector_load_idx %arg13[%add3A_241, %broadcast_in_dim3A_242] : memref<128x128xf32, #tpu.memory_space<vmem>>[vector<16xi32>, vector<16xi32>], vector<16xf32>,
      %swap3A_244 = arith.index_cast %add3A_134 : i32 to index
      %swap3A_245 = arith.constant 64 : index
      %swap3A_246 = tpu.vector_load %arg16[%swap3A_244, %swap3A_245] {strides = array<i32>} : memref<33x128xf32, #tpu.memory_space<vmem>>, vector<16xf32>,
      tpu.vector_store %arg16[%swap3A_244, %swap3A_245], %gather3A_243 {strides = array<i32>} : memref<33x128xf32, #tpu.memory_space<vmem>>, vector<16xf32>,
      %broadcast_in_dim3A_247 = vector.broadcast %add3A_73 : i32 to vector<16xi32>
      %gather3A_248 = tpu.vector_load_idx %arg13[%add3A_241, %broadcast_in_dim3A_247] : memref<128x128xf32, #tpu.memory_space<vmem>>[vector<16xi32>, vector<16xi32>], vector<16xf32>,
      %swap3A_249 = arith.index_cast %add3A_134 : i32 to index
      %swap3A_250 = arith.constant 64 : index
      %swap3A_251 = tpu.vector_load %arg17[%swap3A_249, %swap3A_250] {strides = array<i32>} : memref<33x128xf32, #tpu.memory_space<vmem>>, vector<16xf32>,
      tpu.vector_store %arg17[%swap3A_249, %swap3A_250], %gather3A_248 {strides = array<i32>} : memref<33x128xf32, #tpu.memory_space<vmem>>, vector<16xf32>,
      %broadcast_in_dim3A_252 = vector.broadcast %add3A_77 : i32 to vector<16xi32>
      %gather3A_253 = tpu.vector_load_idx %arg10[%add3A_241, %broadcast_in_dim3A_252] : memref<128x128xf32, #tpu.memory_space<vmem>>[vector<16xi32>, vector<16xi32>], vector<16xf32>,
      %swap3A_254 = arith.index_cast %add3A_134 : i32 to index
      %swap3A_255 = arith.constant 64 : index
      %swap3A_256 = tpu.vector_load %arg18[%swap3A_254, %swap3A_255] {strides = array<i32>} : memref<33x128xf32, #tpu.memory_space<vmem>>, vector<16xf32>,
      tpu.vector_store %arg18[%swap3A_254, %swap3A_255], %gather3A_253 {strides = array<i32>} : memref<33x128xf32, #tpu.memory_space<vmem>>, vector<16xf32>,
      %broadcast_in_dim3A_257 = vector.broadcast %mul3A_79 : i32 to vector<16xi32>
      %gather3A_258 = tpu.vector_load_idx %arg10[%add3A_241, %broadcast_in_dim3A_257] : memref<128x128xf32, #tpu.memory_space<vmem>>[vector<16xi32>, vector<16xi32>], vector<16xf32>,
      %swap3A_259 = arith.index_cast %add3A_134 : i32 to index
      %swap3A_260 = arith.constant 64 : index
      %swap3A_261 = tpu.vector_load %arg19[%swap3A_259, %swap3A_260] {strides = array<i32>} : memref<33x128xf32, #tpu.memory_space<vmem>>, vector<16xf32>,
      tpu.vector_store %arg19[%swap3A_259, %swap3A_260], %gather3A_258 {strides = array<i32>} : memref<33x128xf32, #tpu.memory_space<vmem>>, vector<16xf32>,
      %iota3A_262 = tpu.iota {dimensions = array<i32: 0>} : vector<16xi32>
      %add3A_263 = arith.constant 80 : i32
      %add3A_264 = vector.broadcast %add3A_263 : i32 to vector<16xi32>
      %add3A_265 = arith.addi %iota3A_262, %add3A_264 : vector<16xi32>
      %broadcast_in_dim3A_266 = vector.broadcast %mul3A_69 : i32 to vector<16xi32>
      %gather3A_267 = tpu.vector_load_idx %arg13[%add3A_265, %broadcast_in_dim3A_266] : memref<128x128xf32, #tpu.memory_space<vmem>>[vector<16xi32>, vector<16xi32>], vector<16xf32>,
      %swap3A_268 = arith.index_cast %add3A_134 : i32 to index
      %swap3A_269 = arith.constant 80 : index
      %swap3A_270 = tpu.vector_load %arg16[%swap3A_268, %swap3A_269] {strides = array<i32>} : memref<33x128xf32, #tpu.memory_space<vmem>>, vector<16xf32>,
      tpu.vector_store %arg16[%swap3A_268, %swap3A_269], %gather3A_267 {strides = array<i32>} : memref<33x128xf32, #tpu.memory_space<vmem>>, vector<16xf32>,
      %broadcast_in_dim3A_271 = vector.broadcast %add3A_73 : i32 to vector<16xi32>
      %gather3A_272 = tpu.vector_load_idx %arg13[%add3A_265, %broadcast_in_dim3A_271] : memref<128x128xf32, #tpu.memory_space<vmem>>[vector<16xi32>, vector<16xi32>], vector<16xf32>,
      %swap3A_273 = arith.index_cast %add3A_134 : i32 to index
      %swap3A_274 = arith.constant 80 : index
      %swap3A_275 = tpu.vector_load %arg17[%swap3A_273, %swap3A_274] {strides = array<i32>} : memref<33x128xf32, #tpu.memory_space<vmem>>, vector<16xf32>,
      tpu.vector_store %arg17[%swap3A_273, %swap3A_274], %gather3A_272 {strides = array<i32>} : memref<33x128xf32, #tpu.memory_space<vmem>>, vector<16xf32>,
      %broadcast_in_dim3A_276 = vector.broadcast %add3A_77 : i32 to vector<16xi32>
      %gather3A_277 = tpu.vector_load_idx %arg10[%add3A_265, %broadcast_in_dim3A_276] : memref<128x128xf32, #tpu.memory_space<vmem>>[vector<16xi32>, vector<16xi32>], vector<16xf32>,
      %swap3A_278 = arith.index_cast %add3A_134 : i32 to index
      %swap3A_279 = arith.constant 80 : index
      %swap3A_280 = tpu.vector_load %arg18[%swap3A_278, %swap3A_279] {strides = array<i32>} : memref<33x128xf32, #tpu.memory_space<vmem>>, vector<16xf32>,
      tpu.vector_store %arg18[%swap3A_278, %swap3A_279], %gather3A_277 {strides = array<i32>} : memref<33x128xf32, #tpu.memory_space<vmem>>, vector<16xf32>,
      %broadcast_in_dim3A_281 = vector.broadcast %mul3A_79 : i32 to vector<16xi32>
      %gather3A_282 = tpu.vector_load_idx %arg10[%add3A_265, %broadcast_in_dim3A_281] : memref<128x128xf32, #tpu.memory_space<vmem>>[vector<16xi32>, vector<16xi32>], vector<16xf32>,
      %swap3A_283 = arith.index_cast %add3A_134 : i32 to index
      %swap3A_284 = arith.constant 80 : index
      %swap3A_285 = tpu.vector_load %arg19[%swap3A_283, %swap3A_284] {strides = array<i32>} : memref<33x128xf32, #tpu.memory_space<vmem>>, vector<16xf32>,
      tpu.vector_store %arg19[%swap3A_283, %swap3A_284], %gather3A_282 {strides = array<i32>} : memref<33x128xf32, #tpu.memory_space<vmem>>, vector<16xf32>,
      %iota3A_286 = tpu.iota {dimensions = array<i32: 0>} : vector<16xi32>
      %add3A_287 = arith.constant 96 : i32
      %add3A_288 = vector.broadcast %add3A_287 : i32 to vector<16xi32>
      %add3A_289 = arith.addi %iota3A_286, %add3A_288 : vector<16xi32>
      %broadcast_in_dim3A_290 = vector.broadcast %mul3A_69 : i32 to vector<16xi32>
      %gather3A_291 = tpu.vector_load_idx %arg13[%add3A_289, %broadcast_in_dim3A_290] : memref<128x128xf32, #tpu.memory_space<vmem>>[vector<16xi32>, vector<16xi32>], vector<16xf32>,
      %swap3A_292 = arith.index_cast %add3A_134 : i32 to index
      %swap3A_293 = arith.constant 96 : index
      %swap3A_294 = tpu.vector_load %arg16[%swap3A_292, %swap3A_293] {strides = array<i32>} : memref<33x128xf32, #tpu.memory_space<vmem>>, vector<16xf32>,
      tpu.vector_store %arg16[%swap3A_292, %swap3A_293], %gather3A_291 {strides = array<i32>} : memref<33x128xf32, #tpu.memory_space<vmem>>, vector<16xf32>,
      %broadcast_in_dim3A_295 = vector.broadcast %add3A_73 : i32 to vector<16xi32>
      %gather3A_296 = tpu.vector_load_idx %arg13[%add3A_289, %broadcast_in_dim3A_295] : memref<128x128xf32, #tpu.memory_space<vmem>>[vector<16xi32>, vector<16xi32>], vector<16xf32>,
      %swap3A_297 = arith.index_cast %add3A_134 : i32 to index
      %swap3A_298 = arith.constant 96 : index
      %swap3A_299 = tpu.vector_load %arg17[%swap3A_297, %swap3A_298] {strides = array<i32>} : memref<33x128xf32, #tpu.memory_space<vmem>>, vector<16xf32>,
      tpu.vector_store %arg17[%swap3A_297, %swap3A_298], %gather3A_296 {strides = array<i32>} : memref<33x128xf32, #tpu.memory_space<vmem>>, vector<16xf32>,
      %broadcast_in_dim3A_300 = vector.broadcast %add3A_77 : i32 to vector<16xi32>
      %gather3A_301 = tpu.vector_load_idx %arg10[%add3A_289, %broadcast_in_dim3A_300] : memref<128x128xf32, #tpu.memory_space<vmem>>[vector<16xi32>, vector<16xi32>], vector<16xf32>,
      %swap3A_302 = arith.index_cast %add3A_134 : i32 to index
      %swap3A_303 = arith.constant 96 : index
      %swap3A_304 = tpu.vector_load %arg18[%swap3A_302, %swap3A_303] {strides = array<i32>} : memref<33x128xf32, #tpu.memory_space<vmem>>, vector<16xf32>,
      tpu.vector_store %arg18[%swap3A_302, %swap3A_303], %gather3A_301 {strides = array<i32>} : memref<33x128xf32, #tpu.memory_space<vmem>>, vector<16xf32>,
      %broadcast_in_dim3A_305 = vector.broadcast %mul3A_79 : i32 to vector<16xi32>
      %gather3A_306 = tpu.vector_load_idx %arg10[%add3A_289, %broadcast_in_dim3A_305] : memref<128x128xf32, #tpu.memory_space<vmem>>[vector<16xi32>, vector<16xi32>], vector<16xf32>,
      %swap3A_307 = arith.index_cast %add3A_134 : i32 to index
      %swap3A_308 = arith.constant 96 : index
      %swap3A_309 = tpu.vector_load %arg19[%swap3A_307, %swap3A_308] {strides = array<i32>} : memref<33x128xf32, #tpu.memory_space<vmem>>, vector<16xf32>,
      tpu.vector_store %arg19[%swap3A_307, %swap3A_308], %gather3A_306 {strides = array<i32>} : memref<33x128xf32, #tpu.memory_space<vmem>>, vector<16xf32>,
      %iota3A_310 = tpu.iota {dimensions = array<i32: 0>} : vector<16xi32>
      %add3A_311 = arith.constant 112 : i32
      %add3A_312 = vector.broadcast %add3A_311 : i32 to vector<16xi32>
      %add3A_313 = arith.addi %iota3A_310, %add3A_312 : vector<16xi32>
      %broadcast_in_dim3A_314 = vector.broadcast %mul3A_69 : i32 to vector<16xi32>
      %gather3A_315 = tpu.vector_load_idx %arg13[%add3A_313, %broadcast_in_dim3A_314] : memref<128x128xf32, #tpu.memory_space<vmem>>[vector<16xi32>, vector<16xi32>], vector<16xf32>,
      %swap3A_316 = arith.index_cast %add3A_134 : i32 to index
      %swap3A_317 = arith.constant 112 : index
      %swap3A_318 = tpu.vector_load %arg16[%swap3A_316, %swap3A_317] {strides = array<i32>} : memref<33x128xf32, #tpu.memory_space<vmem>>, vector<16xf32>,
      tpu.vector_store %arg16[%swap3A_316, %swap3A_317], %gather3A_315 {strides = array<i32>} : memref<33x128xf32, #tpu.memory_space<vmem>>, vector<16xf32>,
      %broadcast_in_dim3A_319 = vector.broadcast %add3A_73 : i32 to vector<16xi32>
      %gather3A_320 = tpu.vector_load_idx %arg13[%add3A_313, %broadcast_in_dim3A_319] : memref<128x128xf32, #tpu.memory_space<vmem>>[vector<16xi32>, vector<16xi32>], vector<16xf32>,
      %swap3A_321 = arith.index_cast %add3A_134 : i32 to index
      %swap3A_322 = arith.constant 112 : index
      %swap3A_323 = tpu.vector_load %arg17[%swap3A_321, %swap3A_322] {strides = array<i32>} : memref<33x128xf32, #tpu.memory_space<vmem>>, vector<16xf32>,
      tpu.vector_store %arg17[%swap3A_321, %swap3A_322], %gather3A_320 {strides = array<i32>} : memref<33x128xf32, #tpu.memory_space<vmem>>, vector<16xf32>,
      %broadcast_in_dim3A_324 = vector.broadcast %add3A_77 : i32 to vector<16xi32>
      %gather3A_325 = tpu.vector_load_idx %arg10[%add3A_313, %broadcast_in_dim3A_324] : memref<128x128xf32, #tpu.memory_space<vmem>>[vector<16xi32>, vector<16xi32>], vector<16xf32>,
      %swap3A_326 = arith.index_cast %add3A_134 : i32 to index
      %swap3A_327 = arith.constant 112 : index
      %swap3A_328 = tpu.vector_load %arg18[%swap3A_326, %swap3A_327] {strides = array<i32>} : memref<33x128xf32, #tpu.memory_space<vmem>>, vector<16xf32>,
      tpu.vector_store %arg18[%swap3A_326, %swap3A_327], %gather3A_325 {strides = array<i32>} : memref<33x128xf32, #tpu.memory_space<vmem>>, vector<16xf32>,
      %broadcast_in_dim3A_329 = vector.broadcast %mul3A_79 : i32 to vector<16xi32>
      %gather3A_330 = tpu.vector_load_idx %arg10[%add3A_313, %broadcast_in_dim3A_329] : memref<128x128xf32, #tpu.memory_space<vmem>>[vector<16xi32>, vector<16xi32>], vector<16xf32>,
      %swap3A_331 = arith.index_cast %add3A_134 : i32 to index
      %swap3A_332 = arith.constant 112 : index
      %swap3A_333 = tpu.vector_load %arg19[%swap3A_331, %swap3A_332] {strides = array<i32>} : memref<33x128xf32, #tpu.memory_space<vmem>>, vector<16xf32>,
      tpu.vector_store %arg19[%swap3A_331, %swap3A_332], %gather3A_330 {strides = array<i32>} : memref<33x128xf32, #tpu.memory_space<vmem>>, vector<16xf32>,
      %add3A_334 = arith.constant 3 : i32
      %add3A_335 = arith.addi %add3A_134, %add3A_334 : i32
      %lt3A = arith.constant 33 : i32
      %lt3A_336 = arith.cmpi slt, %add3A_335, %lt3A : i32
      %convert_element_type3A = arith.extui %lt3A_336 : i1 to i32
      %cond3A = arith.constant 0 : i32
      %cond3A_337 = arith.cmpi ne, %convert_element_type3A, %cond3A : i32
      scf.if %cond3A_337 {
        %add3A_765 = arith.constant 3 : i32
        %add3A_766 = arith.addi %add3A_134, %add3A_765 : i32
        %dma_start3A_767 = arith.constant 0 : i32
        %dma_start3A_768 = tpu.memref_slice %arg9[%add3A_766, %dma_start3A_767] : memref<33x128xi32, #tpu.memory_space<vmem>> -> memref<1x128xi32, #tpu.memory_space<vmem>>
        %dma_start3A_769 = tpu.memref_squeeze %dma_start3A_768 : memref<1x128xi32, #tpu.memory_space<vmem>> -> memref<128xi32, #tpu.memory_space<vmem>>
        %dma_start3A_770 = arith.constant 0 : i32
        %dma_start3A_771 = arith.constant 0 : i32
        %dma_start3A_772 = tpu.memref_slice %arg2[%dma_start3A_770, %dma_start3A_771] : memref<100000x128xf32, #tpu.memory_space<hbm>> -> memref<100000x128xf32, #tpu.memory_space<hbm>>
        tpu.enqueue_indirect_dma source(%dma_start3A_772 : memref<100000x128xf32, #tpu.memory_space<hbm>>) target(%arg10 : memref<128x128xf32, #tpu.memory_space<vmem>>) offsets(%dma_start3A_769 : memref<128xi32, #tpu.memory_space<vmem>>) semaphore(%arg20 : memref<!tpu.dma_semaphore, #tpu.memory_space<semaphore_mem>>)
        %dma_start3A_773 = arith.constant 0 : i32
        %dma_start3A_774 = tpu.memref_slice %arg9[%add3A_766, %dma_start3A_773] : memref<33x128xi32, #tpu.memory_space<vmem>> -> memref<1x128xi32, #tpu.memory_space<vmem>>
        %dma_start3A_775 = tpu.memref_squeeze %dma_start3A_774 : memref<1x128xi32, #tpu.memory_space<vmem>> -> memref<128xi32, #tpu.memory_space<vmem>>
        %dma_start3A_776 = arith.constant 0 : i32
        %dma_start3A_777 = arith.constant 0 : i32
        %dma_start3A_778 = tpu.memref_slice %arg3[%dma_start3A_776, %dma_start3A_777] : memref<100000x128xf32, #tpu.memory_space<hbm>> -> memref<100000x128xf32, #tpu.memory_space<hbm>>
        tpu.enqueue_indirect_dma source(%dma_start3A_778 : memref<100000x128xf32, #tpu.memory_space<hbm>>) target(%arg13 : memref<128x128xf32, #tpu.memory_space<vmem>>) offsets(%dma_start3A_775 : memref<128xi32, #tpu.memory_space<vmem>>) semaphore(%arg20 : memref<!tpu.dma_semaphore, #tpu.memory_space<semaphore_mem>>)
      } else {
      }
      %add3A_338 = arith.constant 1 : i32
      %add3A_339 = arith.addi %mul3A_132, %add3A_338 : i32
      %dma_wait3A_340 = arith.constant 0 : i32
      %dma_wait3A_341 = tpu.memref_slice %arg9[%add3A_339, %dma_wait3A_340] : memref<33x128xi32, #tpu.memory_space<vmem>> -> memref<1x128xi32, #tpu.memory_space<vmem>>
      %dma_wait3A_342 = tpu.memref_squeeze %dma_wait3A_341 : memref<1x128xi32, #tpu.memory_space<vmem>> -> memref<128xi32, #tpu.memory_space<vmem>>
      %dma_wait3A_343 = arith.constant 0 : i32
      %dma_wait3A_344 = arith.constant 0 : i32
      %dma_wait3A_345 = tpu.memref_slice %arg2[%dma_wait3A_343, %dma_wait3A_344] : memref<100000x128xf32, #tpu.memory_space<hbm>> -> memref<100000x128xf32, #tpu.memory_space<hbm>>
      tpu.wait_indirect_dma semaphore(%arg21 : memref<!tpu.dma_semaphore, #tpu.memory_space<semaphore_mem>>) src(%dma_wait3A_345 : memref<100000x128xf32, #tpu.memory_space<hbm>>) dst(%arg11 : memref<128x128xf32, #tpu.memory_space<vmem>>)
      %dma_wait3A_346 = arith.constant 0 : i32
      %dma_wait3A_347 = tpu.memref_slice %arg9[%add3A_339, %dma_wait3A_346] : memref<33x128xi32, #tpu.memory_space<vmem>> -> memref<1x128xi32, #tpu.memory_space<vmem>>
      %dma_wait3A_348 = tpu.memref_squeeze %dma_wait3A_347 : memref<1x128xi32, #tpu.memory_space<vmem>> -> memref<128xi32, #tpu.memory_space<vmem>>
      %dma_wait3A_349 = arith.constant 0 : i32
      %dma_wait3A_350 = arith.constant 0 : i32
      %dma_wait3A_351 = tpu.memref_slice %arg3[%dma_wait3A_349, %dma_wait3A_350] : memref<100000x128xf32, #tpu.memory_space<hbm>> -> memref<100000x128xf32, #tpu.memory_space<hbm>>
      tpu.wait_indirect_dma semaphore(%arg21 : memref<!tpu.dma_semaphore, #tpu.memory_space<semaphore_mem>>) src(%dma_wait3A_351 : memref<100000x128xf32, #tpu.memory_space<hbm>>) dst(%arg14 : memref<128x128xf32, #tpu.memory_space<vmem>>)
      %iota3A_352 = tpu.iota {dimensions = array<i32: 0>} : vector<16xi32>
      %add3A_353 = arith.constant 0 : i32
      %add3A_354 = vector.broadcast %add3A_353 : i32 to vector<16xi32>
      %add3A_355 = arith.addi %iota3A_352, %add3A_354 : vector<16xi32>
      %broadcast_in_dim3A_356 = vector.broadcast %mul3A_69 : i32 to vector<16xi32>
      %gather3A_357 = tpu.vector_load_idx %arg14[%add3A_355, %broadcast_in_dim3A_356] : memref<128x128xf32, #tpu.memory_space<vmem>>[vector<16xi32>, vector<16xi32>], vector<16xf32>,
      %swap3A_358 = arith.index_cast %add3A_339 : i32 to index
      %swap3A_359 = arith.constant 0 : index
      %swap3A_360 = tpu.vector_load %arg16[%swap3A_358, %swap3A_359] {strides = array<i32>} : memref<33x128xf32, #tpu.memory_space<vmem>>, vector<16xf32>,
      tpu.vector_store %arg16[%swap3A_358, %swap3A_359], %gather3A_357 {strides = array<i32>} : memref<33x128xf32, #tpu.memory_space<vmem>>, vector<16xf32>,
      %broadcast_in_dim3A_361 = vector.broadcast %add3A_73 : i32 to vector<16xi32>
      %gather3A_362 = tpu.vector_load_idx %arg14[%add3A_355, %broadcast_in_dim3A_361] : memref<128x128xf32, #tpu.memory_space<vmem>>[vector<16xi32>, vector<16xi32>], vector<16xf32>,
      %swap3A_363 = arith.index_cast %add3A_339 : i32 to index
      %swap3A_364 = arith.constant 0 : index
      %swap3A_365 = tpu.vector_load %arg17[%swap3A_363, %swap3A_364] {strides = array<i32>} : memref<33x128xf32, #tpu.memory_space<vmem>>, vector<16xf32>,
      tpu.vector_store %arg17[%swap3A_363, %swap3A_364], %gather3A_362 {strides = array<i32>} : memref<33x128xf32, #tpu.memory_space<vmem>>, vector<16xf32>,
      %broadcast_in_dim3A_366 = vector.broadcast %add3A_77 : i32 to vector<16xi32>
      %gather3A_367 = tpu.vector_load_idx %arg11[%add3A_355, %broadcast_in_dim3A_366] : memref<128x128xf32, #tpu.memory_space<vmem>>[vector<16xi32>, vector<16xi32>], vector<16xf32>,
      %swap3A_368 = arith.index_cast %add3A_339 : i32 to index
      %swap3A_369 = arith.constant 0 : index
      %swap3A_370 = tpu.vector_load %arg18[%swap3A_368, %swap3A_369] {strides = array<i32>} : memref<33x128xf32, #tpu.memory_space<vmem>>, vector<16xf32>,
      tpu.vector_store %arg18[%swap3A_368, %swap3A_369], %gather3A_367 {strides = array<i32>} : memref<33x128xf32, #tpu.memory_space<vmem>>, vector<16xf32>,
      %broadcast_in_dim3A_371 = vector.broadcast %mul3A_79 : i32 to vector<16xi32>
      %gather3A_372 = tpu.vector_load_idx %arg11[%add3A_355, %broadcast_in_dim3A_371] : memref<128x128xf32, #tpu.memory_space<vmem>>[vector<16xi32>, vector<16xi32>], vector<16xf32>,
      %swap3A_373 = arith.index_cast %add3A_339 : i32 to index
      %swap3A_374 = arith.constant 0 : index
      %swap3A_375 = tpu.vector_load %arg19[%swap3A_373, %swap3A_374] {strides = array<i32>} : memref<33x128xf32, #tpu.memory_space<vmem>>, vector<16xf32>,
      tpu.vector_store %arg19[%swap3A_373, %swap3A_374], %gather3A_372 {strides = array<i32>} : memref<33x128xf32, #tpu.memory_space<vmem>>, vector<16xf32>,
      %iota3A_376 = tpu.iota {dimensions = array<i32: 0>} : vector<16xi32>
      %add3A_377 = arith.constant 16 : i32
      %add3A_378 = vector.broadcast %add3A_377 : i32 to vector<16xi32>
      %add3A_379 = arith.addi %iota3A_376, %add3A_378 : vector<16xi32>
      %broadcast_in_dim3A_380 = vector.broadcast %mul3A_69 : i32 to vector<16xi32>
      %gather3A_381 = tpu.vector_load_idx %arg14[%add3A_379, %broadcast_in_dim3A_380] : memref<128x128xf32, #tpu.memory_space<vmem>>[vector<16xi32>, vector<16xi32>], vector<16xf32>,
      %swap3A_382 = arith.index_cast %add3A_339 : i32 to index
      %swap3A_383 = arith.constant 16 : index
      %swap3A_384 = tpu.vector_load %arg16[%swap3A_382, %swap3A_383] {strides = array<i32>} : memref<33x128xf32, #tpu.memory_space<vmem>>, vector<16xf32>,
      tpu.vector_store %arg16[%swap3A_382, %swap3A_383], %gather3A_381 {strides = array<i32>} : memref<33x128xf32, #tpu.memory_space<vmem>>, vector<16xf32>,
      %broadcast_in_dim3A_385 = vector.broadcast %add3A_73 : i32 to vector<16xi32>
      %gather3A_386 = tpu.vector_load_idx %arg14[%add3A_379, %broadcast_in_dim3A_385] : memref<128x128xf32, #tpu.memory_space<vmem>>[vector<16xi32>, vector<16xi32>], vector<16xf32>,
      %swap3A_387 = arith.index_cast %add3A_339 : i32 to index
      %swap3A_388 = arith.constant 16 : index
      %swap3A_389 = tpu.vector_load %arg17[%swap3A_387, %swap3A_388] {strides = array<i32>} : memref<33x128xf32, #tpu.memory_space<vmem>>, vector<16xf32>,
      tpu.vector_store %arg17[%swap3A_387, %swap3A_388], %gather3A_386 {strides = array<i32>} : memref<33x128xf32, #tpu.memory_space<vmem>>, vector<16xf32>,
      %broadcast_in_dim3A_390 = vector.broadcast %add3A_77 : i32 to vector<16xi32>
      %gather3A_391 = tpu.vector_load_idx %arg11[%add3A_379, %broadcast_in_dim3A_390] : memref<128x128xf32, #tpu.memory_space<vmem>>[vector<16xi32>, vector<16xi32>], vector<16xf32>,
      %swap3A_392 = arith.index_cast %add3A_339 : i32 to index
      %swap3A_393 = arith.constant 16 : index
      %swap3A_394 = tpu.vector_load %arg18[%swap3A_392, %swap3A_393] {strides = array<i32>} : memref<33x128xf32, #tpu.memory_space<vmem>>, vector<16xf32>,
      tpu.vector_store %arg18[%swap3A_392, %swap3A_393], %gather3A_391 {strides = array<i32>} : memref<33x128xf32, #tpu.memory_space<vmem>>, vector<16xf32>,
      %broadcast_in_dim3A_395 = vector.broadcast %mul3A_79 : i32 to vector<16xi32>
      %gather3A_396 = tpu.vector_load_idx %arg11[%add3A_379, %broadcast_in_dim3A_395] : memref<128x128xf32, #tpu.memory_space<vmem>>[vector<16xi32>, vector<16xi32>], vector<16xf32>,
      %swap3A_397 = arith.index_cast %add3A_339 : i32 to index
      %swap3A_398 = arith.constant 16 : index
      %swap3A_399 = tpu.vector_load %arg19[%swap3A_397, %swap3A_398] {strides = array<i32>} : memref<33x128xf32, #tpu.memory_space<vmem>>, vector<16xf32>,
      tpu.vector_store %arg19[%swap3A_397, %swap3A_398], %gather3A_396 {strides = array<i32>} : memref<33x128xf32, #tpu.memory_space<vmem>>, vector<16xf32>,
      %iota3A_400 = tpu.iota {dimensions = array<i32: 0>} : vector<16xi32>
      %add3A_401 = arith.constant 32 : i32
      %add3A_402 = vector.broadcast %add3A_401 : i32 to vector<16xi32>
      %add3A_403 = arith.addi %iota3A_400, %add3A_402 : vector<16xi32>
      %broadcast_in_dim3A_404 = vector.broadcast %mul3A_69 : i32 to vector<16xi32>
      %gather3A_405 = tpu.vector_load_idx %arg14[%add3A_403, %broadcast_in_dim3A_404] : memref<128x128xf32, #tpu.memory_space<vmem>>[vector<16xi32>, vector<16xi32>], vector<16xf32>,
      %swap3A_406 = arith.index_cast %add3A_339 : i32 to index
      %swap3A_407 = arith.constant 32 : index
      %swap3A_408 = tpu.vector_load %arg16[%swap3A_406, %swap3A_407] {strides = array<i32>} : memref<33x128xf32, #tpu.memory_space<vmem>>, vector<16xf32>,
      tpu.vector_store %arg16[%swap3A_406, %swap3A_407], %gather3A_405 {strides = array<i32>} : memref<33x128xf32, #tpu.memory_space<vmem>>, vector<16xf32>,
      %broadcast_in_dim3A_409 = vector.broadcast %add3A_73 : i32 to vector<16xi32>
      %gather3A_410 = tpu.vector_load_idx %arg14[%add3A_403, %broadcast_in_dim3A_409] : memref<128x128xf32, #tpu.memory_space<vmem>>[vector<16xi32>, vector<16xi32>], vector<16xf32>,
      %swap3A_411 = arith.index_cast %add3A_339 : i32 to index
      %swap3A_412 = arith.constant 32 : index
      %swap3A_413 = tpu.vector_load %arg17[%swap3A_411, %swap3A_412] {strides = array<i32>} : memref<33x128xf32, #tpu.memory_space<vmem>>, vector<16xf32>,
      tpu.vector_store %arg17[%swap3A_411, %swap3A_412], %gather3A_410 {strides = array<i32>} : memref<33x128xf32, #tpu.memory_space<vmem>>, vector<16xf32>,
      %broadcast_in_dim3A_414 = vector.broadcast %add3A_77 : i32 to vector<16xi32>
      %gather3A_415 = tpu.vector_load_idx %arg11[%add3A_403, %broadcast_in_dim3A_414] : memref<128x128xf32, #tpu.memory_space<vmem>>[vector<16xi32>, vector<16xi32>], vector<16xf32>,
      %swap3A_416 = arith.index_cast %add3A_339 : i32 to index
      %swap3A_417 = arith.constant 32 : index
      %swap3A_418 = tpu.vector_load %arg18[%swap3A_416, %swap3A_417] {strides = array<i32>} : memref<33x128xf32, #tpu.memory_space<vmem>>, vector<16xf32>,
      tpu.vector_store %arg18[%swap3A_416, %swap3A_417], %gather3A_415 {strides = array<i32>} : memref<33x128xf32, #tpu.memory_space<vmem>>, vector<16xf32>,
      %broadcast_in_dim3A_419 = vector.broadcast %mul3A_79 : i32 to vector<16xi32>
      %gather3A_420 = tpu.vector_load_idx %arg11[%add3A_403, %broadcast_in_dim3A_419] : memref<128x128xf32, #tpu.memory_space<vmem>>[vector<16xi32>, vector<16xi32>], vector<16xf32>,
      %swap3A_421 = arith.index_cast %add3A_339 : i32 to index
      %swap3A_422 = arith.constant 32 : index
      %swap3A_423 = tpu.vector_load %arg19[%swap3A_421, %swap3A_422] {strides = array<i32>} : memref<33x128xf32, #tpu.memory_space<vmem>>, vector<16xf32>,
      tpu.vector_store %arg19[%swap3A_421, %swap3A_422], %gather3A_420 {strides = array<i32>} : memref<33x128xf32, #tpu.memory_space<vmem>>, vector<16xf32>,
      %iota3A_424 = tpu.iota {dimensions = array<i32: 0>} : vector<16xi32>
      %add3A_425 = arith.constant 48 : i32
      %add3A_426 = vector.broadcast %add3A_425 : i32 to vector<16xi32>
      %add3A_427 = arith.addi %iota3A_424, %add3A_426 : vector<16xi32>
      %broadcast_in_dim3A_428 = vector.broadcast %mul3A_69 : i32 to vector<16xi32>
      %gather3A_429 = tpu.vector_load_idx %arg14[%add3A_427, %broadcast_in_dim3A_428] : memref<128x128xf32, #tpu.memory_space<vmem>>[vector<16xi32>, vector<16xi32>], vector<16xf32>,
      %swap3A_430 = arith.index_cast %add3A_339 : i32 to index
      %swap3A_431 = arith.constant 48 : index
      %swap3A_432 = tpu.vector_load %arg16[%swap3A_430, %swap3A_431] {strides = array<i32>} : memref<33x128xf32, #tpu.memory_space<vmem>>, vector<16xf32>,
      tpu.vector_store %arg16[%swap3A_430, %swap3A_431], %gather3A_429 {strides = array<i32>} : memref<33x128xf32, #tpu.memory_space<vmem>>, vector<16xf32>,
      %broadcast_in_dim3A_433 = vector.broadcast %add3A_73 : i32 to vector<16xi32>
      %gather3A_434 = tpu.vector_load_idx %arg14[%add3A_427, %broadcast_in_dim3A_433] : memref<128x128xf32, #tpu.memory_space<vmem>>[vector<16xi32>, vector<16xi32>], vector<16xf32>,
      %swap3A_435 = arith.index_cast %add3A_339 : i32 to index
      %swap3A_436 = arith.constant 48 : index
      %swap3A_437 = tpu.vector_load %arg17[%swap3A_435, %swap3A_436] {strides = array<i32>} : memref<33x128xf32, #tpu.memory_space<vmem>>, vector<16xf32>,
      tpu.vector_store %arg17[%swap3A_435, %swap3A_436], %gather3A_434 {strides = array<i32>} : memref<33x128xf32, #tpu.memory_space<vmem>>, vector<16xf32>,
      %broadcast_in_dim3A_438 = vector.broadcast %add3A_77 : i32 to vector<16xi32>
      %gather3A_439 = tpu.vector_load_idx %arg11[%add3A_427, %broadcast_in_dim3A_438] : memref<128x128xf32, #tpu.memory_space<vmem>>[vector<16xi32>, vector<16xi32>], vector<16xf32>,
      %swap3A_440 = arith.index_cast %add3A_339 : i32 to index
      %swap3A_441 = arith.constant 48 : index
      %swap3A_442 = tpu.vector_load %arg18[%swap3A_440, %swap3A_441] {strides = array<i32>} : memref<33x128xf32, #tpu.memory_space<vmem>>, vector<16xf32>,
      tpu.vector_store %arg18[%swap3A_440, %swap3A_441], %gather3A_439 {strides = array<i32>} : memref<33x128xf32, #tpu.memory_space<vmem>>, vector<16xf32>,
      %broadcast_in_dim3A_443 = vector.broadcast %mul3A_79 : i32 to vector<16xi32>
      %gather3A_444 = tpu.vector_load_idx %arg11[%add3A_427, %broadcast_in_dim3A_443] : memref<128x128xf32, #tpu.memory_space<vmem>>[vector<16xi32>, vector<16xi32>], vector<16xf32>,
      %swap3A_445 = arith.index_cast %add3A_339 : i32 to index
      %swap3A_446 = arith.constant 48 : index
      %swap3A_447 = tpu.vector_load %arg19[%swap3A_445, %swap3A_446] {strides = array<i32>} : memref<33x128xf32, #tpu.memory_space<vmem>>, vector<16xf32>,
      tpu.vector_store %arg19[%swap3A_445, %swap3A_446], %gather3A_444 {strides = array<i32>} : memref<33x128xf32, #tpu.memory_space<vmem>>, vector<16xf32>,
      %iota3A_448 = tpu.iota {dimensions = array<i32: 0>} : vector<16xi32>
      %add3A_449 = arith.constant 64 : i32
      %add3A_450 = vector.broadcast %add3A_449 : i32 to vector<16xi32>
      %add3A_451 = arith.addi %iota3A_448, %add3A_450 : vector<16xi32>
      %broadcast_in_dim3A_452 = vector.broadcast %mul3A_69 : i32 to vector<16xi32>
      %gather3A_453 = tpu.vector_load_idx %arg14[%add3A_451, %broadcast_in_dim3A_452] : memref<128x128xf32, #tpu.memory_space<vmem>>[vector<16xi32>, vector<16xi32>], vector<16xf32>,
      %swap3A_454 = arith.index_cast %add3A_339 : i32 to index
      %swap3A_455 = arith.constant 64 : index
      %swap3A_456 = tpu.vector_load %arg16[%swap3A_454, %swap3A_455] {strides = array<i32>} : memref<33x128xf32, #tpu.memory_space<vmem>>, vector<16xf32>,
      tpu.vector_store %arg16[%swap3A_454, %swap3A_455], %gather3A_453 {strides = array<i32>} : memref<33x128xf32, #tpu.memory_space<vmem>>, vector<16xf32>,
      %broadcast_in_dim3A_457 = vector.broadcast %add3A_73 : i32 to vector<16xi32>
      %gather3A_458 = tpu.vector_load_idx %arg14[%add3A_451, %broadcast_in_dim3A_457] : memref<128x128xf32, #tpu.memory_space<vmem>>[vector<16xi32>, vector<16xi32>], vector<16xf32>,
      %swap3A_459 = arith.index_cast %add3A_339 : i32 to index
      %swap3A_460 = arith.constant 64 : index
      %swap3A_461 = tpu.vector_load %arg17[%swap3A_459, %swap3A_460] {strides = array<i32>} : memref<33x128xf32, #tpu.memory_space<vmem>>, vector<16xf32>,
      tpu.vector_store %arg17[%swap3A_459, %swap3A_460], %gather3A_458 {strides = array<i32>} : memref<33x128xf32, #tpu.memory_space<vmem>>, vector<16xf32>,
      %broadcast_in_dim3A_462 = vector.broadcast %add3A_77 : i32 to vector<16xi32>
      %gather3A_463 = tpu.vector_load_idx %arg11[%add3A_451, %broadcast_in_dim3A_462] : memref<128x128xf32, #tpu.memory_space<vmem>>[vector<16xi32>, vector<16xi32>], vector<16xf32>,
      %swap3A_464 = arith.index_cast %add3A_339 : i32 to index
      %swap3A_465 = arith.constant 64 : index
      %swap3A_466 = tpu.vector_load %arg18[%swap3A_464, %swap3A_465] {strides = array<i32>} : memref<33x128xf32, #tpu.memory_space<vmem>>, vector<16xf32>,
      tpu.vector_store %arg18[%swap3A_464, %swap3A_465], %gather3A_463 {strides = array<i32>} : memref<33x128xf32, #tpu.memory_space<vmem>>, vector<16xf32>,
      %broadcast_in_dim3A_467 = vector.broadcast %mul3A_79 : i32 to vector<16xi32>
      %gather3A_468 = tpu.vector_load_idx %arg11[%add3A_451, %broadcast_in_dim3A_467] : memref<128x128xf32, #tpu.memory_space<vmem>>[vector<16xi32>, vector<16xi32>], vector<16xf32>,
      %swap3A_469 = arith.index_cast %add3A_339 : i32 to index
      %swap3A_470 = arith.constant 64 : index
      %swap3A_471 = tpu.vector_load %arg19[%swap3A_469, %swap3A_470] {strides = array<i32>} : memref<33x128xf32, #tpu.memory_space<vmem>>, vector<16xf32>,
      tpu.vector_store %arg19[%swap3A_469, %swap3A_470], %gather3A_468 {strides = array<i32>} : memref<33x128xf32, #tpu.memory_space<vmem>>, vector<16xf32>,
      %iota3A_472 = tpu.iota {dimensions = array<i32: 0>} : vector<16xi32>
      %add3A_473 = arith.constant 80 : i32
      %add3A_474 = vector.broadcast %add3A_473 : i32 to vector<16xi32>
      %add3A_475 = arith.addi %iota3A_472, %add3A_474 : vector<16xi32>
      %broadcast_in_dim3A_476 = vector.broadcast %mul3A_69 : i32 to vector<16xi32>
      %gather3A_477 = tpu.vector_load_idx %arg14[%add3A_475, %broadcast_in_dim3A_476] : memref<128x128xf32, #tpu.memory_space<vmem>>[vector<16xi32>, vector<16xi32>], vector<16xf32>,
      %swap3A_478 = arith.index_cast %add3A_339 : i32 to index
      %swap3A_479 = arith.constant 80 : index
      %swap3A_480 = tpu.vector_load %arg16[%swap3A_478, %swap3A_479] {strides = array<i32>} : memref<33x128xf32, #tpu.memory_space<vmem>>, vector<16xf32>,
      tpu.vector_store %arg16[%swap3A_478, %swap3A_479], %gather3A_477 {strides = array<i32>} : memref<33x128xf32, #tpu.memory_space<vmem>>, vector<16xf32>,
      %broadcast_in_dim3A_481 = vector.broadcast %add3A_73 : i32 to vector<16xi32>
      %gather3A_482 = tpu.vector_load_idx %arg14[%add3A_475, %broadcast_in_dim3A_481] : memref<128x128xf32, #tpu.memory_space<vmem>>[vector<16xi32>, vector<16xi32>], vector<16xf32>,
      %swap3A_483 = arith.index_cast %add3A_339 : i32 to index
      %swap3A_484 = arith.constant 80 : index
      %swap3A_485 = tpu.vector_load %arg17[%swap3A_483, %swap3A_484] {strides = array<i32>} : memref<33x128xf32, #tpu.memory_space<vmem>>, vector<16xf32>,
      tpu.vector_store %arg17[%swap3A_483, %swap3A_484], %gather3A_482 {strides = array<i32>} : memref<33x128xf32, #tpu.memory_space<vmem>>, vector<16xf32>,
      %broadcast_in_dim3A_486 = vector.broadcast %add3A_77 : i32 to vector<16xi32>
      %gather3A_487 = tpu.vector_load_idx %arg11[%add3A_475, %broadcast_in_dim3A_486] : memref<128x128xf32, #tpu.memory_space<vmem>>[vector<16xi32>, vector<16xi32>], vector<16xf32>,
      %swap3A_488 = arith.index_cast %add3A_339 : i32 to index
      %swap3A_489 = arith.constant 80 : index
      %swap3A_490 = tpu.vector_load %arg18[%swap3A_488, %swap3A_489] {strides = array<i32>} : memref<33x128xf32, #tpu.memory_space<vmem>>, vector<16xf32>,
      tpu.vector_store %arg18[%swap3A_488, %swap3A_489], %gather3A_487 {strides = array<i32>} : memref<33x128xf32, #tpu.memory_space<vmem>>, vector<16xf32>,
      %broadcast_in_dim3A_491 = vector.broadcast %mul3A_79 : i32 to vector<16xi32>
      %gather3A_492 = tpu.vector_load_idx %arg11[%add3A_475, %broadcast_in_dim3A_491] : memref<128x128xf32, #tpu.memory_space<vmem>>[vector<16xi32>, vector<16xi32>], vector<16xf32>,
      %swap3A_493 = arith.index_cast %add3A_339 : i32 to index
      %swap3A_494 = arith.constant 80 : index
      %swap3A_495 = tpu.vector_load %arg19[%swap3A_493, %swap3A_494] {strides = array<i32>} : memref<33x128xf32, #tpu.memory_space<vmem>>, vector<16xf32>,
      tpu.vector_store %arg19[%swap3A_493, %swap3A_494], %gather3A_492 {strides = array<i32>} : memref<33x128xf32, #tpu.memory_space<vmem>>, vector<16xf32>,
      %iota3A_496 = tpu.iota {dimensions = array<i32: 0>} : vector<16xi32>
      %add3A_497 = arith.constant 96 : i32
      %add3A_498 = vector.broadcast %add3A_497 : i32 to vector<16xi32>
      %add3A_499 = arith.addi %iota3A_496, %add3A_498 : vector<16xi32>
      %broadcast_in_dim3A_500 = vector.broadcast %mul3A_69 : i32 to vector<16xi32>
      %gather3A_501 = tpu.vector_load_idx %arg14[%add3A_499, %broadcast_in_dim3A_500] : memref<128x128xf32, #tpu.memory_space<vmem>>[vector<16xi32>, vector<16xi32>], vector<16xf32>,
      %swap3A_502 = arith.index_cast %add3A_339 : i32 to index
      %swap3A_503 = arith.constant 96 : index
      %swap3A_504 = tpu.vector_load %arg16[%swap3A_502, %swap3A_503] {strides = array<i32>} : memref<33x128xf32, #tpu.memory_space<vmem>>, vector<16xf32>,
      tpu.vector_store %arg16[%swap3A_502, %swap3A_503], %gather3A_501 {strides = array<i32>} : memref<33x128xf32, #tpu.memory_space<vmem>>, vector<16xf32>,
      %broadcast_in_dim3A_505 = vector.broadcast %add3A_73 : i32 to vector<16xi32>
      %gather3A_506 = tpu.vector_load_idx %arg14[%add3A_499, %broadcast_in_dim3A_505] : memref<128x128xf32, #tpu.memory_space<vmem>>[vector<16xi32>, vector<16xi32>], vector<16xf32>,
      %swap3A_507 = arith.index_cast %add3A_339 : i32 to index
      %swap3A_508 = arith.constant 96 : index
      %swap3A_509 = tpu.vector_load %arg17[%swap3A_507, %swap3A_508] {strides = array<i32>} : memref<33x128xf32, #tpu.memory_space<vmem>>, vector<16xf32>,
      tpu.vector_store %arg17[%swap3A_507, %swap3A_508], %gather3A_506 {strides = array<i32>} : memref<33x128xf32, #tpu.memory_space<vmem>>, vector<16xf32>,
      %broadcast_in_dim3A_510 = vector.broadcast %add3A_77 : i32 to vector<16xi32>
      %gather3A_511 = tpu.vector_load_idx %arg11[%add3A_499, %broadcast_in_dim3A_510] : memref<128x128xf32, #tpu.memory_space<vmem>>[vector<16xi32>, vector<16xi32>], vector<16xf32>,
      %swap3A_512 = arith.index_cast %add3A_339 : i32 to index
      %swap3A_513 = arith.constant 96 : index
      %swap3A_514 = tpu.vector_load %arg18[%swap3A_512, %swap3A_513] {strides = array<i32>} : memref<33x128xf32, #tpu.memory_space<vmem>>, vector<16xf32>,
      tpu.vector_store %arg18[%swap3A_512, %swap3A_513], %gather3A_511 {strides = array<i32>} : memref<33x128xf32, #tpu.memory_space<vmem>>, vector<16xf32>,
      %broadcast_in_dim3A_515 = vector.broadcast %mul3A_79 : i32 to vector<16xi32>
      %gather3A_516 = tpu.vector_load_idx %arg11[%add3A_499, %broadcast_in_dim3A_515] : memref<128x128xf32, #tpu.memory_space<vmem>>[vector<16xi32>, vector<16xi32>], vector<16xf32>,
      %swap3A_517 = arith.index_cast %add3A_339 : i32 to index
      %swap3A_518 = arith.constant 96 : index
      %swap3A_519 = tpu.vector_load %arg19[%swap3A_517, %swap3A_518] {strides = array<i32>} : memref<33x128xf32, #tpu.memory_space<vmem>>, vector<16xf32>,
      tpu.vector_store %arg19[%swap3A_517, %swap3A_518], %gather3A_516 {strides = array<i32>} : memref<33x128xf32, #tpu.memory_space<vmem>>, vector<16xf32>,
      %iota3A_520 = tpu.iota {dimensions = array<i32: 0>} : vector<16xi32>
      %add3A_521 = arith.constant 112 : i32
      %add3A_522 = vector.broadcast %add3A_521 : i32 to vector<16xi32>
      %add3A_523 = arith.addi %iota3A_520, %add3A_522 : vector<16xi32>
      %broadcast_in_dim3A_524 = vector.broadcast %mul3A_69 : i32 to vector<16xi32>
      %gather3A_525 = tpu.vector_load_idx %arg14[%add3A_523, %broadcast_in_dim3A_524] : memref<128x128xf32, #tpu.memory_space<vmem>>[vector<16xi32>, vector<16xi32>], vector<16xf32>,
      %swap3A_526 = arith.index_cast %add3A_339 : i32 to index
      %swap3A_527 = arith.constant 112 : index
      %swap3A_528 = tpu.vector_load %arg16[%swap3A_526, %swap3A_527] {strides = array<i32>} : memref<33x128xf32, #tpu.memory_space<vmem>>, vector<16xf32>,
      tpu.vector_store %arg16[%swap3A_526, %swap3A_527], %gather3A_525 {strides = array<i32>} : memref<33x128xf32, #tpu.memory_space<vmem>>, vector<16xf32>,
      %broadcast_in_dim3A_529 = vector.broadcast %add3A_73 : i32 to vector<16xi32>
      %gather3A_530 = tpu.vector_load_idx %arg14[%add3A_523, %broadcast_in_dim3A_529] : memref<128x128xf32, #tpu.memory_space<vmem>>[vector<16xi32>, vector<16xi32>], vector<16xf32>,
      %swap3A_531 = arith.index_cast %add3A_339 : i32 to index
      %swap3A_532 = arith.constant 112 : index
      %swap3A_533 = tpu.vector_load %arg17[%swap3A_531, %swap3A_532] {strides = array<i32>} : memref<33x128xf32, #tpu.memory_space<vmem>>, vector<16xf32>,
      tpu.vector_store %arg17[%swap3A_531, %swap3A_532], %gather3A_530 {strides = array<i32>} : memref<33x128xf32, #tpu.memory_space<vmem>>, vector<16xf32>,
      %broadcast_in_dim3A_534 = vector.broadcast %add3A_77 : i32 to vector<16xi32>
      %gather3A_535 = tpu.vector_load_idx %arg11[%add3A_523, %broadcast_in_dim3A_534] : memref<128x128xf32, #tpu.memory_space<vmem>>[vector<16xi32>, vector<16xi32>], vector<16xf32>,
      %swap3A_536 = arith.index_cast %add3A_339 : i32 to index
      %swap3A_537 = arith.constant 112 : index
      %swap3A_538 = tpu.vector_load %arg18[%swap3A_536, %swap3A_537] {strides = array<i32>} : memref<33x128xf32, #tpu.memory_space<vmem>>, vector<16xf32>,
      tpu.vector_store %arg18[%swap3A_536, %swap3A_537], %gather3A_535 {strides = array<i32>} : memref<33x128xf32, #tpu.memory_space<vmem>>, vector<16xf32>,
      %broadcast_in_dim3A_539 = vector.broadcast %mul3A_79 : i32 to vector<16xi32>
      %gather3A_540 = tpu.vector_load_idx %arg11[%add3A_523, %broadcast_in_dim3A_539] : memref<128x128xf32, #tpu.memory_space<vmem>>[vector<16xi32>, vector<16xi32>], vector<16xf32>,
      %swap3A_541 = arith.index_cast %add3A_339 : i32 to index
      %swap3A_542 = arith.constant 112 : index
      %swap3A_543 = tpu.vector_load %arg19[%swap3A_541, %swap3A_542] {strides = array<i32>} : memref<33x128xf32, #tpu.memory_space<vmem>>, vector<16xf32>,
      tpu.vector_store %arg19[%swap3A_541, %swap3A_542], %gather3A_540 {strides = array<i32>} : memref<33x128xf32, #tpu.memory_space<vmem>>, vector<16xf32>,
      %add3A_544 = arith.constant 3 : i32
      %add3A_545 = arith.addi %add3A_339, %add3A_544 : i32
      %lt3A_546 = arith.constant 33 : i32
      %lt3A_547 = arith.cmpi slt, %add3A_545, %lt3A_546 : i32
      %convert_element_type3A_548 = arith.extui %lt3A_547 : i1 to i32
      %cond3A_549 = arith.constant 0 : i32
      %cond3A_550 = arith.cmpi ne, %convert_element_type3A_548, %cond3A_549 : i32
      scf.if %cond3A_550 {
        %add3A_765 = arith.constant 3 : i32
        %add3A_766 = arith.addi %add3A_339, %add3A_765 : i32
        %dma_start3A_767 = arith.constant 0 : i32
        %dma_start3A_768 = tpu.memref_slice %arg9[%add3A_766, %dma_start3A_767] : memref<33x128xi32, #tpu.memory_space<vmem>> -> memref<1x128xi32, #tpu.memory_space<vmem>>
        %dma_start3A_769 = tpu.memref_squeeze %dma_start3A_768 : memref<1x128xi32, #tpu.memory_space<vmem>> -> memref<128xi32, #tpu.memory_space<vmem>>
        %dma_start3A_770 = arith.constant 0 : i32
        %dma_start3A_771 = arith.constant 0 : i32
        %dma_start3A_772 = tpu.memref_slice %arg2[%dma_start3A_770, %dma_start3A_771] : memref<100000x128xf32, #tpu.memory_space<hbm>> -> memref<100000x128xf32, #tpu.memory_space<hbm>>
        tpu.enqueue_indirect_dma source(%dma_start3A_772 : memref<100000x128xf32, #tpu.memory_space<hbm>>) target(%arg11 : memref<128x128xf32, #tpu.memory_space<vmem>>) offsets(%dma_start3A_769 : memref<128xi32, #tpu.memory_space<vmem>>) semaphore(%arg21 : memref<!tpu.dma_semaphore, #tpu.memory_space<semaphore_mem>>)
        %dma_start3A_773 = arith.constant 0 : i32
        %dma_start3A_774 = tpu.memref_slice %arg9[%add3A_766, %dma_start3A_773] : memref<33x128xi32, #tpu.memory_space<vmem>> -> memref<1x128xi32, #tpu.memory_space<vmem>>
        %dma_start3A_775 = tpu.memref_squeeze %dma_start3A_774 : memref<1x128xi32, #tpu.memory_space<vmem>> -> memref<128xi32, #tpu.memory_space<vmem>>
        %dma_start3A_776 = arith.constant 0 : i32
        %dma_start3A_777 = arith.constant 0 : i32
        %dma_start3A_778 = tpu.memref_slice %arg3[%dma_start3A_776, %dma_start3A_777] : memref<100000x128xf32, #tpu.memory_space<hbm>> -> memref<100000x128xf32, #tpu.memory_space<hbm>>
        tpu.enqueue_indirect_dma source(%dma_start3A_778 : memref<100000x128xf32, #tpu.memory_space<hbm>>) target(%arg14 : memref<128x128xf32, #tpu.memory_space<vmem>>) offsets(%dma_start3A_775 : memref<128xi32, #tpu.memory_space<vmem>>) semaphore(%arg21 : memref<!tpu.dma_semaphore, #tpu.memory_space<semaphore_mem>>)
      } else {
      }
      %add3A_551 = arith.constant 2 : i32
      %add3A_552 = arith.addi %mul3A_132, %add3A_551 : i32
      %dma_wait3A_553 = arith.constant 0 : i32
      %dma_wait3A_554 = tpu.memref_slice %arg9[%add3A_552, %dma_wait3A_553] : memref<33x128xi32, #tpu.memory_space<vmem>> -> memref<1x128xi32, #tpu.memory_space<vmem>>
      %dma_wait3A_555 = tpu.memref_squeeze %dma_wait3A_554 : memref<1x128xi32, #tpu.memory_space<vmem>> -> memref<128xi32, #tpu.memory_space<vmem>>
      %dma_wait3A_556 = arith.constant 0 : i32
      %dma_wait3A_557 = arith.constant 0 : i32
      %dma_wait3A_558 = tpu.memref_slice %arg2[%dma_wait3A_556, %dma_wait3A_557] : memref<100000x128xf32, #tpu.memory_space<hbm>> -> memref<100000x128xf32, #tpu.memory_space<hbm>>
      tpu.wait_indirect_dma semaphore(%arg22 : memref<!tpu.dma_semaphore, #tpu.memory_space<semaphore_mem>>) src(%dma_wait3A_558 : memref<100000x128xf32, #tpu.memory_space<hbm>>) dst(%arg12 : memref<128x128xf32, #tpu.memory_space<vmem>>)
      %dma_wait3A_559 = arith.constant 0 : i32
      %dma_wait3A_560 = tpu.memref_slice %arg9[%add3A_552, %dma_wait3A_559] : memref<33x128xi32, #tpu.memory_space<vmem>> -> memref<1x128xi32, #tpu.memory_space<vmem>>
      %dma_wait3A_561 = tpu.memref_squeeze %dma_wait3A_560 : memref<1x128xi32, #tpu.memory_space<vmem>> -> memref<128xi32, #tpu.memory_space<vmem>>
      %dma_wait3A_562 = arith.constant 0 : i32
      %dma_wait3A_563 = arith.constant 0 : i32
      %dma_wait3A_564 = tpu.memref_slice %arg3[%dma_wait3A_562, %dma_wait3A_563] : memref<100000x128xf32, #tpu.memory_space<hbm>> -> memref<100000x128xf32, #tpu.memory_space<hbm>>
      tpu.wait_indirect_dma semaphore(%arg22 : memref<!tpu.dma_semaphore, #tpu.memory_space<semaphore_mem>>) src(%dma_wait3A_564 : memref<100000x128xf32, #tpu.memory_space<hbm>>) dst(%arg15 : memref<128x128xf32, #tpu.memory_space<vmem>>)
      %iota3A_565 = tpu.iota {dimensions = array<i32: 0>} : vector<16xi32>
      %add3A_566 = arith.constant 0 : i32
      %add3A_567 = vector.broadcast %add3A_566 : i32 to vector<16xi32>
      %add3A_568 = arith.addi %iota3A_565, %add3A_567 : vector<16xi32>
      %broadcast_in_dim3A_569 = vector.broadcast %mul3A_69 : i32 to vector<16xi32>
      %gather3A_570 = tpu.vector_load_idx %arg15[%add3A_568, %broadcast_in_dim3A_569] : memref<128x128xf32, #tpu.memory_space<vmem>>[vector<16xi32>, vector<16xi32>], vector<16xf32>,
      %swap3A_571 = arith.index_cast %add3A_552 : i32 to index
      %swap3A_572 = arith.constant 0 : index
      %swap3A_573 = tpu.vector_load %arg16[%swap3A_571, %swap3A_572] {strides = array<i32>} : memref<33x128xf32, #tpu.memory_space<vmem>>, vector<16xf32>,
      tpu.vector_store %arg16[%swap3A_571, %swap3A_572], %gather3A_570 {strides = array<i32>} : memref<33x128xf32, #tpu.memory_space<vmem>>, vector<16xf32>,
      %broadcast_in_dim3A_574 = vector.broadcast %add3A_73 : i32 to vector<16xi32>
      %gather3A_575 = tpu.vector_load_idx %arg15[%add3A_568, %broadcast_in_dim3A_574] : memref<128x128xf32, #tpu.memory_space<vmem>>[vector<16xi32>, vector<16xi32>], vector<16xf32>,
      %swap3A_576 = arith.index_cast %add3A_552 : i32 to index
      %swap3A_577 = arith.constant 0 : index
      %swap3A_578 = tpu.vector_load %arg17[%swap3A_576, %swap3A_577] {strides = array<i32>} : memref<33x128xf32, #tpu.memory_space<vmem>>, vector<16xf32>,
      tpu.vector_store %arg17[%swap3A_576, %swap3A_577], %gather3A_575 {strides = array<i32>} : memref<33x128xf32, #tpu.memory_space<vmem>>, vector<16xf32>,
      %broadcast_in_dim3A_579 = vector.broadcast %add3A_77 : i32 to vector<16xi32>
      %gather3A_580 = tpu.vector_load_idx %arg12[%add3A_568, %broadcast_in_dim3A_579] : memref<128x128xf32, #tpu.memory_space<vmem>>[vector<16xi32>, vector<16xi32>], vector<16xf32>,
      %swap3A_581 = arith.index_cast %add3A_552 : i32 to index
      %swap3A_582 = arith.constant 0 : index
      %swap3A_583 = tpu.vector_load %arg18[%swap3A_581, %swap3A_582] {strides = array<i32>} : memref<33x128xf32, #tpu.memory_space<vmem>>, vector<16xf32>,
      tpu.vector_store %arg18[%swap3A_581, %swap3A_582], %gather3A_580 {strides = array<i32>} : memref<33x128xf32, #tpu.memory_space<vmem>>, vector<16xf32>,
      %broadcast_in_dim3A_584 = vector.broadcast %mul3A_79 : i32 to vector<16xi32>
      %gather3A_585 = tpu.vector_load_idx %arg12[%add3A_568, %broadcast_in_dim3A_584] : memref<128x128xf32, #tpu.memory_space<vmem>>[vector<16xi32>, vector<16xi32>], vector<16xf32>,
      %swap3A_586 = arith.index_cast %add3A_552 : i32 to index
      %swap3A_587 = arith.constant 0 : index
      %swap3A_588 = tpu.vector_load %arg19[%swap3A_586, %swap3A_587] {strides = array<i32>} : memref<33x128xf32, #tpu.memory_space<vmem>>, vector<16xf32>,
      tpu.vector_store %arg19[%swap3A_586, %swap3A_587], %gather3A_585 {strides = array<i32>} : memref<33x128xf32, #tpu.memory_space<vmem>>, vector<16xf32>,
      %iota3A_589 = tpu.iota {dimensions = array<i32: 0>} : vector<16xi32>
      %add3A_590 = arith.constant 16 : i32
      %add3A_591 = vector.broadcast %add3A_590 : i32 to vector<16xi32>
      %add3A_592 = arith.addi %iota3A_589, %add3A_591 : vector<16xi32>
      %broadcast_in_dim3A_593 = vector.broadcast %mul3A_69 : i32 to vector<16xi32>
      %gather3A_594 = tpu.vector_load_idx %arg15[%add3A_592, %broadcast_in_dim3A_593] : memref<128x128xf32, #tpu.memory_space<vmem>>[vector<16xi32>, vector<16xi32>], vector<16xf32>,
      %swap3A_595 = arith.index_cast %add3A_552 : i32 to index
      %swap3A_596 = arith.constant 16 : index
      %swap3A_597 = tpu.vector_load %arg16[%swap3A_595, %swap3A_596] {strides = array<i32>} : memref<33x128xf32, #tpu.memory_space<vmem>>, vector<16xf32>,
      tpu.vector_store %arg16[%swap3A_595, %swap3A_596], %gather3A_594 {strides = array<i32>} : memref<33x128xf32, #tpu.memory_space<vmem>>, vector<16xf32>,
      %broadcast_in_dim3A_598 = vector.broadcast %add3A_73 : i32 to vector<16xi32>
      %gather3A_599 = tpu.vector_load_idx %arg15[%add3A_592, %broadcast_in_dim3A_598] : memref<128x128xf32, #tpu.memory_space<vmem>>[vector<16xi32>, vector<16xi32>], vector<16xf32>,
      %swap3A_600 = arith.index_cast %add3A_552 : i32 to index
      %swap3A_601 = arith.constant 16 : index
      %swap3A_602 = tpu.vector_load %arg17[%swap3A_600, %swap3A_601] {strides = array<i32>} : memref<33x128xf32, #tpu.memory_space<vmem>>, vector<16xf32>,
      tpu.vector_store %arg17[%swap3A_600, %swap3A_601], %gather3A_599 {strides = array<i32>} : memref<33x128xf32, #tpu.memory_space<vmem>>, vector<16xf32>,
      %broadcast_in_dim3A_603 = vector.broadcast %add3A_77 : i32 to vector<16xi32>
      %gather3A_604 = tpu.vector_load_idx %arg12[%add3A_592, %broadcast_in_dim3A_603] : memref<128x128xf32, #tpu.memory_space<vmem>>[vector<16xi32>, vector<16xi32>], vector<16xf32>,
      %swap3A_605 = arith.index_cast %add3A_552 : i32 to index
      %swap3A_606 = arith.constant 16 : index
      %swap3A_607 = tpu.vector_load %arg18[%swap3A_605, %swap3A_606] {strides = array<i32>} : memref<33x128xf32, #tpu.memory_space<vmem>>, vector<16xf32>,
      tpu.vector_store %arg18[%swap3A_605, %swap3A_606], %gather3A_604 {strides = array<i32>} : memref<33x128xf32, #tpu.memory_space<vmem>>, vector<16xf32>,
      %broadcast_in_dim3A_608 = vector.broadcast %mul3A_79 : i32 to vector<16xi32>
      %gather3A_609 = tpu.vector_load_idx %arg12[%add3A_592, %broadcast_in_dim3A_608] : memref<128x128xf32, #tpu.memory_space<vmem>>[vector<16xi32>, vector<16xi32>], vector<16xf32>,
      %swap3A_610 = arith.index_cast %add3A_552 : i32 to index
      %swap3A_611 = arith.constant 16 : index
      %swap3A_612 = tpu.vector_load %arg19[%swap3A_610, %swap3A_611] {strides = array<i32>} : memref<33x128xf32, #tpu.memory_space<vmem>>, vector<16xf32>,
      tpu.vector_store %arg19[%swap3A_610, %swap3A_611], %gather3A_609 {strides = array<i32>} : memref<33x128xf32, #tpu.memory_space<vmem>>, vector<16xf32>,
      %iota3A_613 = tpu.iota {dimensions = array<i32: 0>} : vector<16xi32>
      %add3A_614 = arith.constant 32 : i32
      %add3A_615 = vector.broadcast %add3A_614 : i32 to vector<16xi32>
      %add3A_616 = arith.addi %iota3A_613, %add3A_615 : vector<16xi32>
      %broadcast_in_dim3A_617 = vector.broadcast %mul3A_69 : i32 to vector<16xi32>
      %gather3A_618 = tpu.vector_load_idx %arg15[%add3A_616, %broadcast_in_dim3A_617] : memref<128x128xf32, #tpu.memory_space<vmem>>[vector<16xi32>, vector<16xi32>], vector<16xf32>,
      %swap3A_619 = arith.index_cast %add3A_552 : i32 to index
      %swap3A_620 = arith.constant 32 : index
      %swap3A_621 = tpu.vector_load %arg16[%swap3A_619, %swap3A_620] {strides = array<i32>} : memref<33x128xf32, #tpu.memory_space<vmem>>, vector<16xf32>,
      tpu.vector_store %arg16[%swap3A_619, %swap3A_620], %gather3A_618 {strides = array<i32>} : memref<33x128xf32, #tpu.memory_space<vmem>>, vector<16xf32>,
      %broadcast_in_dim3A_622 = vector.broadcast %add3A_73 : i32 to vector<16xi32>
      %gather3A_623 = tpu.vector_load_idx %arg15[%add3A_616, %broadcast_in_dim3A_622] : memref<128x128xf32, #tpu.memory_space<vmem>>[vector<16xi32>, vector<16xi32>], vector<16xf32>,
      %swap3A_624 = arith.index_cast %add3A_552 : i32 to index
      %swap3A_625 = arith.constant 32 : index
      %swap3A_626 = tpu.vector_load %arg17[%swap3A_624, %swap3A_625] {strides = array<i32>} : memref<33x128xf32, #tpu.memory_space<vmem>>, vector<16xf32>,
      tpu.vector_store %arg17[%swap3A_624, %swap3A_625], %gather3A_623 {strides = array<i32>} : memref<33x128xf32, #tpu.memory_space<vmem>>, vector<16xf32>,
      %broadcast_in_dim3A_627 = vector.broadcast %add3A_77 : i32 to vector<16xi32>
      %gather3A_628 = tpu.vector_load_idx %arg12[%add3A_616, %broadcast_in_dim3A_627] : memref<128x128xf32, #tpu.memory_space<vmem>>[vector<16xi32>, vector<16xi32>], vector<16xf32>,
      %swap3A_629 = arith.index_cast %add3A_552 : i32 to index
      %swap3A_630 = arith.constant 32 : index
      %swap3A_631 = tpu.vector_load %arg18[%swap3A_629, %swap3A_630] {strides = array<i32>} : memref<33x128xf32, #tpu.memory_space<vmem>>, vector<16xf32>,
      tpu.vector_store %arg18[%swap3A_629, %swap3A_630], %gather3A_628 {strides = array<i32>} : memref<33x128xf32, #tpu.memory_space<vmem>>, vector<16xf32>,
      %broadcast_in_dim3A_632 = vector.broadcast %mul3A_79 : i32 to vector<16xi32>
      %gather3A_633 = tpu.vector_load_idx %arg12[%add3A_616, %broadcast_in_dim3A_632] : memref<128x128xf32, #tpu.memory_space<vmem>>[vector<16xi32>, vector<16xi32>], vector<16xf32>,
      %swap3A_634 = arith.index_cast %add3A_552 : i32 to index
      %swap3A_635 = arith.constant 32 : index
      %swap3A_636 = tpu.vector_load %arg19[%swap3A_634, %swap3A_635] {strides = array<i32>} : memref<33x128xf32, #tpu.memory_space<vmem>>, vector<16xf32>,
      tpu.vector_store %arg19[%swap3A_634, %swap3A_635], %gather3A_633 {strides = array<i32>} : memref<33x128xf32, #tpu.memory_space<vmem>>, vector<16xf32>,
      %iota3A_637 = tpu.iota {dimensions = array<i32: 0>} : vector<16xi32>
      %add3A_638 = arith.constant 48 : i32
      %add3A_639 = vector.broadcast %add3A_638 : i32 to vector<16xi32>
      %add3A_640 = arith.addi %iota3A_637, %add3A_639 : vector<16xi32>
      %broadcast_in_dim3A_641 = vector.broadcast %mul3A_69 : i32 to vector<16xi32>
      %gather3A_642 = tpu.vector_load_idx %arg15[%add3A_640, %broadcast_in_dim3A_641] : memref<128x128xf32, #tpu.memory_space<vmem>>[vector<16xi32>, vector<16xi32>], vector<16xf32>,
      %swap3A_643 = arith.index_cast %add3A_552 : i32 to index
      %swap3A_644 = arith.constant 48 : index
      %swap3A_645 = tpu.vector_load %arg16[%swap3A_643, %swap3A_644] {strides = array<i32>} : memref<33x128xf32, #tpu.memory_space<vmem>>, vector<16xf32>,
      tpu.vector_store %arg16[%swap3A_643, %swap3A_644], %gather3A_642 {strides = array<i32>} : memref<33x128xf32, #tpu.memory_space<vmem>>, vector<16xf32>,
      %broadcast_in_dim3A_646 = vector.broadcast %add3A_73 : i32 to vector<16xi32>
      %gather3A_647 = tpu.vector_load_idx %arg15[%add3A_640, %broadcast_in_dim3A_646] : memref<128x128xf32, #tpu.memory_space<vmem>>[vector<16xi32>, vector<16xi32>], vector<16xf32>,
      %swap3A_648 = arith.index_cast %add3A_552 : i32 to index
      %swap3A_649 = arith.constant 48 : index
      %swap3A_650 = tpu.vector_load %arg17[%swap3A_648, %swap3A_649] {strides = array<i32>} : memref<33x128xf32, #tpu.memory_space<vmem>>, vector<16xf32>,
      tpu.vector_store %arg17[%swap3A_648, %swap3A_649], %gather3A_647 {strides = array<i32>} : memref<33x128xf32, #tpu.memory_space<vmem>>, vector<16xf32>,
      %broadcast_in_dim3A_651 = vector.broadcast %add3A_77 : i32 to vector<16xi32>
      %gather3A_652 = tpu.vector_load_idx %arg12[%add3A_640, %broadcast_in_dim3A_651] : memref<128x128xf32, #tpu.memory_space<vmem>>[vector<16xi32>, vector<16xi32>], vector<16xf32>,
      %swap3A_653 = arith.index_cast %add3A_552 : i32 to index
      %swap3A_654 = arith.constant 48 : index
      %swap3A_655 = tpu.vector_load %arg18[%swap3A_653, %swap3A_654] {strides = array<i32>} : memref<33x128xf32, #tpu.memory_space<vmem>>, vector<16xf32>,
      tpu.vector_store %arg18[%swap3A_653, %swap3A_654], %gather3A_652 {strides = array<i32>} : memref<33x128xf32, #tpu.memory_space<vmem>>, vector<16xf32>,
      %broadcast_in_dim3A_656 = vector.broadcast %mul3A_79 : i32 to vector<16xi32>
      %gather3A_657 = tpu.vector_load_idx %arg12[%add3A_640, %broadcast_in_dim3A_656] : memref<128x128xf32, #tpu.memory_space<vmem>>[vector<16xi32>, vector<16xi32>], vector<16xf32>,
      %swap3A_658 = arith.index_cast %add3A_552 : i32 to index
      %swap3A_659 = arith.constant 48 : index
      %swap3A_660 = tpu.vector_load %arg19[%swap3A_658, %swap3A_659] {strides = array<i32>} : memref<33x128xf32, #tpu.memory_space<vmem>>, vector<16xf32>,
      tpu.vector_store %arg19[%swap3A_658, %swap3A_659], %gather3A_657 {strides = array<i32>} : memref<33x128xf32, #tpu.memory_space<vmem>>, vector<16xf32>,
      %iota3A_661 = tpu.iota {dimensions = array<i32: 0>} : vector<16xi32>
      %add3A_662 = arith.constant 64 : i32
      %add3A_663 = vector.broadcast %add3A_662 : i32 to vector<16xi32>
      %add3A_664 = arith.addi %iota3A_661, %add3A_663 : vector<16xi32>
      %broadcast_in_dim3A_665 = vector.broadcast %mul3A_69 : i32 to vector<16xi32>
      %gather3A_666 = tpu.vector_load_idx %arg15[%add3A_664, %broadcast_in_dim3A_665] : memref<128x128xf32, #tpu.memory_space<vmem>>[vector<16xi32>, vector<16xi32>], vector<16xf32>,
      %swap3A_667 = arith.index_cast %add3A_552 : i32 to index
      %swap3A_668 = arith.constant 64 : index
      %swap3A_669 = tpu.vector_load %arg16[%swap3A_667, %swap3A_668] {strides = array<i32>} : memref<33x128xf32, #tpu.memory_space<vmem>>, vector<16xf32>,
      tpu.vector_store %arg16[%swap3A_667, %swap3A_668], %gather3A_666 {strides = array<i32>} : memref<33x128xf32, #tpu.memory_space<vmem>>, vector<16xf32>,
      %broadcast_in_dim3A_670 = vector.broadcast %add3A_73 : i32 to vector<16xi32>
      %gather3A_671 = tpu.vector_load_idx %arg15[%add3A_664, %broadcast_in_dim3A_670] : memref<128x128xf32, #tpu.memory_space<vmem>>[vector<16xi32>, vector<16xi32>], vector<16xf32>,
      %swap3A_672 = arith.index_cast %add3A_552 : i32 to index
      %swap3A_673 = arith.constant 64 : index
      %swap3A_674 = tpu.vector_load %arg17[%swap3A_672, %swap3A_673] {strides = array<i32>} : memref<33x128xf32, #tpu.memory_space<vmem>>, vector<16xf32>,
      tpu.vector_store %arg17[%swap3A_672, %swap3A_673], %gather3A_671 {strides = array<i32>} : memref<33x128xf32, #tpu.memory_space<vmem>>, vector<16xf32>,
      %broadcast_in_dim3A_675 = vector.broadcast %add3A_77 : i32 to vector<16xi32>
      %gather3A_676 = tpu.vector_load_idx %arg12[%add3A_664, %broadcast_in_dim3A_675] : memref<128x128xf32, #tpu.memory_space<vmem>>[vector<16xi32>, vector<16xi32>], vector<16xf32>,
      %swap3A_677 = arith.index_cast %add3A_552 : i32 to index
      %swap3A_678 = arith.constant 64 : index
      %swap3A_679 = tpu.vector_load %arg18[%swap3A_677, %swap3A_678] {strides = array<i32>} : memref<33x128xf32, #tpu.memory_space<vmem>>, vector<16xf32>,
      tpu.vector_store %arg18[%swap3A_677, %swap3A_678], %gather3A_676 {strides = array<i32>} : memref<33x128xf32, #tpu.memory_space<vmem>>, vector<16xf32>,
      %broadcast_in_dim3A_680 = vector.broadcast %mul3A_79 : i32 to vector<16xi32>
      %gather3A_681 = tpu.vector_load_idx %arg12[%add3A_664, %broadcast_in_dim3A_680] : memref<128x128xf32, #tpu.memory_space<vmem>>[vector<16xi32>, vector<16xi32>], vector<16xf32>,
      %swap3A_682 = arith.index_cast %add3A_552 : i32 to index
      %swap3A_683 = arith.constant 64 : index
      %swap3A_684 = tpu.vector_load %arg19[%swap3A_682, %swap3A_683] {strides = array<i32>} : memref<33x128xf32, #tpu.memory_space<vmem>>, vector<16xf32>,
      tpu.vector_store %arg19[%swap3A_682, %swap3A_683], %gather3A_681 {strides = array<i32>} : memref<33x128xf32, #tpu.memory_space<vmem>>, vector<16xf32>,
      %iota3A_685 = tpu.iota {dimensions = array<i32: 0>} : vector<16xi32>
      %add3A_686 = arith.constant 80 : i32
      %add3A_687 = vector.broadcast %add3A_686 : i32 to vector<16xi32>
      %add3A_688 = arith.addi %iota3A_685, %add3A_687 : vector<16xi32>
      %broadcast_in_dim3A_689 = vector.broadcast %mul3A_69 : i32 to vector<16xi32>
      %gather3A_690 = tpu.vector_load_idx %arg15[%add3A_688, %broadcast_in_dim3A_689] : memref<128x128xf32, #tpu.memory_space<vmem>>[vector<16xi32>, vector<16xi32>], vector<16xf32>,
      %swap3A_691 = arith.index_cast %add3A_552 : i32 to index
      %swap3A_692 = arith.constant 80 : index
      %swap3A_693 = tpu.vector_load %arg16[%swap3A_691, %swap3A_692] {strides = array<i32>} : memref<33x128xf32, #tpu.memory_space<vmem>>, vector<16xf32>,
      tpu.vector_store %arg16[%swap3A_691, %swap3A_692], %gather3A_690 {strides = array<i32>} : memref<33x128xf32, #tpu.memory_space<vmem>>, vector<16xf32>,
      %broadcast_in_dim3A_694 = vector.broadcast %add3A_73 : i32 to vector<16xi32>
      %gather3A_695 = tpu.vector_load_idx %arg15[%add3A_688, %broadcast_in_dim3A_694] : memref<128x128xf32, #tpu.memory_space<vmem>>[vector<16xi32>, vector<16xi32>], vector<16xf32>,
      %swap3A_696 = arith.index_cast %add3A_552 : i32 to index
      %swap3A_697 = arith.constant 80 : index
      %swap3A_698 = tpu.vector_load %arg17[%swap3A_696, %swap3A_697] {strides = array<i32>} : memref<33x128xf32, #tpu.memory_space<vmem>>, vector<16xf32>,
      tpu.vector_store %arg17[%swap3A_696, %swap3A_697], %gather3A_695 {strides = array<i32>} : memref<33x128xf32, #tpu.memory_space<vmem>>, vector<16xf32>,
      %broadcast_in_dim3A_699 = vector.broadcast %add3A_77 : i32 to vector<16xi32>
      %gather3A_700 = tpu.vector_load_idx %arg12[%add3A_688, %broadcast_in_dim3A_699] : memref<128x128xf32, #tpu.memory_space<vmem>>[vector<16xi32>, vector<16xi32>], vector<16xf32>,
      %swap3A_701 = arith.index_cast %add3A_552 : i32 to index
      %swap3A_702 = arith.constant 80 : index
      %swap3A_703 = tpu.vector_load %arg18[%swap3A_701, %swap3A_702] {strides = array<i32>} : memref<33x128xf32, #tpu.memory_space<vmem>>, vector<16xf32>,
      tpu.vector_store %arg18[%swap3A_701, %swap3A_702], %gather3A_700 {strides = array<i32>} : memref<33x128xf32, #tpu.memory_space<vmem>>, vector<16xf32>,
      %broadcast_in_dim3A_704 = vector.broadcast %mul3A_79 : i32 to vector<16xi32>
      %gather3A_705 = tpu.vector_load_idx %arg12[%add3A_688, %broadcast_in_dim3A_704] : memref<128x128xf32, #tpu.memory_space<vmem>>[vector<16xi32>, vector<16xi32>], vector<16xf32>,
      %swap3A_706 = arith.index_cast %add3A_552 : i32 to index
      %swap3A_707 = arith.constant 80 : index
      %swap3A_708 = tpu.vector_load %arg19[%swap3A_706, %swap3A_707] {strides = array<i32>} : memref<33x128xf32, #tpu.memory_space<vmem>>, vector<16xf32>,
      tpu.vector_store %arg19[%swap3A_706, %swap3A_707], %gather3A_705 {strides = array<i32>} : memref<33x128xf32, #tpu.memory_space<vmem>>, vector<16xf32>,
      %iota3A_709 = tpu.iota {dimensions = array<i32: 0>} : vector<16xi32>
      %add3A_710 = arith.constant 96 : i32
      %add3A_711 = vector.broadcast %add3A_710 : i32 to vector<16xi32>
      %add3A_712 = arith.addi %iota3A_709, %add3A_711 : vector<16xi32>
      %broadcast_in_dim3A_713 = vector.broadcast %mul3A_69 : i32 to vector<16xi32>
      %gather3A_714 = tpu.vector_load_idx %arg15[%add3A_712, %broadcast_in_dim3A_713] : memref<128x128xf32, #tpu.memory_space<vmem>>[vector<16xi32>, vector<16xi32>], vector<16xf32>,
      %swap3A_715 = arith.index_cast %add3A_552 : i32 to index
      %swap3A_716 = arith.constant 96 : index
      %swap3A_717 = tpu.vector_load %arg16[%swap3A_715, %swap3A_716] {strides = array<i32>} : memref<33x128xf32, #tpu.memory_space<vmem>>, vector<16xf32>,
      tpu.vector_store %arg16[%swap3A_715, %swap3A_716], %gather3A_714 {strides = array<i32>} : memref<33x128xf32, #tpu.memory_space<vmem>>, vector<16xf32>,
      %broadcast_in_dim3A_718 = vector.broadcast %add3A_73 : i32 to vector<16xi32>
      %gather3A_719 = tpu.vector_load_idx %arg15[%add3A_712, %broadcast_in_dim3A_718] : memref<128x128xf32, #tpu.memory_space<vmem>>[vector<16xi32>, vector<16xi32>], vector<16xf32>,
      %swap3A_720 = arith.index_cast %add3A_552 : i32 to index
      %swap3A_721 = arith.constant 96 : index
      %swap3A_722 = tpu.vector_load %arg17[%swap3A_720, %swap3A_721] {strides = array<i32>} : memref<33x128xf32, #tpu.memory_space<vmem>>, vector<16xf32>,
      tpu.vector_store %arg17[%swap3A_720, %swap3A_721], %gather3A_719 {strides = array<i32>} : memref<33x128xf32, #tpu.memory_space<vmem>>, vector<16xf32>,
      %broadcast_in_dim3A_723 = vector.broadcast %add3A_77 : i32 to vector<16xi32>
      %gather3A_724 = tpu.vector_load_idx %arg12[%add3A_712, %broadcast_in_dim3A_723] : memref<128x128xf32, #tpu.memory_space<vmem>>[vector<16xi32>, vector<16xi32>], vector<16xf32>,
      %swap3A_725 = arith.index_cast %add3A_552 : i32 to index
      %swap3A_726 = arith.constant 96 : index
      %swap3A_727 = tpu.vector_load %arg18[%swap3A_725, %swap3A_726] {strides = array<i32>} : memref<33x128xf32, #tpu.memory_space<vmem>>, vector<16xf32>,
      tpu.vector_store %arg18[%swap3A_725, %swap3A_726], %gather3A_724 {strides = array<i32>} : memref<33x128xf32, #tpu.memory_space<vmem>>, vector<16xf32>,
      %broadcast_in_dim3A_728 = vector.broadcast %mul3A_79 : i32 to vector<16xi32>
      %gather3A_729 = tpu.vector_load_idx %arg12[%add3A_712, %broadcast_in_dim3A_728] : memref<128x128xf32, #tpu.memory_space<vmem>>[vector<16xi32>, vector<16xi32>], vector<16xf32>,
      %swap3A_730 = arith.index_cast %add3A_552 : i32 to index
      %swap3A_731 = arith.constant 96 : index
      %swap3A_732 = tpu.vector_load %arg19[%swap3A_730, %swap3A_731] {strides = array<i32>} : memref<33x128xf32, #tpu.memory_space<vmem>>, vector<16xf32>,
      tpu.vector_store %arg19[%swap3A_730, %swap3A_731], %gather3A_729 {strides = array<i32>} : memref<33x128xf32, #tpu.memory_space<vmem>>, vector<16xf32>,
      %iota3A_733 = tpu.iota {dimensions = array<i32: 0>} : vector<16xi32>
      %add3A_734 = arith.constant 112 : i32
      %add3A_735 = vector.broadcast %add3A_734 : i32 to vector<16xi32>
      %add3A_736 = arith.addi %iota3A_733, %add3A_735 : vector<16xi32>
      %broadcast_in_dim3A_737 = vector.broadcast %mul3A_69 : i32 to vector<16xi32>
      %gather3A_738 = tpu.vector_load_idx %arg15[%add3A_736, %broadcast_in_dim3A_737] : memref<128x128xf32, #tpu.memory_space<vmem>>[vector<16xi32>, vector<16xi32>], vector<16xf32>,
      %swap3A_739 = arith.index_cast %add3A_552 : i32 to index
      %swap3A_740 = arith.constant 112 : index
      %swap3A_741 = tpu.vector_load %arg16[%swap3A_739, %swap3A_740] {strides = array<i32>} : memref<33x128xf32, #tpu.memory_space<vmem>>, vector<16xf32>,
      tpu.vector_store %arg16[%swap3A_739, %swap3A_740], %gather3A_738 {strides = array<i32>} : memref<33x128xf32, #tpu.memory_space<vmem>>, vector<16xf32>,
      %broadcast_in_dim3A_742 = vector.broadcast %add3A_73 : i32 to vector<16xi32>
      %gather3A_743 = tpu.vector_load_idx %arg15[%add3A_736, %broadcast_in_dim3A_742] : memref<128x128xf32, #tpu.memory_space<vmem>>[vector<16xi32>, vector<16xi32>], vector<16xf32>,
      %swap3A_744 = arith.index_cast %add3A_552 : i32 to index
      %swap3A_745 = arith.constant 112 : index
      %swap3A_746 = tpu.vector_load %arg17[%swap3A_744, %swap3A_745] {strides = array<i32>} : memref<33x128xf32, #tpu.memory_space<vmem>>, vector<16xf32>,
      tpu.vector_store %arg17[%swap3A_744, %swap3A_745], %gather3A_743 {strides = array<i32>} : memref<33x128xf32, #tpu.memory_space<vmem>>, vector<16xf32>,
      %broadcast_in_dim3A_747 = vector.broadcast %add3A_77 : i32 to vector<16xi32>
      %gather3A_748 = tpu.vector_load_idx %arg12[%add3A_736, %broadcast_in_dim3A_747] : memref<128x128xf32, #tpu.memory_space<vmem>>[vector<16xi32>, vector<16xi32>], vector<16xf32>,
      %swap3A_749 = arith.index_cast %add3A_552 : i32 to index
      %swap3A_750 = arith.constant 112 : index
      %swap3A_751 = tpu.vector_load %arg18[%swap3A_749, %swap3A_750] {strides = array<i32>} : memref<33x128xf32, #tpu.memory_space<vmem>>, vector<16xf32>,
      tpu.vector_store %arg18[%swap3A_749, %swap3A_750], %gather3A_748 {strides = array<i32>} : memref<33x128xf32, #tpu.memory_space<vmem>>, vector<16xf32>,
      %broadcast_in_dim3A_752 = vector.broadcast %mul3A_79 : i32 to vector<16xi32>
      %gather3A_753 = tpu.vector_load_idx %arg12[%add3A_736, %broadcast_in_dim3A_752] : memref<128x128xf32, #tpu.memory_space<vmem>>[vector<16xi32>, vector<16xi32>], vector<16xf32>,
      %swap3A_754 = arith.index_cast %add3A_552 : i32 to index
      %swap3A_755 = arith.constant 112 : index
      %swap3A_756 = tpu.vector_load %arg19[%swap3A_754, %swap3A_755] {strides = array<i32>} : memref<33x128xf32, #tpu.memory_space<vmem>>, vector<16xf32>,
      tpu.vector_store %arg19[%swap3A_754, %swap3A_755], %gather3A_753 {strides = array<i32>} : memref<33x128xf32, #tpu.memory_space<vmem>>, vector<16xf32>,
      %add3A_757 = arith.constant 3 : i32
      %add3A_758 = arith.addi %add3A_552, %add3A_757 : i32
      %lt3A_759 = arith.constant 33 : i32
      %lt3A_760 = arith.cmpi slt, %add3A_758, %lt3A_759 : i32
      %convert_element_type3A_761 = arith.extui %lt3A_760 : i1 to i32
      %cond3A_762 = arith.constant 0 : i32
      %cond3A_763 = arith.cmpi ne, %convert_element_type3A_761, %cond3A_762 : i32
      scf.if %cond3A_763 {
        %add3A_765 = arith.constant 3 : i32
        %add3A_766 = arith.addi %add3A_552, %add3A_765 : i32
        %dma_start3A_767 = arith.constant 0 : i32
        %dma_start3A_768 = tpu.memref_slice %arg9[%add3A_766, %dma_start3A_767] : memref<33x128xi32, #tpu.memory_space<vmem>> -> memref<1x128xi32, #tpu.memory_space<vmem>>
        %dma_start3A_769 = tpu.memref_squeeze %dma_start3A_768 : memref<1x128xi32, #tpu.memory_space<vmem>> -> memref<128xi32, #tpu.memory_space<vmem>>
        %dma_start3A_770 = arith.constant 0 : i32
        %dma_start3A_771 = arith.constant 0 : i32
        %dma_start3A_772 = tpu.memref_slice %arg2[%dma_start3A_770, %dma_start3A_771] : memref<100000x128xf32, #tpu.memory_space<hbm>> -> memref<100000x128xf32, #tpu.memory_space<hbm>>
        tpu.enqueue_indirect_dma source(%dma_start3A_772 : memref<100000x128xf32, #tpu.memory_space<hbm>>) target(%arg12 : memref<128x128xf32, #tpu.memory_space<vmem>>) offsets(%dma_start3A_769 : memref<128xi32, #tpu.memory_space<vmem>>) semaphore(%arg22 : memref<!tpu.dma_semaphore, #tpu.memory_space<semaphore_mem>>)
        %dma_start3A_773 = arith.constant 0 : i32
        %dma_start3A_774 = tpu.memref_slice %arg9[%add3A_766, %dma_start3A_773] : memref<33x128xi32, #tpu.memory_space<vmem>> -> memref<1x128xi32, #tpu.memory_space<vmem>>
        %dma_start3A_775 = tpu.memref_squeeze %dma_start3A_774 : memref<1x128xi32, #tpu.memory_space<vmem>> -> memref<128xi32, #tpu.memory_space<vmem>>
        %dma_start3A_776 = arith.constant 0 : i32
        %dma_start3A_777 = arith.constant 0 : i32
        %dma_start3A_778 = tpu.memref_slice %arg3[%dma_start3A_776, %dma_start3A_777] : memref<100000x128xf32, #tpu.memory_space<hbm>> -> memref<100000x128xf32, #tpu.memory_space<hbm>>
        tpu.enqueue_indirect_dma source(%dma_start3A_778 : memref<100000x128xf32, #tpu.memory_space<hbm>>) target(%arg15 : memref<128x128xf32, #tpu.memory_space<vmem>>) offsets(%dma_start3A_775 : memref<128xi32, #tpu.memory_space<vmem>>) semaphore(%arg22 : memref<!tpu.dma_semaphore, #tpu.memory_space<semaphore_mem>>)
      } else {
      }
      %scan3A_764 = arith.constant 0 : i32
      scf.yield %scan3A_764 : i32
    }
    %scan3A_128 = arith.constant 11 : i32
    "tpu.region"() ({
      %run_scoped3A = tpu.sem_alloc : memref<!tpu.dma_semaphore, #tpu.memory_space<semaphore_mem>>
      %dma_start3A_129 = arith.constant 0 : i32
      %dma_start3A_130 = arith.constant 0 : i32
      %dma_start3A_131 = tpu.memref_slice %arg5[%add3A_67, %dma_start3A_129, %dma_start3A_130] : memref<64x33x128xf32, #tpu.memory_space<hbm>> -> memref<1x33x128xf32, #tpu.memory_space<hbm>>
      %dma_start3A_132 = tpu.memref_squeeze %dma_start3A_131 : memref<1x33x128xf32, #tpu.memory_space<hbm>> -> memref<33x128xf32, #tpu.memory_space<hbm>>
      %dma_start3A_133 = arith.constant 0 : i32
      %dma_start3A_134 = arith.constant 0 : i32
      %dma_start3A_135 = tpu.memref_slice %arg5[%add3A_67, %dma_start3A_133, %dma_start3A_134] : memref<64x33x128xf32, #tpu.memory_space<hbm>> -> memref<1x33x128xf32, #tpu.memory_space<hbm>>
      %dma_start3A_136 = tpu.memref_squeeze %dma_start3A_135 : memref<1x33x128xf32, #tpu.memory_space<hbm>> -> memref<33x128xf32, #tpu.memory_space<hbm>>
      tpu.enqueue_dma source(%arg16 : memref<33x128xf32, #tpu.memory_space<vmem>>) target(%dma_start3A_136 : memref<33x128xf32, #tpu.memory_space<hbm>>) target_semaphore(%run_scoped3A : memref<!tpu.dma_semaphore, #tpu.memory_space<semaphore_mem>>)
      %dma_wait3A = arith.constant 0 : i32
      %dma_wait3A_137 = arith.constant 0 : i32
      %dma_wait3A_138 = tpu.memref_slice %arg5[%add3A_67, %dma_wait3A, %dma_wait3A_137] : memref<64x33x128xf32, #tpu.memory_space<hbm>> -> memref<1x33x128xf32, #tpu.memory_space<hbm>>
      %dma_wait3A_139 = tpu.memref_squeeze %dma_wait3A_138 : memref<1x33x128xf32, #tpu.memory_space<hbm>> -> memref<33x128xf32, #tpu.memory_space<hbm>>
      %dma_wait3A_140 = arith.constant 0 : i32
      %dma_wait3A_141 = arith.constant 0 : i32
      %dma_wait3A_142 = tpu.memref_slice %arg5[%add3A_67, %dma_wait3A_140, %dma_wait3A_141] : memref<64x33x128xf32, #tpu.memory_space<hbm>> -> memref<1x33x128xf32, #tpu.memory_space<hbm>>
      %dma_wait3A_143 = tpu.memref_squeeze %dma_wait3A_142 : memref<1x33x128xf32, #tpu.memory_space<hbm>> -> memref<33x128xf32, #tpu.memory_space<hbm>>
      tpu.wait_dma2 semaphore(%run_scoped3A : memref<!tpu.dma_semaphore, #tpu.memory_space<semaphore_mem>>) src(%arg16 : memref<33x128xf32, #tpu.memory_space<vmem>>) dst(%dma_wait3A_143 : memref<33x128xf32, #tpu.memory_space<hbm>>)
      tpu.yield
    }) : () -> ()
    "tpu.region"() ({
      %run_scoped3A = tpu.sem_alloc : memref<!tpu.dma_semaphore, #tpu.memory_space<semaphore_mem>>
      %dma_start3A_129 = arith.constant 0 : i32
      %dma_start3A_130 = arith.constant 0 : i32
      %dma_start3A_131 = tpu.memref_slice %arg6[%add3A_67, %dma_start3A_129, %dma_start3A_130] : memref<64x33x128xf32, #tpu.memory_space<hbm>> -> memref<1x33x128xf32, #tpu.memory_space<hbm>>
      %dma_start3A_132 = tpu.memref_squeeze %dma_start3A_131 : memref<1x33x128xf32, #tpu.memory_space<hbm>> -> memref<33x128xf32, #tpu.memory_space<hbm>>
      %dma_start3A_133 = arith.constant 0 : i32
      %dma_start3A_134 = arith.constant 0 : i32
      %dma_start3A_135 = tpu.memref_slice %arg6[%add3A_67, %dma_start3A_133, %dma_start3A_134] : memref<64x33x128xf32, #tpu.memory_space<hbm>> -> memref<1x33x128xf32, #tpu.memory_space<hbm>>
      %dma_start3A_136 = tpu.memref_squeeze %dma_start3A_135 : memref<1x33x128xf32, #tpu.memory_space<hbm>> -> memref<33x128xf32, #tpu.memory_space<hbm>>
      tpu.enqueue_dma source(%arg17 : memref<33x128xf32, #tpu.memory_space<vmem>>) target(%dma_start3A_136 : memref<33x128xf32, #tpu.memory_space<hbm>>) target_semaphore(%run_scoped3A : memref<!tpu.dma_semaphore, #tpu.memory_space<semaphore_mem>>)
      %dma_wait3A = arith.constant 0 : i32
      %dma_wait3A_137 = arith.constant 0 : i32
      %dma_wait3A_138 = tpu.memref_slice %arg6[%add3A_67, %dma_wait3A, %dma_wait3A_137] : memref<64x33x128xf32, #tpu.memory_space<hbm>> -> memref<1x33x128xf32, #tpu.memory_space<hbm>>
      %dma_wait3A_139 = tpu.memref_squeeze %dma_wait3A_138 : memref<1x33x128xf32, #tpu.memory_space<hbm>> -> memref<33x128xf32, #tpu.memory_space<hbm>>
      %dma_wait3A_140 = arith.constant 0 : i32
      %dma_wait3A_141 = arith.constant 0 : i32
      %dma_wait3A_142 = tpu.memref_slice %arg6[%add3A_67, %dma_wait3A_140, %dma_wait3A_141] : memref<64x33x128xf32, #tpu.memory_space<hbm>> -> memref<1x33x128xf32, #tpu.memory_space<hbm>>
      %dma_wait3A_143 = tpu.memref_squeeze %dma_wait3A_142 : memref<1x33x128xf32, #tpu.memory_space<hbm>> -> memref<33x128xf32, #tpu.memory_space<hbm>>
      tpu.wait_dma2 semaphore(%run_scoped3A : memref<!tpu.dma_semaphore, #tpu.memory_space<semaphore_mem>>) src(%arg17 : memref<33x128xf32, #tpu.memory_space<vmem>>) dst(%dma_wait3A_143 : memref<33x128xf32, #tpu.memory_space<hbm>>)
      tpu.yield
    }) : () -> ()
    "tpu.region"() ({
      %run_scoped3A = tpu.sem_alloc : memref<!tpu.dma_semaphore, #tpu.memory_space<semaphore_mem>>
      %dma_start3A_129 = arith.constant 0 : i32
      %dma_start3A_130 = arith.constant 0 : i32
      %dma_start3A_131 = tpu.memref_slice %arg7[%add3A_67, %dma_start3A_129, %dma_start3A_130] : memref<64x33x128xf32, #tpu.memory_space<hbm>> -> memref<1x33x128xf32, #tpu.memory_space<hbm>>
      %dma_start3A_132 = tpu.memref_squeeze %dma_start3A_131 : memref<1x33x128xf32, #tpu.memory_space<hbm>> -> memref<33x128xf32, #tpu.memory_space<hbm>>
      %dma_start3A_133 = arith.constant 0 : i32
      %dma_start3A_134 = arith.constant 0 : i32
      %dma_start3A_135 = tpu.memref_slice %arg7[%add3A_67, %dma_start3A_133, %dma_start3A_134] : memref<64x33x128xf32, #tpu.memory_space<hbm>> -> memref<1x33x128xf32, #tpu.memory_space<hbm>>
      %dma_start3A_136 = tpu.memref_squeeze %dma_start3A_135 : memref<1x33x128xf32, #tpu.memory_space<hbm>> -> memref<33x128xf32, #tpu.memory_space<hbm>>
      tpu.enqueue_dma source(%arg18 : memref<33x128xf32, #tpu.memory_space<vmem>>) target(%dma_start3A_136 : memref<33x128xf32, #tpu.memory_space<hbm>>) target_semaphore(%run_scoped3A : memref<!tpu.dma_semaphore, #tpu.memory_space<semaphore_mem>>)
      %dma_wait3A = arith.constant 0 : i32
      %dma_wait3A_137 = arith.constant 0 : i32
      %dma_wait3A_138 = tpu.memref_slice %arg7[%add3A_67, %dma_wait3A, %dma_wait3A_137] : memref<64x33x128xf32, #tpu.memory_space<hbm>> -> memref<1x33x128xf32, #tpu.memory_space<hbm>>
      %dma_wait3A_139 = tpu.memref_squeeze %dma_wait3A_138 : memref<1x33x128xf32, #tpu.memory_space<hbm>> -> memref<33x128xf32, #tpu.memory_space<hbm>>
      %dma_wait3A_140 = arith.constant 0 : i32
      %dma_wait3A_141 = arith.constant 0 : i32
      %dma_wait3A_142 = tpu.memref_slice %arg7[%add3A_67, %dma_wait3A_140, %dma_wait3A_141] : memref<64x33x128xf32, #tpu.memory_space<hbm>> -> memref<1x33x128xf32, #tpu.memory_space<hbm>>
      %dma_wait3A_143 = tpu.memref_squeeze %dma_wait3A_142 : memref<1x33x128xf32, #tpu.memory_space<hbm>> -> memref<33x128xf32, #tpu.memory_space<hbm>>
      tpu.wait_dma2 semaphore(%run_scoped3A : memref<!tpu.dma_semaphore, #tpu.memory_space<semaphore_mem>>) src(%arg18 : memref<33x128xf32, #tpu.memory_space<vmem>>) dst(%dma_wait3A_143 : memref<33x128xf32, #tpu.memory_space<hbm>>)
      tpu.yield
    }) : () -> ()
    "tpu.region"() ({
      %run_scoped3A = tpu.sem_alloc : memref<!tpu.dma_semaphore, #tpu.memory_space<semaphore_mem>>
      %dma_start3A_129 = arith.constant 0 : i32
      %dma_start3A_130 = arith.constant 0 : i32
      %dma_start3A_131 = tpu.memref_slice %arg8[%add3A_67, %dma_start3A_129, %dma_start3A_130] : memref<64x33x128xf32, #tpu.memory_space<hbm>> -> memref<1x33x128xf32, #tpu.memory_space<hbm>>
      %dma_start3A_132 = tpu.memref_squeeze %dma_start3A_131 : memref<1x33x128xf32, #tpu.memory_space<hbm>> -> memref<33x128xf32, #tpu.memory_space<hbm>>
      %dma_start3A_133 = arith.constant 0 : i32
      %dma_start3A_134 = arith.constant 0 : i32
      %dma_start3A_135 = tpu.memref_slice %arg8[%add3A_67, %dma_start3A_133, %dma_start3A_134] : memref<64x33x128xf32, #tpu.memory_space<hbm>> -> memref<1x33x128xf32, #tpu.memory_space<hbm>>
      %dma_start3A_136 = tpu.memref_squeeze %dma_start3A_135 : memref<1x33x128xf32, #tpu.memory_space<hbm>> -> memref<33x128xf32, #tpu.memory_space<hbm>>
      tpu.enqueue_dma source(%arg19 : memref<33x128xf32, #tpu.memory_space<vmem>>) target(%dma_start3A_136 : memref<33x128xf32, #tpu.memory_space<hbm>>) target_semaphore(%run_scoped3A : memref<!tpu.dma_semaphore, #tpu.memory_space<semaphore_mem>>)
      %dma_wait3A = arith.constant 0 : i32
      %dma_wait3A_137 = arith.constant 0 : i32
      %dma_wait3A_138 = tpu.memref_slice %arg8[%add3A_67, %dma_wait3A, %dma_wait3A_137] : memref<64x33x128xf32, #tpu.memory_space<hbm>> -> memref<1x33x128xf32, #tpu.memory_space<hbm>>
      %dma_wait3A_139 = tpu.memref_squeeze %dma_wait3A_138 : memref<1x33x128xf32, #tpu.memory_space<hbm>> -> memref<33x128xf32, #tpu.memory_space<hbm>>
      %dma_wait3A_140 = arith.constant 0 : i32
      %dma_wait3A_141 = arith.constant 0 : i32
      %dma_wait3A_142 = tpu.memref_slice %arg8[%add3A_67, %dma_wait3A_140, %dma_wait3A_141] : memref<64x33x128xf32, #tpu.memory_space<hbm>> -> memref<1x33x128xf32, #tpu.memory_space<hbm>>
      %dma_wait3A_143 = tpu.memref_squeeze %dma_wait3A_142 : memref<1x33x128xf32, #tpu.memory_space<hbm>> -> memref<33x128xf32, #tpu.memory_space<hbm>>
      tpu.wait_dma2 semaphore(%run_scoped3A : memref<!tpu.dma_semaphore, #tpu.memory_space<semaphore_mem>>) src(%arg19 : memref<33x128xf32, #tpu.memory_space<vmem>>) dst(%dma_wait3A_143 : memref<33x128xf32, #tpu.memory_space<hbm>>)
      tpu.yield
    }) : () -> ()
    return
  }
}

#map = affine_map<(d0, d1) -> (0, 0)>
#map1 = affine_map<(d0, d1) -> (0)>
module attributes {stable_mosaic.version = 14 : i64} {
  func.func @_idx_rows_body(%arg0: i32, %arg1: i32, %arg2: memref<100000x128xf32, #tpu.memory_space<hbm>>, %arg3: memref<100000x128xf32, #tpu.memory_space<hbm>>, %arg4: memref<64xi32, #tpu.memory_space<hbm>>, %arg5: memref<64x128xf32, #tpu.memory_space<hbm>>, %arg6: memref<64x128xf32, #tpu.memory_space<hbm>>, %arg7: memref<64xi32, #tpu.memory_space<vmem>>, %arg8: memref<64x128xf32, #tpu.memory_space<vmem>>, %arg9: memref<64x128xf32, #tpu.memory_space<vmem>>, %arg10: memref<!tpu.dma_semaphore, #tpu.memory_space<semaphore_mem>>) attributes {dimension_semantics = [#tpu.dimension_semantics<core_parallel>, #tpu.dimension_semantics<subcore_parallel>], iteration_bounds = array<i64: 2, 16>, scalar_prefetch = 0 : i64, scratch_operands = 4 : i64, tpu.core_type = #tpu.core_type<sc_vector_subcore>, window_params = [{transform_indices = #map}, {transform_indices = #map}, {transform_indices = #map1}, {transform_indices = #map}, {transform_indices = #map}]} {
    %mul3A = arith.constant 2 : i32
    %mul3A_0 = arith.muli %arg1, %mul3A : i32
    %add3A = arith.addi %mul3A_0, %arg0 : i32
    %eq3A = arith.constant 0 : i32
    %eq3A_1 = arith.cmpi eq, %add3A, %eq3A : i32
    %convert_element_type3A = arith.extui %eq3A_1 : i1 to i32
    %cond3A = arith.constant 0 : i32
    %cond3A_2 = arith.cmpi ne, %convert_element_type3A, %cond3A : i32
    scf.if %cond3A_2 {
      "tpu.region"() ({
        %run_scoped3A = tpu.sem_alloc : memref<!tpu.dma_semaphore, #tpu.memory_space<semaphore_mem>>
        tpu.enqueue_dma source(%arg4 : memref<64xi32, #tpu.memory_space<hbm>>) target(%arg7 : memref<64xi32, #tpu.memory_space<vmem>>) target_semaphore(%run_scoped3A : memref<!tpu.dma_semaphore, #tpu.memory_space<semaphore_mem>>)
        tpu.wait_dma2 semaphore(%run_scoped3A : memref<!tpu.dma_semaphore, #tpu.memory_space<semaphore_mem>>) src(%arg4 : memref<64xi32, #tpu.memory_space<hbm>>) dst(%arg7 : memref<64xi32, #tpu.memory_space<vmem>>)
        tpu.yield
      }) : () -> ()
      %dma_start3A = arith.constant 0 : i32
      %dma_start3A_3 = arith.constant 0 : i32
      %dma_start3A_4 = tpu.memref_slice %arg2[%dma_start3A, %dma_start3A_3] : memref<100000x128xf32, #tpu.memory_space<hbm>> -> memref<100000x128xf32, #tpu.memory_space<hbm>>
      tpu.enqueue_indirect_dma source(%dma_start3A_4 : memref<100000x128xf32, #tpu.memory_space<hbm>>) target(%arg8 : memref<64x128xf32, #tpu.memory_space<vmem>>) offsets(%arg7 : memref<64xi32, #tpu.memory_space<vmem>>) semaphore(%arg10 : memref<!tpu.dma_semaphore, #tpu.memory_space<semaphore_mem>>)
      %dma_wait3A = arith.constant 0 : i32
      %dma_wait3A_5 = arith.constant 0 : i32
      %dma_wait3A_6 = tpu.memref_slice %arg2[%dma_wait3A, %dma_wait3A_5] : memref<100000x128xf32, #tpu.memory_space<hbm>> -> memref<100000x128xf32, #tpu.memory_space<hbm>>
      tpu.wait_indirect_dma semaphore(%arg10 : memref<!tpu.dma_semaphore, #tpu.memory_space<semaphore_mem>>) src(%dma_wait3A_6 : memref<100000x128xf32, #tpu.memory_space<hbm>>) dst(%arg8 : memref<64x128xf32, #tpu.memory_space<vmem>>)
      %dma_start3A_7 = arith.constant 0 : i32
      %dma_start3A_8 = arith.constant 0 : i32
      %dma_start3A_9 = tpu.memref_slice %arg3[%dma_start3A_7, %dma_start3A_8] : memref<100000x128xf32, #tpu.memory_space<hbm>> -> memref<100000x128xf32, #tpu.memory_space<hbm>>
      tpu.enqueue_indirect_dma source(%dma_start3A_9 : memref<100000x128xf32, #tpu.memory_space<hbm>>) target(%arg9 : memref<64x128xf32, #tpu.memory_space<vmem>>) offsets(%arg7 : memref<64xi32, #tpu.memory_space<vmem>>) semaphore(%arg10 : memref<!tpu.dma_semaphore, #tpu.memory_space<semaphore_mem>>)
      %dma_wait3A_10 = arith.constant 0 : i32
      %dma_wait3A_11 = arith.constant 0 : i32
      %dma_wait3A_12 = tpu.memref_slice %arg3[%dma_wait3A_10, %dma_wait3A_11] : memref<100000x128xf32, #tpu.memory_space<hbm>> -> memref<100000x128xf32, #tpu.memory_space<hbm>>
      tpu.wait_indirect_dma semaphore(%arg10 : memref<!tpu.dma_semaphore, #tpu.memory_space<semaphore_mem>>) src(%dma_wait3A_12 : memref<100000x128xf32, #tpu.memory_space<hbm>>) dst(%arg9 : memref<64x128xf32, #tpu.memory_space<vmem>>)
      "tpu.region"() ({
        %run_scoped3A = tpu.sem_alloc : memref<!tpu.dma_semaphore, #tpu.memory_space<semaphore_mem>>
        tpu.enqueue_dma source(%arg8 : memref<64x128xf32, #tpu.memory_space<vmem>>) target(%arg5 : memref<64x128xf32, #tpu.memory_space<hbm>>) target_semaphore(%run_scoped3A : memref<!tpu.dma_semaphore, #tpu.memory_space<semaphore_mem>>)
        tpu.wait_dma2 semaphore(%run_scoped3A : memref<!tpu.dma_semaphore, #tpu.memory_space<semaphore_mem>>) src(%arg8 : memref<64x128xf32, #tpu.memory_space<vmem>>) dst(%arg5 : memref<64x128xf32, #tpu.memory_space<hbm>>)
        tpu.yield
      }) : () -> ()
      "tpu.region"() ({
        %run_scoped3A = tpu.sem_alloc : memref<!tpu.dma_semaphore, #tpu.memory_space<semaphore_mem>>
        tpu.enqueue_dma source(%arg9 : memref<64x128xf32, #tpu.memory_space<vmem>>) target(%arg6 : memref<64x128xf32, #tpu.memory_space<hbm>>) target_semaphore(%run_scoped3A : memref<!tpu.dma_semaphore, #tpu.memory_space<semaphore_mem>>)
        tpu.wait_dma2 semaphore(%run_scoped3A : memref<!tpu.dma_semaphore, #tpu.memory_space<semaphore_mem>>) src(%arg9 : memref<64x128xf32, #tpu.memory_space<vmem>>) dst(%arg6 : memref<64x128xf32, #tpu.memory_space<hbm>>)
        tpu.yield
      }) : () -> ()
    } else {
    }
    return
  }
}

module attributes {stable_mosaic.version = 14 : i64} {
  func.func @_prep_body(%arg0: memref<64x128xf32, #tpu.memory_space<vmem>>, %arg1: memref<64x128xf32, #tpu.memory_space<vmem>>, %arg2: memref<64x128xf32, #tpu.memory_space<vmem>>, %arg3: memref<64x128xf32, #tpu.memory_space<vmem>>, %arg4: memref<128x128xf32, #tpu.memory_space<vmem>>, %arg5: memref<64x128xf32, #tpu.memory_space<vmem>>, %arg6: memref<64x128xf32, #tpu.memory_space<vmem>>) attributes {dimension_semantics = [], scalar_prefetch = 0 : i64, scratch_operands = 0 : i64, tpu.core_type = #tpu.core_type<tc>} {
    %get3A = arith.constant 0 : index
    %get3A_0 = arith.constant 0 : index
    %get3A_1 = vector.load %arg2[%get3A, %get3A_0] : memref<64x128xf32, #tpu.memory_space<vmem>>, vector<64x128xf32>
    %get3A_2 = arith.constant 0 : index
    %get3A_3 = arith.constant 0 : index
    %get3A_4 = vector.load %arg3[%get3A_2, %get3A_3] : memref<64x128xf32, #tpu.memory_space<vmem>>, vector<64x128xf32>
    %get3A_5 = arith.constant 0 : index
    %get3A_6 = arith.constant 0 : index
    %get3A_7 = vector.load %arg0[%get3A_5, %get3A_6] : memref<64x128xf32, #tpu.memory_space<vmem>>, vector<64x128xf32>
    %mul3A = arith.constant 5.000000e-01 : f32
    %mul3A_8 = vector.broadcast %mul3A : f32 to vector<64x128xf32>
    %mul3A_9 = arith.mulf %get3A_7, %mul3A_8 : vector<64x128xf32>
    %mul3A_10 = arith.constant 5.000000e-01 : f32
    %mul3A_11 = vector.broadcast %mul3A_10 : f32 to vector<64x128xf32>
    %mul3A_12 = arith.mulf %get3A_1, %mul3A_11 : vector<64x128xf32>
    %add3A = arith.addf %mul3A_9, %mul3A_12 : vector<64x128xf32>
    %mul3A_13 = arith.mulf %add3A, %add3A : vector<64x128xf32>
    %reduce_sum3A = arith.constant dense<0.000000e+00> : vector<64xf32>
    %reduce_sum3A_14 = vector.multi_reduction <add>, %mul3A_13, %reduce_sum3A [1] : vector<64x128xf32> to vector<64xf32>
    %broadcast_in_dim3A = vector.shape_cast %reduce_sum3A_14 : vector<64xf32> to vector<64x1xf32>
    %sqrt3A = math.sqrt %broadcast_in_dim3A : vector<64x1xf32>
    %div3A = vector.broadcast %sqrt3A : vector<64x1xf32> to vector<64x128xf32>
    %div3A_15 = arith.divf %add3A, %div3A : vector<64x128xf32>
    %get3A_16 = arith.constant 0 : index
    %get3A_17 = arith.constant 0 : index
    %get3A_18 = vector.load %arg1[%get3A_16, %get3A_17] : memref<64x128xf32, #tpu.memory_space<vmem>>, vector<64x128xf32>
    %mul3A_19 = arith.constant 5.000000e-01 : f32
    %mul3A_20 = vector.broadcast %mul3A_19 : f32 to vector<64x128xf32>
    %mul3A_21 = arith.mulf %get3A_18, %mul3A_20 : vector<64x128xf32>
    %mul3A_22 = arith.constant 5.000000e-01 : f32
    %mul3A_23 = vector.broadcast %mul3A_22 : f32 to vector<64x128xf32>
    %mul3A_24 = arith.mulf %get3A_4, %mul3A_23 : vector<64x128xf32>
    %add3A_25 = arith.addf %mul3A_21, %mul3A_24 : vector<64x128xf32>
    %mul3A_26 = arith.mulf %add3A_25, %add3A_25 : vector<64x128xf32>
    %reduce_sum3A_27 = arith.constant dense<0.000000e+00> : vector<64xf32>
    %reduce_sum3A_28 = vector.multi_reduction <add>, %mul3A_26, %reduce_sum3A_27 [1] : vector<64x128xf32> to vector<64xf32>
    %broadcast_in_dim3A_29 = vector.shape_cast %reduce_sum3A_28 : vector<64xf32> to vector<64x1xf32>
    %sqrt3A_30 = math.sqrt %broadcast_in_dim3A_29 : vector<64x1xf32>
    %div3A_31 = vector.broadcast %sqrt3A_30 : vector<64x1xf32> to vector<64x128xf32>
    %div3A_32 = arith.divf %add3A_25, %div3A_31 : vector<64x128xf32>
    %get3A_33 = arith.constant 0 : index
    %get3A_34 = arith.constant 0 : index
    %get3A_35 = vector.load %arg4[%get3A_33, %get3A_34] : memref<128x128xf32, #tpu.memory_space<vmem>>, vector<128x128xf32>
    %dot_general3A = arith.constant dense<0.000000e+00> : vector<64x128xf32>
    %dot_general3A_36 = tpu.matmul %div3A_15, %get3A_35, %dot_general3A {dimension_numbers = #tpu.dot_dimension_numbers<[1], [1], [0], [0], [0, 0, 1, 0], [], []>, transpose_lhs_hint = false} : vector<64x128xf32>, vector<128x128xf32>, vector<64x128xf32> -> vector<64x128xf32>
    %swap3A = arith.constant 0 : index
    %swap3A_37 = arith.constant 0 : index
    %swap3A_38 = vector.load %arg5[%swap3A, %swap3A_37] : memref<64x128xf32, #tpu.memory_space<vmem>>, vector<64x128xf32>
    tpu.vector_store %arg5[%swap3A, %swap3A_37], %dot_general3A_36 {strides = array<i32>} : memref<64x128xf32, #tpu.memory_space<vmem>>, vector<64x128xf32>,
    %dot_general3A_39 = arith.constant dense<0.000000e+00> : vector<64x128xf32>
    %dot_general3A_40 = tpu.matmul %div3A_32, %get3A_35, %dot_general3A_39 {dimension_numbers = #tpu.dot_dimension_numbers<[1], [1], [0], [0], [0, 0, 1, 0], [], []>, transpose_lhs_hint = false} : vector<64x128xf32>, vector<128x128xf32>, vector<64x128xf32> -> vector<64x128xf32>
    %swap3A_41 = arith.constant 0 : index
    %swap3A_42 = arith.constant 0 : index
    %swap3A_43 = vector.load %arg6[%swap3A_41, %swap3A_42] : memref<64x128xf32, #tpu.memory_space<vmem>>, vector<64x128xf32>
    tpu.vector_store %arg6[%swap3A_41, %swap3A_42], %dot_general3A_40 {strides = array<i32>} : memref<64x128xf32, #tpu.memory_space<vmem>>, vector<64x128xf32>,
    return
  }
}

module attributes {stable_mosaic.version = 14 : i64} {
  func.func @_embed_body(%arg0: memref<64x49x128xf32, #tpu.memory_space<vmem>>, %arg1: memref<64x49x128xf32, #tpu.memory_space<vmem>>, %arg2: memref<1x128xf32, #tpu.memory_space<vmem>>, %arg3: memref<1x128xf32, #tpu.memory_space<vmem>>, %arg4: memref<1x128xf32, #tpu.memory_space<vmem>>, %arg5: memref<128x128xf32, #tpu.memory_space<vmem>>, %arg6: memref<1x128xf32, #tpu.memory_space<vmem>>, %arg7: memref<128x128xf32, #tpu.memory_space<vmem>>, %arg8: memref<1x128xf32, #tpu.memory_space<vmem>>, %arg9: memref<128x128xf32, #tpu.memory_space<vmem>>, %arg10: memref<1x128xf32, #tpu.memory_space<vmem>>, %arg11: memref<1x128xf32, #tpu.memory_space<vmem>>, %arg12: memref<1x128xf32, #tpu.memory_space<vmem>>, %arg13: memref<1x128xf32, #tpu.memory_space<vmem>>, %arg14: memref<128x128xf32, #tpu.memory_space<vmem>>, %arg15: memref<1x128xf32, #tpu.memory_space<vmem>>, %arg16: memref<128x128xf32, #tpu.memory_space<vmem>>, %arg17: memref<1x128xf32, #tpu.memory_space<vmem>>, %arg18: memref<128x128xf32, #tpu.memory_space<vmem>>, %arg19: memref<1x128xf32, #tpu.memory_space<vmem>>, %arg20: memref<64x128xf32, #tpu.memory_space<vmem>>, %arg21: memref<64x128xf32, #tpu.memory_space<vmem>>) attributes {dimension_semantics = [], scalar_prefetch = 0 : i64, scratch_operands = 0 : i64, tpu.core_type = #tpu.core_type<tc>} {
    %get3A = arith.constant 0 : index
    %get3A_0 = arith.constant 0 : index
    %get3A_1 = arith.constant 0 : index
    %get3A_2 = vector.load %arg0[%get3A, %get3A_0, %get3A_1] : memref<64x49x128xf32, #tpu.memory_space<vmem>>, vector<64x49x128xf32>
    %mul3A = arith.mulf %get3A_2, %get3A_2 : vector<64x49x128xf32>
    %reduce_sum3A = arith.constant dense<0.000000e+00> : vector<64x128xf32>
    %reduce_sum3A_3 = vector.multi_reduction <add>, %mul3A, %reduce_sum3A [1] : vector<64x49x128xf32> to vector<64x128xf32>
    %add3A = arith.constant 9.99999974E-6 : f32
    %add3A_4 = vector.broadcast %add3A : f32 to vector<64x128xf32>
    %add3A_5 = arith.addf %reduce_sum3A_3, %add3A_4 : vector<64x128xf32>
    %sqrt3A = math.sqrt %add3A_5 : vector<64x128xf32>
    %get3A_6 = arith.constant 0 : index
    %get3A_7 = arith.constant 0 : index
    %get3A_8 = vector.load %arg2[%get3A_6, %get3A_7] : memref<1x128xf32, #tpu.memory_space<vmem>>, vector<1x128xf32>
    %mul3A_9 = vector.broadcast %get3A_8 : vector<1x128xf32> to vector<64x128xf32>
    %mul3A_10 = arith.mulf %sqrt3A, %mul3A_9 : vector<64x128xf32>
    %mul3A_11 = arith.mulf %mul3A_10, %mul3A_10 : vector<64x128xf32>
    %reduce_sum3A_12 = arith.constant dense<0.000000e+00> : vector<64xf32>
    %reduce_sum3A_13 = vector.multi_reduction <add>, %mul3A_11, %reduce_sum3A_12 [1] : vector<64x128xf32> to vector<64xf32>
    %broadcast_in_dim3A = vector.shape_cast %reduce_sum3A_13 : vector<64xf32> to vector<64x1xf32>
    %div3A = arith.constant 1.280000e+02 : f32
    %div3A_14 = vector.broadcast %div3A : f32 to vector<64x1xf32>
    %div3A_15 = arith.divf %broadcast_in_dim3A, %div3A_14 : vector<64x1xf32>
    %get3A_16 = arith.constant 0 : index
    %get3A_17 = arith.constant 0 : index
    %get3A_18 = vector.load %arg3[%get3A_16, %get3A_17] : memref<1x128xf32, #tpu.memory_space<vmem>>, vector<1x128xf32>
    %add3A_19 = arith.constant 9.99999974E-6 : f32
    %add3A_20 = vector.broadcast %add3A_19 : f32 to vector<64x1xf32>
    %add3A_21 = arith.addf %div3A_15, %add3A_20 : vector<64x1xf32>
    %sqrt3A_22 = math.sqrt %add3A_21 : vector<64x1xf32>
    %div3A_23 = vector.broadcast %get3A_18 : vector<1x128xf32> to vector<64x128xf32>
    %div3A_24 = vector.broadcast %sqrt3A_22 : vector<64x1xf32> to vector<64x128xf32>
    %div3A_25 = arith.divf %div3A_23, %div3A_24 : vector<64x128xf32>
    %mul3A_26 = arith.mulf %mul3A_10, %div3A_25 : vector<64x128xf32>
    %get3A_27 = arith.constant 0 : index
    %get3A_28 = arith.constant 0 : index
    %get3A_29 = vector.load %arg4[%get3A_27, %get3A_28] : memref<1x128xf32, #tpu.memory_space<vmem>>, vector<1x128xf32>
    %add3A_30 = vector.broadcast %get3A_29 : vector<1x128xf32> to vector<64x128xf32>
    %add3A_31 = arith.addf %mul3A_26, %add3A_30 : vector<64x128xf32>
    %tanh3A = math.tanh %add3A_31 : vector<64x128xf32>
    %add3A_32 = arith.constant 1.000000e+00 : f32
    %add3A_33 = vector.broadcast %add3A_32 : f32 to vector<64x128xf32>
    %add3A_34 = arith.addf %add3A_33, %tanh3A : vector<64x128xf32>
    %broadcast_in_dim3A_35 = vector.shape_cast %add3A_34 : vector<64x128xf32> to vector<64x1x128xf32>
    %mul3A_36 = vector.broadcast %broadcast_in_dim3A_35 : vector<64x1x128xf32> to vector<64x49x128xf32>
    %mul3A_37 = arith.mulf %get3A_2, %mul3A_36 : vector<64x49x128xf32>
    %reduce_sum3A_38 = arith.constant dense<0.000000e+00> : vector<64x128xf32>
    %reduce_sum3A_39 = vector.multi_reduction <add>, %mul3A_37, %reduce_sum3A_38 [1] : vector<64x49x128xf32> to vector<64x128xf32>
    %div3A_40 = arith.constant 4.900000e+01 : f32
    %div3A_41 = vector.broadcast %div3A_40 : f32 to vector<64x128xf32>
    %div3A_42 = arith.divf %reduce_sum3A_39, %div3A_41 : vector<64x128xf32>
    %get3A_43 = arith.constant 0 : index
    %get3A_44 = arith.constant 0 : index
    %get3A_45 = vector.load %arg5[%get3A_43, %get3A_44] : memref<128x128xf32, #tpu.memory_space<vmem>>, vector<128x128xf32>
    %dot_general3A = arith.constant dense<0.000000e+00> : vector<64x128xf32>
    %dot_general3A_46 = tpu.matmul %div3A_42, %get3A_45, %dot_general3A {dimension_numbers = #tpu.dot_dimension_numbers<[1], [1], [0], [0], [0, 0, 1, 0], [], []>, transpose_lhs_hint = false} : vector<64x128xf32>, vector<128x128xf32>, vector<64x128xf32> -> vector<64x128xf32>
    %get3A_47 = arith.constant 0 : index
    %get3A_48 = arith.constant 0 : index
    %get3A_49 = vector.load %arg6[%get3A_47, %get3A_48] : memref<1x128xf32, #tpu.memory_space<vmem>>, vector<1x128xf32>
    %add3A_50 = vector.broadcast %get3A_49 : vector<1x128xf32> to vector<64x128xf32>
    %add3A_51 = arith.addf %dot_general3A_46, %add3A_50 : vector<64x128xf32>
    %max3A = arith.constant 0.000000e+00 : f32
    %max3A_52 = vector.broadcast %max3A : f32 to vector<64x128xf32>
    %max3A_53 = arith.maximumf %add3A_51, %max3A_52 : vector<64x128xf32>
    %get3A_54 = arith.constant 0 : index
    %get3A_55 = arith.constant 0 : index
    %get3A_56 = vector.load %arg7[%get3A_54, %get3A_55] : memref<128x128xf32, #tpu.memory_space<vmem>>, vector<128x128xf32>
    %dot_general3A_57 = arith.constant dense<0.000000e+00> : vector<64x128xf32>
    %dot_general3A_58 = tpu.matmul %max3A_53, %get3A_56, %dot_general3A_57 {dimension_numbers = #tpu.dot_dimension_numbers<[1], [1], [0], [0], [0, 0, 1, 0], [], []>, transpose_lhs_hint = false} : vector<64x128xf32>, vector<128x128xf32>, vector<64x128xf32> -> vector<64x128xf32>
    %get3A_59 = arith.constant 0 : index
    %get3A_60 = arith.constant 0 : index
    %get3A_61 = vector.load %arg8[%get3A_59, %get3A_60] : memref<1x128xf32, #tpu.memory_space<vmem>>, vector<1x128xf32>
    %add3A_62 = vector.broadcast %get3A_61 : vector<1x128xf32> to vector<64x128xf32>
    %add3A_63 = arith.addf %dot_general3A_58, %add3A_62 : vector<64x128xf32>
    %max3A_64 = arith.constant 0.000000e+00 : f32
    %max3A_65 = vector.broadcast %max3A_64 : f32 to vector<64x128xf32>
    %max3A_66 = arith.maximumf %add3A_63, %max3A_65 : vector<64x128xf32>
    %get3A_67 = arith.constant 0 : index
    %get3A_68 = arith.constant 0 : index
    %get3A_69 = vector.load %arg9[%get3A_67, %get3A_68] : memref<128x128xf32, #tpu.memory_space<vmem>>, vector<128x128xf32>
    %dot_general3A_70 = arith.constant dense<0.000000e+00> : vector<64x128xf32>
    %dot_general3A_71 = tpu.matmul %max3A_66, %get3A_69, %dot_general3A_70 {dimension_numbers = #tpu.dot_dimension_numbers<[1], [1], [0], [0], [0, 0, 1, 0], [], []>, transpose_lhs_hint = false} : vector<64x128xf32>, vector<128x128xf32>, vector<64x128xf32> -> vector<64x128xf32>
    %get3A_72 = arith.constant 0 : index
    %get3A_73 = arith.constant 0 : index
    %get3A_74 = vector.load %arg10[%get3A_72, %get3A_73] : memref<1x128xf32, #tpu.memory_space<vmem>>, vector<1x128xf32>
    %add3A_75 = vector.broadcast %get3A_74 : vector<1x128xf32> to vector<64x128xf32>
    %add3A_76 = arith.addf %dot_general3A_71, %add3A_75 : vector<64x128xf32>
    %mul3A_77 = arith.mulf %add3A_76, %add3A_76 : vector<64x128xf32>
    %reduce_sum3A_78 = arith.constant dense<0.000000e+00> : vector<64xf32>
    %reduce_sum3A_79 = vector.multi_reduction <add>, %mul3A_77, %reduce_sum3A_78 [1] : vector<64x128xf32> to vector<64xf32>
    %broadcast_in_dim3A_80 = vector.shape_cast %reduce_sum3A_79 : vector<64xf32> to vector<64x1xf32>
    %sqrt3A_81 = math.sqrt %broadcast_in_dim3A_80 : vector<64x1xf32>
    %div3A_82 = vector.broadcast %sqrt3A_81 : vector<64x1xf32> to vector<64x128xf32>
    %div3A_83 = arith.divf %add3A_76, %div3A_82 : vector<64x128xf32>
    %swap3A = arith.constant 0 : index
    %swap3A_84 = arith.constant 0 : index
    %swap3A_85 = vector.load %arg20[%swap3A, %swap3A_84] : memref<64x128xf32, #tpu.memory_space<vmem>>, vector<64x128xf32>
    tpu.vector_store %arg20[%swap3A, %swap3A_84], %div3A_83 {strides = array<i32>} : memref<64x128xf32, #tpu.memory_space<vmem>>, vector<64x128xf32>,
    %get3A_86 = arith.constant 0 : index
    %get3A_87 = arith.constant 0 : index
    %get3A_88 = arith.constant 0 : index
    %get3A_89 = vector.load %arg1[%get3A_86, %get3A_87, %get3A_88] : memref<64x49x128xf32, #tpu.memory_space<vmem>>, vector<64x49x128xf32>
    %mul3A_90 = arith.mulf %get3A_89, %get3A_89 : vector<64x49x128xf32>
    %reduce_sum3A_91 = arith.constant dense<0.000000e+00> : vector<64x128xf32>
    %reduce_sum3A_92 = vector.multi_reduction <add>, %mul3A_90, %reduce_sum3A_91 [1] : vector<64x49x128xf32> to vector<64x128xf32>
    %add3A_93 = arith.constant 9.99999974E-6 : f32
    %add3A_94 = vector.broadcast %add3A_93 : f32 to vector<64x128xf32>
    %add3A_95 = arith.addf %reduce_sum3A_92, %add3A_94 : vector<64x128xf32>
    %sqrt3A_96 = math.sqrt %add3A_95 : vector<64x128xf32>
    %get3A_97 = arith.constant 0 : index
    %get3A_98 = arith.constant 0 : index
    %get3A_99 = vector.load %arg11[%get3A_97, %get3A_98] : memref<1x128xf32, #tpu.memory_space<vmem>>, vector<1x128xf32>
    %mul3A_100 = vector.broadcast %get3A_99 : vector<1x128xf32> to vector<64x128xf32>
    %mul3A_101 = arith.mulf %sqrt3A_96, %mul3A_100 : vector<64x128xf32>
    %mul3A_102 = arith.mulf %mul3A_101, %mul3A_101 : vector<64x128xf32>
    %reduce_sum3A_103 = arith.constant dense<0.000000e+00> : vector<64xf32>
    %reduce_sum3A_104 = vector.multi_reduction <add>, %mul3A_102, %reduce_sum3A_103 [1] : vector<64x128xf32> to vector<64xf32>
    %broadcast_in_dim3A_105 = vector.shape_cast %reduce_sum3A_104 : vector<64xf32> to vector<64x1xf32>
    %div3A_106 = arith.constant 1.280000e+02 : f32
    %div3A_107 = vector.broadcast %div3A_106 : f32 to vector<64x1xf32>
    %div3A_108 = arith.divf %broadcast_in_dim3A_105, %div3A_107 : vector<64x1xf32>
    %get3A_109 = arith.constant 0 : index
    %get3A_110 = arith.constant 0 : index
    %get3A_111 = vector.load %arg12[%get3A_109, %get3A_110] : memref<1x128xf32, #tpu.memory_space<vmem>>, vector<1x128xf32>
    %add3A_112 = arith.constant 9.99999974E-6 : f32
    %add3A_113 = vector.broadcast %add3A_112 : f32 to vector<64x1xf32>
    %add3A_114 = arith.addf %div3A_108, %add3A_113 : vector<64x1xf32>
    %sqrt3A_115 = math.sqrt %add3A_114 : vector<64x1xf32>
    %div3A_116 = vector.broadcast %get3A_111 : vector<1x128xf32> to vector<64x128xf32>
    %div3A_117 = vector.broadcast %sqrt3A_115 : vector<64x1xf32> to vector<64x128xf32>
    %div3A_118 = arith.divf %div3A_116, %div3A_117 : vector<64x128xf32>
    %mul3A_119 = arith.mulf %mul3A_101, %div3A_118 : vector<64x128xf32>
    %get3A_120 = arith.constant 0 : index
    %get3A_121 = arith.constant 0 : index
    %get3A_122 = vector.load %arg13[%get3A_120, %get3A_121] : memref<1x128xf32, #tpu.memory_space<vmem>>, vector<1x128xf32>
    %add3A_123 = vector.broadcast %get3A_122 : vector<1x128xf32> to vector<64x128xf32>
    %add3A_124 = arith.addf %mul3A_119, %add3A_123 : vector<64x128xf32>
    %tanh3A_125 = math.tanh %add3A_124 : vector<64x128xf32>
    %add3A_126 = arith.constant 1.000000e+00 : f32
    %add3A_127 = vector.broadcast %add3A_126 : f32 to vector<64x128xf32>
    %add3A_128 = arith.addf %add3A_127, %tanh3A_125 : vector<64x128xf32>
    %broadcast_in_dim3A_129 = vector.shape_cast %add3A_128 : vector<64x128xf32> to vector<64x1x128xf32>
    %mul3A_130 = vector.broadcast %broadcast_in_dim3A_129 : vector<64x1x128xf32> to vector<64x49x128xf32>
    %mul3A_131 = arith.mulf %get3A_89, %mul3A_130 : vector<64x49x128xf32>
    %reduce_sum3A_132 = arith.constant dense<0.000000e+00> : vector<64x128xf32>
    %reduce_sum3A_133 = vector.multi_reduction <add>, %mul3A_131, %reduce_sum3A_132 [1] : vector<64x49x128xf32> to vector<64x128xf32>
    %div3A_134 = arith.constant 4.900000e+01 : f32
    %div3A_135 = vector.broadcast %div3A_134 : f32 to vector<64x128xf32>
    %div3A_136 = arith.divf %reduce_sum3A_133, %div3A_135 : vector<64x128xf32>
    %get3A_137 = arith.constant 0 : index
    %get3A_138 = arith.constant 0 : index
    %get3A_139 = vector.load %arg14[%get3A_137, %get3A_138] : memref<128x128xf32, #tpu.memory_space<vmem>>, vector<128x128xf32>
    %dot_general3A_140 = arith.constant dense<0.000000e+00> : vector<64x128xf32>
    %dot_general3A_141 = tpu.matmul %div3A_136, %get3A_139, %dot_general3A_140 {dimension_numbers = #tpu.dot_dimension_numbers<[1], [1], [0], [0], [0, 0, 1, 0], [], []>, transpose_lhs_hint = false} : vector<64x128xf32>, vector<128x128xf32>, vector<64x128xf32> -> vector<64x128xf32>
    %get3A_142 = arith.constant 0 : index
    %get3A_143 = arith.constant 0 : index
    %get3A_144 = vector.load %arg15[%get3A_142, %get3A_143] : memref<1x128xf32, #tpu.memory_space<vmem>>, vector<1x128xf32>
    %add3A_145 = vector.broadcast %get3A_144 : vector<1x128xf32> to vector<64x128xf32>
    %add3A_146 = arith.addf %dot_general3A_141, %add3A_145 : vector<64x128xf32>
    %max3A_147 = arith.constant 0.000000e+00 : f32
    %max3A_148 = vector.broadcast %max3A_147 : f32 to vector<64x128xf32>
    %max3A_149 = arith.maximumf %add3A_146, %max3A_148 : vector<64x128xf32>
    %get3A_150 = arith.constant 0 : index
    %get3A_151 = arith.constant 0 : index
    %get3A_152 = vector.load %arg16[%get3A_150, %get3A_151] : memref<128x128xf32, #tpu.memory_space<vmem>>, vector<128x128xf32>
    %dot_general3A_153 = arith.constant dense<0.000000e+00> : vector<64x128xf32>
    %dot_general3A_154 = tpu.matmul %max3A_149, %get3A_152, %dot_general3A_153 {dimension_numbers = #tpu.dot_dimension_numbers<[1], [1], [0], [0], [0, 0, 1, 0], [], []>, transpose_lhs_hint = false} : vector<64x128xf32>, vector<128x128xf32>, vector<64x128xf32> -> vector<64x128xf32>
    %get3A_155 = arith.constant 0 : index
    %get3A_156 = arith.constant 0 : index
    %get3A_157 = vector.load %arg17[%get3A_155, %get3A_156] : memref<1x128xf32, #tpu.memory_space<vmem>>, vector<1x128xf32>
    %add3A_158 = vector.broadcast %get3A_157 : vector<1x128xf32> to vector<64x128xf32>
    %add3A_159 = arith.addf %dot_general3A_154, %add3A_158 : vector<64x128xf32>
    %max3A_160 = arith.constant 0.000000e+00 : f32
    %max3A_161 = vector.broadcast %max3A_160 : f32 to vector<64x128xf32>
    %max3A_162 = arith.maximumf %add3A_159, %max3A_161 : vector<64x128xf32>
    %get3A_163 = arith.constant 0 : index
    %get3A_164 = arith.constant 0 : index
    %get3A_165 = vector.load %arg18[%get3A_163, %get3A_164] : memref<128x128xf32, #tpu.memory_space<vmem>>, vector<128x128xf32>
    %dot_general3A_166 = arith.constant dense<0.000000e+00> : vector<64x128xf32>
    %dot_general3A_167 = tpu.matmul %max3A_162, %get3A_165, %dot_general3A_166 {dimension_numbers = #tpu.dot_dimension_numbers<[1], [1], [0], [0], [0, 0, 1, 0], [], []>, transpose_lhs_hint = false} : vector<64x128xf32>, vector<128x128xf32>, vector<64x128xf32> -> vector<64x128xf32>
    %get3A_168 = arith.constant 0 : index
    %get3A_169 = arith.constant 0 : index
    %get3A_170 = vector.load %arg19[%get3A_168, %get3A_169] : memref<1x128xf32, #tpu.memory_space<vmem>>, vector<1x128xf32>
    %add3A_171 = vector.broadcast %get3A_170 : vector<1x128xf32> to vector<64x128xf32>
    %add3A_172 = arith.addf %dot_general3A_167, %add3A_171 : vector<64x128xf32>
    %mul3A_173 = arith.mulf %add3A_172, %add3A_172 : vector<64x128xf32>
    %reduce_sum3A_174 = arith.constant dense<0.000000e+00> : vector<64xf32>
    %reduce_sum3A_175 = vector.multi_reduction <add>, %mul3A_173, %reduce_sum3A_174 [1] : vector<64x128xf32> to vector<64xf32>
    %broadcast_in_dim3A_176 = vector.shape_cast %reduce_sum3A_175 : vector<64xf32> to vector<64x1xf32>
    %sqrt3A_177 = math.sqrt %broadcast_in_dim3A_176 : vector<64x1xf32>
    %div3A_178 = vector.broadcast %sqrt3A_177 : vector<64x1xf32> to vector<64x128xf32>
    %div3A_179 = arith.divf %add3A_172, %div3A_178 : vector<64x128xf32>
    %swap3A_180 = arith.constant 0 : index
    %swap3A_181 = arith.constant 0 : index
    %swap3A_182 = vector.load %arg21[%swap3A_180, %swap3A_181] : memref<64x128xf32, #tpu.memory_space<vmem>>, vector<64x128xf32>
    tpu.vector_store %arg21[%swap3A_180, %swap3A_181], %div3A_179 {strides = array<i32>} : memref<64x128xf32, #tpu.memory_space<vmem>>, vector<64x128xf32>,
    return
  }
}

module attributes {stable_mosaic.version = 14 : i64} {
  func.func @_score_body(%arg0: i32, %arg1: memref<4000x128xf32, #tpu.memory_space<vmem>>, %arg2: memref<4000x128xf32, #tpu.memory_space<vmem>>, %arg3: memref<128x128xf32, #tpu.memory_space<vmem>>, %arg4: memref<64x128xf32, #tpu.memory_space<vmem>>, %arg5: memref<64x128xf32, #tpu.memory_space<vmem>>, %arg6: memref<8x64xi32, #tpu.memory_space<vmem>>, %arg7: memref<4000x128xf32, #tpu.memory_space<vmem>>, %arg8: memref<4000x128xf32, #tpu.memory_space<vmem>>) attributes {dimension_semantics = [#tpu.dimension_semantics<arbitrary>], iteration_bounds = array<i64: 25>, scalar_prefetch = 0 : i64, scratch_operands = 0 : i64, tpu.core_type = #tpu.core_type<tc>, window_params = [{transform_indices = @transform_0, window_bounds = array<i64: 4000, 128>}, {transform_indices = @transform_1, window_bounds = array<i64: 4000, 128>}, {pipeline_mode = #tpu.pipeline_mode<synchronous>, transform_indices = @transform_2, window_bounds = array<i64: 128, 128>}, {pipeline_mode = #tpu.pipeline_mode<synchronous>, transform_indices = @transform_3, window_bounds = array<i64: 64, 128>}, {pipeline_mode = #tpu.pipeline_mode<synchronous>, transform_indices = @transform_4, window_bounds = array<i64: 64, 128>}, {pipeline_mode = #tpu.pipeline_mode<synchronous>, transform_indices = @transform_5, window_bounds = array<i64: 8, 64>}, {transform_indices = @transform_6, window_bounds = array<i64: 4000, 128>}, {transform_indices = @transform_7, window_bounds = array<i64: 4000, 128>}]} {
    %get3A = arith.constant 0 : index
    %get3A_0 = arith.constant 0 : index
    %get3A_1 = vector.load %arg1[%get3A, %get3A_0] : memref<4000x128xf32, #tpu.memory_space<vmem>>, vector<4000x128xf32>
    %get3A_2 = arith.constant 0 : index
    %get3A_3 = arith.constant 0 : index
    %get3A_4 = vector.load %arg3[%get3A_2, %get3A_3] : memref<128x128xf32, #tpu.memory_space<vmem>>, vector<128x128xf32>
    %dot_general3A = arith.constant dense<0.000000e+00> : vector<4000x128xf32>
    %dot_general3A_5 = tpu.matmul %get3A_1, %get3A_4, %dot_general3A {dimension_numbers = #tpu.dot_dimension_numbers<[1], [1], [0], [0], [0, 0, 1, 0], [], []>, transpose_lhs_hint = false} : vector<4000x128xf32>, vector<128x128xf32>, vector<4000x128xf32> -> vector<4000x128xf32>
    %get3A_6 = arith.constant 0 : index
    %get3A_7 = arith.constant 0 : index
    %get3A_8 = vector.load %arg2[%get3A_6, %get3A_7] : memref<4000x128xf32, #tpu.memory_space<vmem>>, vector<4000x128xf32>
    %get3A_9 = arith.constant 0 : index
    %get3A_10 = arith.constant 0 : index
    %get3A_11 = vector.load %arg3[%get3A_9, %get3A_10] : memref<128x128xf32, #tpu.memory_space<vmem>>, vector<128x128xf32>
    %dot_general3A_12 = arith.constant dense<0.000000e+00> : vector<4000x128xf32>
    %dot_general3A_13 = tpu.matmul %get3A_8, %get3A_11, %dot_general3A_12 {dimension_numbers = #tpu.dot_dimension_numbers<[1], [1], [0], [0], [0, 0, 1, 0], [], []>, transpose_lhs_hint = false} : vector<4000x128xf32>, vector<128x128xf32>, vector<4000x128xf32> -> vector<4000x128xf32>
    %iota3A = tpu.iota {dimensions = array<i32: 0>} : vector<4000x64xi32>
    %mul3A = arith.constant 4000 : i32
    %mul3A_14 = arith.muli %arg0, %mul3A : i32
    %add3A = vector.broadcast %mul3A_14 : i32 to vector<4000x64xi32>
    %add3A_15 = arith.addi %iota3A, %add3A : vector<4000x64xi32>
    %get3A_16 = arith.constant 0 : index
    %get3A_17 = arith.constant 0 : index
    %get3A_18 = vector.load %arg6[%get3A_16, %get3A_17] : memref<8x64xi32, #tpu.memory_space<vmem>>, vector<1x64xi32>
    %eq3A = vector.broadcast %get3A_18 : vector<1x64xi32> to vector<4000x64xi32>
    %eq3A_19 = arith.cmpi eq, %add3A_15, %eq3A : vector<4000x64xi32>
    %iota3A_20 = tpu.iota {dimensions = array<i32: 1>} : vector<4000x64xi32>
    %jit3A = arith.constant -1 : i32
    %broadcast_in_dim3A = vector.broadcast %jit3A : i32 to vector<4000x64xi32>
    %select_n3A = arith.select %eq3A_19, %iota3A_20, %broadcast_in_dim3A : vector<4000x64xi1>, vector<4000x64xi32>
    %reduce_max3A = arith.constant dense<-2147483648> : vector<4000xi32>
    %reduce_max3A_21 = vector.multi_reduction <maxsi>, %select_n3A, %reduce_max3A [1] : vector<4000x64xi32> to vector<4000xi32>
    %broadcast_in_dim3A_22 = vector.shape_cast %reduce_max3A_21 : vector<4000xi32> to vector<4000x1xi32>
    %ge3A = arith.constant 0 : i32
    %ge3A_23 = vector.broadcast %ge3A : i32 to vector<4000x1xi32>
    %ge3A_24 = arith.cmpi sge, %broadcast_in_dim3A_22, %ge3A_23 : vector<4000x1xi32>
    %eq3A_25 = vector.broadcast %broadcast_in_dim3A_22 : vector<4000x1xi32> to vector<4000x64xi32>
    %eq3A_26 = arith.cmpi eq, %iota3A_20, %eq3A_25 : vector<4000x64xi32>
    %and3A = arith.andi %eq3A_26, %eq3A_19 : vector<4000x64xi1>
    %convert_element_type3A = arith.extui %and3A : vector<4000x64xi1> to vector<4000x64xi32>
    %convert_element_type3A_27 = arith.sitofp %convert_element_type3A : vector<4000x64xi32> to vector<4000x64xf32>
    %get3A_28 = arith.constant 0 : index
    %get3A_29 = arith.constant 0 : index
    %get3A_30 = vector.load %arg4[%get3A_28, %get3A_29] : memref<64x128xf32, #tpu.memory_space<vmem>>, vector<64x128xf32>
    %dot_general3A_31 = arith.constant dense<0.000000e+00> : vector<4000x128xf32>
    %dot_general3A_32 = tpu.matmul %convert_element_type3A_27, %get3A_30, %dot_general3A_31 {dimension_numbers = #tpu.dot_dimension_numbers<[1], [0], [0], [1], [0, 0, 1, 1], [], []>, transpose_lhs_hint = false} : vector<4000x64xf32>, vector<64x128xf32>, vector<4000x128xf32> -> vector<4000x128xf32>
    %get3A_33 = arith.constant 0 : index
    %get3A_34 = arith.constant 0 : index
    %get3A_35 = vector.load %arg5[%get3A_33, %get3A_34] : memref<64x128xf32, #tpu.memory_space<vmem>>, vector<64x128xf32>
    %dot_general3A_36 = arith.constant dense<0.000000e+00> : vector<4000x128xf32>
    %dot_general3A_37 = tpu.matmul %convert_element_type3A_27, %get3A_35, %dot_general3A_36 {dimension_numbers = #tpu.dot_dimension_numbers<[1], [0], [0], [1], [0, 0, 1, 1], [], []>, transpose_lhs_hint = false} : vector<4000x64xf32>, vector<64x128xf32>, vector<4000x128xf32> -> vector<4000x128xf32>
    %iota3A_38 = tpu.iota {dimensions = array<i32: 1>} : vector<4000x128xi32>
    %jit3A_39 = arith.constant 2 : i32
    %eq3A_40 = arith.constant 0 : i32
    %eq3A_41 = arith.cmpi eq, %jit3A_39, %eq3A_40 : i32
    %jit3A_42 = arith.constant 1 : i32
    %select_n3A_43 = arith.select %eq3A_41, %jit3A_42, %jit3A_39 : i32
    %rem3A = vector.broadcast %select_n3A_43 : i32 to vector<4000x128xi32>
    %rem3A_44 = arith.remsi %iota3A_38, %rem3A : vector<4000x128xi32>
    %ne3A = arith.constant 0 : i32
    %ne3A_45 = vector.broadcast %ne3A : i32 to vector<4000x128xi32>
    %ne3A_46 = arith.cmpi ne, %rem3A_44, %ne3A_45 : vector<4000x128xi32>
    %lt3A = arith.constant 0 : i32
    %lt3A_47 = vector.broadcast %lt3A : i32 to vector<4000x128xi32>
    %lt3A_48 = arith.cmpi slt, %rem3A_44, %lt3A_47 : vector<4000x128xi32>
    %lt3A_49 = arith.constant 0 : i32
    %lt3A_50 = arith.cmpi slt, %select_n3A_43, %lt3A_49 : i32
    %ne3A_51 = vector.broadcast %lt3A_50 : i1 to vector<4000x128xi1>
    %ne3A_52 = vector.broadcast %ne3A_51 : vector<4000x128xi1> to vector<4000x128xi1>
    %ne3A_53 = arith.xori %lt3A_48, %ne3A_52 : vector<4000x128xi1>
    %and3A_54 = arith.andi %ne3A_53, %ne3A_46 : vector<4000x128xi1>
    %add3A_55 = vector.broadcast %select_n3A_43 : i32 to vector<4000x128xi32>
    %add3A_56 = arith.addi %rem3A_44, %add3A_55 : vector<4000x128xi32>
    %select_n3A_57 = arith.select %and3A_54, %add3A_56, %rem3A_44 : vector<4000x128xi1>, vector<4000x128xi32>
    %eq3A_58 = arith.constant 0 : i32
    %eq3A_59 = vector.broadcast %eq3A_58 : i32 to vector<4000x128xi32>
    %eq3A_60 = arith.cmpi eq, %select_n3A_57, %eq3A_59 : vector<4000x128xi32>
    %and3A_61 = vector.broadcast %ge3A_24 : vector<4000x1xi1> to vector<4000x128xi1>
    %and3A_62 = arith.andi %and3A_61, %eq3A_60 : vector<4000x128xi1>
    %select_n3A_63 = arith.select %and3A_62, %dot_general3A_32, %dot_general3A_5 : vector<4000x128xi1>, vector<4000x128xf32>
    %swap3A = arith.constant 0 : index
    %swap3A_64 = arith.constant 0 : index
    %swap3A_65 = vector.load %arg7[%swap3A, %swap3A_64] : memref<4000x128xf32, #tpu.memory_space<vmem>>, vector<4000x128xf32>
    tpu.vector_store %arg7[%swap3A, %swap3A_64], %select_n3A_63 {strides = array<i32>} : memref<4000x128xf32, #tpu.memory_space<vmem>>, vector<4000x128xf32>,
    %not3A = arith.constant dense<true> : vector<4000x128xi1>
    %not3A_66 = arith.xori %eq3A_60, %not3A : vector<4000x128xi1>
    %and3A_67 = vector.broadcast %ge3A_24 : vector<4000x1xi1> to vector<4000x128xi1>
    %and3A_68 = arith.andi %and3A_67, %not3A_66 : vector<4000x128xi1>
    %select_n3A_69 = arith.select %and3A_68, %dot_general3A_37, %dot_general3A_13 : vector<4000x128xi1>, vector<4000x128xf32>
    %swap3A_70 = arith.constant 0 : index
    %swap3A_71 = arith.constant 0 : index
    %swap3A_72 = vector.load %arg8[%swap3A_70, %swap3A_71] : memref<4000x128xf32, #tpu.memory_space<vmem>>, vector<4000x128xf32>
    tpu.vector_store %arg8[%swap3A_70, %swap3A_71], %select_n3A_69 {strides = array<i32>} : memref<4000x128xf32, #tpu.memory_space<vmem>>, vector<4000x128xf32>,
    return
  }
  func.func @transform_0(%arg0: i32) -> (i32, i32) {
    %c0_i32 = arith.constant 0 : i32
    %c0_i32_0 = arith.constant 0 : i32
    return %arg0, %c0_i32 : i32, i32
  }
  func.func @transform_1(%arg0: i32) -> (i32, i32) {
    %c0_i32 = arith.constant 0 : i32
    %c0_i32_0 = arith.constant 0 : i32
    return %arg0, %c0_i32 : i32, i32
  }
  func.func @transform_2(%arg0: i32) -> (i32, i32) {
    %c0_i32 = arith.constant 0 : i32
    %c0_i32_0 = arith.constant 0 : i32
    %c0_i32_1 = arith.constant 0 : i32
    return %c0_i32, %c0_i32_0 : i32, i32
  }
  func.func @transform_3(%arg0: i32) -> (i32, i32) {
    %c0_i32 = arith.constant 0 : i32
    %c0_i32_0 = arith.constant 0 : i32
    %c0_i32_1 = arith.constant 0 : i32
    return %c0_i32, %c0_i32_0 : i32, i32
  }
  func.func @transform_4(%arg0: i32) -> (i32, i32) {
    %c0_i32 = arith.constant 0 : i32
    %c0_i32_0 = arith.constant 0 : i32
    %c0_i32_1 = arith.constant 0 : i32
    return %c0_i32, %c0_i32_0 : i32, i32
  }
  func.func @transform_5(%arg0: i32) -> (i32, i32) {
    %c0_i32 = arith.constant 0 : i32
    %c0_i32_0 = arith.constant 0 : i32
    %c0_i32_1 = arith.constant 0 : i32
    return %c0_i32, %c0_i32_0 : i32, i32
  }
  func.func @transform_6(%arg0: i32) -> (i32, i32) {
    %c0_i32 = arith.constant 0 : i32
    %c0_i32_0 = arith.constant 0 : i32
    return %arg0, %c0_i32 : i32, i32
  }
  func.func @transform_7(%arg0: i32) -> (i32, i32) {
    %c0_i32 = arith.constant 0 : i32
    %c0_i32_0 = arith.constant 0 : i32
    return %arg0, %c0_i32 : i32, i32
  }
}

module attributes {stable_mosaic.version = 14 : i64} {
  func.func @_loss_body(%arg0: memref<64x4224xf32, #tpu.memory_space<vmem>>, %arg1: memref<64x4224xf32, #tpu.memory_space<vmem>>, %arg2: memref<64x4224xf32, #tpu.memory_space<vmem>>, %arg3: memref<64x4224xf32, #tpu.memory_space<vmem>>, %arg4: memref<1x1xf32, #tpu.memory_space<vmem>>) attributes {dimension_semantics = [], scalar_prefetch = 0 : i64, scratch_operands = 0 : i64, tpu.core_type = #tpu.core_type<tc>} {
    %iota3A = tpu.iota {dimensions = array<i32: 1>} : vector<64x4224xi32>
    %lt3A = arith.constant 4097 : i32
    %lt3A_0 = vector.broadcast %lt3A : i32 to vector<64x4224xi32>
    %lt3A_1 = arith.cmpi slt, %iota3A, %lt3A_0 : vector<64x4224xi32>
    %get3A = arith.constant 0 : index
    %get3A_2 = arith.constant 0 : index
    %get3A_3 = vector.load %arg0[%get3A, %get3A_2] : memref<64x4224xf32, #tpu.memory_space<vmem>>, vector<64x4224xf32>
    %div3A = arith.constant 5.000000e-02 : f32
    %div3A_4 = vector.broadcast %div3A : f32 to vector<64x4224xf32>
    %div3A_5 = arith.divf %get3A_3, %div3A_4 : vector<64x4224xf32>
    %exp3A = math.exp %div3A_5 : vector<64x4224xf32>
    %jit3A = arith.constant 0.000000e+00 : f32
    %broadcast_in_dim3A = vector.broadcast %jit3A : f32 to vector<64x4224xf32>
    %select_n3A = arith.select %lt3A_1, %exp3A, %broadcast_in_dim3A : vector<64x4224xi1>, vector<64x4224xf32>
    %reduce_sum3A = vector.shape_cast %select_n3A : vector<64x4224xf32> to vector<1x64x4224xf32>
    %reduce_sum3A_6 = arith.constant dense<0.000000e+00> : vector<1xf32>
    %reduce_sum3A_7 = vector.multi_reduction <add>, %reduce_sum3A, %reduce_sum3A_6 [1, 2] : vector<1x64x4224xf32> to vector<1xf32>
    %reduce_sum3A_8 = vector.shape_cast %reduce_sum3A_7 : vector<1xf32> to vector<1x1x1xf32>
    %reduce_sum3A_9 = vector.extract %reduce_sum3A_8[0, 0, 0] : f32 from vector<1x1x1xf32>
    %div3A_10 = arith.constant 2.622080e+05 : f32
    %div3A_11 = arith.divf %reduce_sum3A_9, %div3A_10 : f32
    %mul3A = arith.constant 1.000000e+05 : f32
    %mul3A_12 = arith.mulf %div3A_11, %mul3A : f32
    %div3A_13 = vector.broadcast %mul3A_12 : f32 to vector<64x4224xf32>
    %div3A_14 = arith.divf %select_n3A, %div3A_13 : vector<64x4224xf32>
    %get3A_15 = arith.constant 0 : index
    %get3A_16 = arith.constant 0 : index
    %get3A_17 = vector.load %arg1[%get3A_15, %get3A_16] : memref<64x4224xf32, #tpu.memory_space<vmem>>, vector<64x4224xf32>
    %div3A_18 = arith.constant 5.000000e-02 : f32
    %div3A_19 = vector.broadcast %div3A_18 : f32 to vector<64x4224xf32>
    %div3A_20 = arith.divf %get3A_17, %div3A_19 : vector<64x4224xf32>
    %exp3A_21 = math.exp %div3A_20 : vector<64x4224xf32>
    %jit3A_22 = arith.constant 0.000000e+00 : f32
    %broadcast_in_dim3A_23 = vector.broadcast %jit3A_22 : f32 to vector<64x4224xf32>
    %select_n3A_24 = arith.select %lt3A_1, %exp3A_21, %broadcast_in_dim3A_23 : vector<64x4224xi1>, vector<64x4224xf32>
    %reduce_sum3A_25 = vector.shape_cast %select_n3A_24 : vector<64x4224xf32> to vector<1x64x4224xf32>
    %reduce_sum3A_26 = arith.constant dense<0.000000e+00> : vector<1xf32>
    %reduce_sum3A_27 = vector.multi_reduction <add>, %reduce_sum3A_25, %reduce_sum3A_26 [1, 2] : vector<1x64x4224xf32> to vector<1xf32>
    %reduce_sum3A_28 = vector.shape_cast %reduce_sum3A_27 : vector<1xf32> to vector<1x1x1xf32>
    %reduce_sum3A_29 = vector.extract %reduce_sum3A_28[0, 0, 0] : f32 from vector<1x1x1xf32>
    %div3A_30 = arith.constant 2.622080e+05 : f32
    %div3A_31 = arith.divf %reduce_sum3A_29, %div3A_30 : f32
    %mul3A_32 = arith.constant 1.000000e+05 : f32
    %mul3A_33 = arith.mulf %div3A_31, %mul3A_32 : f32
    %div3A_34 = vector.broadcast %mul3A_33 : f32 to vector<64x4224xf32>
    %div3A_35 = arith.divf %select_n3A_24, %div3A_34 : vector<64x4224xf32>
    %get3A_36 = arith.constant 0 : index
    %get3A_37 = arith.constant 0 : index
    %get3A_38 = vector.load %arg2[%get3A_36, %get3A_37] : memref<64x4224xf32, #tpu.memory_space<vmem>>, vector<64x4224xf32>
    %div3A_39 = arith.constant 5.000000e-02 : f32
    %div3A_40 = vector.broadcast %div3A_39 : f32 to vector<64x4224xf32>
    %div3A_41 = arith.divf %get3A_38, %div3A_40 : vector<64x4224xf32>
    %exp3A_42 = math.exp %div3A_41 : vector<64x4224xf32>
    %jit3A_43 = arith.constant 0.000000e+00 : f32
    %broadcast_in_dim3A_44 = vector.broadcast %jit3A_43 : f32 to vector<64x4224xf32>
    %select_n3A_45 = arith.select %lt3A_1, %exp3A_42, %broadcast_in_dim3A_44 : vector<64x4224xi1>, vector<64x4224xf32>
    %reduce_sum3A_46 = vector.shape_cast %select_n3A_45 : vector<64x4224xf32> to vector<1x64x4224xf32>
    %reduce_sum3A_47 = arith.constant dense<0.000000e+00> : vector<1xf32>
    %reduce_sum3A_48 = vector.multi_reduction <add>, %reduce_sum3A_46, %reduce_sum3A_47 [1, 2] : vector<1x64x4224xf32> to vector<1xf32>
    %reduce_sum3A_49 = vector.shape_cast %reduce_sum3A_48 : vector<1xf32> to vector<1x1x1xf32>
    %reduce_sum3A_50 = vector.extract %reduce_sum3A_49[0, 0, 0] : f32 from vector<1x1x1xf32>
    %div3A_51 = arith.constant 2.622080e+05 : f32
    %div3A_52 = arith.divf %reduce_sum3A_50, %div3A_51 : f32
    %mul3A_53 = arith.constant 1.000000e+05 : f32
    %mul3A_54 = arith.mulf %div3A_52, %mul3A_53 : f32
    %div3A_55 = vector.broadcast %mul3A_54 : f32 to vector<64x4224xf32>
    %div3A_56 = arith.divf %select_n3A_45, %div3A_55 : vector<64x4224xf32>
    %get3A_57 = arith.constant 0 : index
    %get3A_58 = arith.constant 0 : index
    %get3A_59 = vector.load %arg3[%get3A_57, %get3A_58] : memref<64x4224xf32, #tpu.memory_space<vmem>>, vector<64x4224xf32>
    %div3A_60 = arith.constant 5.000000e-02 : f32
    %div3A_61 = vector.broadcast %div3A_60 : f32 to vector<64x4224xf32>
    %div3A_62 = arith.divf %get3A_59, %div3A_61 : vector<64x4224xf32>
    %exp3A_63 = math.exp %div3A_62 : vector<64x4224xf32>
    %jit3A_64 = arith.constant 0.000000e+00 : f32
    %broadcast_in_dim3A_65 = vector.broadcast %jit3A_64 : f32 to vector<64x4224xf32>
    %select_n3A_66 = arith.select %lt3A_1, %exp3A_63, %broadcast_in_dim3A_65 : vector<64x4224xi1>, vector<64x4224xf32>
    %reduce_sum3A_67 = vector.shape_cast %select_n3A_66 : vector<64x4224xf32> to vector<1x64x4224xf32>
    %reduce_sum3A_68 = arith.constant dense<0.000000e+00> : vector<1xf32>
    %reduce_sum3A_69 = vector.multi_reduction <add>, %reduce_sum3A_67, %reduce_sum3A_68 [1, 2] : vector<1x64x4224xf32> to vector<1xf32>
    %reduce_sum3A_70 = vector.shape_cast %reduce_sum3A_69 : vector<1xf32> to vector<1x1x1xf32>
    %reduce_sum3A_71 = vector.extract %reduce_sum3A_70[0, 0, 0] : f32 from vector<1x1x1xf32>
    %div3A_72 = arith.constant 2.622080e+05 : f32
    %div3A_73 = arith.divf %reduce_sum3A_71, %div3A_72 : f32
    %mul3A_74 = arith.constant 1.000000e+05 : f32
    %mul3A_75 = arith.mulf %div3A_73, %mul3A_74 : f32
    %div3A_76 = vector.broadcast %mul3A_75 : f32 to vector<64x4224xf32>
    %div3A_77 = arith.divf %select_n3A_66, %div3A_76 : vector<64x4224xf32>
    %div3A_78 = arith.constant 4.000000e+00 : f32
    %div3A_79 = vector.broadcast %div3A_78 : f32 to vector<64x4224xf32>
    %div3A_80 = arith.divf %div3A_14, %div3A_79 : vector<64x4224xf32>
    %jit3A_81 = arith.constant -1.000000e+09 : f32
    %broadcast_in_dim3A_82 = vector.broadcast %jit3A_81 : f32 to vector<64x4224xf32>
    %select_n3A_83 = arith.select %lt3A_1, %div3A_80, %broadcast_in_dim3A_82 : vector<64x4224xi1>, vector<64x4224xf32>
    %reduce_max3A = arith.constant dense<0xFF800000> : vector<64xf32>
    %reduce_max3A_84 = vector.multi_reduction <maximumf>, %select_n3A_83, %reduce_max3A [1] : vector<64x4224xf32> to vector<64xf32>
    %broadcast_in_dim3A_85 = vector.shape_cast %reduce_max3A_84 : vector<64xf32> to vector<64x1xf32>
    %sub3A = vector.broadcast %broadcast_in_dim3A_85 : vector<64x1xf32> to vector<64x4224xf32>
    %sub3A_86 = arith.subf %select_n3A_83, %sub3A : vector<64x4224xf32>
    %exp3A_87 = math.exp %sub3A_86 : vector<64x4224xf32>
    %reduce_sum3A_88 = arith.constant dense<0.000000e+00> : vector<64xf32>
    %reduce_sum3A_89 = vector.multi_reduction <add>, %exp3A_87, %reduce_sum3A_88 [1] : vector<64x4224xf32> to vector<64xf32>
    %broadcast_in_dim3A_90 = vector.shape_cast %reduce_sum3A_89 : vector<64xf32> to vector<64x1xf32>
    %log3A = math.log %broadcast_in_dim3A_90 : vector<64x1xf32>
    %sub3A_91 = vector.broadcast %log3A : vector<64x1xf32> to vector<64x4224xf32>
    %sub3A_92 = arith.subf %sub3A_86, %sub3A_91 : vector<64x4224xf32>
    %div3A_93 = arith.constant 4.000000e+00 : f32
    %div3A_94 = vector.broadcast %div3A_93 : f32 to vector<64x4224xf32>
    %div3A_95 = arith.divf %div3A_56, %div3A_94 : vector<64x4224xf32>
    %jit3A_96 = arith.constant -1.000000e+09 : f32
    %broadcast_in_dim3A_97 = vector.broadcast %jit3A_96 : f32 to vector<64x4224xf32>
    %select_n3A_98 = arith.select %lt3A_1, %div3A_95, %broadcast_in_dim3A_97 : vector<64x4224xi1>, vector<64x4224xf32>
    %reduce_max3A_99 = arith.constant dense<0xFF800000> : vector<64xf32>
    %reduce_max3A_100 = vector.multi_reduction <maximumf>, %select_n3A_98, %reduce_max3A_99 [1] : vector<64x4224xf32> to vector<64xf32>
    %broadcast_in_dim3A_101 = vector.shape_cast %reduce_max3A_100 : vector<64xf32> to vector<64x1xf32>
    %sub3A_102 = vector.broadcast %broadcast_in_dim3A_101 : vector<64x1xf32> to vector<64x4224xf32>
    %sub3A_103 = arith.subf %select_n3A_98, %sub3A_102 : vector<64x4224xf32>
    %exp3A_104 = math.exp %sub3A_103 : vector<64x4224xf32>
    %reduce_sum3A_105 = arith.constant dense<0.000000e+00> : vector<64xf32>
    %reduce_sum3A_106 = vector.multi_reduction <add>, %exp3A_104, %reduce_sum3A_105 [1] : vector<64x4224xf32> to vector<64xf32>
    %broadcast_in_dim3A_107 = vector.shape_cast %reduce_sum3A_106 : vector<64xf32> to vector<64x1xf32>
    %log3A_108 = math.log %broadcast_in_dim3A_107 : vector<64x1xf32>
    %sub3A_109 = vector.broadcast %log3A_108 : vector<64x1xf32> to vector<64x4224xf32>
    %sub3A_110 = arith.subf %sub3A_103, %sub3A_109 : vector<64x4224xf32>
    %exp3A_111 = math.exp %sub3A_110 : vector<64x4224xf32>
    %jit3A_112 = arith.constant 0.000000e+00 : f32
    %broadcast_in_dim3A_113 = vector.broadcast %jit3A_112 : f32 to vector<64x4224xf32>
    %select_n3A_114 = arith.select %lt3A_1, %exp3A_111, %broadcast_in_dim3A_113 : vector<64x4224xi1>, vector<64x4224xf32>
    %sub3A_115 = arith.subf %sub3A_110, %sub3A_92 : vector<64x4224xf32>
    %mul3A_116 = arith.mulf %select_n3A_114, %sub3A_115 : vector<64x4224xf32>
    %reduce_sum3A_117 = vector.shape_cast %mul3A_116 : vector<64x4224xf32> to vector<1x64x4224xf32>
    %reduce_sum3A_118 = arith.constant dense<0.000000e+00> : vector<1xf32>
    %reduce_sum3A_119 = vector.multi_reduction <add>, %reduce_sum3A_117, %reduce_sum3A_118 [1, 2] : vector<1x64x4224xf32> to vector<1xf32>
    %reduce_sum3A_120 = vector.shape_cast %reduce_sum3A_119 : vector<1xf32> to vector<1x1x1xf32>
    %reduce_sum3A_121 = vector.extract %reduce_sum3A_120[0, 0, 0] : f32 from vector<1x1x1xf32>
    %broadcast_in_dim3A_122 = vector.broadcast %reduce_sum3A_121 : f32 to vector<1x1xf32>
    %mul3A_123 = arith.constant 2.500000e-01 : f32
    %mul3A_124 = vector.broadcast %mul3A_123 : f32 to vector<1x1xf32>
    %mul3A_125 = arith.mulf %broadcast_in_dim3A_122, %mul3A_124 : vector<1x1xf32>
    %div3A_126 = arith.constant 4.000000e+00 : f32
    %div3A_127 = vector.broadcast %div3A_126 : f32 to vector<64x4224xf32>
    %div3A_128 = arith.divf %div3A_35, %div3A_127 : vector<64x4224xf32>
    %jit3A_129 = arith.constant -1.000000e+09 : f32
    %broadcast_in_dim3A_130 = vector.broadcast %jit3A_129 : f32 to vector<64x4224xf32>
    %select_n3A_131 = arith.select %lt3A_1, %div3A_128, %broadcast_in_dim3A_130 : vector<64x4224xi1>, vector<64x4224xf32>
    %reduce_max3A_132 = arith.constant dense<0xFF800000> : vector<64xf32>
    %reduce_max3A_133 = vector.multi_reduction <maximumf>, %select_n3A_131, %reduce_max3A_132 [1] : vector<64x4224xf32> to vector<64xf32>
    %broadcast_in_dim3A_134 = vector.shape_cast %reduce_max3A_133 : vector<64xf32> to vector<64x1xf32>
    %sub3A_135 = vector.broadcast %broadcast_in_dim3A_134 : vector<64x1xf32> to vector<64x4224xf32>
    %sub3A_136 = arith.subf %select_n3A_131, %sub3A_135 : vector<64x4224xf32>
    %exp3A_137 = math.exp %sub3A_136 : vector<64x4224xf32>
    %reduce_sum3A_138 = arith.constant dense<0.000000e+00> : vector<64xf32>
    %reduce_sum3A_139 = vector.multi_reduction <add>, %exp3A_137, %reduce_sum3A_138 [1] : vector<64x4224xf32> to vector<64xf32>
    %broadcast_in_dim3A_140 = vector.shape_cast %reduce_sum3A_139 : vector<64xf32> to vector<64x1xf32>
    %log3A_141 = math.log %broadcast_in_dim3A_140 : vector<64x1xf32>
    %sub3A_142 = vector.broadcast %log3A_141 : vector<64x1xf32> to vector<64x4224xf32>
    %sub3A_143 = arith.subf %sub3A_136, %sub3A_142 : vector<64x4224xf32>
    %div3A_144 = arith.constant 4.000000e+00 : f32
    %div3A_145 = vector.broadcast %div3A_144 : f32 to vector<64x4224xf32>
    %div3A_146 = arith.divf %div3A_77, %div3A_145 : vector<64x4224xf32>
    %jit3A_147 = arith.constant -1.000000e+09 : f32
    %broadcast_in_dim3A_148 = vector.broadcast %jit3A_147 : f32 to vector<64x4224xf32>
    %select_n3A_149 = arith.select %lt3A_1, %div3A_146, %broadcast_in_dim3A_148 : vector<64x4224xi1>, vector<64x4224xf32>
    %reduce_max3A_150 = arith.constant dense<0xFF800000> : vector<64xf32>
    %reduce_max3A_151 = vector.multi_reduction <maximumf>, %select_n3A_149, %reduce_max3A_150 [1] : vector<64x4224xf32> to vector<64xf32>
    %broadcast_in_dim3A_152 = vector.shape_cast %reduce_max3A_151 : vector<64xf32> to vector<64x1xf32>
    %sub3A_153 = vector.broadcast %broadcast_in_dim3A_152 : vector<64x1xf32> to vector<64x4224xf32>
    %sub3A_154 = arith.subf %select_n3A_149, %sub3A_153 : vector<64x4224xf32>
    %exp3A_155 = math.exp %sub3A_154 : vector<64x4224xf32>
    %reduce_sum3A_156 = arith.constant dense<0.000000e+00> : vector<64xf32>
    %reduce_sum3A_157 = vector.multi_reduction <add>, %exp3A_155, %reduce_sum3A_156 [1] : vector<64x4224xf32> to vector<64xf32>
    %broadcast_in_dim3A_158 = vector.shape_cast %reduce_sum3A_157 : vector<64xf32> to vector<64x1xf32>
    %log3A_159 = math.log %broadcast_in_dim3A_158 : vector<64x1xf32>
    %sub3A_160 = vector.broadcast %log3A_159 : vector<64x1xf32> to vector<64x4224xf32>
    %sub3A_161 = arith.subf %sub3A_154, %sub3A_160 : vector<64x4224xf32>
    %exp3A_162 = math.exp %sub3A_161 : vector<64x4224xf32>
    %jit3A_163 = arith.constant 0.000000e+00 : f32
    %broadcast_in_dim3A_164 = vector.broadcast %jit3A_163 : f32 to vector<64x4224xf32>
    %select_n3A_165 = arith.select %lt3A_1, %exp3A_162, %broadcast_in_dim3A_164 : vector<64x4224xi1>, vector<64x4224xf32>
    %sub3A_166 = arith.subf %sub3A_161, %sub3A_143 : vector<64x4224xf32>
    %mul3A_167 = arith.mulf %select_n3A_165, %sub3A_166 : vector<64x4224xf32>
    %reduce_sum3A_168 = vector.shape_cast %mul3A_167 : vector<64x4224xf32> to vector<1x64x4224xf32>
    %reduce_sum3A_169 = arith.constant dense<0.000000e+00> : vector<1xf32>
    %reduce_sum3A_170 = vector.multi_reduction <add>, %reduce_sum3A_168, %reduce_sum3A_169 [1, 2] : vector<1x64x4224xf32> to vector<1xf32>
    %reduce_sum3A_171 = vector.shape_cast %reduce_sum3A_170 : vector<1xf32> to vector<1x1x1xf32>
    %reduce_sum3A_172 = vector.extract %reduce_sum3A_171[0, 0, 0] : f32 from vector<1x1x1xf32>
    %broadcast_in_dim3A_173 = vector.broadcast %reduce_sum3A_172 : f32 to vector<1x1xf32>
    %mul3A_174 = arith.constant 2.500000e-01 : f32
    %mul3A_175 = vector.broadcast %mul3A_174 : f32 to vector<1x1xf32>
    %mul3A_176 = arith.mulf %broadcast_in_dim3A_173, %mul3A_175 : vector<1x1xf32>
    %add3A = arith.addf %mul3A_125, %mul3A_176 : vector<1x1xf32>
    %swap3A = arith.constant 0 : index
    %swap3A_177 = arith.constant 0 : index
    %swap3A_178 = vector.load %arg4[%swap3A, %swap3A_177] : memref<1x1xf32, #tpu.memory_space<vmem>>, vector<1x1xf32>
    tpu.vector_store %arg4[%swap3A, %swap3A_177], %add3A {strides = array<i32>} : memref<1x1xf32, #tpu.memory_space<vmem>>, vector<1x1xf32>,
    return
  }
}

</mosaic_0001>

<sc_bundles>
// kernel: kernel.11.cloned.1.call-start
scs
__scs_entry_jumppad:
0x0: {  	(pc) =	sbr.rel $0x88, $3  }
0x1: {  	(tag) =	ssettag $0x0;
	lr =	simm.s32 $0x1  }
0x2: {  	[smem:$0x3F89] =	sst lr;
	_ =	strace $0xD0000000  }
0x3: {  	_ = 	snop  }
0x4: {  	_ = 	snop  }
0x5: {  	_ = 	snop  }
0x6: {  	_ = 	snop  }
0x7: {  	_ = 	snop  }
__scs_overlays_trampoline_lowered:
0x8: {  	[smem:$0x3F98] =	sst s0  }
0x9: {  	[smem:$0x3F99] =	sst s1  }
0xa: {  	[smem:$0x3F9A] =	sst s2  }
0xb: {  	[smem:$0x3F9B] =	sst s3  }
0xc: {  	[smem:$0x3F9C] =	sst s4  }
0xd: {  	[smem:$0x3F9D] =	sst s5  }
0xe: {  	[smem:$0x3F9E] =	sst s6  }
0xf: {  	[smem:$0x3F9F] =	sst s7  }
0x10: {  	[smem:$0x3FA0] =	sst s8  }
0x11: {  	[smem:$0x3FA1] =	sst s9;
	s0 =	simm.s32 @!p0 $0x0  }
0x12: {  	s1 =	sld [smem:$0x3F87];
	s0 =	simm.s32 @p0 $0x1  }
0x13: {  	[smem:$0x3FA2] =	sst s0;
	s0 =	simm.s32 @!p1 $0x0  }
0x14: {  	s2 =	sld [smem:$0x3F86];
	s0 =	simm.s32 @p1 $0x1  }
0x15: {  	[smem:$0x3FA3] =	sst s0;
	s0 =	simm.s32 @!p2 $0x0  }
0x16: {  	s3 =	sld [smem:$0x3FDB];
	s0 =	simm.s32 @p2 $0x1  }
0x17: {  	s4 =	simm.s32 $0x1BF5;
	[smem:$0x3FA5] =	sst s0  }
0x18: {  	s0 =	sld [smem:$0x3F88];
	_ =	swait.ge [sflag:s4], $0x0  }
0x19: {  	s7 =	sld [smem:$0x3F89]  }
0x1a: {  	s8 =	sadd.s32 $0xFFFFE003, lr  }
0x1b: {  	s9 =	sadd.s32 $0xFFFFFEF7, lr;
	s5 =	simm.s32 $0xFFFFFFFF;
	p2 =	slt.u32 s8, $0xFFFFF086  }
0x1c: {  	p1 =	slt.u32 s9, $0xF7A;
	s5 =	simm.s32 @!p2 $0x0  }
0x1d: {  	s5 =	simm.s32 @p1 $0x1;
	p0 =	seq.s32 s7, s2  }
0x1e: {  	s7 =	smul.u32 @!p0 $0xF7A, s2;
	p2 =	seq.s32 @!p0 s5, $0x0  }
0x1f: {  	s9 =	smul.u32 $0xF7A, s1;
	s8 =	simm.s32 @!p0 $0x1BF5;
	p2 =	por !p2, p0  }
0x20: {  	[sflag:s8] =	ssyncset.s32 @!p0 $0xFFFFF086;
	s6 =	sadd.s32 @!p0 s3, s7;
	s7 =	simm.s32 @!p0 $0x108  }
0x21: {  	s3 =	sadd.s32 s3, s9;
	s6 =	sadd.s32 @!p0 $0x88, s6;
	s7 =	simm.s32 @p2 $0x1082  }
0x22: {  	[simem:s7], [sflag:s8] =	dma.local @!p0 [hbm:s6], $0xF7A  }
0x23: {  	s9 =	sor.u32 $0xD0000000, s2;
	s6 =	simm.s32 $0x108;
	_ =	swait.ge @!p0 [sflag:s8], $0x0  }
0x24: {  	s3 =	sadd.s32 $0x88, s3;
	s6 =	simm.s32 @!p1 $0x1082;
	[sflag:s4] =	ssyncset.s32 $0xFFFFF086  }
0x25: {  	[simem:s6], [sflag:s4] =	dma.local [hbm:s3], $0xF7A  }
0x26: {  	[smem:$0x3F89] =	sst s1;
	(tag) =	ssettag s2;
	_ =	strace s9  }
0x27: {  	s1 =	sld [smem:$0x3F99]  }
0x28: {  	s2 =	sld [smem:$0x3F9A]  }
0x29: {  	s4 =	sld [smem:$0x3F9C]  }
0x2a: {  	p0 =	seq.s32 s5, $0x0;
	s5 =	sld [smem:$0x3F9D]  }
0x2b: {  	s6 =	sld [smem:$0x3F9E]  }
0x2c: {  	s7 =	sld [smem:$0x3F9F]  }
0x2d: {  	s3 =	simm.s32 $0x108;
	s8 =	sld [smem:$0x3FA0]  }
0x2e: {  	s3 =	simm.s32 @!p0 $0x1082;
	s9 =	sld [smem:$0x3FA1]  }
0x2f: {  	lr =	sadd.s32 s0, s3;
	s0 =	sld [smem:$0x3F98]  }
0x30: {  	s3 =	sld [smem:$0x3F9B]  }
0x31: {  	[smem:$0x3FA4] =	sst s10  }
0x32: {  	s10 =	sld [smem:$0x3FA2];
	_ =	sdelay $0x3  }
0x33: {  	p0 =	seq.s32 s10, $0x1;
	s10 =	sld [smem:$0x3FA4];
	_ =	sdelay $0x3  }
0x34: {  	[smem:$0x3FA4] =	sst s10  }
0x35: {  	s10 =	sld [smem:$0x3FA3];
	_ =	sdelay $0x3  }
0x36: {  	p1 =	seq.s32 s10, $0x1;
	s10 =	sld [smem:$0x3FA4];
	_ =	sdelay $0x3  }
0x37: {  	[smem:$0x3FA4] =	sst s10  }
0x38: {  	s10 =	sld [smem:$0x3FA5]  }
0x39: {  	_ = 	snop;
	(pc) =	sbr.ind lr, $3  }
0x3a: {  	_ = 	snop  }
0x3b: {  	_ = 	snop  }
0x3c: {  	p2 =	seq.s32 s10, $0x1;
	s10 =	sld [smem:$0x3FA4]  }
0x3d: {  	_ =	shalt  }
0x3e: {  	_ =	shalt  }
0x3f: {  	_ =	shalt  }
0x40: {  	_ =	shalt  }
0x41: {  	_ =	shalt  }
0x42: {  	_ =	shalt  }
0x43: {  	_ =	shalt  }
0x44: {  	_ =	shalt  }
0x45: {  	_ =	shalt  }
0x46: {  	_ =	shalt  }
0x47: {  	_ =	shalt  }
0x48: {  	_ =	shalt  }
0x49: {  	_ =	shalt  }
0x4a: {  	_ =	shalt  }
0x4b: {  	_ =	shalt  }
0x4c: {  	_ =	shalt  }
0x4d: {  	_ =	shalt  }
0x4e: {  	_ =	shalt  }
0x4f: {  	_ =	shalt  }
0x50: {  	_ =	shalt  }
0x51: {  	_ =	shalt  }
0x52: {  	_ =	shalt  }
0x53: {  	_ =	shalt  }
0x54: {  	_ =	shalt  }
0x55: {  	_ =	shalt  }
0x56: {  	_ =	shalt  }
0x57: {  	_ =	shalt  }
0x58: {  	_ =	shalt  }
0x59: {  	_ =	shalt  }
0x5a: {  	_ =	shalt  }
0x5b: {  	_ =	shalt  }
0x5c: {  	_ =	shalt  }
0x5d: {  	_ =	shalt  }
0x5e: {  	_ =	shalt  }
0x5f: {  	_ =	shalt  }
0x60: {  	_ =	shalt  }
0x61: {  	_ =	shalt  }
0x62: {  	_ =	shalt  }
0x63: {  	_ =	shalt  }
0x64: {  	_ =	shalt  }
0x65: {  	_ =	shalt  }
0x66: {  	_ =	shalt  }
0x67: {  	_ =	shalt  }
0x68: {  	_ =	shalt  }
0x69: {  	_ =	shalt  }
0x6a: {  	_ =	shalt  }
0x6b: {  	_ =	shalt  }
0x6c: {  	_ =	shalt  }
0x6d: {  	_ =	shalt  }
0x6e: {  	_ =	shalt  }
0x6f: {  	_ =	shalt  }
0x70: {  	_ =	shalt  }
0x71: {  	_ =	shalt  }
0x72: {  	_ =	shalt  }
0x73: {  	_ =	shalt  }
0x74: {  	_ =	shalt  }
0x75: {  	_ =	shalt  }
0x76: {  	_ =	shalt  }
0x77: {  	_ =	shalt  }
0x78: {  	_ =	shalt  }
0x79: {  	_ =	shalt  }
0x7a: {  	_ =	shalt  }
0x7b: {  	_ =	shalt  }
0x7c: {  	_ =	shalt  }
0x7d: {  	_ =	shalt  }
0x7e: {  	_ =	shalt  }
0x7f: {  	_ =	shalt  }
0x80: {  	_ =	shalt  }
0x81: {  	_ =	shalt  }
0x82: {  	_ =	shalt  }
0x83: {  	_ =	shalt  }
0x84: {  	_ =	shalt  }
0x85: {  	_ =	shalt  }
0x86: {  	_ =	shalt  }
0x87: {  	_ =	shalt  }
.Lfunc_end0:
.L_simem_size_0:
called_computation.1_lowered:
.L_overlay_start_0:
0x88: {  	s2 =	sld [smem:$0x3FD9]  }
0x89: {  	s3 =	sld [smem:$0x3FFE];
	_ =	sdelay $0x1  }
0x8a: {  	s1 =	srdreg.scid  }
0x8b: {  	s0 =	sand.u32 $0x1, s1  }
0x8c: {  	s16 =	sshll.u32 s0, $0xA;
	s2 =	sadd.s32 s3, s2  }
0x8d: {  	s2 =	sadd.s32 s2, s16  }
0x8e: {  	[smem:$0x3FB0] =	sst s2  }
0x8f: {  	_ = 	snop  }
0x90: {  	(tm) =	ssettm $0x1  }
0x91: {  	s17 =	sld [smem:$0x3FFB];
	_ =	sdelay $0x3  }
0x92: {  	_ =	strace s17  }
0x93: {  	s2 =	sld [smem:$0x3FFC];
	_ =	sdelay $0x3  }
0x94: {  	_ =	strace s2  }
0x95: {  	s2 =	sld [smem:$0x3FFD];
	_ =	sdelay $0x3  }
0x96: {  	_ =	strace s2  }
0x97: {  	_ =	strace $0x8FFFFFFF  }
0x98: {  	s18 =	sld [smem:$0x3FDB];
	_ =	sdelay $0x1  }
0x99: {  	s19 =	simm.s32 $_scs_section_size  }
0x9a: {  	s4 =	simm.s32 $_size__tile_overlayer_lowered;
	s5 =	simm.s32 $_tile_overlayer_lowered  }
0x9b: {  	s22 =	simm.s32 $0x1BFF;
	s21 =	sshll.u32 s5, $0x1;
	s2 =	sadd.s32 s19, s18  }
0x9c: {  	s6 =	simm.s32 $0x0;
	s20 =	sshll.u32 s4, $0x1;
	s4 =	sadd.s32 s21, s2  }
0x9d: {  	[timem:s6], [sflag:s22] =	dma.local [hbm:s4], s20  }
0x9e: {  	_ =	swait.ge [sflag:s22], s20  }
0x9f: {  	s3 =	ssub.s32 $0x0, s20;
	[sflag:s22] =	ssyncset.done $0x0  }
0xa0: {  	[sflag:s22] =	ssyncadd.s32 s3;
	_ =	sdelay $0x1  }
0xa1: {  	s23 =	simm.s32 $0x1B8B  }
0xa2: {  	_ =	swait.ge [sflag:s23], $0x1  }
0xa3: {  	[sflag:s23] =	ssyncset.done $0x0  }
0xa4: {  	s25 =	simm.s32 $0x1B8E;
	s24 =	sld [smem:$0x3FFE];
	[sflag:s23] =	ssyncadd.s32 $0xFFFFFFFF  }
0xa5: {  	s26 =	simm.s32 $execute0_lowered;
	[smem:$0x3FD2] =	sst s25  }
0xa6: {  	s4 =	sshll.u32 s26, $0x1;
	_ =	strace $0x80000049;
	[dreg:$0x1] =	wrdreg $0xFFFFFFFF  }
0xa7: {  	s28 =	simm.s32 $_size_execute0_lowered;
	s2 =	sadd.s32 s2, s4;
	[dreg:$0x0] =	wrdreg $0x0  }
0xa8: {  	s4 =	sshll.u32 s28, $0x1;
	[dreg:$0x2] =	wrdreg s2  }
0xa9: {  	[dreg:$0x3] =	wrdreg s4  }
0xaa: {  	[dreg:$0x4] =	wrdreg $0xC0  }
0xab: {  	_ =	task [dreg:s6], $0x5FFFF  }
0xac: {  	[dreg:$0x1] =	wrdreg $0xFFFFFFFF  }
0xad: {  	[dreg:$0x0] =	wrdreg $0x60  }
0xae: {  	[dreg:$0x2] =	wrdreg s24  }
0xaf: {  	[dreg:$0x3] =	wrdreg $0x9  }
0xb0: {  	_ =	task.clear_ibuf [dreg:s6], $0x4FFFF;
	_ =	strace $0x90000049  }
0xb1: {  	s29 =	simm.s32 $0x9;
	_ =	strace $0x8000004B  }
0xb2: {  	_ =	swait.ge [sflag:s29], $0x1  }
0xb3: {  	[sflag:s29] =	ssyncadd.s32 $0xFFFFFFFF  }
0xb4: {  	_ =	strace $0x9000004B  }
0xb5: {  	_ =	sfence  }
0xb6: {  	s30 =	sld [smem:$0x0];
	_ =	sdelay $0x2  }
0xb7: {  	s31 =	sshll.u32 s1, $0xD;
	s1 =	sshrl.u32 s1, $0x2  }
0xb8: {  	s3 =	sand.u32 $0x4000, s31;
	s1 =	sadd.s32 s1, s30  }
0xb9: {  	s0 =	sor.u32 s3, s0;
	s1 =	sshll.u32 s1, $0x11  }
0xba: {  	s0 =	sor.u32 s1, s0  }
0xbb: {  	s0 =	sadd.s32 $0x8F2B, s0  }
0xbc: {  	[sflag:s0] =	ssyncadd.remote.s32 $0x1  }
0xbd: {  	_ =	sfence.sel $0xFFFF  }
0xbe: {  	[dreg:$0x0] =	wrdreg $0xFFFFFFFF;
	(pc) =	sbr.abs _section_cstart, $3  }
0xbf: {  	[dreg:$0x1] =	wrdreg $0xFFFFFFFF  }
0xc0: {  	_ =	task.clear_ibuf [dreg:s6], $0x2FFFF;
	_ =	strace $0x9FFFFFFF  }
0xc1: {  	(tm) =	ssettm $0x7FFFFFFF  }
tec
execute0_lowered:
.L_overlay_start_1:
0x0: {  	(tag) =	ssettag $0x1  }
0x1: {  	s0 =	srdreg.scid  }
0x2: {  	s1 =	stileid.u32;
	s5 =	rddreg [dreg:$0x0];
	s2 =	simm.s32 $0x0  }
0x3: {  	s16 =	simm.s32 $0x4;
	s17 =	simm.s32 $0x80;
	s18 =	simm.s32 $0x1400  }
0x4: {  	s19 =	simm.s32 $0xD400;
	s20 =	simm.s32 $0x5400;
	s21 =	simm.s32 $0x11400  }
0x5: {  	v1 =	vlaneseq.u32;
	s28 =	simm.s32 $0x3;
	s29 =	simm.s32 $0x19400;
	s30 =	simm.s32 $0x1A800  }
0x6: {  	s31 =	simm.s32 $0x1BC00;
	s0 =	sand.u32 $0x1, s0;
	s1 =	sshll.u32 s1, $0x1;
	v11 =	vmul.u32 $0x80, v1  }
0x7: {  	[smem:$0x7FF] =	sst s2;
	s3 =	sadd.s32 $0xF600, s5;
	s4 =	sadd.s32 $0x196000, s5  }
0x8: {  	s8 =	sadd.s32 $0x31CA00, s5;
	s12 =	sadd.s32 $0x326A00, s5;
	s1 =	sor.u32 s0, s1;
	v13 =	vor.u32 $0x800, v11;
	v26 =	vor.u32 $0x1000, v11  }
0x9: {  	s7 =	sadd.s32 $0x5600, s5;
	s13 =	sadd.s32 $0x330A00, s5;
	s6 =	sshll.u32 s1, $0x2;
	v27 =	vor.u32 $0x1800, v11;
	v28 =	vor.u32 $0x2000, v11;
	v29 =	vor.u32 $0x2800, v11  }
0xa: {  	s5 =	sadd.s32 $0x33AA00, s5;
	s9 =	smul.u32 $0x500, s1;
	v30 =	vor.u32 $0x3000, v11;
	v32 =	vor.u32 $0x3800, v11;
	v0 =	vmov s6;
	s6 =	sor.u32 $0x1, s6  }
0xb: {  	_ =	strace $0x8000004A;
	s0 =	ssub.s32 $0x2, s0;
	s1 =	sshllo.u32 s1, $0x1;
	v31 =	vbroadcast v0, $0x0;
	v1 =	vor.u32 s6, v11;
	v3 =	vor.u32 s6, v13  }
0xc: {  	s10 =	sshrl.u32 s0, $0x1;
	s14 =	smul.u32 $0x280, s1;
	v4 =	vor.u32 s6, v26;
	v5 =	vor.u32 s6, v27;
	v6 =	vor.u32 s6, v28;
	s24 =	sadd.s32 s12, s9  }
0xd: {  	s22 =	sadd.s32 s7, s9;
	v7 =	vor.u32 s6, v29;
	v8 =	vor.u32 s6, v30;
	v9 =	vor.u32 s6, v32;
	[dreg:$0x4] =	wrdreg s24;
	s24 =	sshll.u32 s1, $0x1  }
0xe: {  	s23 =	sadd.s32 s8, s9;
	[dreg:$0x2] =	wrdreg s22;
	s1 =	sshllo.u32 s1, $0x1;
	v0 =	vor.u32 v11, v31;
	v2 =	vor.u32 v13, v31;
	v10 =	vadd.s32 s24, v11  }
0xf: {  	s0 =	ssub.s32 s0, s10;
	s25 =	sadd.s32 s13, s9;
	[dreg:$0x3] =	wrdreg s23;
	v11 =	vadd.s32 s1, v11;
	v12 =	vadd.s32 s24, v13;
	v13 =	vadd.s32 s1, v13  }
0x10: {  	s9 =	sadd.s32 s5, s9;
	s15 =	smax.u32 s0, $0x1;
	[dreg:$0x5] =	wrdreg s25;
	v14 =	vadd.s32 s24, v26;
	v15 =	vadd.s32 s1, v26;
	v16 =	vadd.s32 s24, v27  }
.Ltmp0:
0x11: {  	s0 =	simm.s32 $0x0;
	[dreg:$0x6] =	wrdreg s9;
	v17 =	vadd.s32 s1, v27;
	v18 =	vadd.s32 s24, v28;
	v19 =	vadd.s32 s1, v28;
	(pc) =	sbr.rel .LBB2_1-.Ltmp0, $4  }
0x12: {  	s26 =	sadd.s32 s7, s14;
	s11 =	sadd.s32 s8, s14;
	s12 =	sadd.s32 s12, s14;
	v20 =	vadd.s32 s24, v29;
	v21 =	vadd.s32 s1, v29;
	v22 =	vadd.s32 s24, v30  }
0x13: {  	s13 =	sadd.s32 s13, s14;
	s14 =	sadd.s32 s5, s14;
	s22 =	simm.s32 $0x100;
	v23 =	vadd.s32 s1, v30;
	v24 =	vadd.s32 s24, v32;
	v25 =	vadd.s32 s1, v32  }
0x14: {  	s23 =	simm.s32 $0x9400;
	s25 =	simm.s32 $0x1;
	[dreg:$0x7] =	wrdreg s26;
	v26 =	vor.u32 v26, v31;
	v27 =	vor.u32 v27, v31;
	v28 =	vor.u32 v28, v31  }
0x15: {  	s24 =	simm.s32 $0x15400;
	s26 =	simm.s32 $0x2;
	v29 =	vor.u32 v29, v31;
	v30 =	vor.u32 v30, v31;
	v31 =	vor.u32 v32, v31;
	s1 =	simm.s32 $0x1D000  }
.LBB2_7:
0x16: {  	[hbm4b:s11+s2] =	stream.linear.scatter [tilespmem:s29], [sflag:$0x4], $0x1080, $0x38;
	[tilespmem:$0x1E400] =	vst v63  }
0x17: {  	_ =	swait.ge [sflag:s16], $0x1080  }
0x18: {  	[sflag:s16] =	ssyncset.done $0x0  }
0x19: {  	[sflag:s16] =	ssyncadd.s32 $0xFFFFEF80  }
0x1a: {  	[hbm4b:s12+s2] =	stream.linear.scatter [tilespmem:s30], [sflag:$0x4], $0x1080, $0x38;
	[tilespmem:$0x1E400] =	vst v63  }
0x1b: {  	_ =	swait.ge [sflag:s16], $0x1080  }
0x1c: {  	[sflag:s16] =	ssyncset.done $0x0  }
0x1d: {  	[sflag:s16] =	ssyncadd.s32 $0xFFFFEF80  }
0x1e: {  	[hbm4b:s13+s2] =	stream.linear.scatter [tilespmem:s31], [sflag:$0x4], $0x1080, $0x38;
	[tilespmem:$0x1E400] =	vst v63  }
0x1f: {  	s0 =	sadd.s32 $0x1, s0;
	_ =	swait.ge [sflag:s16], $0x1080  }
0x20: {  	p0 =	sne.s32 s0, s15;
	[sflag:s16] =	ssyncset.done $0x0  }
.Ltmp1:
0x21: {  	[sflag:s16] =	ssyncadd.s32 $0xFFFFEF80;
	(pc) =	sbr.rel @!p0 .LBB2_8-.Ltmp1, $4  }
0x22: {  	[hbm4b:s14+s2] =	stream.linear.scatter [tilespmem:s1], [sflag:$0x4], $0x1080, $0x38;
	[tilespmem:$0x1E400] =	vst v63  }
0x23: {  	_ =	swait.ge [sflag:s16], $0x1080  }
0x24: {  	[sflag:s16] =	ssyncset.done $0x0  }
0x25: {  	[sflag:s16] =	ssyncadd.s32 $0xFFFFEF80  }
.LBB2_1:
0x26: {  	s5 =	rddreg [dreg:$0x2]  }
0x27: {  	[tilespmem:s2], [sflag:$0x4] =	stream.linear.gather [hbm4b:s5+s2], $0x1080, $0x38;
	[tilespmem:$0x1E400] =	vst v63  }
0x28: {  	_ =	swait.ge [sflag:s16], $0x1080  }
0x29: {  	[sflag:s16] =	ssyncset.done $0x0  }
0x2a: {  	[sflag:s16] =	ssyncadd.s32 $0xFFFFEF80  }
0x2b: {  	[tilespmem:s18], [sflag:$0x1] =	stream.indirect.gather [hbm4b:s3+s17], $0x80, s2, s17, $0xb8;
	[tilespmem:$0x1E400] =	vst v63  }
0x2c: {  	_ = 	snop  }
0x2d: {  	[tilespmem:s19], [sflag:$0x1] =	stream.indirect.gather [hbm4b:s4+s17], $0x80, s2, s17, $0xb8;
	[tilespmem:$0x1E400] =	vst v63  }
0x2e: {  	_ = 	snop  }
0x2f: {  	[tilespmem:s20], [sflag:$0x2] =	stream.indirect.gather [hbm4b:s3+s17], $0x80, s17, s17, $0xb8;
	[tilespmem:$0x1E400] =	vst v63  }
0x30: {  	_ = 	snop  }
0x31: {  	[tilespmem:s21], [sflag:$0x2] =	stream.indirect.gather [hbm4b:s4+s17], $0x80, s17, s17, $0xb8;
	[tilespmem:$0x1E400] =	vst v63  }
0x32: {  	_ = 	snop  }
0x33: {  	[tilespmem:s23], [sflag:$0x3] =	stream.indirect.gather [hbm4b:s3+s17], $0x80, s22, s17, $0xb8;
	[tilespmem:$0x1E400] =	vst v63  }
0x34: {  	s5 =	simm.s32 $0x0  }
0x35: {  	[tilespmem:s24], [sflag:$0x3] =	stream.indirect.gather [hbm4b:s4+s17], $0x80, s22, s17, $0xb8;
	[tilespmem:$0x1E400] =	vst v63  }
.LBB2_2:
0x36: {  	_ =	swait.ge [sflag:s25], $0x4000  }
0x37: {  	[sflag:s25] =	ssyncset.done $0x0  }
0x38: {  	[sflag:s25] =	ssyncadd.s32 $0xFFFFC000  }
0x39: {  	_ =	swait.ge [sflag:s25], $0x4000  }
0x3a: {  	[sflag:s25] =	ssyncset.done $0x0  }
0x3b: {  	[sflag:s25] =	ssyncadd.s32 $0xFFFFC000  }
0x3c: {  	v32 =	vld.idx.msk [tilespmem:v0+s19+$0x0], $0xffff;
	_ =	sdelay $0x3  }
0x3d: {  	s6 =	sshra.s32 s5, $0x2  }
0x3e: {  	[tilespmem:s6+$0x19400] =	vst v32  }
0x3f: {  	v32 =	vld.idx.msk [tilespmem:v1+s19+$0x0], $0xffff;
	_ =	sdelay $0x4  }
0x40: {  	[tilespmem:s6+$0x1A800] =	vst v32  }
0x41: {  	v32 =	vld.idx.msk [tilespmem:v1+s18+$0x0], $0xffff;
	_ =	sdelay $0x4  }
0x42: {  	[tilespmem:s6+$0x1BC00] =	vst v32  }
0x43: {  	v32 =	vld.idx.msk [tilespmem:v0+s18+$0x0], $0xffff;
	_ =	sdelay $0x4  }
0x44: {  	[tilespmem:s6+$0x1D000] =	vst v32  }
0x45: {  	v32 =	vld.idx.msk [tilespmem:v2+s19+$0x0], $0xffff;
	_ =	sdelay $0x4  }
0x46: {  	[tilespmem:s6+$0x19410] =	vst v32  }
0x47: {  	v32 =	vld.idx.msk [tilespmem:v3+s19+$0x0], $0xffff;
	_ =	sdelay $0x4  }
0x48: {  	[tilespmem:s6+$0x1A810] =	vst v32  }
0x49: {  	v32 =	vld.idx.msk [tilespmem:v3+s18+$0x0], $0xffff;
	_ =	sdelay $0x4  }
0x4a: {  	[tilespmem:s6+$0x1BC10] =	vst v32  }
0x4b: {  	v32 =	vld.idx.msk [tilespmem:v2+s18+$0x0], $0xffff;
	_ =	sdelay $0x4  }
0x4c: {  	[tilespmem:s6+$0x1D010] =	vst v32  }
0x4d: {  	v32 =	vld.idx.msk [tilespmem:v26+s19+$0x0], $0xffff;
	_ =	sdelay $0x4  }
0x4e: {  	[tilespmem:s6+$0x19420] =	vst v32  }
0x4f: {  	v32 =	vld.idx.msk [tilespmem:v4+s19+$0x0], $0xffff;
	_ =	sdelay $0x4  }
0x50: {  	[tilespmem:s6+$0x1A820] =	vst v32  }
0x51: {  	v32 =	vld.idx.msk [tilespmem:v4+s18+$0x0], $0xffff;
	_ =	sdelay $0x4  }
0x52: {  	[tilespmem:s6+$0x1BC20] =	vst v32  }
0x53: {  	v32 =	vld.idx.msk [tilespmem:v26+s18+$0x0], $0xffff;
	_ =	sdelay $0x4  }
0x54: {  	[tilespmem:s6+$0x1D020] =	vst v32  }
0x55: {  	v32 =	vld.idx.msk [tilespmem:v27+s19+$0x0], $0xffff;
	_ =	sdelay $0x4  }
0x56: {  	[tilespmem:s6+$0x19430] =	vst v32  }
0x57: {  	v32 =	vld.idx.msk [tilespmem:v5+s19+$0x0], $0xffff;
	_ =	sdelay $0x4  }
0x58: {  	[tilespmem:s6+$0x1A830] =	vst v32  }
0x59: {  	v32 =	vld.idx.msk [tilespmem:v5+s18+$0x0], $0xffff;
	_ =	sdelay $0x4  }
0x5a: {  	[tilespmem:s6+$0x1BC30] =	vst v32  }
0x5b: {  	v32 =	vld.idx.msk [tilespmem:v27+s18+$0x0], $0xffff;
	_ =	sdelay $0x4  }
0x5c: {  	[tilespmem:s6+$0x1D030] =	vst v32  }
0x5d: {  	v32 =	vld.idx.msk [tilespmem:v28+s19+$0x0], $0xffff;
	_ =	sdelay $0x4  }
0x5e: {  	[tilespmem:s6+$0x19440] =	vst v32  }
0x5f: {  	v32 =	vld.idx.msk [tilespmem:v6+s19+$0x0], $0xffff;
	_ =	sdelay $0x4  }
0x60: {  	[tilespmem:s6+$0x1A840] =	vst v32  }
0x61: {  	v32 =	vld.idx.msk [tilespmem:v6+s18+$0x0], $0xffff;
	_ =	sdelay $0x4  }
0x62: {  	[tilespmem:s6+$0x1BC40] =	vst v32  }
0x63: {  	v32 =	vld.idx.msk [tilespmem:v28+s18+$0x0], $0xffff;
	_ =	sdelay $0x4  }
0x64: {  	[tilespmem:s6+$0x1D040] =	vst v32  }
0x65: {  	v32 =	vld.idx.msk [tilespmem:v29+s19+$0x0], $0xffff;
	_ =	sdelay $0x4  }
0x66: {  	[tilespmem:s6+$0x19450] =	vst v32  }
0x67: {  	v32 =	vld.idx.msk [tilespmem:v7+s19+$0x0], $0xffff;
	_ =	sdelay $0x4  }
0x68: {  	[tilespmem:s6+$0x1A850] =	vst v32  }
0x69: {  	v32 =	vld.idx.msk [tilespmem:v7+s18+$0x0], $0xffff;
	_ =	sdelay $0x4  }
0x6a: {  	[tilespmem:s6+$0x1BC50] =	vst v32  }
0x6b: {  	v32 =	vld.idx.msk [tilespmem:v29+s18+$0x0], $0xffff;
	_ =	sdelay $0x4  }
0x6c: {  	[tilespmem:s6+$0x1D050] =	vst v32  }
0x6d: {  	v32 =	vld.idx.msk [tilespmem:v30+s19+$0x0], $0xffff;
	_ =	sdelay $0x4  }
0x6e: {  	[tilespmem:s6+$0x19460] =	vst v32  }
0x6f: {  	v32 =	vld.idx.msk [tilespmem:v8+s19+$0x0], $0xffff;
	_ =	sdelay $0x4  }
0x70: {  	[tilespmem:s6+$0x1A860] =	vst v32  }
0x71: {  	v32 =	vld.idx.msk [tilespmem:v8+s18+$0x0], $0xffff;
	_ =	sdelay $0x4  }
0x72: {  	[tilespmem:s6+$0x1BC60] =	vst v32  }
0x73: {  	v32 =	vld.idx.msk [tilespmem:v30+s18+$0x0], $0xffff;
	_ =	sdelay $0x4  }
0x74: {  	[tilespmem:s6+$0x1D060] =	vst v32  }
0x75: {  	v32 =	vld.idx.msk [tilespmem:v31+s19+$0x0], $0xffff;
	_ =	sdelay $0x4  }
0x76: {  	[tilespmem:s6+$0x19470] =	vst v32  }
0x77: {  	v32 =	vld.idx.msk [tilespmem:v9+s19+$0x0], $0xffff;
	_ =	sdelay $0x4  }
0x78: {  	[tilespmem:s6+$0x1A870] =	vst v32  }
0x79: {  	v32 =	vld.idx.msk [tilespmem:v9+s18+$0x0], $0xffff;
	_ =	sdelay $0x4  }
0x7a: {  	[tilespmem:s6+$0x1BC70] =	vst v32  }
0x7b: {  	v32 =	vld.idx.msk [tilespmem:v31+s18+$0x0], $0xffff;
	_ =	sdelay $0x2  }
0x7c: {  	p0 =	seq.s32 s5, $0x3C00  }
0x7d: {  	s8 =	sshra.s32 @!p0 s5, $0x2  }
0x7e: {  	s7 =	simm.s32 @!p0 $0x80;
	s10 =	simm.s32 @!p0 $0x1400;
	s9 =	sadd.s32 @!p0 $0x180, s8;
	[tilespmem:s6+$0x1D070] =	vst v32  }
0x7f: {  	[tilespmem:s10], [sflag:$0x1] =	stream.indirect.gather @!p0 [hbm4b:s3+s7], $0x80, s9, s7, $0xb8;
	[tilespmem:$0x1E400] =	vst v63  }
0x80: {  	s10 =	simm.s32 @!p0 $0xD400  }
0x81: {  	[tilespmem:s10], [sflag:$0x1] =	stream.indirect.gather @!p0 [hbm4b:s4+s7], $0x80, s9, s7, $0xb8;
	[tilespmem:$0x1E400] =	vst v63  }
0x82: {  	_ =	swait.ge [sflag:s26], $0x4000  }
0x83: {  	[sflag:s26] =	ssyncset.done $0x0  }
0x84: {  	[sflag:s26] =	ssyncadd.s32 $0xFFFFC000  }
0x85: {  	_ =	swait.ge [sflag:s26], $0x4000  }
0x86: {  	[sflag:s26] =	ssyncset.done $0x0  }
0x87: {  	[sflag:s26] =	ssyncadd.s32 $0xFFFFC000  }
0x88: {  	v62 =	vld.idx.msk [tilespmem:v0+s21+$0x0], $0xffff;
	_ =	sdelay $0x4  }
0x89: {  	[tilespmem:s6+$0x19480] =	vst v62  }
0x8a: {  	v32 =	vld.idx.msk [tilespmem:v1+s21+$0x0], $0xffff;
	_ =	sdelay $0x4  }
0x8b: {  	[tilespmem:s6+$0x1A880] =	vst v32  }
0x8c: {  	v32 =	vld.idx.msk [tilespmem:v1+s20+$0x0], $0xffff;
	_ =	sdelay $0x4  }
0x8d: {  	[tilespmem:s6+$0x1BC80] =	vst v32  }
0x8e: {  	v32 =	vld.idx.msk [tilespmem:v0+s20+$0x0], $0xffff;
	_ =	sdelay $0x4  }
0x8f: {  	[tilespmem:s6+$0x1D080] =	vst v32  }
0x90: {  	v32 =	vld.idx.msk [tilespmem:v2+s21+$0x0], $0xffff;
	_ =	sdelay $0x4  }
0x91: {  	[tilespmem:s6+$0x19490] =	vst v32  }
0x92: {  	v32 =	vld.idx.msk [tilespmem:v3+s21+$0x0], $0xffff;
	_ =	sdelay $0x4  }
0x93: {  	[tilespmem:s6+$0x1A890] =	vst v32  }
0x94: {  	v32 =	vld.idx.msk [tilespmem:v3+s20+$0x0], $0xffff;
	_ =	sdelay $0x4  }
0x95: {  	[tilespmem:s6+$0x1BC90] =	vst v32  }
0x96: {  	v32 =	vld.idx.msk [tilespmem:v2+s20+$0x0], $0xffff;
	_ =	sdelay $0x4  }
0x97: {  	[tilespmem:s6+$0x1D090] =	vst v32  }
0x98: {  	v32 =	vld.idx.msk [tilespmem:v26+s21+$0x0], $0xffff;
	_ =	sdelay $0x4  }
0x99: {  	[tilespmem:s6+$0x194A0] =	vst v32  }
0x9a: {  	v32 =	vld.idx.msk [tilespmem:v4+s21+$0x0], $0xffff;
	_ =	sdelay $0x4  }
0x9b: {  	[tilespmem:s6+$0x1A8A0] =	vst v32  }
0x9c: {  	v32 =	vld.idx.msk [tilespmem:v4+s20+$0x0], $0xffff;
	_ =	sdelay $0x4  }
0x9d: {  	[tilespmem:s6+$0x1BCA0] =	vst v32  }
0x9e: {  	v32 =	vld.idx.msk [tilespmem:v26+s20+$0x0], $0xffff;
	_ =	sdelay $0x4  }
0x9f: {  	[tilespmem:s6+$0x1D0A0] =	vst v32  }
0xa0: {  	v32 =	vld.idx.msk [tilespmem:v27+s21+$0x0], $0xffff;
	_ =	sdelay $0x4  }
0xa1: {  	[tilespmem:s6+$0x194B0] =	vst v32  }
0xa2: {  	v32 =	vld.idx.msk [tilespmem:v5+s21+$0x0], $0xffff;
	_ =	sdelay $0x4  }
0xa3: {  	[tilespmem:s6+$0x1A8B0] =	vst v32  }
0xa4: {  	v32 =	vld.idx.msk [tilespmem:v5+s20+$0x0], $0xffff;
	_ =	sdelay $0x4  }
0xa5: {  	[tilespmem:s6+$0x1BCB0] =	vst v32  }
0xa6: {  	v32 =	vld.idx.msk [tilespmem:v27+s20+$0x0], $0xffff;
	_ =	sdelay $0x4  }
0xa7: {  	[tilespmem:s6+$0x1D0B0] =	vst v32  }
0xa8: {  	v32 =	vld.idx.msk [tilespmem:v28+s21+$0x0], $0xffff;
	_ =	sdelay $0x4  }
0xa9: {  	[tilespmem:s6+$0x194C0] =	vst v32  }
0xaa: {  	v32 =	vld.idx.msk [tilespmem:v6+s21+$0x0], $0xffff;
	_ =	sdelay $0x4  }
0xab: {  	[tilespmem:s6+$0x1A8C0] =	vst v32  }
0xac: {  	v32 =	vld.idx.msk [tilespmem:v6+s20+$0x0], $0xffff;
	_ =	sdelay $0x4  }
0xad: {  	[tilespmem:s6+$0x1BCC0] =	vst v32  }
0xae: {  	v32 =	vld.idx.msk [tilespmem:v28+s20+$0x0], $0xffff;
	_ =	sdelay $0x4  }
0xaf: {  	[tilespmem:s6+$0x1D0C0] =	vst v32  }
0xb0: {  	v32 =	vld.idx.msk [tilespmem:v29+s21+$0x0], $0xffff;
	_ =	sdelay $0x4  }
0xb1: {  	[tilespmem:s6+$0x194D0] =	vst v32  }
0xb2: {  	v32 =	vld.idx.msk [tilespmem:v7+s21+$0x0], $0xffff;
	_ =	sdelay $0x4  }
0xb3: {  	[tilespmem:s6+$0x1A8D0] =	vst v32  }
0xb4: {  	v32 =	vld.idx.msk [tilespmem:v7+s20+$0x0], $0xffff;
	_ =	sdelay $0x4  }
0xb5: {  	[tilespmem:s6+$0x1BCD0] =	vst v32  }
0xb6: {  	v32 =	vld.idx.msk [tilespmem:v29+s20+$0x0], $0xffff;
	_ =	sdelay $0x4  }
0xb7: {  	[tilespmem:s6+$0x1D0D0] =	vst v32  }
0xb8: {  	v32 =	vld.idx.msk [tilespmem:v30+s21+$0x0], $0xffff;
	_ =	sdelay $0x4  }
0xb9: {  	[tilespmem:s6+$0x194E0] =	vst v32  }
0xba: {  	v32 =	vld.idx.msk [tilespmem:v8+s21+$0x0], $0xffff;
	_ =	sdelay $0x4  }
0xbb: {  	[tilespmem:s6+$0x1A8E0] =	vst v32  }
0xbc: {  	v32 =	vld.idx.msk [tilespmem:v8+s20+$0x0], $0xffff;
	_ =	sdelay $0x4  }
0xbd: {  	[tilespmem:s6+$0x1BCE0] =	vst v32  }
0xbe: {  	v32 =	vld.idx.msk [tilespmem:v30+s20+$0x0], $0xffff;
	_ =	sdelay $0x4  }
0xbf: {  	[tilespmem:s6+$0x1D0E0] =	vst v32  }
0xc0: {  	v32 =	vld.idx.msk [tilespmem:v31+s21+$0x0], $0xffff;
	_ =	sdelay $0x4  }
0xc1: {  	[tilespmem:s6+$0x194F0] =	vst v32  }
0xc2: {  	v32 =	vld.idx.msk [tilespmem:v9+s21+$0x0], $0xffff;
	_ =	sdelay $0x4  }
0xc3: {  	[tilespmem:s6+$0x1A8F0] =	vst v32  }
0xc4: {  	v32 =	vld.idx.msk [tilespmem:v9+s20+$0x0], $0xffff;
	_ =	sdelay $0x4  }
0xc5: {  	[tilespmem:s6+$0x1BCF0] =	vst v32  }
0xc6: {  	v32 =	vld.idx.msk [tilespmem:v31+s20+$0x0], $0xffff;
	_ =	sdelay $0x4  }
0xc7: {  	s8 =	sadd.s32 @!p0 $0x200, s8;
	s9 =	simm.s32 @!p0 $0x5400;
	[tilespmem:s6+$0x1D0F0] =	vst v32  }
0xc8: {  	[tilespmem:s9], [sflag:$0x2] =	stream.indirect.gather @!p0 [hbm4b:s3+s7], $0x80, s8, s7, $0xb8;
	[tilespmem:$0x1E400] =	vst v63  }
0xc9: {  	s9 =	simm.s32 @!p0 $0x11400  }
0xca: {  	[tilespmem:s9], [sflag:$0x2] =	stream.indirect.gather @!p0 [hbm4b:s4+s7], $0x80, s8, s7, $0xb8;
	[tilespmem:$0x1E400] =	vst v63  }
0xcb: {  	_ =	swait.ge [sflag:s28], $0x4000  }
0xcc: {  	[sflag:s28] =	ssyncset.done $0x0  }
0xcd: {  	[sflag:s28] =	ssyncadd.s32 $0xFFFFC000  }
0xce: {  	_ =	swait.ge [sflag:s28], $0x4000  }
0xcf: {  	[sflag:s28] =	ssyncset.done $0x0  }
0xd0: {  	[sflag:s28] =	ssyncadd.s32 $0xFFFFC000  }
0xd1: {  	v63 =	vld.idx.msk [tilespmem:v0+s24+$0x0], $0xffff;
	_ =	sdelay $0x4  }
0xd2: {  	[tilespmem:s6+$0x19500] =	vst v63  }
0xd3: {  	v32 =	vld.idx.msk [tilespmem:v1+s24+$0x0], $0xffff;
	_ =	sdelay $0x4  }
0xd4: {  	[tilespmem:s6+$0x1A900] =	vst v32  }
0xd5: {  	v32 =	vld.idx.msk [tilespmem:v1+s23+$0x0], $0xffff;
	_ =	sdelay $0x4  }
0xd6: {  	[tilespmem:s6+$0x1BD00] =	vst v32  }
0xd7: {  	v32 =	vld.idx.msk [tilespmem:v0+s23+$0x0], $0xffff;
	_ =	sdelay $0x4  }
0xd8: {  	[tilespmem:s6+$0x1D100] =	vst v32  }
0xd9: {  	v32 =	vld.idx.msk [tilespmem:v2+s24+$0x0], $0xffff;
	_ =	sdelay $0x4  }
0xda: {  	[tilespmem:s6+$0x19510] =	vst v32  }
0xdb: {  	v32 =	vld.idx.msk [tilespmem:v3+s24+$0x0], $0xffff;
	_ =	sdelay $0x4  }
0xdc: {  	[tilespmem:s6+$0x1A910] =	vst v32  }
0xdd: {  	v32 =	vld.idx.msk [tilespmem:v3+s23+$0x0], $0xffff;
	_ =	sdelay $0x4  }
0xde: {  	[tilespmem:s6+$0x1BD10] =	vst v32  }
0xdf: {  	v32 =	vld.idx.msk [tilespmem:v2+s23+$0x0], $0xffff;
	_ =	sdelay $0x4  }
0xe0: {  	[tilespmem:s6+$0x1D110] =	vst v32  }
0xe1: {  	v32 =	vld.idx.msk [tilespmem:v26+s24+$0x0], $0xffff;
	_ =	sdelay $0x4  }
0xe2: {  	[tilespmem:s6+$0x19520] =	vst v32  }
0xe3: {  	v32 =	vld.idx.msk [tilespmem:v4+s24+$0x0], $0xffff;
	_ =	sdelay $0x4  }
0xe4: {  	[tilespmem:s6+$0x1A920] =	vst v32  }
0xe5: {  	v32 =	vld.idx.msk [tilespmem:v4+s23+$0x0], $0xffff;
	_ =	sdelay $0x4  }
0xe6: {  	[tilespmem:s6+$0x1BD20] =	vst v32  }
0xe7: {  	v32 =	vld.idx.msk [tilespmem:v26+s23+$0x0], $0xffff;
	_ =	sdelay $0x4  }
0xe8: {  	[tilespmem:s6+$0x1D120] =	vst v32  }
0xe9: {  	v32 =	vld.idx.msk [tilespmem:v27+s24+$0x0], $0xffff;
	_ =	sdelay $0x4  }
0xea: {  	[tilespmem:s6+$0x19530] =	vst v32  }
0xeb: {  	v32 =	vld.idx.msk [tilespmem:v5+s24+$0x0], $0xffff;
	_ =	sdelay $0x4  }
0xec: {  	[tilespmem:s6+$0x1A930] =	vst v32  }
0xed: {  	v32 =	vld.idx.msk [tilespmem:v5+s23+$0x0], $0xffff;
	_ =	sdelay $0x4  }
0xee: {  	[tilespmem:s6+$0x1BD30] =	vst v32  }
0xef: {  	v32 =	vld.idx.msk [tilespmem:v27+s23+$0x0], $0xffff;
	_ =	sdelay $0x4  }
0xf0: {  	[tilespmem:s6+$0x1D130] =	vst v32  }
0xf1: {  	v32 =	vld.idx.msk [tilespmem:v28+s24+$0x0], $0xffff;
	_ =	sdelay $0x4  }
0xf2: {  	[tilespmem:s6+$0x19540] =	vst v32  }
0xf3: {  	v32 =	vld.idx.msk [tilespmem:v6+s24+$0x0], $0xffff;
	_ =	sdelay $0x4  }
0xf4: {  	[tilespmem:s6+$0x1A940] =	vst v32  }
0xf5: {  	v32 =	vld.idx.msk [tilespmem:v6+s23+$0x0], $0xffff;
	_ =	sdelay $0x4  }
0xf6: {  	[tilespmem:s6+$0x1BD40] =	vst v32  }
0xf7: {  	v32 =	vld.idx.msk [tilespmem:v28+s23+$0x0], $0xffff;
	_ =	sdelay $0x4  }
0xf8: {  	[tilespmem:s6+$0x1D140] =	vst v32  }
0xf9: {  	v32 =	vld.idx.msk [tilespmem:v29+s24+$0x0], $0xffff;
	_ =	sdelay $0x4  }
0xfa: {  	[tilespmem:s6+$0x19550] =	vst v32  }
0xfb: {  	v32 =	vld.idx.msk [tilespmem:v7+s24+$0x0], $0xffff;
	_ =	sdelay $0x4  }
0xfc: {  	[tilespmem:s6+$0x1A950] =	vst v32  }
0xfd: {  	v32 =	vld.idx.msk [tilespmem:v7+s23+$0x0], $0xffff;
	_ =	sdelay $0x4  }
0xfe: {  	[tilespmem:s6+$0x1BD50] =	vst v32  }
0xff: {  	v32 =	vld.idx.msk [tilespmem:v29+s23+$0x0], $0xffff;
	_ =	sdelay $0x4  }
0x100: {  	[tilespmem:s6+$0x1D150] =	vst v32  }
0x101: {  	v32 =	vld.idx.msk [tilespmem:v30+s24+$0x0], $0xffff;
	_ =	sdelay $0x4  }
0x102: {  	[tilespmem:s6+$0x19560] =	vst v32  }
0x103: {  	v32 =	vld.idx.msk [tilespmem:v8+s24+$0x0], $0xffff;
	_ =	sdelay $0x4  }
0x104: {  	[tilespmem:s6+$0x1A960] =	vst v32  }
0x105: {  	v32 =	vld.idx.msk [tilespmem:v8+s23+$0x0], $0xffff;
	_ =	sdelay $0x4  }
0x106: {  	[tilespmem:s6+$0x1BD60] =	vst v32  }
0x107: {  	v32 =	vld.idx.msk [tilespmem:v30+s23+$0x0], $0xffff;
	_ =	sdelay $0x4  }
0x108: {  	[tilespmem:s6+$0x1D160] =	vst v32  }
0x109: {  	v32 =	vld.idx.msk [tilespmem:v31+s24+$0x0], $0xffff;
	_ =	sdelay $0x4  }
0x10a: {  	[tilespmem:s6+$0x19570] =	vst v32  }
0x10b: {  	v32 =	vld.idx.msk [tilespmem:v9+s24+$0x0], $0xffff;
	_ =	sdelay $0x4  }
0x10c: {  	[tilespmem:s6+$0x1A970] =	vst v32  }
0x10d: {  	v32 =	vld.idx.msk [tilespmem:v9+s23+$0x0], $0xffff;
	_ =	sdelay $0x4  }
0x10e: {  	[tilespmem:s6+$0x1BD70] =	vst v32  }
0x10f: {  	v32 =	vld.idx.msk [tilespmem:v31+s23+$0x0], $0xffff  }
.Ltmp2:
0x110: {  	_ = 	snop;
	(pc) =	sbr.rel @p0 .LBB2_4-.Ltmp2, $2  }
0x111: {  	_ =	sdelay $0x2  }
0x112: {  	[tilespmem:s6+$0x1D170] =	vst v32  }
.Ltmp3:
0x113: {  	(pc) =	sbr.rel .LBB2_2-.Ltmp3, $4  }
0x114: {  	s6 =	sadd.s32 $0x280, s6  }
0x115: {  	[tilespmem:s23], [sflag:$0x3] =	stream.indirect.gather [hbm4b:s3+s17], $0x80, s6, s17, $0xb8;
	[tilespmem:$0x1E400] =	vst v63  }
0x116: {  	s5 =	sadd.s32 $0x600, s5  }
0x117: {  	[tilespmem:s24], [sflag:$0x3] =	stream.indirect.gather [hbm4b:s4+s17], $0x80, s6, s17, $0xb8;
	[tilespmem:$0x1E400] =	vst v63  }
.LBB2_4:
0x118: {  	s5 =	simm.s32 $0x0;
	s6 =	rddreg [dreg:$0x3]  }
0x119: {  	[hbm4b:s6+s5] =	stream.linear.scatter [tilespmem:s29], [sflag:$0x4], $0x1080, $0x38;
	[tilespmem:$0x1E400] =	vst v63  }
0x11a: {  	_ =	swait.ge [sflag:s16], $0x1080  }
0x11b: {  	[sflag:s16] =	ssyncset.done $0x0  }
0x11c: {  	s7 =	rddreg [dreg:$0x4];
	[sflag:s16] =	ssyncadd.s32 $0xFFFFEF80  }
0x11d: {  	[hbm4b:s7+s5] =	stream.linear.scatter [tilespmem:s30], [sflag:$0x4], $0x1080, $0x38;
	[tilespmem:$0x1E400] =	vst v63  }
0x11e: {  	_ =	swait.ge [sflag:s16], $0x1080  }
0x11f: {  	[sflag:s16] =	ssyncset.done $0x0  }
0x120: {  	s8 =	rddreg [dreg:$0x5];
	[sflag:s16] =	ssyncadd.s32 $0xFFFFEF80  }
0x121: {  	[hbm4b:s8+s5] =	stream.linear.scatter [tilespmem:s31], [sflag:$0x4], $0x1080, $0x38;
	[tilespmem:$0x1E400] =	vst v63  }
0x122: {  	_ =	swait.ge [sflag:s16], $0x1080  }
0x123: {  	[sflag:s16] =	ssyncset.done $0x0  }
0x124: {  	s9 =	rddreg [dreg:$0x6];
	[sflag:s16] =	ssyncadd.s32 $0xFFFFEF80  }
0x125: {  	[hbm4b:s9+s5] =	stream.linear.scatter [tilespmem:s1], [sflag:$0x4], $0x1080, $0x38;
	[tilespmem:$0x1E400] =	vst v63  }
0x126: {  	_ =	swait.ge [sflag:s16], $0x1080  }
0x127: {  	[sflag:s16] =	ssyncset.done $0x0  }
0x128: {  	s10 =	rddreg [dreg:$0x7];
	[sflag:s16] =	ssyncadd.s32 $0xFFFFEF80  }
0x129: {  	[tilespmem:s5], [sflag:$0x4] =	stream.linear.gather [hbm4b:s10+s5], $0x1080, $0x38;
	[tilespmem:$0x1E400] =	vst v63  }
0x12a: {  	_ =	swait.ge [sflag:s16], $0x1080  }
0x12b: {  	[sflag:s16] =	ssyncset.done $0x0  }
0x12c: {  	[sflag:s16] =	ssyncadd.s32 $0xFFFFEF80  }
0x12d: {  	[tilespmem:s18], [sflag:$0x1] =	stream.indirect.gather [hbm4b:s3+s17], $0x80, s5, s17, $0xb8;
	[tilespmem:$0x1E400] =	vst v63  }
0x12e: {  	_ = 	snop  }
0x12f: {  	[tilespmem:s19], [sflag:$0x1] =	stream.indirect.gather [hbm4b:s4+s17], $0x80, s5, s17, $0xb8;
	[tilespmem:$0x1E400] =	vst v63  }
0x130: {  	_ = 	snop  }
0x131: {  	[tilespmem:s20], [sflag:$0x2] =	stream.indirect.gather [hbm4b:s3+s17], $0x80, s17, s17, $0xb8;
	[tilespmem:$0x1E400] =	vst v63  }
0x132: {  	_ = 	snop  }
0x133: {  	[tilespmem:s21], [sflag:$0x2] =	stream.indirect.gather [hbm4b:s4+s17], $0x80, s17, s17, $0xb8;
	[tilespmem:$0x1E400] =	vst v63  }
0x134: {  	_ = 	snop  }
0x135: {  	[tilespmem:s23], [sflag:$0x3] =	stream.indirect.gather [hbm4b:s3+s17], $0x80, s22, s17, $0xb8;
	[tilespmem:$0x1E400] =	vst v63  }
0x136: {  	_ = 	snop  }
0x137: {  	[tilespmem:s24], [sflag:$0x3] =	stream.indirect.gather [hbm4b:s4+s17], $0x80, s22, s17, $0xb8;
	[tilespmem:$0x1E400] =	vst v63  }
.LBB2_5:
0x138: {  	_ =	swait.ge [sflag:s25], $0x4000  }
0x139: {  	[sflag:s25] =	ssyncset.done $0x0  }
0x13a: {  	[sflag:s25] =	ssyncadd.s32 $0xFFFFC000  }
0x13b: {  	_ =	swait.ge [sflag:s25], $0x4000  }
0x13c: {  	[sflag:s25] =	ssyncset.done $0x0  }
0x13d: {  	[sflag:s25] =	ssyncadd.s32 $0xFFFFC000  }
0x13e: {  	v32 =	vld.idx.msk [tilespmem:v10+s19+$0x0], $0xffff;
	_ =	sdelay $0x3  }
0x13f: {  	s6 =	sshra.s32 s5, $0x2  }
0x140: {  	[tilespmem:s6+$0x19400] =	vst v32  }
0x141: {  	v32 =	vld.idx.msk [tilespmem:v11+s19+$0x0], $0xffff;
	_ =	sdelay $0x4  }
0x142: {  	[tilespmem:s6+$0x1A800] =	vst v32  }
0x143: {  	v32 =	vld.idx.msk [tilespmem:v11+s18+$0x0], $0xffff;
	_ =	sdelay $0x4  }
0x144: {  	[tilespmem:s6+$0x1BC00] =	vst v32  }
0x145: {  	v32 =	vld.idx.msk [tilespmem:v10+s18+$0x0], $0xffff;
	_ =	sdelay $0x4  }
0x146: {  	[tilespmem:s6+$0x1D000] =	vst v32  }
0x147: {  	v32 =	vld.idx.msk [tilespmem:v12+s19+$0x0], $0xffff;
	_ =	sdelay $0x4  }
0x148: {  	[tilespmem:s6+$0x19410] =	vst v32  }
0x149: {  	v32 =	vld.idx.msk [tilespmem:v13+s19+$0x0], $0xffff;
	_ =	sdelay $0x4  }
0x14a: {  	[tilespmem:s6+$0x1A810] =	vst v32  }
0x14b: {  	v32 =	vld.idx.msk [tilespmem:v13+s18+$0x0], $0xffff;
	_ =	sdelay $0x4  }
0x14c: {  	[tilespmem:s6+$0x1BC10] =	vst v32  }
0x14d: {  	v32 =	vld.idx.msk [tilespmem:v12+s18+$0x0], $0xffff;
	_ =	sdelay $0x4  }
0x14e: {  	[tilespmem:s6+$0x1D010] =	vst v32  }
0x14f: {  	v32 =	vld.idx.msk [tilespmem:v14+s19+$0x0], $0xffff;
	_ =	sdelay $0x4  }
0x150: {  	[tilespmem:s6+$0x19420] =	vst v32  }
0x151: {  	v32 =	vld.idx.msk [tilespmem:v15+s19+$0x0], $0xffff;
	_ =	sdelay $0x4  }
0x152: {  	[tilespmem:s6+$0x1A820] =	vst v32  }
0x153: {  	v32 =	vld.idx.msk [tilespmem:v15+s18+$0x0], $0xffff;
	_ =	sdelay $0x4  }
0x154: {  	[tilespmem:s6+$0x1BC20] =	vst v32  }
0x155: {  	v32 =	vld.idx.msk [tilespmem:v14+s18+$0x0], $0xffff;
	_ =	sdelay $0x4  }
0x156: {  	[tilespmem:s6+$0x1D020] =	vst v32  }
0x157: {  	v32 =	vld.idx.msk [tilespmem:v16+s19+$0x0], $0xffff;
	_ =	sdelay $0x4  }
0x158: {  	[tilespmem:s6+$0x19430] =	vst v32  }
0x159: {  	v32 =	vld.idx.msk [tilespmem:v17+s19+$0x0], $0xffff;
	_ =	sdelay $0x4  }
0x15a: {  	[tilespmem:s6+$0x1A830] =	vst v32  }
0x15b: {  	v32 =	vld.idx.msk [tilespmem:v17+s18+$0x0], $0xffff;
	_ =	sdelay $0x4  }
0x15c: {  	[tilespmem:s6+$0x1BC30] =	vst v32  }
0x15d: {  	v32 =	vld.idx.msk [tilespmem:v16+s18+$0x0], $0xffff;
	_ =	sdelay $0x4  }
0x15e: {  	[tilespmem:s6+$0x1D030] =	vst v32  }
0x15f: {  	v32 =	vld.idx.msk [tilespmem:v18+s19+$0x0], $0xffff;
	_ =	sdelay $0x4  }
0x160: {  	[tilespmem:s6+$0x19440] =	vst v32  }
0x161: {  	v32 =	vld.idx.msk [tilespmem:v19+s19+$0x0], $0xffff;
	_ =	sdelay $0x4  }
0x162: {  	[tilespmem:s6+$0x1A840] =	vst v32  }
0x163: {  	v32 =	vld.idx.msk [tilespmem:v19+s18+$0x0], $0xffff;
	_ =	sdelay $0x4  }
0x164: {  	[tilespmem:s6+$0x1BC40] =	vst v32  }
0x165: {  	v32 =	vld.idx.msk [tilespmem:v18+s18+$0x0], $0xffff;
	_ =	sdelay $0x4  }
0x166: {  	[tilespmem:s6+$0x1D040] =	vst v32  }
0x167: {  	v32 =	vld.idx.msk [tilespmem:v20+s19+$0x0], $0xffff;
	_ =	sdelay $0x4  }
0x168: {  	[tilespmem:s6+$0x19450] =	vst v32  }
0x169: {  	v32 =	vld.idx.msk [tilespmem:v21+s19+$0x0], $0xffff;
	_ =	sdelay $0x4  }
0x16a: {  	[tilespmem:s6+$0x1A850] =	vst v32  }
0x16b: {  	v32 =	vld.idx.msk [tilespmem:v21+s18+$0x0], $0xffff;
	_ =	sdelay $0x4  }
0x16c: {  	[tilespmem:s6+$0x1BC50] =	vst v32  }
0x16d: {  	v32 =	vld.idx.msk [tilespmem:v20+s18+$0x0], $0xffff;
	_ =	sdelay $0x4  }
0x16e: {  	[tilespmem:s6+$0x1D050] =	vst v32  }
0x16f: {  	v32 =	vld.idx.msk [tilespmem:v22+s19+$0x0], $0xffff;
	_ =	sdelay $0x4  }
0x170: {  	[tilespmem:s6+$0x19460] =	vst v32  }
0x171: {  	v32 =	vld.idx.msk [tilespmem:v23+s19+$0x0], $0xffff;
	_ =	sdelay $0x4  }
0x172: {  	[tilespmem:s6+$0x1A860] =	vst v32  }
0x173: {  	v32 =	vld.idx.msk [tilespmem:v23+s18+$0x0], $0xffff;
	_ =	sdelay $0x4  }
0x174: {  	[tilespmem:s6+$0x1BC60] =	vst v32  }
0x175: {  	v32 =	vld.idx.msk [tilespmem:v22+s18+$0x0], $0xffff;
	_ =	sdelay $0x4  }
0x176: {  	[tilespmem:s6+$0x1D060] =	vst v32  }
0x177: {  	v32 =	vld.idx.msk [tilespmem:v24+s19+$0x0], $0xffff;
	_ =	sdelay $0x4  }
0x178: {  	[tilespmem:s6+$0x19470] =	vst v32  }
0x179: {  	v32 =	vld.idx.msk [tilespmem:v25+s19+$0x0], $0xffff;
	_ =	sdelay $0x4  }
0x17a: {  	[tilespmem:s6+$0x1A870] =	vst v32  }
0x17b: {  	v32 =	vld.idx.msk [tilespmem:v25+s18+$0x0], $0xffff;
	_ =	sdelay $0x4  }
0x17c: {  	[tilespmem:s6+$0x1BC70] =	vst v32  }
0x17d: {  	v32 =	vld.idx.msk [tilespmem:v24+s18+$0x0], $0xffff;
	_ =	sdelay $0x2  }
0x17e: {  	p0 =	seq.s32 s5, $0x3C00  }
0x17f: {  	s8 =	sshra.s32 @!p0 s5, $0x2  }
0x180: {  	s7 =	simm.s32 @!p0 $0x80;
	s10 =	simm.s32 @!p0 $0x1400;
	s9 =	sadd.s32 @!p0 $0x180, s8;
	[tilespmem:s6+$0x1D070] =	vst v32  }
0x181: {  	[tilespmem:s10], [sflag:$0x1] =	stream.indirect.gather @!p0 [hbm4b:s3+s7], $0x80, s9, s7, $0xb8;
	[tilespmem:$0x1E400] =	vst v63  }
0x182: {  	s10 =	simm.s32 @!p0 $0xD400  }
0x183: {  	[tilespmem:s10], [sflag:$0x1] =	stream.indirect.gather @!p0 [hbm4b:s4+s7], $0x80, s9, s7, $0xb8;
	[tilespmem:$0x1E400] =	vst v63  }
0x184: {  	_ =	swait.ge [sflag:s26], $0x4000  }
0x185: {  	[sflag:s26] =	ssyncset.done $0x0  }
0x186: {  	[sflag:s26] =	ssyncadd.s32 $0xFFFFC000  }
0x187: {  	_ =	swait.ge [sflag:s26], $0x4000  }
0x188: {  	[sflag:s26] =	ssyncset.done $0x0  }
0x189: {  	[sflag:s26] =	ssyncadd.s32 $0xFFFFC000  }
0x18a: {  	v62 =	vld.idx.msk [tilespmem:v10+s21+$0x0], $0xffff;
	_ =	sdelay $0x4  }
0x18b: {  	[tilespmem:s6+$0x19480] =	vst v62  }
0x18c: {  	v32 =	vld.idx.msk [tilespmem:v11+s21+$0x0], $0xffff;
	_ =	sdelay $0x4  }
0x18d: {  	[tilespmem:s6+$0x1A880] =	vst v32  }
0x18e: {  	v32 =	vld.idx.msk [tilespmem:v11+s20+$0x0], $0xffff;
	_ =	sdelay $0x4  }
0x18f: {  	[tilespmem:s6+$0x1BC80] =	vst v32  }
0x190: {  	v32 =	vld.idx.msk [tilespmem:v10+s20+$0x0], $0xffff;
	_ =	sdelay $0x4  }
0x191: {  	[tilespmem:s6+$0x1D080] =	vst v32  }
0x192: {  	v32 =	vld.idx.msk [tilespmem:v12+s21+$0x0], $0xffff;
	_ =	sdelay $0x4  }
0x193: {  	[tilespmem:s6+$0x19490] =	vst v32  }
0x194: {  	v32 =	vld.idx.msk [tilespmem:v13+s21+$0x0], $0xffff;
	_ =	sdelay $0x4  }
0x195: {  	[tilespmem:s6+$0x1A890] =	vst v32  }
0x196: {  	v32 =	vld.idx.msk [tilespmem:v13+s20+$0x0], $0xffff;
	_ =	sdelay $0x4  }
0x197: {  	[tilespmem:s6+$0x1BC90] =	vst v32  }
0x198: {  	v32 =	vld.idx.msk [tilespmem:v12+s20+$0x0], $0xffff;
	_ =	sdelay $0x4  }
0x199: {  	[tilespmem:s6+$0x1D090] =	vst v32  }
0x19a: {  	v32 =	vld.idx.msk [tilespmem:v14+s21+$0x0], $0xffff;
	_ =	sdelay $0x4  }
0x19b: {  	[tilespmem:s6+$0x194A0] =	vst v32  }
0x19c: {  	v32 =	vld.idx.msk [tilespmem:v15+s21+$0x0], $0xffff;
	_ =	sdelay $0x4  }
0x19d: {  	[tilespmem:s6+$0x1A8A0] =	vst v32  }
0x19e: {  	v32 =	vld.idx.msk [tilespmem:v15+s20+$0x0], $0xffff;
	_ =	sdelay $0x4  }
0x19f: {  	[tilespmem:s6+$0x1BCA0] =	vst v32  }
0x1a0: {  	v32 =	vld.idx.msk [tilespmem:v14+s20+$0x0], $0xffff;
	_ =	sdelay $0x4  }
0x1a1: {  	[tilespmem:s6+$0x1D0A0] =	vst v32  }
0x1a2: {  	v32 =	vld.idx.msk [tilespmem:v16+s21+$0x0], $0xffff;
	_ =	sdelay $0x4  }
0x1a3: {  	[tilespmem:s6+$0x194B0] =	vst v32  }
0x1a4: {  	v32 =	vld.idx.msk [tilespmem:v17+s21+$0x0], $0xffff;
	_ =	sdelay $0x4  }
0x1a5: {  	[tilespmem:s6+$0x1A8B0] =	vst v32  }
0x1a6: {  	v32 =	vld.idx.msk [tilespmem:v17+s20+$0x0], $0xffff;
	_ =	sdelay $0x4  }
0x1a7: {  	[tilespmem:s6+$0x1BCB0] =	vst v32  }
0x1a8: {  	v32 =	vld.idx.msk [tilespmem:v16+s20+$0x0], $0xffff;
	_ =	sdelay $0x4  }
0x1a9: {  	[tilespmem:s6+$0x1D0B0] =	vst v32  }
0x1aa: {  	v32 =	vld.idx.msk [tilespmem:v18+s21+$0x0], $0xffff;
	_ =	sdelay $0x4  }
0x1ab: {  	[tilespmem:s6+$0x194C0] =	vst v32  }
0x1ac: {  	v32 =	vld.idx.msk [tilespmem:v19+s21+$0x0], $0xffff;
	_ =	sdelay $0x4  }
0x1ad: {  	[tilespmem:s6+$0x1A8C0] =	vst v32  }
0x1ae: {  	v32 =	vld.idx.msk [tilespmem:v19+s20+$0x0], $0xffff;
	_ =	sdelay $0x4  }
0x1af: {  	[tilespmem:s6+$0x1BCC0] =	vst v32  }
0x1b0: {  	v32 =	vld.idx.msk [tilespmem:v18+s20+$0x0], $0xffff;
	_ =	sdelay $0x4  }
0x1b1: {  	[tilespmem:s6+$0x1D0C0] =	vst v32  }
0x1b2: {  	v32 =	vld.idx.msk [tilespmem:v20+s21+$0x0], $0xffff;
	_ =	sdelay $0x4  }
0x1b3: {  	[tilespmem:s6+$0x194D0] =	vst v32  }
0x1b4: {  	v32 =	vld.idx.msk [tilespmem:v21+s21+$0x0], $0xffff;
	_ =	sdelay $0x4  }
0x1b5: {  	[tilespmem:s6+$0x1A8D0] =	vst v32  }
0x1b6: {  	v32 =	vld.idx.msk [tilespmem:v21+s20+$0x0], $0xffff;
	_ =	sdelay $0x4  }
0x1b7: {  	[tilespmem:s6+$0x1BCD0] =	vst v32  }
0x1b8: {  	v32 =	vld.idx.msk [tilespmem:v20+s20+$0x0], $0xffff;
	_ =	sdelay $0x4  }
0x1b9: {  	[tilespmem:s6+$0x1D0D0] =	vst v32  }
0x1ba: {  	v32 =	vld.idx.msk [tilespmem:v22+s21+$0x0], $0xffff;
	_ =	sdelay $0x4  }
0x1bb: {  	[tilespmem:s6+$0x194E0] =	vst v32  }
0x1bc: {  	v32 =	vld.idx.msk [tilespmem:v23+s21+$0x0], $0xffff;
	_ =	sdelay $0x4  }
0x1bd: {  	[tilespmem:s6+$0x1A8E0] =	vst v32  }
0x1be: {  	v32 =	vld.idx.msk [tilespmem:v23+s20+$0x0], $0xffff;
	_ =	sdelay $0x4  }
0x1bf: {  	[tilespmem:s6+$0x1BCE0] =	vst v32  }
0x1c0: {  	v32 =	vld.idx.msk [tilespmem:v22+s20+$0x0], $0xffff;
	_ =	sdelay $0x4  }
0x1c1: {  	[tilespmem:s6+$0x1D0E0] =	vst v32  }
0x1c2: {  	v32 =	vld.idx.msk [tilespmem:v24+s21+$0x0], $0xffff;
	_ =	sdelay $0x4  }
0x1c3: {  	[tilespmem:s6+$0x194F0] =	vst v32  }
0x1c4: {  	v32 =	vld.idx.msk [tilespmem:v25+s21+$0x0], $0xffff;
	_ =	sdelay $0x4  }
0x1c5: {  	[tilespmem:s6+$0x1A8F0] =	vst v32  }
0x1c6: {  	v32 =	vld.idx.msk [tilespmem:v25+s20+$0x0], $0xffff;
	_ =	sdelay $0x4  }
0x1c7: {  	[tilespmem:s6+$0x1BCF0] =	vst v32  }
0x1c8: {  	v32 =	vld.idx.msk [tilespmem:v24+s20+$0x0], $0xffff;
	_ =	sdelay $0x4  }
0x1c9: {  	s8 =	sadd.s32 @!p0 $0x200, s8;
	s9 =	simm.s32 @!p0 $0x5400;
	[tilespmem:s6+$0x1D0F0] =	vst v32  }
0x1ca: {  	[tilespmem:s9], [sflag:$0x2] =	stream.indirect.gather @!p0 [hbm4b:s3+s7], $0x80, s8, s7, $0xb8;
	[tilespmem:$0x1E400] =	vst v63  }
0x1cb: {  	s9 =	simm.s32 @!p0 $0x11400  }
0x1cc: {  	[tilespmem:s9], [sflag:$0x2] =	stream.indirect.gather @!p0 [hbm4b:s4+s7], $0x80, s8, s7, $0xb8;
	[tilespmem:$0x1E400] =	vst v63  }
0x1cd: {  	_ =	swait.ge [sflag:s28], $0x4000  }
0x1ce: {  	[sflag:s28] =	ssyncset.done $0x0  }
0x1cf: {  	[sflag:s28] =	ssyncadd.s32 $0xFFFFC000  }
0x1d0: {  	_ =	swait.ge [sflag:s28], $0x4000  }
0x1d1: {  	[sflag:s28] =	ssyncset.done $0x0  }
0x1d2: {  	[sflag:s28] =	ssyncadd.s32 $0xFFFFC000  }
0x1d3: {  	v63 =	vld.idx.msk [tilespmem:v10+s24+$0x0], $0xffff;
	_ =	sdelay $0x4  }
0x1d4: {  	[tilespmem:s6+$0x19500] =	vst v63  }
0x1d5: {  	v32 =	vld.idx.msk [tilespmem:v11+s24+$0x0], $0xffff;
	_ =	sdelay $0x4  }
0x1d6: {  	[tilespmem:s6+$0x1A900] =	vst v32  }
0x1d7: {  	v32 =	vld.idx.msk [tilespmem:v11+s23+$0x0], $0xffff;
	_ =	sdelay $0x4  }
0x1d8: {  	[tilespmem:s6+$0x1BD00] =	vst v32  }
0x1d9: {  	v32 =	vld.idx.msk [tilespmem:v10+s23+$0x0], $0xffff;
	_ =	sdelay $0x4  }
0x1da: {  	[tilespmem:s6+$0x1D100] =	vst v32  }
0x1db: {  	v32 =	vld.idx.msk [tilespmem:v12+s24+$0x0], $0xffff;
	_ =	sdelay $0x4  }
0x1dc: {  	[tilespmem:s6+$0x19510] =	vst v32  }
0x1dd: {  	v32 =	vld.idx.msk [tilespmem:v13+s24+$0x0], $0xffff;
	_ =	sdelay $0x4  }
0x1de: {  	[tilespmem:s6+$0x1A910] =	vst v32  }
0x1df: {  	v32 =	vld.idx.msk [tilespmem:v13+s23+$0x0], $0xffff;
	_ =	sdelay $0x4  }
0x1e0: {  	[tilespmem:s6+$0x1BD10] =	vst v32  }
0x1e1: {  	v32 =	vld.idx.msk [tilespmem:v12+s23+$0x0], $0xffff;
	_ =	sdelay $0x4  }
0x1e2: {  	[tilespmem:s6+$0x1D110] =	vst v32  }
0x1e3: {  	v32 =	vld.idx.msk [tilespmem:v14+s24+$0x0], $0xffff;
	_ =	sdelay $0x4  }
0x1e4: {  	[tilespmem:s6+$0x19520] =	vst v32  }
0x1e5: {  	v32 =	vld.idx.msk [tilespmem:v15+s24+$0x0], $0xffff;
	_ =	sdelay $0x4  }
0x1e6: {  	[tilespmem:s6+$0x1A920] =	vst v32  }
0x1e7: {  	v32 =	vld.idx.msk [tilespmem:v15+s23+$0x0], $0xffff;
	_ =	sdelay $0x4  }
0x1e8: {  	[tilespmem:s6+$0x1BD20] =	vst v32  }
0x1e9: {  	v32 =	vld.idx.msk [tilespmem:v14+s23+$0x0], $0xffff;
	_ =	sdelay $0x4  }
0x1ea: {  	[tilespmem:s6+$0x1D120] =	vst v32  }
0x1eb: {  	v32 =	vld.idx.msk [tilespmem:v16+s24+$0x0], $0xffff;
	_ =	sdelay $0x4  }
0x1ec: {  	[tilespmem:s6+$0x19530] =	vst v32  }
0x1ed: {  	v32 =	vld.idx.msk [tilespmem:v17+s24+$0x0], $0xffff;
	_ =	sdelay $0x4  }
0x1ee: {  	[tilespmem:s6+$0x1A930] =	vst v32  }
0x1ef: {  	v32 =	vld.idx.msk [tilespmem:v17+s23+$0x0], $0xffff;
	_ =	sdelay $0x4  }
0x1f0: {  	[tilespmem:s6+$0x1BD30] =	vst v32  }
0x1f1: {  	v32 =	vld.idx.msk [tilespmem:v16+s23+$0x0], $0xffff;
	_ =	sdelay $0x4  }
0x1f2: {  	[tilespmem:s6+$0x1D130] =	vst v32  }
0x1f3: {  	v32 =	vld.idx.msk [tilespmem:v18+s24+$0x0], $0xffff;
	_ =	sdelay $0x4  }
0x1f4: {  	[tilespmem:s6+$0x19540] =	vst v32  }
0x1f5: {  	v32 =	vld.idx.msk [tilespmem:v19+s24+$0x0], $0xffff;
	_ =	sdelay $0x4  }
0x1f6: {  	[tilespmem:s6+$0x1A940] =	vst v32  }
0x1f7: {  	v32 =	vld.idx.msk [tilespmem:v19+s23+$0x0], $0xffff;
	_ =	sdelay $0x4  }
0x1f8: {  	[tilespmem:s6+$0x1BD40] =	vst v32  }
0x1f9: {  	v32 =	vld.idx.msk [tilespmem:v18+s23+$0x0], $0xffff;
	_ =	sdelay $0x4  }
0x1fa: {  	[tilespmem:s6+$0x1D140] =	vst v32  }
0x1fb: {  	v32 =	vld.idx.msk [tilespmem:v20+s24+$0x0], $0xffff;
	_ =	sdelay $0x4  }
0x1fc: {  	[tilespmem:s6+$0x19550] =	vst v32  }
0x1fd: {  	v32 =	vld.idx.msk [tilespmem:v21+s24+$0x0], $0xffff;
	_ =	sdelay $0x4  }
0x1fe: {  	[tilespmem:s6+$0x1A950] =	vst v32  }
0x1ff: {  	v32 =	vld.idx.msk [tilespmem:v21+s23+$0x0], $0xffff;
	_ =	sdelay $0x4  }
0x200: {  	[tilespmem:s6+$0x1BD50] =	vst v32  }
0x201: {  	v32 =	vld.idx.msk [tilespmem:v20+s23+$0x0], $0xffff;
	_ =	sdelay $0x4  }
0x202: {  	[tilespmem:s6+$0x1D150] =	vst v32  }
0x203: {  	v32 =	vld.idx.msk [tilespmem:v22+s24+$0x0], $0xffff;
	_ =	sdelay $0x4  }
0x204: {  	[tilespmem:s6+$0x19560] =	vst v32  }
0x205: {  	v32 =	vld.idx.msk [tilespmem:v23+s24+$0x0], $0xffff;
	_ =	sdelay $0x4  }
0x206: {  	[tilespmem:s6+$0x1A960] =	vst v32  }
0x207: {  	v32 =	vld.idx.msk [tilespmem:v23+s23+$0x0], $0xffff;
	_ =	sdelay $0x4  }
0x208: {  	[tilespmem:s6+$0x1BD60] =	vst v32  }
0x209: {  	v32 =	vld.idx.msk [tilespmem:v22+s23+$0x0], $0xffff;
	_ =	sdelay $0x4  }
0x20a: {  	[tilespmem:s6+$0x1D160] =	vst v32  }
0x20b: {  	v32 =	vld.idx.msk [tilespmem:v24+s24+$0x0], $0xffff;
	_ =	sdelay $0x4  }
0x20c: {  	[tilespmem:s6+$0x19570] =	vst v32  }
0x20d: {  	v32 =	vld.idx.msk [tilespmem:v25+s24+$0x0], $0xffff;
	_ =	sdelay $0x4  }
0x20e: {  	[tilespmem:s6+$0x1A970] =	vst v32  }
0x20f: {  	v32 =	vld.idx.msk [tilespmem:v25+s23+$0x0], $0xffff;
	_ =	sdelay $0x4  }
0x210: {  	[tilespmem:s6+$0x1BD70] =	vst v32  }
0x211: {  	v32 =	vld.idx.msk [tilespmem:v24+s23+$0x0], $0xffff  }
.Ltmp4:
0x212: {  	_ = 	snop;
	(pc) =	sbr.rel @p0 .LBB2_7-.Ltmp4, $2  }
0x213: {  	_ =	sdelay $0x2  }
0x214: {  	[tilespmem:s6+$0x1D170] =	vst v32  }
.Ltmp5:
0x215: {  	(pc) =	sbr.rel .LBB2_5-.Ltmp5, $4  }
0x216: {  	s6 =	sadd.s32 $0x280, s6  }
0x217: {  	[tilespmem:s23], [sflag:$0x3] =	stream.indirect.gather [hbm4b:s3+s17], $0x80, s6, s17, $0xb8;
	[tilespmem:$0x1E400] =	vst v63  }
0x218: {  	s5 =	sadd.s32 $0x600, s5  }
0x219: {  	[tilespmem:s24], [sflag:$0x3] =	stream.indirect.gather [hbm4b:s4+s17], $0x80, s6, s17, $0xb8;
	[tilespmem:$0x1E400] =	vst v63  }
.LBB2_8:
0x21a: {  	_ =	sfence.sel $0x180000  }
0x21b: {  	[bflag:$0x0] =	sbarrier.arrive $0xFFFF  }
0x21c: {  	_ =	strace $0x9000004A  }
0x21d: {  	s0 =	stileid.u32;
	[bflag:$0x2] =	sbarrier.arrive $0xFFFF  }
0x21e: {  	p0 =	sne.s32 s0, $0x0;
	s0 =	rddreg [dreg:$0x1]  }
0x21f: {  	s0 =	sadd.s32 @!p0 $0x100000, s0  }
0x220: {  	[sflag:s0] =	ssyncadd.tile.s32 @!p0 $0x1;
	_ =	shalt  }
.Lfunc_end2:
_tile_overlayer_lowered:
.L_overlay_start_2:
0x221: {  	(tag) =	ssettag $0x2  }
0x222: {  	s0 =	rddreg [dreg:$0x0];
	s2 =	stileid.u32  }
0x223: {  	s1 =	rddreg [dreg:$0x1];
	p0 =	sne.s32 s2, $0x0  }
0x224: {  	s3 =	rddreg [dreg:$0x2];
	[bflag:$0x3] =	sbarrier.arrive $0xFFFF;
	s2 =	simm.s32 @!p0 $0x1C04  }
0x225: {  	[timem:s3], [sflag:s2] =	dma.local @!p0 [hbm:s0], s1  }
0x226: {  	s0 =	simm.s32 @!p0 $0x4  }
0x227: {  	_ =	swait.ge @!p0 [sflag:s0], s1  }
0x228: {  	s1 =	ssub.s32 @!p0 $0x0, s1;
	[sflag:s0] =	ssyncset.done @!p0 $0x0  }
0x229: {  	[sflag:s0] =	ssyncadd.s32 @!p0 s1  }
0x22a: {  	[bflag:$0x3] =	sbarrier.arrive $0xFFFF  }
0x22b: {  	_ =	shalt  }

// kernel: kernel.8.cloned.1.call-start
scs
__scs_entry_jumppad:
0x0: {  	(pc) =	sbr.rel $0x88, $3  }
0x1: {  	(tag) =	ssettag $0x0;
	lr =	simm.s32 $0x1  }
0x2: {  	[smem:$0x3F89] =	sst lr;
	_ =	strace $0xD0000000  }
0x3: {  	_ = 	snop  }
0x4: {  	_ = 	snop  }
0x5: {  	_ = 	snop  }
0x6: {  	_ = 	snop  }
0x7: {  	_ = 	snop  }
__scs_overlays_trampoline_lowered:
0x8: {  	[smem:$0x3F98] =	sst s0  }
0x9: {  	[smem:$0x3F99] =	sst s1  }
0xa: {  	[smem:$0x3F9A] =	sst s2  }
0xb: {  	[smem:$0x3F9B] =	sst s3  }
0xc: {  	[smem:$0x3F9C] =	sst s4  }
0xd: {  	[smem:$0x3F9D] =	sst s5  }
0xe: {  	[smem:$0x3F9E] =	sst s6  }
0xf: {  	[smem:$0x3F9F] =	sst s7  }
0x10: {  	[smem:$0x3FA0] =	sst s8  }
0x11: {  	[smem:$0x3FA1] =	sst s9;
	s0 =	simm.s32 @!p0 $0x0  }
0x12: {  	s1 =	sld [smem:$0x3F87];
	s0 =	simm.s32 @p0 $0x1  }
0x13: {  	[smem:$0x3FA2] =	sst s0;
	s0 =	simm.s32 @!p1 $0x0  }
0x14: {  	s2 =	sld [smem:$0x3F86];
	s0 =	simm.s32 @p1 $0x1  }
0x15: {  	[smem:$0x3FA3] =	sst s0;
	s0 =	simm.s32 @!p2 $0x0  }
0x16: {  	s3 =	sld [smem:$0x3FDB];
	s0 =	simm.s32 @p2 $0x1  }
0x17: {  	s4 =	simm.s32 $0x1BF5;
	[smem:$0x3FA5] =	sst s0  }
0x18: {  	s0 =	sld [smem:$0x3F88];
	_ =	swait.ge [sflag:s4], $0x0  }
0x19: {  	s7 =	sld [smem:$0x3F89]  }
0x1a: {  	s8 =	sadd.s32 $0xFFFFE003, lr  }
0x1b: {  	s9 =	sadd.s32 $0xFFFFFEF7, lr;
	s5 =	simm.s32 $0xFFFFFFFF;
	p2 =	slt.u32 s8, $0xFFFFF086  }
0x1c: {  	p1 =	slt.u32 s9, $0xF7A;
	s5 =	simm.s32 @!p2 $0x0  }
0x1d: {  	s5 =	simm.s32 @p1 $0x1;
	p0 =	seq.s32 s7, s2  }
0x1e: {  	s7 =	smul.u32 @!p0 $0xF7A, s2;
	p2 =	seq.s32 @!p0 s5, $0x0  }
0x1f: {  	s9 =	smul.u32 $0xF7A, s1;
	s8 =	simm.s32 @!p0 $0x1BF5;
	p2 =	por !p2, p0  }
0x20: {  	[sflag:s8] =	ssyncset.s32 @!p0 $0xFFFFF086;
	s6 =	sadd.s32 @!p0 s3, s7;
	s7 =	simm.s32 @!p0 $0x108  }
0x21: {  	s3 =	sadd.s32 s3, s9;
	s6 =	sadd.s32 @!p0 $0x88, s6;
	s7 =	simm.s32 @p2 $0x1082  }
0x22: {  	[simem:s7], [sflag:s8] =	dma.local @!p0 [hbm:s6], $0xF7A  }
0x23: {  	s9 =	sor.u32 $0xD0000000, s2;
	s6 =	simm.s32 $0x108;
	_ =	swait.ge @!p0 [sflag:s8], $0x0  }
0x24: {  	s3 =	sadd.s32 $0x88, s3;
	s6 =	simm.s32 @!p1 $0x1082;
	[sflag:s4] =	ssyncset.s32 $0xFFFFF086  }
0x25: {  	[simem:s6], [sflag:s4] =	dma.local [hbm:s3], $0xF7A  }
0x26: {  	[smem:$0x3F89] =	sst s1;
	(tag) =	ssettag s2;
	_ =	strace s9  }
0x27: {  	s1 =	sld [smem:$0x3F99]  }
0x28: {  	s2 =	sld [smem:$0x3F9A]  }
0x29: {  	s4 =	sld [smem:$0x3F9C]  }
0x2a: {  	p0 =	seq.s32 s5, $0x0;
	s5 =	sld [smem:$0x3F9D]  }
0x2b: {  	s6 =	sld [smem:$0x3F9E]  }
0x2c: {  	s7 =	sld [smem:$0x3F9F]  }
0x2d: {  	s3 =	simm.s32 $0x108;
	s8 =	sld [smem:$0x3FA0]  }
0x2e: {  	s3 =	simm.s32 @!p0 $0x1082;
	s9 =	sld [smem:$0x3FA1]  }
0x2f: {  	lr =	sadd.s32 s0, s3;
	s0 =	sld [smem:$0x3F98]  }
0x30: {  	s3 =	sld [smem:$0x3F9B]  }
0x31: {  	[smem:$0x3FA4] =	sst s10  }
0x32: {  	s10 =	sld [smem:$0x3FA2];
	_ =	sdelay $0x3  }
0x33: {  	p0 =	seq.s32 s10, $0x1;
	s10 =	sld [smem:$0x3FA4];
	_ =	sdelay $0x3  }
0x34: {  	[smem:$0x3FA4] =	sst s10  }
0x35: {  	s10 =	sld [smem:$0x3FA3];
	_ =	sdelay $0x3  }
0x36: {  	p1 =	seq.s32 s10, $0x1;
	s10 =	sld [smem:$0x3FA4];
	_ =	sdelay $0x3  }
0x37: {  	[smem:$0x3FA4] =	sst s10  }
0x38: {  	s10 =	sld [smem:$0x3FA5]  }
0x39: {  	_ = 	snop;
	(pc) =	sbr.ind lr, $3  }
0x3a: {  	_ = 	snop  }
0x3b: {  	_ = 	snop  }
0x3c: {  	p2 =	seq.s32 s10, $0x1;
	s10 =	sld [smem:$0x3FA4]  }
0x3d: {  	_ =	shalt  }
0x3e: {  	_ =	shalt  }
0x3f: {  	_ =	shalt  }
0x40: {  	_ =	shalt  }
0x41: {  	_ =	shalt  }
0x42: {  	_ =	shalt  }
0x43: {  	_ =	shalt  }
0x44: {  	_ =	shalt  }
0x45: {  	_ =	shalt  }
0x46: {  	_ =	shalt  }
0x47: {  	_ =	shalt  }
0x48: {  	_ =	shalt  }
0x49: {  	_ =	shalt  }
0x4a: {  	_ =	shalt  }
0x4b: {  	_ =	shalt  }
0x4c: {  	_ =	shalt  }
0x4d: {  	_ =	shalt  }
0x4e: {  	_ =	shalt  }
0x4f: {  	_ =	shalt  }
0x50: {  	_ =	shalt  }
0x51: {  	_ =	shalt  }
0x52: {  	_ =	shalt  }
0x53: {  	_ =	shalt  }
0x54: {  	_ =	shalt  }
0x55: {  	_ =	shalt  }
0x56: {  	_ =	shalt  }
0x57: {  	_ =	shalt  }
0x58: {  	_ =	shalt  }
0x59: {  	_ =	shalt  }
0x5a: {  	_ =	shalt  }
0x5b: {  	_ =	shalt  }
0x5c: {  	_ =	shalt  }
0x5d: {  	_ =	shalt  }
0x5e: {  	_ =	shalt  }
0x5f: {  	_ =	shalt  }
0x60: {  	_ =	shalt  }
0x61: {  	_ =	shalt  }
0x62: {  	_ =	shalt  }
0x63: {  	_ =	shalt  }
0x64: {  	_ =	shalt  }
0x65: {  	_ =	shalt  }
0x66: {  	_ =	shalt  }
0x67: {  	_ =	shalt  }
0x68: {  	_ =	shalt  }
0x69: {  	_ =	shalt  }
0x6a: {  	_ =	shalt  }
0x6b: {  	_ =	shalt  }
0x6c: {  	_ =	shalt  }
0x6d: {  	_ =	shalt  }
0x6e: {  	_ =	shalt  }
0x6f: {  	_ =	shalt  }
0x70: {  	_ =	shalt  }
0x71: {  	_ =	shalt  }
0x72: {  	_ =	shalt  }
0x73: {  	_ =	shalt  }
0x74: {  	_ =	shalt  }
0x75: {  	_ =	shalt  }
0x76: {  	_ =	shalt  }
0x77: {  	_ =	shalt  }
0x78: {  	_ =	shalt  }
0x79: {  	_ =	shalt  }
0x7a: {  	_ =	shalt  }
0x7b: {  	_ =	shalt  }
0x7c: {  	_ =	shalt  }
0x7d: {  	_ =	shalt  }
0x7e: {  	_ =	shalt  }
0x7f: {  	_ =	shalt  }
0x80: {  	_ =	shalt  }
0x81: {  	_ =	shalt  }
0x82: {  	_ =	shalt  }
0x83: {  	_ =	shalt  }
0x84: {  	_ =	shalt  }
0x85: {  	_ =	shalt  }
0x86: {  	_ =	shalt  }
0x87: {  	_ =	shalt  }
.Lfunc_end0:
.L_simem_size_0:
called_computation_lowered:
.L_overlay_start_0:
0x88: {  	s2 =	sld [smem:$0x3FD9]  }
0x89: {  	s3 =	sld [smem:$0x3FFE];
	_ =	sdelay $0x1  }
0x8a: {  	s1 =	srdreg.scid  }
0x8b: {  	s0 =	sand.u32 $0x1, s1  }
0x8c: {  	s17 =	sshll.u32 s0, $0xA;
	s2 =	sadd.s32 s3, s2  }
0x8d: {  	s2 =	sadd.s32 s2, s17  }
0x8e: {  	[smem:$0x3FB0] =	sst s2  }
0x8f: {  	_ = 	snop  }
0x90: {  	s2 =	sld [smem:$0x3FB5]  }
0x91: {  	s18 =	sld [smem:$0x3FB4]  }
0x92: {  	s4 =	sld [smem:$0x3FB3];
	(tm) =	ssettm $0x1  }
0x93: {  	s5 =	sld [smem:$0x3FFB];
	_ =	sdelay $0x3  }
0x94: {  	_ =	strace s5  }
0x95: {  	s5 =	sld [smem:$0x3FFC];
	_ =	sdelay $0x3  }
0x96: {  	_ =	strace s5  }
0x97: {  	s5 =	sld [smem:$0x3FFD];
	_ =	sdelay $0x3  }
0x98: {  	_ =	strace s5  }
0x99: {  	_ =	strace $0x8FFFFFFF  }
0x9a: {  	s19 =	sld [smem:$0x3FDB];
	_ =	sdelay $0x1  }
0x9b: {  	s6 =	simm.s32 $_scs_section_size  }
0x9c: {  	s7 =	simm.s32 $_size__tile_overlayer_lowered;
	s8 =	simm.s32 $_tile_overlayer_lowered  }
0x9d: {  	s22 =	simm.s32 $0x1BFF;
	s21 =	sshll.u32 s8, $0x1;
	s5 =	sadd.s32 s6, s19  }
0x9e: {  	s9 =	simm.s32 $0x0;
	s20 =	sshll.u32 s7, $0x1;
	s7 =	sadd.s32 s21, s5  }
0x9f: {  	[timem:s9], [sflag:s22] =	dma.local [hbm:s7], s20  }
0xa0: {  	_ =	swait.ge [sflag:s22], s20  }
0xa1: {  	s6 =	ssub.s32 $0x0, s20;
	[sflag:s22] =	ssyncset.done $0x0  }
0xa2: {  	[sflag:s22] =	ssyncadd.s32 s6;
	_ =	sdelay $0x1  }
0xa3: {  	s23 =	simm.s32 $0x1B8B  }
0xa4: {  	_ =	swait.ge [sflag:s23], $0x1  }
0xa5: {  	[sflag:s23] =	ssyncset.done $0x0  }
0xa6: {  	s25 =	simm.s32 $0x1B8E;
	s24 =	sld [smem:$0x3FFE];
	[sflag:s23] =	ssyncadd.s32 $0xFFFFFFFF  }
0xa7: {  	s26 =	simm.s32 $execute0_lowered;
	[smem:$0x3FD2] =	sst s25  }
0xa8: {  	s7 =	sshll.u32 s26, $0x1;
	_ =	strace $0x80000046;
	[dreg:$0x1] =	wrdreg $0xFFFFFFFF  }
0xa9: {  	s28 =	simm.s32 $_size_execute0_lowered;
	s5 =	sadd.s32 s5, s7;
	[dreg:$0x0] =	wrdreg $0x0  }
0xaa: {  	s7 =	sshll.u32 s28, $0x1;
	[dreg:$0x2] =	wrdreg s5  }
0xab: {  	[dreg:$0x3] =	wrdreg s7  }
0xac: {  	[dreg:$0x4] =	wrdreg $0xC0  }
0xad: {  	_ =	task [dreg:s9], $0x5FFFF  }
0xae: {  	[dreg:$0x1] =	wrdreg $0xFFFFFFFF  }
0xaf: {  	[dreg:$0x0] =	wrdreg $0x60  }
0xb0: {  	[dreg:$0x2] =	wrdreg s2  }
0xb1: {  	[dreg:$0x3] =	wrdreg s18  }
0xb2: {  	[dreg:$0x4] =	wrdreg s4  }
0xb3: {  	[dreg:$0x5] =	wrdreg s24  }
0xb4: {  	[dreg:$0x6] =	wrdreg $0x9  }
0xb5: {  	_ =	task.clear_ibuf [dreg:s9], $0x7FFFF;
	_ =	strace $0x90000046  }
0xb6: {  	s29 =	simm.s32 $0x9;
	_ =	strace $0x80000048  }
0xb7: {  	_ =	swait.ge [sflag:s29], $0x1  }
0xb8: {  	[sflag:s29] =	ssyncadd.s32 $0xFFFFFFFF  }
0xb9: {  	_ =	strace $0x90000048  }
0xba: {  	_ =	sfence  }
0xbb: {  	s30 =	sld [smem:$0x0];
	_ =	sdelay $0x2  }
0xbc: {  	s31 =	sshll.u32 s1, $0xD;
	s1 =	sshrl.u32 s1, $0x2  }
0xbd: {  	s3 =	sand.u32 $0x4000, s31;
	s1 =	sadd.s32 s1, s30  }
0xbe: {  	s0 =	sor.u32 s3, s0;
	s1 =	sshll.u32 s1, $0x11  }
0xbf: {  	s0 =	sor.u32 s1, s0  }
0xc0: {  	s0 =	sadd.s32 $0x8F2B, s0  }
0xc1: {  	[sflag:s0] =	ssyncadd.remote.s32 $0x1  }
0xc2: {  	_ =	sfence.sel $0xFFFF  }
0xc3: {  	[dreg:$0x0] =	wrdreg $0xFFFFFFFF;
	(pc) =	sbr.abs _section_cstart, $3  }
0xc4: {  	[dreg:$0x1] =	wrdreg $0xFFFFFFFF  }
0xc5: {  	_ =	task.clear_ibuf [dreg:s9], $0x2FFFF;
	_ =	strace $0x9FFFFFFF  }
0xc6: {  	(tm) =	ssettm $0x7FFFFFFF  }
0xc7: {  	_ =	shalt  }
tec
execute0_lowered:
.L_overlay_start_1:
0x0: {  	(tag) =	ssettag $0x1  }
0x1: {  	s0 =	srdreg.scid  }
0x2: {  	s13 =	sand.u32 $0x1, s0;
	s0 =	stileid.u32  }
0x3: {  	s5 =	sshll.u32 s0, $0x1;
	s6 =	ssub.s32 $0x0, s13  }
0x4: {  	p0 =	sne.s32 s5, s6  }
.Ltmp0:
0x5: {  	s2 =	rddreg [dreg:$0x0];
	(pc) =	sbr.rel @p0 .LBB2_4-.Ltmp0, $4  }
0x6: {  	s3 =	rddreg [dreg:$0x1]  }
0x7: {  	s4 =	rddreg [dreg:$0x2]  }
0x8: {  	s12 =	rddreg [dreg:$0x3]  }
0x9: {  	s1 =	rddreg [dreg:$0x4];
	_ =	strace $0x80000047  }
0xa: {  	s6 =	simm.s32 $0x0;
	s5 =	simm.s32 $0x2  }
0xb: {  	[tilespmem:s6], [sflag:$0x2] =	stream.linear.gather [hbm4b:s4+s6], $0x80, $0x38;
	[tilespmem:$0x4080] =	vst v63  }
0xc: {  	_ =	swait.ge [sflag:s5], $0x80  }
0xd: {  	s7 =	simm.s32 $0x40;
	[sflag:s5] =	ssyncset.done $0x0  }
0xe: {  	s8 =	simm.s32 $0x80;
	s9 =	simm.s32 $0x1;
	[sflag:s5] =	ssyncadd.s32 $0xFFFFFF80  }
0xf: {  	[tilespmem:s8], [sflag:$0x1] =	stream.indirect.gather [hbm4b:s2+s7], $0x80, s6, s7, $0xb8;
	[tilespmem:$0x4080] =	vst v63  }
0x10: {  	_ =	swait.ge [sflag:s9], $0x2000  }
0x11: {  	[sflag:s9] =	ssyncset.done $0x0  }
0x12: {  	s10 =	simm.s32 $0x2080;
	s13 =	ssub.s32 $0x2, s13;
	[sflag:s9] =	ssyncadd.s32 $0xFFFFE000  }
0x13: {  	[tilespmem:s10], [sflag:$0x1] =	stream.indirect.gather [hbm4b:s3+s7], $0x80, s6, s7, $0xb8;
	[tilespmem:$0x4080] =	vst v63  }
0x14: {  	s14 =	sshrl.u32 s13, $0x1;
	_ =	swait.ge [sflag:s9], $0x2000  }
0x15: {  	s13 =	ssub.s32 s13, s14;
	[sflag:s9] =	ssyncset.done $0x0  }
0x16: {  	s11 =	sadd.s32 $0x4E00, s12;
	s13 =	smax.u32 s13, $0x1;
	[sflag:s9] =	ssyncadd.s32 $0xFFFFE000  }
0x17: {  	[hbm4b:s11+s6] =	stream.linear.scatter [tilespmem:s8], [sflag:$0x2], $0x2000, $0x38;
	[tilespmem:$0x4080] =	vst v63  }
0x18: {  	p0 =	sne.s32 s13, $0x1;
	_ =	swait.ge [sflag:s5], $0x2000  }
.Ltmp1:
0x19: {  	[sflag:s5] =	ssyncset.done $0x0;
	(pc) =	sbr.rel @!p0 .LBB2_3-.Ltmp1, $4  }
0x1a: {  	s12 =	sadd.s32 $0x5200, s12;
	[sflag:s5] =	ssyncadd.s32 $0xFFFFE000  }
0x1b: {  	[hbm4b:s12+s6] =	stream.linear.scatter [tilespmem:s10], [sflag:$0x2], $0x2000, $0x38;
	[tilespmem:$0x4080] =	vst v63  }
0x1c: {  	_ =	swait.ge [sflag:s5], $0x2000  }
0x1d: {  	s13 =	sadd.s32 $0xFFFFFFFF, s13;
	[sflag:s5] =	ssyncset.done $0x0  }
.LBB2_2:
0x1e: {  	p0 =	sne.s32 s13, $0x1;
	s13 =	sadd.s32 $0xFFFFFFFF, s13;
	[sflag:s5] =	ssyncadd.s32 $0xFFFFE000  }
0x1f: {  	[tilespmem:s6], [sflag:$0x2] =	stream.linear.gather [hbm4b:s4+s6], $0x80, $0x38;
	[tilespmem:$0x4080] =	vst v63  }
0x20: {  	_ =	swait.ge [sflag:s5], $0x80  }
0x21: {  	[sflag:s5] =	ssyncset.done $0x0  }
0x22: {  	[sflag:s5] =	ssyncadd.s32 $0xFFFFFF80  }
0x23: {  	[tilespmem:s8], [sflag:$0x1] =	stream.indirect.gather [hbm4b:s2+s7], $0x80, s6, s7, $0xb8;
	[tilespmem:$0x4080] =	vst v63  }
0x24: {  	_ =	swait.ge [sflag:s9], $0x2000  }
0x25: {  	[sflag:s9] =	ssyncset.done $0x0  }
0x26: {  	[sflag:s9] =	ssyncadd.s32 $0xFFFFE000  }
0x27: {  	[tilespmem:s10], [sflag:$0x1] =	stream.indirect.gather [hbm4b:s3+s7], $0x80, s6, s7, $0xb8;
	[tilespmem:$0x4080] =	vst v63  }
0x28: {  	_ =	swait.ge [sflag:s9], $0x2000  }
0x29: {  	[sflag:s9] =	ssyncset.done $0x0  }
0x2a: {  	[sflag:s9] =	ssyncadd.s32 $0xFFFFE000  }
0x2b: {  	[hbm4b:s11+s6] =	stream.linear.scatter [tilespmem:s8], [sflag:$0x2], $0x2000, $0x38;
	[tilespmem:$0x4080] =	vst v63  }
0x2c: {  	_ =	swait.ge [sflag:s5], $0x2000  }
.Ltmp2:
0x2d: {  	[sflag:s5] =	ssyncset.done $0x0;
	(pc) =	sbr.rel @p0 .LBB2_2-.Ltmp2, $4  }
0x2e: {  	[sflag:s5] =	ssyncadd.s32 $0xFFFFE000  }
0x2f: {  	[hbm4b:s12+s6] =	stream.linear.scatter [tilespmem:s10], [sflag:$0x2], $0x2000, $0x38;
	[tilespmem:$0x4080] =	vst v63  }
0x30: {  	_ =	swait.ge [sflag:s5], $0x2000  }
0x31: {  	[sflag:s5] =	ssyncset.done $0x0  }
.LBB2_3:
0x32: {  	[sflag:s5] =	ssyncadd.s32 $0xFFFFE000  }
.LBB2_4:
0x33: {  	_ =	sfence.sel $0x180000  }
0x34: {  	[bflag:$0x0] =	sbarrier.arrive $0xFFFF  }
0x35: {  	p0 =	sne.s32 s0, $0x0;
	_ =	strace $0x90000047  }
0x36: {  	s0 =	sadd.s32 @!p0 $0x100000, s1;
	[bflag:$0x2] =	sbarrier.arrive $0xFFFF  }
0x37: {  	[sflag:s0] =	ssyncadd.tile.s32 @!p0 $0x1;
	_ =	shalt  }
.Lfunc_end2:
_tile_overlayer_lowered:
.L_overlay_start_2:
0x38: {  	(tag) =	ssettag $0x2  }
0x39: {  	s0 =	rddreg [dreg:$0x0];
	s2 =	stileid.u32  }
0x3a: {  	s1 =	rddreg [dreg:$0x1];
	p0 =	sne.s32 s2, $0x0  }
0x3b: {  	s3 =	rddreg [dreg:$0x2];
	[bflag:$0x3] =	sbarrier.arrive $0xFFFF;
	s2 =	simm.s32 @!p0 $0x1C02  }
0x3c: {  	[timem:s3], [sflag:s2] =	dma.local @!p0 [hbm:s0], s1  }
0x3d: {  	s0 =	simm.s32 @!p0 $0x2  }
0x3e: {  	_ =	swait.ge @!p0 [sflag:s0], s1  }
0x3f: {  	s1 =	ssub.s32 @!p0 $0x0, s1;
	[sflag:s0] =	ssyncset.done @!p0 $0x0  }
0x40: {  	[sflag:s0] =	ssyncadd.s32 @!p0 s1  }
0x41: {  	[bflag:$0x3] =	sbarrier.arrive $0xFFFF  }
0x42: {  	_ =	shalt  }

</sc_bundles>
